<compile_context>
chip_gen: v7x
topology: tpu7x:2x2x1
jax: 0.10.2.dev20260603
libtpu: 0.0.44.dev20260713+nightly
codegen_flags: <defaults>
</compile_context>

<pallas_src>
import jax
import jax.numpy as jnp
from jax import lax
from jax.experimental import pallas as pl
from jax.experimental.pallas import tpu as pltpu
from jax.experimental.pallas import tpu_sc as plsc

_B = 16384
_K = 64
_NC = 2
_NS = 16
_NW = _NC * _NS
_BPW = _B // _NW
_CH = 128
_NCH = _BPW // _CH
_L = 16
_G = 16
_NG = _BPW // _G


def _bias_body(uid_h, iid_h, ub_h, ib_h, out_h, uidx, iidx, ubg, ibg, outv, sem):
    wid = lax.axis_index("s") * _NC + lax.axis_index("c")
    base = wid * _BPW
    for c in range(_NCH):
        pltpu.sync_copy(uid_h.at[pl.ds(base + c * _CH, _CH)], uidx.at[c])
        pltpu.sync_copy(iid_h.at[pl.ds(base + c * _CH, _CH)], iidx.at[c])
    cps = []
    for c in range(_NCH):
        cps.append(pltpu.async_copy(ub_h.at[uidx.at[c]], ubg.at[pl.ds(c * _CH, _CH)], sem))
        cps.append(pltpu.async_copy(ib_h.at[iidx.at[c]], ibg.at[pl.ds(c * _CH, _CH)], sem))
    for cp in cps:
        cp.wait()

    def body(i, carry):
        outv[pl.ds(i * _L, _L)] = ubg[pl.ds(i * _L, _L)] + ibg[pl.ds(i * _L, _L)]
        return carry

    lax.fori_loop(0, _BPW // _L, body, 0)
    pltpu.sync_copy(outv, out_h.at[pl.ds(base, _BPW)])


def _dot_body(uid_h, iid_h, uf_h, if_h, bs_h, out_h,
              uidx, iidx, bsv, ru0, ru1, ri0, ri1, outv, semu, semi):
    wid = lax.axis_index("s") * _NC + lax.axis_index("c")
    base = wid * _BPW
    pltpu.sync_copy(uid_h.at[pl.ds(base, _BPW)], uidx)
    pltpu.sync_copy(iid_h.at[pl.ds(base, _BPW)], iidx)
    pltpu.sync_copy(bs_h.at[pl.ds(base, _BPW)], bsv)

    def fire(g, ru, ri):
        r0 = g * _G
        uvec = uidx[pl.ds(r0, _G)]
        ivec = iidx[pl.ds(r0, _G)]
        for l in range(_G):
            pltpu.async_copy(uf_h.at[uvec[l]], ru.at[l], semu)
            pltpu.async_copy(if_h.at[ivec[l]], ri.at[l], semi)

    def drain(ru, ri):
        pltpu.make_async_copy(uf_h.at[pl.ds(0, _G)], ru, semu).wait()
        pltpu.make_async_copy(if_h.at[pl.ds(0, _G)], ri, semi).wait()

    lanes = lax.iota(jnp.int32, _L)

    def compute(g, ru, ri):
        acc = bsv[pl.ds(g * _G, _G)]
        for j in range(_K):
            cols = jnp.full((_L,), j, jnp.int32)
            acc = acc + (plsc.load_gather(ru, [lanes, cols])
                         * plsc.load_gather(ri, [lanes, cols]))
        outv[pl.ds(g * _G, _G)] = acc

    fire(0, ru0, ri0)

    def pair(h, carry):
        g0 = 2 * h
        g1 = g0 + 1

        @pl.when(g1 < _NG)
        def _():
            fire(g1, ru1, ri1)

        drain(ru0, ri0)
        compute(g0, ru0, ri0)

        @pl.when(g0 + 2 < _NG)
        def _():
            fire(g0 + 2, ru0, ri0)

        @pl.when(g1 < _NG)
        def _():
            drain(ru1, ri1)
            compute(g1, ru1, ri1)

        return carry

    lax.fori_loop(0, (_NG + 1) // 2, pair, 0)
    pltpu.sync_copy(outv, out_h.at[pl.ds(base, _BPW)])


def kernel(user_id, item_id, user_factors, item_factors, user_bias, item_bias):
    uid = user_id.reshape(_B)
    iid = item_id.reshape(_B)
    mesh = plsc.VectorSubcoreMesh(core_axis_name="c", subcore_axis_name="s")

    bias_call = pl.kernel(
        _bias_body,
        out_type=jax.ShapeDtypeStruct((_B,), jnp.float32),
        mesh=mesh,
        scratch_types=[
            pltpu.VMEM((_NCH, _CH), jnp.int32),
            pltpu.VMEM((_NCH, _CH), jnp.int32),
            pltpu.VMEM((_BPW,), jnp.float32),
            pltpu.VMEM((_BPW,), jnp.float32),
            pltpu.VMEM((_BPW,), jnp.float32),
            pltpu.SemaphoreType.DMA,
        ],
        compiler_params=pltpu.CompilerParams(
            needs_layout_passes=False, use_tc_tiling_on_sc=False),
    )
    bias_sum = bias_call(uid, iid, user_bias.reshape(-1), item_bias.reshape(-1))

    dot_call = pl.kernel(
        _dot_body,
        out_type=jax.ShapeDtypeStruct((_B,), jnp.float32),
        mesh=mesh,
        scratch_types=[
            pltpu.VMEM((_BPW,), jnp.int32),
            pltpu.VMEM((_BPW,), jnp.int32),
            pltpu.VMEM((_BPW,), jnp.float32),
            pltpu.VMEM((_G, _K), jnp.float32),
            pltpu.VMEM((_G, _K), jnp.float32),
            pltpu.VMEM((_G, _K), jnp.float32),
            pltpu.VMEM((_G, _K), jnp.float32),
            pltpu.VMEM((_BPW,), jnp.float32),
            pltpu.SemaphoreType.DMA,
            pltpu.SemaphoreType.DMA,
        ],
        compiler_params=pltpu.CompilerParams(
            needs_layout_passes=False, use_tc_tiling_on_sc=True),
    )
    return dot_call(uid, iid, user_factors, item_factors, bias_sum)

# --- scband reference (transcript-rebuilt; emitter-appended) ---
"""Pipeline reference for scband-mf-11321533792517 (READ-ONLY COPY).

The authoritative reference and input builder live on the scoring server;
editing this copy changes nothing except your own understanding.
"""

import jax, jax.numpy as jnp
import numpy as np

NUM_USERS = 1000000
NUM_ITEMS = 1000000
NUM_FACTORS = 64
BATCH = 16384

def setup_inputs(seed: int = 0) -> dict:
    key = jax.random.key(seed)
    k1, k2, k3, k4 = jax.random.split(key, 4)
    user_id = jax.random.randint(k1, (BATCH,), 0, NUM_USERS, dtype=jnp.int64) if jax.config.jax_enable_x64 else jax.random.randint(k1, (BATCH,), 0, NUM_USERS).astype(jnp.int32)
    item_id = jax.random.randint(k2, (BATCH,), 0, NUM_ITEMS).astype(jnp.int32)
    user_id = user_id.astype(jnp.int32)
    # Parameters (match torch init: normal std=0.01 for user_factors; item_factors zeroed by later init.zeros_;
    # here we use small normal for item_factors too so gradients are nontrivial but math is identical)
    user_factors = jax.random.normal(k3, (NUM_USERS, NUM_FACTORS), dtype=jnp.float32) * 0.01
    item_factors = jax.random.normal(k4, (NUM_ITEMS, NUM_FACTORS), dtype=jnp.float32) * 0.01
    user_bias = jnp.zeros((NUM_ITEMS, 1), dtype=jnp.float32)
    item_bias = jnp.zeros((NUM_ITEMS, 1), dtype=jnp.float32)
    return {
        "user_id": user_id,
        "item_id": item_id,
        "user_factors": user_factors,
        "item_factors": item_factors,
        "user_bias": user_bias,
        "item_bias": item_bias,
    }

def reference(user_id, item_id, user_factors, item_factors, user_bias, item_bias):
    P_u = jnp.take(user_factors, user_id, axis=0)          # [B, K] gather
    Q_i = jnp.take(item_factors, item_id, axis=0)          # [B, K] gather
    b_u = jnp.take(user_bias, user_id, axis=0).squeeze(-1) # [B] gather (note: table sized num_items, matching torch code)
    b_i = jnp.take(item_bias, item_id, axis=0).squeeze(-1) # [B] gather
    outputs = (P_u * Q_i).sum(axis=1) + b_u + b_i
    return outputs

if __name__ == "__main__":
    import jax
    _d = setup_inputs()
    print(jax.jit(kernel)(*tuple(_d.values())))

</pallas_src>

<mosaic_0001>
#map = affine_map<(d0, d1) -> (0)>
module attributes {stable_mosaic.version = 14 : i64} {
  func.func @_bias_body(%arg0: i32, %arg1: i32, %arg2: memref<16384xi32, #tpu.memory_space<hbm>>, %arg3: memref<16384xi32, #tpu.memory_space<hbm>>, %arg4: memref<1000000xf32, #tpu.memory_space<hbm>>, %arg5: memref<1000000xf32, #tpu.memory_space<hbm>>, %arg6: memref<16384xf32, #tpu.memory_space<hbm>>, %arg7: memref<4x128xi32, #tpu.memory_space<vmem>>, %arg8: memref<4x128xi32, #tpu.memory_space<vmem>>, %arg9: memref<512xf32, #tpu.memory_space<vmem>>, %arg10: memref<512xf32, #tpu.memory_space<vmem>>, %arg11: memref<512xf32, #tpu.memory_space<vmem>>, %arg12: memref<!tpu.dma_semaphore, #tpu.memory_space<semaphore_mem>>) attributes {dimension_semantics = [#tpu.dimension_semantics<core_parallel>, #tpu.dimension_semantics<subcore_parallel>], iteration_bounds = array<i64: 2, 16>, scalar_prefetch = 0 : i64, scratch_operands = 6 : i64, tpu.core_type = #tpu.core_type<sc_vector_subcore>, window_params = [{transform_indices = #map}, {transform_indices = #map}, {transform_indices = #map}, {transform_indices = #map}, {transform_indices = #map}]} {
    %mul3A = arith.constant 2 : i32
    %mul3A_0 = arith.muli %arg1, %mul3A : i32
    %add3A = arith.addi %mul3A_0, %arg0 : i32
    %mul3A_1 = arith.constant 512 : i32
    %mul3A_2 = arith.muli %add3A, %mul3A_1 : i32
    %add3A_3 = arith.constant 0 : i32
    %add3A_4 = arith.addi %mul3A_2, %add3A_3 : i32
    %run_scoped3A = arith.constant 0 : i32
    "tpu.region"() ({
      %run_scoped3A_157 = tpu.sem_alloc : memref<!tpu.dma_semaphore, #tpu.memory_space<semaphore_mem>>
      %dma_start3A_158 = arith.constant 0 : i32
      %dma_start3A_159 = tpu.memref_slice %arg7[%run_scoped3A, %dma_start3A_158] : memref<4x128xi32, #tpu.memory_space<vmem>> -> memref<1x128xi32, #tpu.memory_space<vmem>>
      %dma_start3A_160 = tpu.memref_squeeze %dma_start3A_159 : memref<1x128xi32, #tpu.memory_space<vmem>> -> memref<128xi32, #tpu.memory_space<vmem>>
      %dma_start3A_161 = tpu.memref_slice %arg2[%add3A_4] : memref<16384xi32, #tpu.memory_space<hbm>> -> memref<128xi32, #tpu.memory_space<hbm>>
      %dma_start3A_162 = arith.constant 0 : i32
      %dma_start3A_163 = tpu.memref_slice %arg7[%run_scoped3A, %dma_start3A_162] : memref<4x128xi32, #tpu.memory_space<vmem>> -> memref<1x128xi32, #tpu.memory_space<vmem>>
      %dma_start3A_164 = tpu.memref_squeeze %dma_start3A_163 : memref<1x128xi32, #tpu.memory_space<vmem>> -> memref<128xi32, #tpu.memory_space<vmem>>
      %dma_start3A_165 = tpu.memref_slice %arg2[%add3A_4] : memref<16384xi32, #tpu.memory_space<hbm>> -> memref<128xi32, #tpu.memory_space<hbm>>
      tpu.enqueue_dma source(%dma_start3A_165 : memref<128xi32, #tpu.memory_space<hbm>>) target(%dma_start3A_164 : memref<128xi32, #tpu.memory_space<vmem>>) target_semaphore(%run_scoped3A_157 : memref<!tpu.dma_semaphore, #tpu.memory_space<semaphore_mem>>)
      %dma_wait3A_166 = arith.constant 0 : i32
      %dma_wait3A_167 = tpu.memref_slice %arg7[%run_scoped3A, %dma_wait3A_166] : memref<4x128xi32, #tpu.memory_space<vmem>> -> memref<1x128xi32, #tpu.memory_space<vmem>>
      %dma_wait3A_168 = tpu.memref_squeeze %dma_wait3A_167 : memref<1x128xi32, #tpu.memory_space<vmem>> -> memref<128xi32, #tpu.memory_space<vmem>>
      %dma_wait3A_169 = tpu.memref_slice %arg2[%add3A_4] : memref<16384xi32, #tpu.memory_space<hbm>> -> memref<128xi32, #tpu.memory_space<hbm>>
      %dma_wait3A_170 = arith.constant 0 : i32
      %dma_wait3A_171 = tpu.memref_slice %arg7[%run_scoped3A, %dma_wait3A_170] : memref<4x128xi32, #tpu.memory_space<vmem>> -> memref<1x128xi32, #tpu.memory_space<vmem>>
      %dma_wait3A_172 = tpu.memref_squeeze %dma_wait3A_171 : memref<1x128xi32, #tpu.memory_space<vmem>> -> memref<128xi32, #tpu.memory_space<vmem>>
      %dma_wait3A_173 = tpu.memref_slice %arg2[%add3A_4] : memref<16384xi32, #tpu.memory_space<hbm>> -> memref<128xi32, #tpu.memory_space<hbm>>
      tpu.wait_dma2 semaphore(%run_scoped3A_157 : memref<!tpu.dma_semaphore, #tpu.memory_space<semaphore_mem>>) src(%dma_wait3A_173 : memref<128xi32, #tpu.memory_space<hbm>>) dst(%dma_wait3A_172 : memref<128xi32, #tpu.memory_space<vmem>>)
      tpu.yield
    }) : () -> ()
    %add3A_5 = arith.constant 0 : i32
    %add3A_6 = arith.addi %mul3A_2, %add3A_5 : i32
    %run_scoped3A_7 = arith.constant 0 : i32
    "tpu.region"() ({
      %run_scoped3A_157 = tpu.sem_alloc : memref<!tpu.dma_semaphore, #tpu.memory_space<semaphore_mem>>
      %dma_start3A_158 = arith.constant 0 : i32
      %dma_start3A_159 = tpu.memref_slice %arg8[%run_scoped3A_7, %dma_start3A_158] : memref<4x128xi32, #tpu.memory_space<vmem>> -> memref<1x128xi32, #tpu.memory_space<vmem>>
      %dma_start3A_160 = tpu.memref_squeeze %dma_start3A_159 : memref<1x128xi32, #tpu.memory_space<vmem>> -> memref<128xi32, #tpu.memory_space<vmem>>
      %dma_start3A_161 = tpu.memref_slice %arg3[%add3A_6] : memref<16384xi32, #tpu.memory_space<hbm>> -> memref<128xi32, #tpu.memory_space<hbm>>
      %dma_start3A_162 = arith.constant 0 : i32
      %dma_start3A_163 = tpu.memref_slice %arg8[%run_scoped3A_7, %dma_start3A_162] : memref<4x128xi32, #tpu.memory_space<vmem>> -> memref<1x128xi32, #tpu.memory_space<vmem>>
      %dma_start3A_164 = tpu.memref_squeeze %dma_start3A_163 : memref<1x128xi32, #tpu.memory_space<vmem>> -> memref<128xi32, #tpu.memory_space<vmem>>
      %dma_start3A_165 = tpu.memref_slice %arg3[%add3A_6] : memref<16384xi32, #tpu.memory_space<hbm>> -> memref<128xi32, #tpu.memory_space<hbm>>
      tpu.enqueue_dma source(%dma_start3A_165 : memref<128xi32, #tpu.memory_space<hbm>>) target(%dma_start3A_164 : memref<128xi32, #tpu.memory_space<vmem>>) target_semaphore(%run_scoped3A_157 : memref<!tpu.dma_semaphore, #tpu.memory_space<semaphore_mem>>)
      %dma_wait3A_166 = arith.constant 0 : i32
      %dma_wait3A_167 = tpu.memref_slice %arg8[%run_scoped3A_7, %dma_wait3A_166] : memref<4x128xi32, #tpu.memory_space<vmem>> -> memref<1x128xi32, #tpu.memory_space<vmem>>
      %dma_wait3A_168 = tpu.memref_squeeze %dma_wait3A_167 : memref<1x128xi32, #tpu.memory_space<vmem>> -> memref<128xi32, #tpu.memory_space<vmem>>
      %dma_wait3A_169 = tpu.memref_slice %arg3[%add3A_6] : memref<16384xi32, #tpu.memory_space<hbm>> -> memref<128xi32, #tpu.memory_space<hbm>>
      %dma_wait3A_170 = arith.constant 0 : i32
      %dma_wait3A_171 = tpu.memref_slice %arg8[%run_scoped3A_7, %dma_wait3A_170] : memref<4x128xi32, #tpu.memory_space<vmem>> -> memref<1x128xi32, #tpu.memory_space<vmem>>
      %dma_wait3A_172 = tpu.memref_squeeze %dma_wait3A_171 : memref<1x128xi32, #tpu.memory_space<vmem>> -> memref<128xi32, #tpu.memory_space<vmem>>
      %dma_wait3A_173 = tpu.memref_slice %arg3[%add3A_6] : memref<16384xi32, #tpu.memory_space<hbm>> -> memref<128xi32, #tpu.memory_space<hbm>>
      tpu.wait_dma2 semaphore(%run_scoped3A_157 : memref<!tpu.dma_semaphore, #tpu.memory_space<semaphore_mem>>) src(%dma_wait3A_173 : memref<128xi32, #tpu.memory_space<hbm>>) dst(%dma_wait3A_172 : memref<128xi32, #tpu.memory_space<vmem>>)
      tpu.yield
    }) : () -> ()
    %add3A_8 = arith.constant 128 : i32
    %add3A_9 = arith.addi %mul3A_2, %add3A_8 : i32
    %run_scoped3A_10 = arith.constant 1 : i32
    "tpu.region"() ({
      %run_scoped3A_157 = tpu.sem_alloc : memref<!tpu.dma_semaphore, #tpu.memory_space<semaphore_mem>>
      %dma_start3A_158 = arith.constant 0 : i32
      %dma_start3A_159 = tpu.memref_slice %arg7[%run_scoped3A_10, %dma_start3A_158] : memref<4x128xi32, #tpu.memory_space<vmem>> -> memref<1x128xi32, #tpu.memory_space<vmem>>
      %dma_start3A_160 = tpu.memref_squeeze %dma_start3A_159 : memref<1x128xi32, #tpu.memory_space<vmem>> -> memref<128xi32, #tpu.memory_space<vmem>>
      %dma_start3A_161 = tpu.memref_slice %arg2[%add3A_9] : memref<16384xi32, #tpu.memory_space<hbm>> -> memref<128xi32, #tpu.memory_space<hbm>>
      %dma_start3A_162 = arith.constant 0 : i32
      %dma_start3A_163 = tpu.memref_slice %arg7[%run_scoped3A_10, %dma_start3A_162] : memref<4x128xi32, #tpu.memory_space<vmem>> -> memref<1x128xi32, #tpu.memory_space<vmem>>
      %dma_start3A_164 = tpu.memref_squeeze %dma_start3A_163 : memref<1x128xi32, #tpu.memory_space<vmem>> -> memref<128xi32, #tpu.memory_space<vmem>>
      %dma_start3A_165 = tpu.memref_slice %arg2[%add3A_9] : memref<16384xi32, #tpu.memory_space<hbm>> -> memref<128xi32, #tpu.memory_space<hbm>>
      tpu.enqueue_dma source(%dma_start3A_165 : memref<128xi32, #tpu.memory_space<hbm>>) target(%dma_start3A_164 : memref<128xi32, #tpu.memory_space<vmem>>) target_semaphore(%run_scoped3A_157 : memref<!tpu.dma_semaphore, #tpu.memory_space<semaphore_mem>>)
      %dma_wait3A_166 = arith.constant 0 : i32
      %dma_wait3A_167 = tpu.memref_slice %arg7[%run_scoped3A_10, %dma_wait3A_166] : memref<4x128xi32, #tpu.memory_space<vmem>> -> memref<1x128xi32, #tpu.memory_space<vmem>>
      %dma_wait3A_168 = tpu.memref_squeeze %dma_wait3A_167 : memref<1x128xi32, #tpu.memory_space<vmem>> -> memref<128xi32, #tpu.memory_space<vmem>>
      %dma_wait3A_169 = tpu.memref_slice %arg2[%add3A_9] : memref<16384xi32, #tpu.memory_space<hbm>> -> memref<128xi32, #tpu.memory_space<hbm>>
      %dma_wait3A_170 = arith.constant 0 : i32
      %dma_wait3A_171 = tpu.memref_slice %arg7[%run_scoped3A_10, %dma_wait3A_170] : memref<4x128xi32, #tpu.memory_space<vmem>> -> memref<1x128xi32, #tpu.memory_space<vmem>>
      %dma_wait3A_172 = tpu.memref_squeeze %dma_wait3A_171 : memref<1x128xi32, #tpu.memory_space<vmem>> -> memref<128xi32, #tpu.memory_space<vmem>>
      %dma_wait3A_173 = tpu.memref_slice %arg2[%add3A_9] : memref<16384xi32, #tpu.memory_space<hbm>> -> memref<128xi32, #tpu.memory_space<hbm>>
      tpu.wait_dma2 semaphore(%run_scoped3A_157 : memref<!tpu.dma_semaphore, #tpu.memory_space<semaphore_mem>>) src(%dma_wait3A_173 : memref<128xi32, #tpu.memory_space<hbm>>) dst(%dma_wait3A_172 : memref<128xi32, #tpu.memory_space<vmem>>)
      tpu.yield
    }) : () -> ()
    %add3A_11 = arith.constant 128 : i32
    %add3A_12 = arith.addi %mul3A_2, %add3A_11 : i32
    %run_scoped3A_13 = arith.constant 1 : i32
    "tpu.region"() ({
      %run_scoped3A_157 = tpu.sem_alloc : memref<!tpu.dma_semaphore, #tpu.memory_space<semaphore_mem>>
      %dma_start3A_158 = arith.constant 0 : i32
      %dma_start3A_159 = tpu.memref_slice %arg8[%run_scoped3A_13, %dma_start3A_158] : memref<4x128xi32, #tpu.memory_space<vmem>> -> memref<1x128xi32, #tpu.memory_space<vmem>>
      %dma_start3A_160 = tpu.memref_squeeze %dma_start3A_159 : memref<1x128xi32, #tpu.memory_space<vmem>> -> memref<128xi32, #tpu.memory_space<vmem>>
      %dma_start3A_161 = tpu.memref_slice %arg3[%add3A_12] : memref<16384xi32, #tpu.memory_space<hbm>> -> memref<128xi32, #tpu.memory_space<hbm>>
      %dma_start3A_162 = arith.constant 0 : i32
      %dma_start3A_163 = tpu.memref_slice %arg8[%run_scoped3A_13, %dma_start3A_162] : memref<4x128xi32, #tpu.memory_space<vmem>> -> memref<1x128xi32, #tpu.memory_space<vmem>>
      %dma_start3A_164 = tpu.memref_squeeze %dma_start3A_163 : memref<1x128xi32, #tpu.memory_space<vmem>> -> memref<128xi32, #tpu.memory_space<vmem>>
      %dma_start3A_165 = tpu.memref_slice %arg3[%add3A_12] : memref<16384xi32, #tpu.memory_space<hbm>> -> memref<128xi32, #tpu.memory_space<hbm>>
      tpu.enqueue_dma source(%dma_start3A_165 : memref<128xi32, #tpu.memory_space<hbm>>) target(%dma_start3A_164 : memref<128xi32, #tpu.memory_space<vmem>>) target_semaphore(%run_scoped3A_157 : memref<!tpu.dma_semaphore, #tpu.memory_space<semaphore_mem>>)
      %dma_wait3A_166 = arith.constant 0 : i32
      %dma_wait3A_167 = tpu.memref_slice %arg8[%run_scoped3A_13, %dma_wait3A_166] : memref<4x128xi32, #tpu.memory_space<vmem>> -> memref<1x128xi32, #tpu.memory_space<vmem>>
      %dma_wait3A_168 = tpu.memref_squeeze %dma_wait3A_167 : memref<1x128xi32, #tpu.memory_space<vmem>> -> memref<128xi32, #tpu.memory_space<vmem>>
      %dma_wait3A_169 = tpu.memref_slice %arg3[%add3A_12] : memref<16384xi32, #tpu.memory_space<hbm>> -> memref<128xi32, #tpu.memory_space<hbm>>
      %dma_wait3A_170 = arith.constant 0 : i32
      %dma_wait3A_171 = tpu.memref_slice %arg8[%run_scoped3A_13, %dma_wait3A_170] : memref<4x128xi32, #tpu.memory_space<vmem>> -> memref<1x128xi32, #tpu.memory_space<vmem>>
      %dma_wait3A_172 = tpu.memref_squeeze %dma_wait3A_171 : memref<1x128xi32, #tpu.memory_space<vmem>> -> memref<128xi32, #tpu.memory_space<vmem>>
      %dma_wait3A_173 = tpu.memref_slice %arg3[%add3A_12] : memref<16384xi32, #tpu.memory_space<hbm>> -> memref<128xi32, #tpu.memory_space<hbm>>
      tpu.wait_dma2 semaphore(%run_scoped3A_157 : memref<!tpu.dma_semaphore, #tpu.memory_space<semaphore_mem>>) src(%dma_wait3A_173 : memref<128xi32, #tpu.memory_space<hbm>>) dst(%dma_wait3A_172 : memref<128xi32, #tpu.memory_space<vmem>>)
      tpu.yield
    }) : () -> ()
    %add3A_14 = arith.constant 256 : i32
    %add3A_15 = arith.addi %mul3A_2, %add3A_14 : i32
    %run_scoped3A_16 = arith.constant 2 : i32
    "tpu.region"() ({
      %run_scoped3A_157 = tpu.sem_alloc : memref<!tpu.dma_semaphore, #tpu.memory_space<semaphore_mem>>
      %dma_start3A_158 = arith.constant 0 : i32
      %dma_start3A_159 = tpu.memref_slice %arg7[%run_scoped3A_16, %dma_start3A_158] : memref<4x128xi32, #tpu.memory_space<vmem>> -> memref<1x128xi32, #tpu.memory_space<vmem>>
      %dma_start3A_160 = tpu.memref_squeeze %dma_start3A_159 : memref<1x128xi32, #tpu.memory_space<vmem>> -> memref<128xi32, #tpu.memory_space<vmem>>
      %dma_start3A_161 = tpu.memref_slice %arg2[%add3A_15] : memref<16384xi32, #tpu.memory_space<hbm>> -> memref<128xi32, #tpu.memory_space<hbm>>
      %dma_start3A_162 = arith.constant 0 : i32
      %dma_start3A_163 = tpu.memref_slice %arg7[%run_scoped3A_16, %dma_start3A_162] : memref<4x128xi32, #tpu.memory_space<vmem>> -> memref<1x128xi32, #tpu.memory_space<vmem>>
      %dma_start3A_164 = tpu.memref_squeeze %dma_start3A_163 : memref<1x128xi32, #tpu.memory_space<vmem>> -> memref<128xi32, #tpu.memory_space<vmem>>
      %dma_start3A_165 = tpu.memref_slice %arg2[%add3A_15] : memref<16384xi32, #tpu.memory_space<hbm>> -> memref<128xi32, #tpu.memory_space<hbm>>
      tpu.enqueue_dma source(%dma_start3A_165 : memref<128xi32, #tpu.memory_space<hbm>>) target(%dma_start3A_164 : memref<128xi32, #tpu.memory_space<vmem>>) target_semaphore(%run_scoped3A_157 : memref<!tpu.dma_semaphore, #tpu.memory_space<semaphore_mem>>)
      %dma_wait3A_166 = arith.constant 0 : i32
      %dma_wait3A_167 = tpu.memref_slice %arg7[%run_scoped3A_16, %dma_wait3A_166] : memref<4x128xi32, #tpu.memory_space<vmem>> -> memref<1x128xi32, #tpu.memory_space<vmem>>
      %dma_wait3A_168 = tpu.memref_squeeze %dma_wait3A_167 : memref<1x128xi32, #tpu.memory_space<vmem>> -> memref<128xi32, #tpu.memory_space<vmem>>
      %dma_wait3A_169 = tpu.memref_slice %arg2[%add3A_15] : memref<16384xi32, #tpu.memory_space<hbm>> -> memref<128xi32, #tpu.memory_space<hbm>>
      %dma_wait3A_170 = arith.constant 0 : i32
      %dma_wait3A_171 = tpu.memref_slice %arg7[%run_scoped3A_16, %dma_wait3A_170] : memref<4x128xi32, #tpu.memory_space<vmem>> -> memref<1x128xi32, #tpu.memory_space<vmem>>
      %dma_wait3A_172 = tpu.memref_squeeze %dma_wait3A_171 : memref<1x128xi32, #tpu.memory_space<vmem>> -> memref<128xi32, #tpu.memory_space<vmem>>
      %dma_wait3A_173 = tpu.memref_slice %arg2[%add3A_15] : memref<16384xi32, #tpu.memory_space<hbm>> -> memref<128xi32, #tpu.memory_space<hbm>>
      tpu.wait_dma2 semaphore(%run_scoped3A_157 : memref<!tpu.dma_semaphore, #tpu.memory_space<semaphore_mem>>) src(%dma_wait3A_173 : memref<128xi32, #tpu.memory_space<hbm>>) dst(%dma_wait3A_172 : memref<128xi32, #tpu.memory_space<vmem>>)
      tpu.yield
    }) : () -> ()
    %add3A_17 = arith.constant 256 : i32
    %add3A_18 = arith.addi %mul3A_2, %add3A_17 : i32
    %run_scoped3A_19 = arith.constant 2 : i32
    "tpu.region"() ({
      %run_scoped3A_157 = tpu.sem_alloc : memref<!tpu.dma_semaphore, #tpu.memory_space<semaphore_mem>>
      %dma_start3A_158 = arith.constant 0 : i32
      %dma_start3A_159 = tpu.memref_slice %arg8[%run_scoped3A_19, %dma_start3A_158] : memref<4x128xi32, #tpu.memory_space<vmem>> -> memref<1x128xi32, #tpu.memory_space<vmem>>
      %dma_start3A_160 = tpu.memref_squeeze %dma_start3A_159 : memref<1x128xi32, #tpu.memory_space<vmem>> -> memref<128xi32, #tpu.memory_space<vmem>>
      %dma_start3A_161 = tpu.memref_slice %arg3[%add3A_18] : memref<16384xi32, #tpu.memory_space<hbm>> -> memref<128xi32, #tpu.memory_space<hbm>>
      %dma_start3A_162 = arith.constant 0 : i32
      %dma_start3A_163 = tpu.memref_slice %arg8[%run_scoped3A_19, %dma_start3A_162] : memref<4x128xi32, #tpu.memory_space<vmem>> -> memref<1x128xi32, #tpu.memory_space<vmem>>
      %dma_start3A_164 = tpu.memref_squeeze %dma_start3A_163 : memref<1x128xi32, #tpu.memory_space<vmem>> -> memref<128xi32, #tpu.memory_space<vmem>>
      %dma_start3A_165 = tpu.memref_slice %arg3[%add3A_18] : memref<16384xi32, #tpu.memory_space<hbm>> -> memref<128xi32, #tpu.memory_space<hbm>>
      tpu.enqueue_dma source(%dma_start3A_165 : memref<128xi32, #tpu.memory_space<hbm>>) target(%dma_start3A_164 : memref<128xi32, #tpu.memory_space<vmem>>) target_semaphore(%run_scoped3A_157 : memref<!tpu.dma_semaphore, #tpu.memory_space<semaphore_mem>>)
      %dma_wait3A_166 = arith.constant 0 : i32
      %dma_wait3A_167 = tpu.memref_slice %arg8[%run_scoped3A_19, %dma_wait3A_166] : memref<4x128xi32, #tpu.memory_space<vmem>> -> memref<1x128xi32, #tpu.memory_space<vmem>>
      %dma_wait3A_168 = tpu.memref_squeeze %dma_wait3A_167 : memref<1x128xi32, #tpu.memory_space<vmem>> -> memref<128xi32, #tpu.memory_space<vmem>>
      %dma_wait3A_169 = tpu.memref_slice %arg3[%add3A_18] : memref<16384xi32, #tpu.memory_space<hbm>> -> memref<128xi32, #tpu.memory_space<hbm>>
      %dma_wait3A_170 = arith.constant 0 : i32
      %dma_wait3A_171 = tpu.memref_slice %arg8[%run_scoped3A_19, %dma_wait3A_170] : memref<4x128xi32, #tpu.memory_space<vmem>> -> memref<1x128xi32, #tpu.memory_space<vmem>>
      %dma_wait3A_172 = tpu.memref_squeeze %dma_wait3A_171 : memref<1x128xi32, #tpu.memory_space<vmem>> -> memref<128xi32, #tpu.memory_space<vmem>>
      %dma_wait3A_173 = tpu.memref_slice %arg3[%add3A_18] : memref<16384xi32, #tpu.memory_space<hbm>> -> memref<128xi32, #tpu.memory_space<hbm>>
      tpu.wait_dma2 semaphore(%run_scoped3A_157 : memref<!tpu.dma_semaphore, #tpu.memory_space<semaphore_mem>>) src(%dma_wait3A_173 : memref<128xi32, #tpu.memory_space<hbm>>) dst(%dma_wait3A_172 : memref<128xi32, #tpu.memory_space<vmem>>)
      tpu.yield
    }) : () -> ()
    %add3A_20 = arith.constant 384 : i32
    %add3A_21 = arith.addi %mul3A_2, %add3A_20 : i32
    %run_scoped3A_22 = arith.constant 3 : i32
    "tpu.region"() ({
      %run_scoped3A_157 = tpu.sem_alloc : memref<!tpu.dma_semaphore, #tpu.memory_space<semaphore_mem>>
      %dma_start3A_158 = arith.constant 0 : i32
      %dma_start3A_159 = tpu.memref_slice %arg7[%run_scoped3A_22, %dma_start3A_158] : memref<4x128xi32, #tpu.memory_space<vmem>> -> memref<1x128xi32, #tpu.memory_space<vmem>>
      %dma_start3A_160 = tpu.memref_squeeze %dma_start3A_159 : memref<1x128xi32, #tpu.memory_space<vmem>> -> memref<128xi32, #tpu.memory_space<vmem>>
      %dma_start3A_161 = tpu.memref_slice %arg2[%add3A_21] : memref<16384xi32, #tpu.memory_space<hbm>> -> memref<128xi32, #tpu.memory_space<hbm>>
      %dma_start3A_162 = arith.constant 0 : i32
      %dma_start3A_163 = tpu.memref_slice %arg7[%run_scoped3A_22, %dma_start3A_162] : memref<4x128xi32, #tpu.memory_space<vmem>> -> memref<1x128xi32, #tpu.memory_space<vmem>>
      %dma_start3A_164 = tpu.memref_squeeze %dma_start3A_163 : memref<1x128xi32, #tpu.memory_space<vmem>> -> memref<128xi32, #tpu.memory_space<vmem>>
      %dma_start3A_165 = tpu.memref_slice %arg2[%add3A_21] : memref<16384xi32, #tpu.memory_space<hbm>> -> memref<128xi32, #tpu.memory_space<hbm>>
      tpu.enqueue_dma source(%dma_start3A_165 : memref<128xi32, #tpu.memory_space<hbm>>) target(%dma_start3A_164 : memref<128xi32, #tpu.memory_space<vmem>>) target_semaphore(%run_scoped3A_157 : memref<!tpu.dma_semaphore, #tpu.memory_space<semaphore_mem>>)
      %dma_wait3A_166 = arith.constant 0 : i32
      %dma_wait3A_167 = tpu.memref_slice %arg7[%run_scoped3A_22, %dma_wait3A_166] : memref<4x128xi32, #tpu.memory_space<vmem>> -> memref<1x128xi32, #tpu.memory_space<vmem>>
      %dma_wait3A_168 = tpu.memref_squeeze %dma_wait3A_167 : memref<1x128xi32, #tpu.memory_space<vmem>> -> memref<128xi32, #tpu.memory_space<vmem>>
      %dma_wait3A_169 = tpu.memref_slice %arg2[%add3A_21] : memref<16384xi32, #tpu.memory_space<hbm>> -> memref<128xi32, #tpu.memory_space<hbm>>
      %dma_wait3A_170 = arith.constant 0 : i32
      %dma_wait3A_171 = tpu.memref_slice %arg7[%run_scoped3A_22, %dma_wait3A_170] : memref<4x128xi32, #tpu.memory_space<vmem>> -> memref<1x128xi32, #tpu.memory_space<vmem>>
      %dma_wait3A_172 = tpu.memref_squeeze %dma_wait3A_171 : memref<1x128xi32, #tpu.memory_space<vmem>> -> memref<128xi32, #tpu.memory_space<vmem>>
      %dma_wait3A_173 = tpu.memref_slice %arg2[%add3A_21] : memref<16384xi32, #tpu.memory_space<hbm>> -> memref<128xi32, #tpu.memory_space<hbm>>
      tpu.wait_dma2 semaphore(%run_scoped3A_157 : memref<!tpu.dma_semaphore, #tpu.memory_space<semaphore_mem>>) src(%dma_wait3A_173 : memref<128xi32, #tpu.memory_space<hbm>>) dst(%dma_wait3A_172 : memref<128xi32, #tpu.memory_space<vmem>>)
      tpu.yield
    }) : () -> ()
    %add3A_23 = arith.constant 384 : i32
    %add3A_24 = arith.addi %mul3A_2, %add3A_23 : i32
    %run_scoped3A_25 = arith.constant 3 : i32
    "tpu.region"() ({
      %run_scoped3A_157 = tpu.sem_alloc : memref<!tpu.dma_semaphore, #tpu.memory_space<semaphore_mem>>
      %dma_start3A_158 = arith.constant 0 : i32
      %dma_start3A_159 = tpu.memref_slice %arg8[%run_scoped3A_25, %dma_start3A_158] : memref<4x128xi32, #tpu.memory_space<vmem>> -> memref<1x128xi32, #tpu.memory_space<vmem>>
      %dma_start3A_160 = tpu.memref_squeeze %dma_start3A_159 : memref<1x128xi32, #tpu.memory_space<vmem>> -> memref<128xi32, #tpu.memory_space<vmem>>
      %dma_start3A_161 = tpu.memref_slice %arg3[%add3A_24] : memref<16384xi32, #tpu.memory_space<hbm>> -> memref<128xi32, #tpu.memory_space<hbm>>
      %dma_start3A_162 = arith.constant 0 : i32
      %dma_start3A_163 = tpu.memref_slice %arg8[%run_scoped3A_25, %dma_start3A_162] : memref<4x128xi32, #tpu.memory_space<vmem>> -> memref<1x128xi32, #tpu.memory_space<vmem>>
      %dma_start3A_164 = tpu.memref_squeeze %dma_start3A_163 : memref<1x128xi32, #tpu.memory_space<vmem>> -> memref<128xi32, #tpu.memory_space<vmem>>
      %dma_start3A_165 = tpu.memref_slice %arg3[%add3A_24] : memref<16384xi32, #tpu.memory_space<hbm>> -> memref<128xi32, #tpu.memory_space<hbm>>
      tpu.enqueue_dma source(%dma_start3A_165 : memref<128xi32, #tpu.memory_space<hbm>>) target(%dma_start3A_164 : memref<128xi32, #tpu.memory_space<vmem>>) target_semaphore(%run_scoped3A_157 : memref<!tpu.dma_semaphore, #tpu.memory_space<semaphore_mem>>)
      %dma_wait3A_166 = arith.constant 0 : i32
      %dma_wait3A_167 = tpu.memref_slice %arg8[%run_scoped3A_25, %dma_wait3A_166] : memref<4x128xi32, #tpu.memory_space<vmem>> -> memref<1x128xi32, #tpu.memory_space<vmem>>
      %dma_wait3A_168 = tpu.memref_squeeze %dma_wait3A_167 : memref<1x128xi32, #tpu.memory_space<vmem>> -> memref<128xi32, #tpu.memory_space<vmem>>
      %dma_wait3A_169 = tpu.memref_slice %arg3[%add3A_24] : memref<16384xi32, #tpu.memory_space<hbm>> -> memref<128xi32, #tpu.memory_space<hbm>>
      %dma_wait3A_170 = arith.constant 0 : i32
      %dma_wait3A_171 = tpu.memref_slice %arg8[%run_scoped3A_25, %dma_wait3A_170] : memref<4x128xi32, #tpu.memory_space<vmem>> -> memref<1x128xi32, #tpu.memory_space<vmem>>
      %dma_wait3A_172 = tpu.memref_squeeze %dma_wait3A_171 : memref<1x128xi32, #tpu.memory_space<vmem>> -> memref<128xi32, #tpu.memory_space<vmem>>
      %dma_wait3A_173 = tpu.memref_slice %arg3[%add3A_24] : memref<16384xi32, #tpu.memory_space<hbm>> -> memref<128xi32, #tpu.memory_space<hbm>>
      tpu.wait_dma2 semaphore(%run_scoped3A_157 : memref<!tpu.dma_semaphore, #tpu.memory_space<semaphore_mem>>) src(%dma_wait3A_173 : memref<128xi32, #tpu.memory_space<hbm>>) dst(%dma_wait3A_172 : memref<128xi32, #tpu.memory_space<vmem>>)
      tpu.yield
    }) : () -> ()
    %dma_start3A = arith.constant 0 : i32
    %dma_start3A_26 = arith.constant 0 : i32
    %dma_start3A_27 = tpu.memref_slice %arg9[%dma_start3A_26] : memref<512xf32, #tpu.memory_space<vmem>> -> memref<128xf32, #tpu.memory_space<vmem>>
    %dma_start3A_28 = arith.constant 0 : i32
    %dma_start3A_29 = tpu.memref_slice %arg7[%dma_start3A, %dma_start3A_28] : memref<4x128xi32, #tpu.memory_space<vmem>> -> memref<1x128xi32, #tpu.memory_space<vmem>>
    %dma_start3A_30 = tpu.memref_squeeze %dma_start3A_29 : memref<1x128xi32, #tpu.memory_space<vmem>> -> memref<128xi32, #tpu.memory_space<vmem>>
    %dma_start3A_31 = arith.constant 0 : i32
    %dma_start3A_32 = tpu.memref_slice %arg4[%dma_start3A_31] : memref<1000000xf32, #tpu.memory_space<hbm>> -> memref<1000000xf32, #tpu.memory_space<hbm>>
    tpu.enqueue_indirect_dma source(%dma_start3A_32 : memref<1000000xf32, #tpu.memory_space<hbm>>) target(%dma_start3A_27 : memref<128xf32, #tpu.memory_space<vmem>>) offsets(%dma_start3A_30 : memref<128xi32, #tpu.memory_space<vmem>>) semaphore(%arg12 : memref<!tpu.dma_semaphore, #tpu.memory_space<semaphore_mem>>)
    %dma_start3A_33 = arith.constant 0 : i32
    %dma_start3A_34 = arith.constant 0 : i32
    %dma_start3A_35 = tpu.memref_slice %arg10[%dma_start3A_34] : memref<512xf32, #tpu.memory_space<vmem>> -> memref<128xf32, #tpu.memory_space<vmem>>
    %dma_start3A_36 = arith.constant 0 : i32
    %dma_start3A_37 = tpu.memref_slice %arg8[%dma_start3A_33, %dma_start3A_36] : memref<4x128xi32, #tpu.memory_space<vmem>> -> memref<1x128xi32, #tpu.memory_space<vmem>>
    %dma_start3A_38 = tpu.memref_squeeze %dma_start3A_37 : memref<1x128xi32, #tpu.memory_space<vmem>> -> memref<128xi32, #tpu.memory_space<vmem>>
    %dma_start3A_39 = arith.constant 0 : i32
    %dma_start3A_40 = tpu.memref_slice %arg5[%dma_start3A_39] : memref<1000000xf32, #tpu.memory_space<hbm>> -> memref<1000000xf32, #tpu.memory_space<hbm>>
    tpu.enqueue_indirect_dma source(%dma_start3A_40 : memref<1000000xf32, #tpu.memory_space<hbm>>) target(%dma_start3A_35 : memref<128xf32, #tpu.memory_space<vmem>>) offsets(%dma_start3A_38 : memref<128xi32, #tpu.memory_space<vmem>>) semaphore(%arg12 : memref<!tpu.dma_semaphore, #tpu.memory_space<semaphore_mem>>)
    %dma_start3A_41 = arith.constant 1 : i32
    %dma_start3A_42 = arith.constant 128 : i32
    %dma_start3A_43 = tpu.memref_slice %arg9[%dma_start3A_42] : memref<512xf32, #tpu.memory_space<vmem>> -> memref<128xf32, #tpu.memory_space<vmem>>
    %dma_start3A_44 = arith.constant 0 : i32
    %dma_start3A_45 = tpu.memref_slice %arg7[%dma_start3A_41, %dma_start3A_44] : memref<4x128xi32, #tpu.memory_space<vmem>> -> memref<1x128xi32, #tpu.memory_space<vmem>>
    %dma_start3A_46 = tpu.memref_squeeze %dma_start3A_45 : memref<1x128xi32, #tpu.memory_space<vmem>> -> memref<128xi32, #tpu.memory_space<vmem>>
    %dma_start3A_47 = arith.constant 0 : i32
    %dma_start3A_48 = tpu.memref_slice %arg4[%dma_start3A_47] : memref<1000000xf32, #tpu.memory_space<hbm>> -> memref<1000000xf32, #tpu.memory_space<hbm>>
    tpu.enqueue_indirect_dma source(%dma_start3A_48 : memref<1000000xf32, #tpu.memory_space<hbm>>) target(%dma_start3A_43 : memref<128xf32, #tpu.memory_space<vmem>>) offsets(%dma_start3A_46 : memref<128xi32, #tpu.memory_space<vmem>>) semaphore(%arg12 : memref<!tpu.dma_semaphore, #tpu.memory_space<semaphore_mem>>)
    %dma_start3A_49 = arith.constant 1 : i32
    %dma_start3A_50 = arith.constant 128 : i32
    %dma_start3A_51 = tpu.memref_slice %arg10[%dma_start3A_50] : memref<512xf32, #tpu.memory_space<vmem>> -> memref<128xf32, #tpu.memory_space<vmem>>
    %dma_start3A_52 = arith.constant 0 : i32
    %dma_start3A_53 = tpu.memref_slice %arg8[%dma_start3A_49, %dma_start3A_52] : memref<4x128xi32, #tpu.memory_space<vmem>> -> memref<1x128xi32, #tpu.memory_space<vmem>>
    %dma_start3A_54 = tpu.memref_squeeze %dma_start3A_53 : memref<1x128xi32, #tpu.memory_space<vmem>> -> memref<128xi32, #tpu.memory_space<vmem>>
    %dma_start3A_55 = arith.constant 0 : i32
    %dma_start3A_56 = tpu.memref_slice %arg5[%dma_start3A_55] : memref<1000000xf32, #tpu.memory_space<hbm>> -> memref<1000000xf32, #tpu.memory_space<hbm>>
    tpu.enqueue_indirect_dma source(%dma_start3A_56 : memref<1000000xf32, #tpu.memory_space<hbm>>) target(%dma_start3A_51 : memref<128xf32, #tpu.memory_space<vmem>>) offsets(%dma_start3A_54 : memref<128xi32, #tpu.memory_space<vmem>>) semaphore(%arg12 : memref<!tpu.dma_semaphore, #tpu.memory_space<semaphore_mem>>)
    %dma_start3A_57 = arith.constant 2 : i32
    %dma_start3A_58 = arith.constant 256 : i32
    %dma_start3A_59 = tpu.memref_slice %arg9[%dma_start3A_58] : memref<512xf32, #tpu.memory_space<vmem>> -> memref<128xf32, #tpu.memory_space<vmem>>
    %dma_start3A_60 = arith.constant 0 : i32
    %dma_start3A_61 = tpu.memref_slice %arg7[%dma_start3A_57, %dma_start3A_60] : memref<4x128xi32, #tpu.memory_space<vmem>> -> memref<1x128xi32, #tpu.memory_space<vmem>>
    %dma_start3A_62 = tpu.memref_squeeze %dma_start3A_61 : memref<1x128xi32, #tpu.memory_space<vmem>> -> memref<128xi32, #tpu.memory_space<vmem>>
    %dma_start3A_63 = arith.constant 0 : i32
    %dma_start3A_64 = tpu.memref_slice %arg4[%dma_start3A_63] : memref<1000000xf32, #tpu.memory_space<hbm>> -> memref<1000000xf32, #tpu.memory_space<hbm>>
    tpu.enqueue_indirect_dma source(%dma_start3A_64 : memref<1000000xf32, #tpu.memory_space<hbm>>) target(%dma_start3A_59 : memref<128xf32, #tpu.memory_space<vmem>>) offsets(%dma_start3A_62 : memref<128xi32, #tpu.memory_space<vmem>>) semaphore(%arg12 : memref<!tpu.dma_semaphore, #tpu.memory_space<semaphore_mem>>)
    %dma_start3A_65 = arith.constant 2 : i32
    %dma_start3A_66 = arith.constant 256 : i32
    %dma_start3A_67 = tpu.memref_slice %arg10[%dma_start3A_66] : memref<512xf32, #tpu.memory_space<vmem>> -> memref<128xf32, #tpu.memory_space<vmem>>
    %dma_start3A_68 = arith.constant 0 : i32
    %dma_start3A_69 = tpu.memref_slice %arg8[%dma_start3A_65, %dma_start3A_68] : memref<4x128xi32, #tpu.memory_space<vmem>> -> memref<1x128xi32, #tpu.memory_space<vmem>>
    %dma_start3A_70 = tpu.memref_squeeze %dma_start3A_69 : memref<1x128xi32, #tpu.memory_space<vmem>> -> memref<128xi32, #tpu.memory_space<vmem>>
    %dma_start3A_71 = arith.constant 0 : i32
    %dma_start3A_72 = tpu.memref_slice %arg5[%dma_start3A_71] : memref<1000000xf32, #tpu.memory_space<hbm>> -> memref<1000000xf32, #tpu.memory_space<hbm>>
    tpu.enqueue_indirect_dma source(%dma_start3A_72 : memref<1000000xf32, #tpu.memory_space<hbm>>) target(%dma_start3A_67 : memref<128xf32, #tpu.memory_space<vmem>>) offsets(%dma_start3A_70 : memref<128xi32, #tpu.memory_space<vmem>>) semaphore(%arg12 : memref<!tpu.dma_semaphore, #tpu.memory_space<semaphore_mem>>)
    %dma_start3A_73 = arith.constant 3 : i32
    %dma_start3A_74 = arith.constant 384 : i32
    %dma_start3A_75 = tpu.memref_slice %arg9[%dma_start3A_74] : memref<512xf32, #tpu.memory_space<vmem>> -> memref<128xf32, #tpu.memory_space<vmem>>
    %dma_start3A_76 = arith.constant 0 : i32
    %dma_start3A_77 = tpu.memref_slice %arg7[%dma_start3A_73, %dma_start3A_76] : memref<4x128xi32, #tpu.memory_space<vmem>> -> memref<1x128xi32, #tpu.memory_space<vmem>>
    %dma_start3A_78 = tpu.memref_squeeze %dma_start3A_77 : memref<1x128xi32, #tpu.memory_space<vmem>> -> memref<128xi32, #tpu.memory_space<vmem>>
    %dma_start3A_79 = arith.constant 0 : i32
    %dma_start3A_80 = tpu.memref_slice %arg4[%dma_start3A_79] : memref<1000000xf32, #tpu.memory_space<hbm>> -> memref<1000000xf32, #tpu.memory_space<hbm>>
    tpu.enqueue_indirect_dma source(%dma_start3A_80 : memref<1000000xf32, #tpu.memory_space<hbm>>) target(%dma_start3A_75 : memref<128xf32, #tpu.memory_space<vmem>>) offsets(%dma_start3A_78 : memref<128xi32, #tpu.memory_space<vmem>>) semaphore(%arg12 : memref<!tpu.dma_semaphore, #tpu.memory_space<semaphore_mem>>)
    %dma_start3A_81 = arith.constant 3 : i32
    %dma_start3A_82 = arith.constant 384 : i32
    %dma_start3A_83 = tpu.memref_slice %arg10[%dma_start3A_82] : memref<512xf32, #tpu.memory_space<vmem>> -> memref<128xf32, #tpu.memory_space<vmem>>
    %dma_start3A_84 = arith.constant 0 : i32
    %dma_start3A_85 = tpu.memref_slice %arg8[%dma_start3A_81, %dma_start3A_84] : memref<4x128xi32, #tpu.memory_space<vmem>> -> memref<1x128xi32, #tpu.memory_space<vmem>>
    %dma_start3A_86 = tpu.memref_squeeze %dma_start3A_85 : memref<1x128xi32, #tpu.memory_space<vmem>> -> memref<128xi32, #tpu.memory_space<vmem>>
    %dma_start3A_87 = arith.constant 0 : i32
    %dma_start3A_88 = tpu.memref_slice %arg5[%dma_start3A_87] : memref<1000000xf32, #tpu.memory_space<hbm>> -> memref<1000000xf32, #tpu.memory_space<hbm>>
    tpu.enqueue_indirect_dma source(%dma_start3A_88 : memref<1000000xf32, #tpu.memory_space<hbm>>) target(%dma_start3A_83 : memref<128xf32, #tpu.memory_space<vmem>>) offsets(%dma_start3A_86 : memref<128xi32, #tpu.memory_space<vmem>>) semaphore(%arg12 : memref<!tpu.dma_semaphore, #tpu.memory_space<semaphore_mem>>)
    %dma_wait3A = arith.constant 0 : i32
    %dma_wait3A_89 = arith.constant 0 : i32
    %dma_wait3A_90 = tpu.memref_slice %arg9[%dma_wait3A_89] : memref<512xf32, #tpu.memory_space<vmem>> -> memref<128xf32, #tpu.memory_space<vmem>>
    %dma_wait3A_91 = arith.constant 0 : i32
    %dma_wait3A_92 = tpu.memref_slice %arg7[%dma_wait3A, %dma_wait3A_91] : memref<4x128xi32, #tpu.memory_space<vmem>> -> memref<1x128xi32, #tpu.memory_space<vmem>>
    %dma_wait3A_93 = tpu.memref_squeeze %dma_wait3A_92 : memref<1x128xi32, #tpu.memory_space<vmem>> -> memref<128xi32, #tpu.memory_space<vmem>>
    %dma_wait3A_94 = arith.constant 0 : i32
    %dma_wait3A_95 = tpu.memref_slice %arg4[%dma_wait3A_94] : memref<1000000xf32, #tpu.memory_space<hbm>> -> memref<1000000xf32, #tpu.memory_space<hbm>>
    tpu.wait_indirect_dma semaphore(%arg12 : memref<!tpu.dma_semaphore, #tpu.memory_space<semaphore_mem>>) src(%dma_wait3A_95 : memref<1000000xf32, #tpu.memory_space<hbm>>) dst(%dma_wait3A_90 : memref<128xf32, #tpu.memory_space<vmem>>)
    %dma_wait3A_96 = arith.constant 0 : i32
    %dma_wait3A_97 = arith.constant 0 : i32
    %dma_wait3A_98 = tpu.memref_slice %arg10[%dma_wait3A_97] : memref<512xf32, #tpu.memory_space<vmem>> -> memref<128xf32, #tpu.memory_space<vmem>>
    %dma_wait3A_99 = arith.constant 0 : i32
    %dma_wait3A_100 = tpu.memref_slice %arg8[%dma_wait3A_96, %dma_wait3A_99] : memref<4x128xi32, #tpu.memory_space<vmem>> -> memref<1x128xi32, #tpu.memory_space<vmem>>
    %dma_wait3A_101 = tpu.memref_squeeze %dma_wait3A_100 : memref<1x128xi32, #tpu.memory_space<vmem>> -> memref<128xi32, #tpu.memory_space<vmem>>
    %dma_wait3A_102 = arith.constant 0 : i32
    %dma_wait3A_103 = tpu.memref_slice %arg5[%dma_wait3A_102] : memref<1000000xf32, #tpu.memory_space<hbm>> -> memref<1000000xf32, #tpu.memory_space<hbm>>
    tpu.wait_indirect_dma semaphore(%arg12 : memref<!tpu.dma_semaphore, #tpu.memory_space<semaphore_mem>>) src(%dma_wait3A_103 : memref<1000000xf32, #tpu.memory_space<hbm>>) dst(%dma_wait3A_98 : memref<128xf32, #tpu.memory_space<vmem>>)
    %dma_wait3A_104 = arith.constant 1 : i32
    %dma_wait3A_105 = arith.constant 128 : i32
    %dma_wait3A_106 = tpu.memref_slice %arg9[%dma_wait3A_105] : memref<512xf32, #tpu.memory_space<vmem>> -> memref<128xf32, #tpu.memory_space<vmem>>
    %dma_wait3A_107 = arith.constant 0 : i32
    %dma_wait3A_108 = tpu.memref_slice %arg7[%dma_wait3A_104, %dma_wait3A_107] : memref<4x128xi32, #tpu.memory_space<vmem>> -> memref<1x128xi32, #tpu.memory_space<vmem>>
    %dma_wait3A_109 = tpu.memref_squeeze %dma_wait3A_108 : memref<1x128xi32, #tpu.memory_space<vmem>> -> memref<128xi32, #tpu.memory_space<vmem>>
    %dma_wait3A_110 = arith.constant 0 : i32
    %dma_wait3A_111 = tpu.memref_slice %arg4[%dma_wait3A_110] : memref<1000000xf32, #tpu.memory_space<hbm>> -> memref<1000000xf32, #tpu.memory_space<hbm>>
    tpu.wait_indirect_dma semaphore(%arg12 : memref<!tpu.dma_semaphore, #tpu.memory_space<semaphore_mem>>) src(%dma_wait3A_111 : memref<1000000xf32, #tpu.memory_space<hbm>>) dst(%dma_wait3A_106 : memref<128xf32, #tpu.memory_space<vmem>>)
    %dma_wait3A_112 = arith.constant 1 : i32
    %dma_wait3A_113 = arith.constant 128 : i32
    %dma_wait3A_114 = tpu.memref_slice %arg10[%dma_wait3A_113] : memref<512xf32, #tpu.memory_space<vmem>> -> memref<128xf32, #tpu.memory_space<vmem>>
    %dma_wait3A_115 = arith.constant 0 : i32
    %dma_wait3A_116 = tpu.memref_slice %arg8[%dma_wait3A_112, %dma_wait3A_115] : memref<4x128xi32, #tpu.memory_space<vmem>> -> memref<1x128xi32, #tpu.memory_space<vmem>>
    %dma_wait3A_117 = tpu.memref_squeeze %dma_wait3A_116 : memref<1x128xi32, #tpu.memory_space<vmem>> -> memref<128xi32, #tpu.memory_space<vmem>>
    %dma_wait3A_118 = arith.constant 0 : i32
    %dma_wait3A_119 = tpu.memref_slice %arg5[%dma_wait3A_118] : memref<1000000xf32, #tpu.memory_space<hbm>> -> memref<1000000xf32, #tpu.memory_space<hbm>>
    tpu.wait_indirect_dma semaphore(%arg12 : memref<!tpu.dma_semaphore, #tpu.memory_space<semaphore_mem>>) src(%dma_wait3A_119 : memref<1000000xf32, #tpu.memory_space<hbm>>) dst(%dma_wait3A_114 : memref<128xf32, #tpu.memory_space<vmem>>)
    %dma_wait3A_120 = arith.constant 2 : i32
    %dma_wait3A_121 = arith.constant 256 : i32
    %dma_wait3A_122 = tpu.memref_slice %arg9[%dma_wait3A_121] : memref<512xf32, #tpu.memory_space<vmem>> -> memref<128xf32, #tpu.memory_space<vmem>>
    %dma_wait3A_123 = arith.constant 0 : i32
    %dma_wait3A_124 = tpu.memref_slice %arg7[%dma_wait3A_120, %dma_wait3A_123] : memref<4x128xi32, #tpu.memory_space<vmem>> -> memref<1x128xi32, #tpu.memory_space<vmem>>
    %dma_wait3A_125 = tpu.memref_squeeze %dma_wait3A_124 : memref<1x128xi32, #tpu.memory_space<vmem>> -> memref<128xi32, #tpu.memory_space<vmem>>
    %dma_wait3A_126 = arith.constant 0 : i32
    %dma_wait3A_127 = tpu.memref_slice %arg4[%dma_wait3A_126] : memref<1000000xf32, #tpu.memory_space<hbm>> -> memref<1000000xf32, #tpu.memory_space<hbm>>
    tpu.wait_indirect_dma semaphore(%arg12 : memref<!tpu.dma_semaphore, #tpu.memory_space<semaphore_mem>>) src(%dma_wait3A_127 : memref<1000000xf32, #tpu.memory_space<hbm>>) dst(%dma_wait3A_122 : memref<128xf32, #tpu.memory_space<vmem>>)
    %dma_wait3A_128 = arith.constant 2 : i32
    %dma_wait3A_129 = arith.constant 256 : i32
    %dma_wait3A_130 = tpu.memref_slice %arg10[%dma_wait3A_129] : memref<512xf32, #tpu.memory_space<vmem>> -> memref<128xf32, #tpu.memory_space<vmem>>
    %dma_wait3A_131 = arith.constant 0 : i32
    %dma_wait3A_132 = tpu.memref_slice %arg8[%dma_wait3A_128, %dma_wait3A_131] : memref<4x128xi32, #tpu.memory_space<vmem>> -> memref<1x128xi32, #tpu.memory_space<vmem>>
    %dma_wait3A_133 = tpu.memref_squeeze %dma_wait3A_132 : memref<1x128xi32, #tpu.memory_space<vmem>> -> memref<128xi32, #tpu.memory_space<vmem>>
    %dma_wait3A_134 = arith.constant 0 : i32
    %dma_wait3A_135 = tpu.memref_slice %arg5[%dma_wait3A_134] : memref<1000000xf32, #tpu.memory_space<hbm>> -> memref<1000000xf32, #tpu.memory_space<hbm>>
    tpu.wait_indirect_dma semaphore(%arg12 : memref<!tpu.dma_semaphore, #tpu.memory_space<semaphore_mem>>) src(%dma_wait3A_135 : memref<1000000xf32, #tpu.memory_space<hbm>>) dst(%dma_wait3A_130 : memref<128xf32, #tpu.memory_space<vmem>>)
    %dma_wait3A_136 = arith.constant 3 : i32
    %dma_wait3A_137 = arith.constant 384 : i32
    %dma_wait3A_138 = tpu.memref_slice %arg9[%dma_wait3A_137] : memref<512xf32, #tpu.memory_space<vmem>> -> memref<128xf32, #tpu.memory_space<vmem>>
    %dma_wait3A_139 = arith.constant 0 : i32
    %dma_wait3A_140 = tpu.memref_slice %arg7[%dma_wait3A_136, %dma_wait3A_139] : memref<4x128xi32, #tpu.memory_space<vmem>> -> memref<1x128xi32, #tpu.memory_space<vmem>>
    %dma_wait3A_141 = tpu.memref_squeeze %dma_wait3A_140 : memref<1x128xi32, #tpu.memory_space<vmem>> -> memref<128xi32, #tpu.memory_space<vmem>>
    %dma_wait3A_142 = arith.constant 0 : i32
    %dma_wait3A_143 = tpu.memref_slice %arg4[%dma_wait3A_142] : memref<1000000xf32, #tpu.memory_space<hbm>> -> memref<1000000xf32, #tpu.memory_space<hbm>>
    tpu.wait_indirect_dma semaphore(%arg12 : memref<!tpu.dma_semaphore, #tpu.memory_space<semaphore_mem>>) src(%dma_wait3A_143 : memref<1000000xf32, #tpu.memory_space<hbm>>) dst(%dma_wait3A_138 : memref<128xf32, #tpu.memory_space<vmem>>)
    %dma_wait3A_144 = arith.constant 3 : i32
    %dma_wait3A_145 = arith.constant 384 : i32
    %dma_wait3A_146 = tpu.memref_slice %arg10[%dma_wait3A_145] : memref<512xf32, #tpu.memory_space<vmem>> -> memref<128xf32, #tpu.memory_space<vmem>>
    %dma_wait3A_147 = arith.constant 0 : i32
    %dma_wait3A_148 = tpu.memref_slice %arg8[%dma_wait3A_144, %dma_wait3A_147] : memref<4x128xi32, #tpu.memory_space<vmem>> -> memref<1x128xi32, #tpu.memory_space<vmem>>
    %dma_wait3A_149 = tpu.memref_squeeze %dma_wait3A_148 : memref<1x128xi32, #tpu.memory_space<vmem>> -> memref<128xi32, #tpu.memory_space<vmem>>
    %dma_wait3A_150 = arith.constant 0 : i32
    %dma_wait3A_151 = tpu.memref_slice %arg5[%dma_wait3A_150] : memref<1000000xf32, #tpu.memory_space<hbm>> -> memref<1000000xf32, #tpu.memory_space<hbm>>
    tpu.wait_indirect_dma semaphore(%arg12 : memref<!tpu.dma_semaphore, #tpu.memory_space<semaphore_mem>>) src(%dma_wait3A_151 : memref<1000000xf32, #tpu.memory_space<hbm>>) dst(%dma_wait3A_146 : memref<128xf32, #tpu.memory_space<vmem>>)
    %scan3A = arith.constant 0 : i32
    %scan3A_152 = arith.constant 0 : i32
    %scan3A_153 = arith.constant 32 : i32
    %scan3A_154 = arith.addi %scan3A_152, %scan3A_153 : i32
    %scan3A_155 = arith.constant 1 : i32
    scf.for %scan3A_157 = %scan3A_152 to %scan3A_154 step %scan3A_155  : i32 {
      %mul3A_158 = arith.constant 16 : i32
      %mul3A_159 = arith.muli %scan3A_157, %mul3A_158 : i32
      %get3A = arith.index_cast %mul3A_159 : i32 to index
      %get3A_160 = tpu.vector_load %arg9[%get3A] {strides = array<i32>} : memref<512xf32, #tpu.memory_space<vmem>>, vector<16xf32>,
      %mul3A_161 = arith.constant 16 : i32
      %mul3A_162 = arith.muli %scan3A_157, %mul3A_161 : i32
      %get3A_163 = arith.index_cast %mul3A_162 : i32 to index
      %get3A_164 = tpu.vector_load %arg10[%get3A_163] {strides = array<i32>} : memref<512xf32, #tpu.memory_space<vmem>>, vector<16xf32>,
      %add3A_165 = arith.addf %get3A_160, %get3A_164 : vector<16xf32>
      %mul3A_166 = arith.constant 16 : i32
      %mul3A_167 = arith.muli %scan3A_157, %mul3A_166 : i32
      %swap3A = arith.index_cast %mul3A_167 : i32 to index
      %swap3A_168 = tpu.vector_load %arg11[%swap3A] {strides = array<i32>} : memref<512xf32, #tpu.memory_space<vmem>>, vector<16xf32>,
      tpu.vector_store %arg11[%swap3A], %add3A_165 {strides = array<i32>} : memref<512xf32, #tpu.memory_space<vmem>>, vector<16xf32>,
    }
    %scan3A_156 = arith.constant 32 : i32
    "tpu.region"() ({
      %run_scoped3A_157 = tpu.sem_alloc : memref<!tpu.dma_semaphore, #tpu.memory_space<semaphore_mem>>
      %dma_start3A_158 = tpu.memref_slice %arg6[%mul3A_2] : memref<16384xf32, #tpu.memory_space<hbm>> -> memref<512xf32, #tpu.memory_space<hbm>>
      %dma_start3A_159 = tpu.memref_slice %arg6[%mul3A_2] : memref<16384xf32, #tpu.memory_space<hbm>> -> memref<512xf32, #tpu.memory_space<hbm>>
      tpu.enqueue_dma source(%arg11 : memref<512xf32, #tpu.memory_space<vmem>>) target(%dma_start3A_159 : memref<512xf32, #tpu.memory_space<hbm>>) target_semaphore(%run_scoped3A_157 : memref<!tpu.dma_semaphore, #tpu.memory_space<semaphore_mem>>)
      %dma_wait3A_160 = tpu.memref_slice %arg6[%mul3A_2] : memref<16384xf32, #tpu.memory_space<hbm>> -> memref<512xf32, #tpu.memory_space<hbm>>
      %dma_wait3A_161 = tpu.memref_slice %arg6[%mul3A_2] : memref<16384xf32, #tpu.memory_space<hbm>> -> memref<512xf32, #tpu.memory_space<hbm>>
      tpu.wait_dma2 semaphore(%run_scoped3A_157 : memref<!tpu.dma_semaphore, #tpu.memory_space<semaphore_mem>>) src(%arg11 : memref<512xf32, #tpu.memory_space<vmem>>) dst(%dma_wait3A_161 : memref<512xf32, #tpu.memory_space<hbm>>)
      tpu.yield
    }) : () -> ()
    return
  }
}

#map = affine_map<(d0, d1) -> (0)>
#map1 = affine_map<(d0, d1) -> (0, 0)>
module attributes {stable_mosaic.version = 14 : i64} {
  func.func @_dot_body(%arg0: i32, %arg1: i32, %arg2: memref<16384xi32, #tpu.memory_space<hbm>>, %arg3: memref<16384xi32, #tpu.memory_space<hbm>>, %arg4: memref<1000000x64xf32, #tpu.memory_space<hbm>>, %arg5: memref<1000000x64xf32, #tpu.memory_space<hbm>>, %arg6: memref<16384xf32, #tpu.memory_space<hbm>>, %arg7: memref<16384xf32, #tpu.memory_space<hbm>>, %arg8: memref<512xi32, #tpu.memory_space<vmem>>, %arg9: memref<512xi32, #tpu.memory_space<vmem>>, %arg10: memref<512xf32, #tpu.memory_space<vmem>>, %arg11: memref<16x64xf32, #tpu.memory_space<vmem>>, %arg12: memref<16x64xf32, #tpu.memory_space<vmem>>, %arg13: memref<16x64xf32, #tpu.memory_space<vmem>>, %arg14: memref<16x64xf32, #tpu.memory_space<vmem>>, %arg15: memref<512xf32, #tpu.memory_space<vmem>>, %arg16: memref<!tpu.dma_semaphore, #tpu.memory_space<semaphore_mem>>, %arg17: memref<!tpu.dma_semaphore, #tpu.memory_space<semaphore_mem>>) attributes {dimension_semantics = [#tpu.dimension_semantics<core_parallel>, #tpu.dimension_semantics<subcore_parallel>], iteration_bounds = array<i64: 2, 16>, scalar_prefetch = 0 : i64, scratch_operands = 10 : i64, tpu.core_type = #tpu.core_type<sc_vector_subcore>, window_params = [{transform_indices = #map}, {transform_indices = #map}, {transform_indices = #map1}, {transform_indices = #map1}, {transform_indices = #map}, {transform_indices = #map}]} {
    %mul3A = arith.constant 2 : i32
    %mul3A_0 = arith.muli %arg1, %mul3A : i32
    %add3A = arith.addi %mul3A_0, %arg0 : i32
    %mul3A_1 = arith.constant 512 : i32
    %mul3A_2 = arith.muli %add3A, %mul3A_1 : i32
    "tpu.region"() ({
      %run_scoped3A = tpu.sem_alloc : memref<!tpu.dma_semaphore, #tpu.memory_space<semaphore_mem>>
      %dma_start3A_488 = tpu.memref_slice %arg2[%mul3A_2] : memref<16384xi32, #tpu.memory_space<hbm>> -> memref<512xi32, #tpu.memory_space<hbm>>
      %dma_start3A_489 = tpu.memref_slice %arg2[%mul3A_2] : memref<16384xi32, #tpu.memory_space<hbm>> -> memref<512xi32, #tpu.memory_space<hbm>>
      tpu.enqueue_dma source(%dma_start3A_489 : memref<512xi32, #tpu.memory_space<hbm>>) target(%arg8 : memref<512xi32, #tpu.memory_space<vmem>>) target_semaphore(%run_scoped3A : memref<!tpu.dma_semaphore, #tpu.memory_space<semaphore_mem>>)
      %dma_wait3A = tpu.memref_slice %arg2[%mul3A_2] : memref<16384xi32, #tpu.memory_space<hbm>> -> memref<512xi32, #tpu.memory_space<hbm>>
      %dma_wait3A_490 = tpu.memref_slice %arg2[%mul3A_2] : memref<16384xi32, #tpu.memory_space<hbm>> -> memref<512xi32, #tpu.memory_space<hbm>>
      tpu.wait_dma2 semaphore(%run_scoped3A : memref<!tpu.dma_semaphore, #tpu.memory_space<semaphore_mem>>) src(%dma_wait3A_490 : memref<512xi32, #tpu.memory_space<hbm>>) dst(%arg8 : memref<512xi32, #tpu.memory_space<vmem>>)
      tpu.yield
    }) : () -> ()
    "tpu.region"() ({
      %run_scoped3A = tpu.sem_alloc : memref<!tpu.dma_semaphore, #tpu.memory_space<semaphore_mem>>
      %dma_start3A_488 = tpu.memref_slice %arg3[%mul3A_2] : memref<16384xi32, #tpu.memory_space<hbm>> -> memref<512xi32, #tpu.memory_space<hbm>>
      %dma_start3A_489 = tpu.memref_slice %arg3[%mul3A_2] : memref<16384xi32, #tpu.memory_space<hbm>> -> memref<512xi32, #tpu.memory_space<hbm>>
      tpu.enqueue_dma source(%dma_start3A_489 : memref<512xi32, #tpu.memory_space<hbm>>) target(%arg9 : memref<512xi32, #tpu.memory_space<vmem>>) target_semaphore(%run_scoped3A : memref<!tpu.dma_semaphore, #tpu.memory_space<semaphore_mem>>)
      %dma_wait3A = tpu.memref_slice %arg3[%mul3A_2] : memref<16384xi32, #tpu.memory_space<hbm>> -> memref<512xi32, #tpu.memory_space<hbm>>
      %dma_wait3A_490 = tpu.memref_slice %arg3[%mul3A_2] : memref<16384xi32, #tpu.memory_space<hbm>> -> memref<512xi32, #tpu.memory_space<hbm>>
      tpu.wait_dma2 semaphore(%run_scoped3A : memref<!tpu.dma_semaphore, #tpu.memory_space<semaphore_mem>>) src(%dma_wait3A_490 : memref<512xi32, #tpu.memory_space<hbm>>) dst(%arg9 : memref<512xi32, #tpu.memory_space<vmem>>)
      tpu.yield
    }) : () -> ()
    "tpu.region"() ({
      %run_scoped3A = tpu.sem_alloc : memref<!tpu.dma_semaphore, #tpu.memory_space<semaphore_mem>>
      %dma_start3A_488 = tpu.memref_slice %arg6[%mul3A_2] : memref<16384xf32, #tpu.memory_space<hbm>> -> memref<512xf32, #tpu.memory_space<hbm>>
      %dma_start3A_489 = tpu.memref_slice %arg6[%mul3A_2] : memref<16384xf32, #tpu.memory_space<hbm>> -> memref<512xf32, #tpu.memory_space<hbm>>
      tpu.enqueue_dma source(%dma_start3A_489 : memref<512xf32, #tpu.memory_space<hbm>>) target(%arg10 : memref<512xf32, #tpu.memory_space<vmem>>) target_semaphore(%run_scoped3A : memref<!tpu.dma_semaphore, #tpu.memory_space<semaphore_mem>>)
      %dma_wait3A = tpu.memref_slice %arg6[%mul3A_2] : memref<16384xf32, #tpu.memory_space<hbm>> -> memref<512xf32, #tpu.memory_space<hbm>>
      %dma_wait3A_490 = tpu.memref_slice %arg6[%mul3A_2] : memref<16384xf32, #tpu.memory_space<hbm>> -> memref<512xf32, #tpu.memory_space<hbm>>
      tpu.wait_dma2 semaphore(%run_scoped3A : memref<!tpu.dma_semaphore, #tpu.memory_space<semaphore_mem>>) src(%dma_wait3A_490 : memref<512xf32, #tpu.memory_space<hbm>>) dst(%arg10 : memref<512xf32, #tpu.memory_space<vmem>>)
      tpu.yield
    }) : () -> ()
    %iota3A = tpu.iota {dimensions = array<i32: 0>} : vector<16xi32>
    %get3A = arith.constant 0 : index
    %get3A_3 = tpu.vector_load %arg8[%get3A] {strides = array<i32>} : memref<512xi32, #tpu.memory_space<vmem>>, vector<16xi32>,
    %get3A_4 = arith.constant 0 : index
    %get3A_5 = tpu.vector_load %arg9[%get3A_4] {strides = array<i32>} : memref<512xi32, #tpu.memory_space<vmem>>, vector<16xi32>,
    %slice3A = vector.extract_strided_slice %get3A_3 {offsets = [0], sizes = [1], strides = [1]} : vector<16xi32> to vector<1xi32>
    %squeeze3A = vector.extract %slice3A[0] : i32 from vector<1xi32>
    %dma_start3A = arith.constant 0 : i32
    %dma_start3A_6 = arith.constant 0 : i32
    %dma_start3A_7 = tpu.memref_slice %arg11[%dma_start3A, %dma_start3A_6] : memref<16x64xf32, #tpu.memory_space<vmem>> -> memref<1x64xf32, #tpu.memory_space<vmem>>
    %dma_start3A_8 = tpu.memref_squeeze %dma_start3A_7 : memref<1x64xf32, #tpu.memory_space<vmem>> -> memref<64xf32, #tpu.memory_space<vmem>>
    %dma_start3A_9 = arith.constant 0 : i32
    %dma_start3A_10 = tpu.memref_slice %arg4[%squeeze3A, %dma_start3A_9] : memref<1000000x64xf32, #tpu.memory_space<hbm>> -> memref<1x64xf32, #tpu.memory_space<hbm>>
    %dma_start3A_11 = tpu.memref_squeeze %dma_start3A_10 : memref<1x64xf32, #tpu.memory_space<hbm>> -> memref<64xf32, #tpu.memory_space<hbm>>
    %dma_start3A_12 = arith.constant 0 : i32
    %dma_start3A_13 = tpu.memref_slice %arg11[%dma_start3A, %dma_start3A_12] : memref<16x64xf32, #tpu.memory_space<vmem>> -> memref<1x64xf32, #tpu.memory_space<vmem>>
    %dma_start3A_14 = tpu.memref_squeeze %dma_start3A_13 : memref<1x64xf32, #tpu.memory_space<vmem>> -> memref<64xf32, #tpu.memory_space<vmem>>
    %dma_start3A_15 = arith.constant 0 : i32
    %dma_start3A_16 = tpu.memref_slice %arg4[%squeeze3A, %dma_start3A_15] : memref<1000000x64xf32, #tpu.memory_space<hbm>> -> memref<1x64xf32, #tpu.memory_space<hbm>>
    %dma_start3A_17 = tpu.memref_squeeze %dma_start3A_16 : memref<1x64xf32, #tpu.memory_space<hbm>> -> memref<64xf32, #tpu.memory_space<hbm>>
    tpu.enqueue_dma source(%dma_start3A_17 : memref<64xf32, #tpu.memory_space<hbm>>) target(%dma_start3A_14 : memref<64xf32, #tpu.memory_space<vmem>>) target_semaphore(%arg16 : memref<!tpu.dma_semaphore, #tpu.memory_space<semaphore_mem>>)
    %slice3A_18 = vector.extract_strided_slice %get3A_5 {offsets = [0], sizes = [1], strides = [1]} : vector<16xi32> to vector<1xi32>
    %squeeze3A_19 = vector.extract %slice3A_18[0] : i32 from vector<1xi32>
    %dma_start3A_20 = arith.constant 0 : i32
    %dma_start3A_21 = arith.constant 0 : i32
    %dma_start3A_22 = tpu.memref_slice %arg13[%dma_start3A_20, %dma_start3A_21] : memref<16x64xf32, #tpu.memory_space<vmem>> -> memref<1x64xf32, #tpu.memory_space<vmem>>
    %dma_start3A_23 = tpu.memref_squeeze %dma_start3A_22 : memref<1x64xf32, #tpu.memory_space<vmem>> -> memref<64xf32, #tpu.memory_space<vmem>>
    %dma_start3A_24 = arith.constant 0 : i32
    %dma_start3A_25 = tpu.memref_slice %arg5[%squeeze3A_19, %dma_start3A_24] : memref<1000000x64xf32, #tpu.memory_space<hbm>> -> memref<1x64xf32, #tpu.memory_space<hbm>>
    %dma_start3A_26 = tpu.memref_squeeze %dma_start3A_25 : memref<1x64xf32, #tpu.memory_space<hbm>> -> memref<64xf32, #tpu.memory_space<hbm>>
    %dma_start3A_27 = arith.constant 0 : i32
    %dma_start3A_28 = tpu.memref_slice %arg13[%dma_start3A_20, %dma_start3A_27] : memref<16x64xf32, #tpu.memory_space<vmem>> -> memref<1x64xf32, #tpu.memory_space<vmem>>
    %dma_start3A_29 = tpu.memref_squeeze %dma_start3A_28 : memref<1x64xf32, #tpu.memory_space<vmem>> -> memref<64xf32, #tpu.memory_space<vmem>>
    %dma_start3A_30 = arith.constant 0 : i32
    %dma_start3A_31 = tpu.memref_slice %arg5[%squeeze3A_19, %dma_start3A_30] : memref<1000000x64xf32, #tpu.memory_space<hbm>> -> memref<1x64xf32, #tpu.memory_space<hbm>>
    %dma_start3A_32 = tpu.memref_squeeze %dma_start3A_31 : memref<1x64xf32, #tpu.memory_space<hbm>> -> memref<64xf32, #tpu.memory_space<hbm>>
    tpu.enqueue_dma source(%dma_start3A_32 : memref<64xf32, #tpu.memory_space<hbm>>) target(%dma_start3A_29 : memref<64xf32, #tpu.memory_space<vmem>>) target_semaphore(%arg17 : memref<!tpu.dma_semaphore, #tpu.memory_space<semaphore_mem>>)
    %slice3A_33 = vector.extract_strided_slice %get3A_3 {offsets = [1], sizes = [1], strides = [1]} : vector<16xi32> to vector<1xi32>
    %squeeze3A_34 = vector.extract %slice3A_33[0] : i32 from vector<1xi32>
    %dma_start3A_35 = arith.constant 1 : i32
    %dma_start3A_36 = arith.constant 0 : i32
    %dma_start3A_37 = tpu.memref_slice %arg11[%dma_start3A_35, %dma_start3A_36] : memref<16x64xf32, #tpu.memory_space<vmem>> -> memref<1x64xf32, #tpu.memory_space<vmem>>
    %dma_start3A_38 = tpu.memref_squeeze %dma_start3A_37 : memref<1x64xf32, #tpu.memory_space<vmem>> -> memref<64xf32, #tpu.memory_space<vmem>>
    %dma_start3A_39 = arith.constant 0 : i32
    %dma_start3A_40 = tpu.memref_slice %arg4[%squeeze3A_34, %dma_start3A_39] : memref<1000000x64xf32, #tpu.memory_space<hbm>> -> memref<1x64xf32, #tpu.memory_space<hbm>>
    %dma_start3A_41 = tpu.memref_squeeze %dma_start3A_40 : memref<1x64xf32, #tpu.memory_space<hbm>> -> memref<64xf32, #tpu.memory_space<hbm>>
    %dma_start3A_42 = arith.constant 0 : i32
    %dma_start3A_43 = tpu.memref_slice %arg11[%dma_start3A_35, %dma_start3A_42] : memref<16x64xf32, #tpu.memory_space<vmem>> -> memref<1x64xf32, #tpu.memory_space<vmem>>
    %dma_start3A_44 = tpu.memref_squeeze %dma_start3A_43 : memref<1x64xf32, #tpu.memory_space<vmem>> -> memref<64xf32, #tpu.memory_space<vmem>>
    %dma_start3A_45 = arith.constant 0 : i32
    %dma_start3A_46 = tpu.memref_slice %arg4[%squeeze3A_34, %dma_start3A_45] : memref<1000000x64xf32, #tpu.memory_space<hbm>> -> memref<1x64xf32, #tpu.memory_space<hbm>>
    %dma_start3A_47 = tpu.memref_squeeze %dma_start3A_46 : memref<1x64xf32, #tpu.memory_space<hbm>> -> memref<64xf32, #tpu.memory_space<hbm>>
    tpu.enqueue_dma source(%dma_start3A_47 : memref<64xf32, #tpu.memory_space<hbm>>) target(%dma_start3A_44 : memref<64xf32, #tpu.memory_space<vmem>>) target_semaphore(%arg16 : memref<!tpu.dma_semaphore, #tpu.memory_space<semaphore_mem>>)
    %slice3A_48 = vector.extract_strided_slice %get3A_5 {offsets = [1], sizes = [1], strides = [1]} : vector<16xi32> to vector<1xi32>
    %squeeze3A_49 = vector.extract %slice3A_48[0] : i32 from vector<1xi32>
    %dma_start3A_50 = arith.constant 1 : i32
    %dma_start3A_51 = arith.constant 0 : i32
    %dma_start3A_52 = tpu.memref_slice %arg13[%dma_start3A_50, %dma_start3A_51] : memref<16x64xf32, #tpu.memory_space<vmem>> -> memref<1x64xf32, #tpu.memory_space<vmem>>
    %dma_start3A_53 = tpu.memref_squeeze %dma_start3A_52 : memref<1x64xf32, #tpu.memory_space<vmem>> -> memref<64xf32, #tpu.memory_space<vmem>>
    %dma_start3A_54 = arith.constant 0 : i32
    %dma_start3A_55 = tpu.memref_slice %arg5[%squeeze3A_49, %dma_start3A_54] : memref<1000000x64xf32, #tpu.memory_space<hbm>> -> memref<1x64xf32, #tpu.memory_space<hbm>>
    %dma_start3A_56 = tpu.memref_squeeze %dma_start3A_55 : memref<1x64xf32, #tpu.memory_space<hbm>> -> memref<64xf32, #tpu.memory_space<hbm>>
    %dma_start3A_57 = arith.constant 0 : i32
    %dma_start3A_58 = tpu.memref_slice %arg13[%dma_start3A_50, %dma_start3A_57] : memref<16x64xf32, #tpu.memory_space<vmem>> -> memref<1x64xf32, #tpu.memory_space<vmem>>
    %dma_start3A_59 = tpu.memref_squeeze %dma_start3A_58 : memref<1x64xf32, #tpu.memory_space<vmem>> -> memref<64xf32, #tpu.memory_space<vmem>>
    %dma_start3A_60 = arith.constant 0 : i32
    %dma_start3A_61 = tpu.memref_slice %arg5[%squeeze3A_49, %dma_start3A_60] : memref<1000000x64xf32, #tpu.memory_space<hbm>> -> memref<1x64xf32, #tpu.memory_space<hbm>>
    %dma_start3A_62 = tpu.memref_squeeze %dma_start3A_61 : memref<1x64xf32, #tpu.memory_space<hbm>> -> memref<64xf32, #tpu.memory_space<hbm>>
    tpu.enqueue_dma source(%dma_start3A_62 : memref<64xf32, #tpu.memory_space<hbm>>) target(%dma_start3A_59 : memref<64xf32, #tpu.memory_space<vmem>>) target_semaphore(%arg17 : memref<!tpu.dma_semaphore, #tpu.memory_space<semaphore_mem>>)
    %slice3A_63 = vector.extract_strided_slice %get3A_3 {offsets = [2], sizes = [1], strides = [1]} : vector<16xi32> to vector<1xi32>
    %squeeze3A_64 = vector.extract %slice3A_63[0] : i32 from vector<1xi32>
    %dma_start3A_65 = arith.constant 2 : i32
    %dma_start3A_66 = arith.constant 0 : i32
    %dma_start3A_67 = tpu.memref_slice %arg11[%dma_start3A_65, %dma_start3A_66] : memref<16x64xf32, #tpu.memory_space<vmem>> -> memref<1x64xf32, #tpu.memory_space<vmem>>
    %dma_start3A_68 = tpu.memref_squeeze %dma_start3A_67 : memref<1x64xf32, #tpu.memory_space<vmem>> -> memref<64xf32, #tpu.memory_space<vmem>>
    %dma_start3A_69 = arith.constant 0 : i32
    %dma_start3A_70 = tpu.memref_slice %arg4[%squeeze3A_64, %dma_start3A_69] : memref<1000000x64xf32, #tpu.memory_space<hbm>> -> memref<1x64xf32, #tpu.memory_space<hbm>>
    %dma_start3A_71 = tpu.memref_squeeze %dma_start3A_70 : memref<1x64xf32, #tpu.memory_space<hbm>> -> memref<64xf32, #tpu.memory_space<hbm>>
    %dma_start3A_72 = arith.constant 0 : i32
    %dma_start3A_73 = tpu.memref_slice %arg11[%dma_start3A_65, %dma_start3A_72] : memref<16x64xf32, #tpu.memory_space<vmem>> -> memref<1x64xf32, #tpu.memory_space<vmem>>
    %dma_start3A_74 = tpu.memref_squeeze %dma_start3A_73 : memref<1x64xf32, #tpu.memory_space<vmem>> -> memref<64xf32, #tpu.memory_space<vmem>>
    %dma_start3A_75 = arith.constant 0 : i32
    %dma_start3A_76 = tpu.memref_slice %arg4[%squeeze3A_64, %dma_start3A_75] : memref<1000000x64xf32, #tpu.memory_space<hbm>> -> memref<1x64xf32, #tpu.memory_space<hbm>>
    %dma_start3A_77 = tpu.memref_squeeze %dma_start3A_76 : memref<1x64xf32, #tpu.memory_space<hbm>> -> memref<64xf32, #tpu.memory_space<hbm>>
    tpu.enqueue_dma source(%dma_start3A_77 : memref<64xf32, #tpu.memory_space<hbm>>) target(%dma_start3A_74 : memref<64xf32, #tpu.memory_space<vmem>>) target_semaphore(%arg16 : memref<!tpu.dma_semaphore, #tpu.memory_space<semaphore_mem>>)
    %slice3A_78 = vector.extract_strided_slice %get3A_5 {offsets = [2], sizes = [1], strides = [1]} : vector<16xi32> to vector<1xi32>
    %squeeze3A_79 = vector.extract %slice3A_78[0] : i32 from vector<1xi32>
    %dma_start3A_80 = arith.constant 2 : i32
    %dma_start3A_81 = arith.constant 0 : i32
    %dma_start3A_82 = tpu.memref_slice %arg13[%dma_start3A_80, %dma_start3A_81] : memref<16x64xf32, #tpu.memory_space<vmem>> -> memref<1x64xf32, #tpu.memory_space<vmem>>
    %dma_start3A_83 = tpu.memref_squeeze %dma_start3A_82 : memref<1x64xf32, #tpu.memory_space<vmem>> -> memref<64xf32, #tpu.memory_space<vmem>>
    %dma_start3A_84 = arith.constant 0 : i32
    %dma_start3A_85 = tpu.memref_slice %arg5[%squeeze3A_79, %dma_start3A_84] : memref<1000000x64xf32, #tpu.memory_space<hbm>> -> memref<1x64xf32, #tpu.memory_space<hbm>>
    %dma_start3A_86 = tpu.memref_squeeze %dma_start3A_85 : memref<1x64xf32, #tpu.memory_space<hbm>> -> memref<64xf32, #tpu.memory_space<hbm>>
    %dma_start3A_87 = arith.constant 0 : i32
    %dma_start3A_88 = tpu.memref_slice %arg13[%dma_start3A_80, %dma_start3A_87] : memref<16x64xf32, #tpu.memory_space<vmem>> -> memref<1x64xf32, #tpu.memory_space<vmem>>
    %dma_start3A_89 = tpu.memref_squeeze %dma_start3A_88 : memref<1x64xf32, #tpu.memory_space<vmem>> -> memref<64xf32, #tpu.memory_space<vmem>>
    %dma_start3A_90 = arith.constant 0 : i32
    %dma_start3A_91 = tpu.memref_slice %arg5[%squeeze3A_79, %dma_start3A_90] : memref<1000000x64xf32, #tpu.memory_space<hbm>> -> memref<1x64xf32, #tpu.memory_space<hbm>>
    %dma_start3A_92 = tpu.memref_squeeze %dma_start3A_91 : memref<1x64xf32, #tpu.memory_space<hbm>> -> memref<64xf32, #tpu.memory_space<hbm>>
    tpu.enqueue_dma source(%dma_start3A_92 : memref<64xf32, #tpu.memory_space<hbm>>) target(%dma_start3A_89 : memref<64xf32, #tpu.memory_space<vmem>>) target_semaphore(%arg17 : memref<!tpu.dma_semaphore, #tpu.memory_space<semaphore_mem>>)
    %slice3A_93 = vector.extract_strided_slice %get3A_3 {offsets = [3], sizes = [1], strides = [1]} : vector<16xi32> to vector<1xi32>
    %squeeze3A_94 = vector.extract %slice3A_93[0] : i32 from vector<1xi32>
    %dma_start3A_95 = arith.constant 3 : i32
    %dma_start3A_96 = arith.constant 0 : i32
    %dma_start3A_97 = tpu.memref_slice %arg11[%dma_start3A_95, %dma_start3A_96] : memref<16x64xf32, #tpu.memory_space<vmem>> -> memref<1x64xf32, #tpu.memory_space<vmem>>
    %dma_start3A_98 = tpu.memref_squeeze %dma_start3A_97 : memref<1x64xf32, #tpu.memory_space<vmem>> -> memref<64xf32, #tpu.memory_space<vmem>>
    %dma_start3A_99 = arith.constant 0 : i32
    %dma_start3A_100 = tpu.memref_slice %arg4[%squeeze3A_94, %dma_start3A_99] : memref<1000000x64xf32, #tpu.memory_space<hbm>> -> memref<1x64xf32, #tpu.memory_space<hbm>>
    %dma_start3A_101 = tpu.memref_squeeze %dma_start3A_100 : memref<1x64xf32, #tpu.memory_space<hbm>> -> memref<64xf32, #tpu.memory_space<hbm>>
    %dma_start3A_102 = arith.constant 0 : i32
    %dma_start3A_103 = tpu.memref_slice %arg11[%dma_start3A_95, %dma_start3A_102] : memref<16x64xf32, #tpu.memory_space<vmem>> -> memref<1x64xf32, #tpu.memory_space<vmem>>
    %dma_start3A_104 = tpu.memref_squeeze %dma_start3A_103 : memref<1x64xf32, #tpu.memory_space<vmem>> -> memref<64xf32, #tpu.memory_space<vmem>>
    %dma_start3A_105 = arith.constant 0 : i32
    %dma_start3A_106 = tpu.memref_slice %arg4[%squeeze3A_94, %dma_start3A_105] : memref<1000000x64xf32, #tpu.memory_space<hbm>> -> memref<1x64xf32, #tpu.memory_space<hbm>>
    %dma_start3A_107 = tpu.memref_squeeze %dma_start3A_106 : memref<1x64xf32, #tpu.memory_space<hbm>> -> memref<64xf32, #tpu.memory_space<hbm>>
    tpu.enqueue_dma source(%dma_start3A_107 : memref<64xf32, #tpu.memory_space<hbm>>) target(%dma_start3A_104 : memref<64xf32, #tpu.memory_space<vmem>>) target_semaphore(%arg16 : memref<!tpu.dma_semaphore, #tpu.memory_space<semaphore_mem>>)
    %slice3A_108 = vector.extract_strided_slice %get3A_5 {offsets = [3], sizes = [1], strides = [1]} : vector<16xi32> to vector<1xi32>
    %squeeze3A_109 = vector.extract %slice3A_108[0] : i32 from vector<1xi32>
    %dma_start3A_110 = arith.constant 3 : i32
    %dma_start3A_111 = arith.constant 0 : i32
    %dma_start3A_112 = tpu.memref_slice %arg13[%dma_start3A_110, %dma_start3A_111] : memref<16x64xf32, #tpu.memory_space<vmem>> -> memref<1x64xf32, #tpu.memory_space<vmem>>
    %dma_start3A_113 = tpu.memref_squeeze %dma_start3A_112 : memref<1x64xf32, #tpu.memory_space<vmem>> -> memref<64xf32, #tpu.memory_space<vmem>>
    %dma_start3A_114 = arith.constant 0 : i32
    %dma_start3A_115 = tpu.memref_slice %arg5[%squeeze3A_109, %dma_start3A_114] : memref<1000000x64xf32, #tpu.memory_space<hbm>> -> memref<1x64xf32, #tpu.memory_space<hbm>>
    %dma_start3A_116 = tpu.memref_squeeze %dma_start3A_115 : memref<1x64xf32, #tpu.memory_space<hbm>> -> memref<64xf32, #tpu.memory_space<hbm>>
    %dma_start3A_117 = arith.constant 0 : i32
    %dma_start3A_118 = tpu.memref_slice %arg13[%dma_start3A_110, %dma_start3A_117] : memref<16x64xf32, #tpu.memory_space<vmem>> -> memref<1x64xf32, #tpu.memory_space<vmem>>
    %dma_start3A_119 = tpu.memref_squeeze %dma_start3A_118 : memref<1x64xf32, #tpu.memory_space<vmem>> -> memref<64xf32, #tpu.memory_space<vmem>>
    %dma_start3A_120 = arith.constant 0 : i32
    %dma_start3A_121 = tpu.memref_slice %arg5[%squeeze3A_109, %dma_start3A_120] : memref<1000000x64xf32, #tpu.memory_space<hbm>> -> memref<1x64xf32, #tpu.memory_space<hbm>>
    %dma_start3A_122 = tpu.memref_squeeze %dma_start3A_121 : memref<1x64xf32, #tpu.memory_space<hbm>> -> memref<64xf32, #tpu.memory_space<hbm>>
    tpu.enqueue_dma source(%dma_start3A_122 : memref<64xf32, #tpu.memory_space<hbm>>) target(%dma_start3A_119 : memref<64xf32, #tpu.memory_space<vmem>>) target_semaphore(%arg17 : memref<!tpu.dma_semaphore, #tpu.memory_space<semaphore_mem>>)
    %slice3A_123 = vector.extract_strided_slice %get3A_3 {offsets = [4], sizes = [1], strides = [1]} : vector<16xi32> to vector<1xi32>
    %squeeze3A_124 = vector.extract %slice3A_123[0] : i32 from vector<1xi32>
    %dma_start3A_125 = arith.constant 4 : i32
    %dma_start3A_126 = arith.constant 0 : i32
    %dma_start3A_127 = tpu.memref_slice %arg11[%dma_start3A_125, %dma_start3A_126] : memref<16x64xf32, #tpu.memory_space<vmem>> -> memref<1x64xf32, #tpu.memory_space<vmem>>
    %dma_start3A_128 = tpu.memref_squeeze %dma_start3A_127 : memref<1x64xf32, #tpu.memory_space<vmem>> -> memref<64xf32, #tpu.memory_space<vmem>>
    %dma_start3A_129 = arith.constant 0 : i32
    %dma_start3A_130 = tpu.memref_slice %arg4[%squeeze3A_124, %dma_start3A_129] : memref<1000000x64xf32, #tpu.memory_space<hbm>> -> memref<1x64xf32, #tpu.memory_space<hbm>>
    %dma_start3A_131 = tpu.memref_squeeze %dma_start3A_130 : memref<1x64xf32, #tpu.memory_space<hbm>> -> memref<64xf32, #tpu.memory_space<hbm>>
    %dma_start3A_132 = arith.constant 0 : i32
    %dma_start3A_133 = tpu.memref_slice %arg11[%dma_start3A_125, %dma_start3A_132] : memref<16x64xf32, #tpu.memory_space<vmem>> -> memref<1x64xf32, #tpu.memory_space<vmem>>
    %dma_start3A_134 = tpu.memref_squeeze %dma_start3A_133 : memref<1x64xf32, #tpu.memory_space<vmem>> -> memref<64xf32, #tpu.memory_space<vmem>>
    %dma_start3A_135 = arith.constant 0 : i32
    %dma_start3A_136 = tpu.memref_slice %arg4[%squeeze3A_124, %dma_start3A_135] : memref<1000000x64xf32, #tpu.memory_space<hbm>> -> memref<1x64xf32, #tpu.memory_space<hbm>>
    %dma_start3A_137 = tpu.memref_squeeze %dma_start3A_136 : memref<1x64xf32, #tpu.memory_space<hbm>> -> memref<64xf32, #tpu.memory_space<hbm>>
    tpu.enqueue_dma source(%dma_start3A_137 : memref<64xf32, #tpu.memory_space<hbm>>) target(%dma_start3A_134 : memref<64xf32, #tpu.memory_space<vmem>>) target_semaphore(%arg16 : memref<!tpu.dma_semaphore, #tpu.memory_space<semaphore_mem>>)
    %slice3A_138 = vector.extract_strided_slice %get3A_5 {offsets = [4], sizes = [1], strides = [1]} : vector<16xi32> to vector<1xi32>
    %squeeze3A_139 = vector.extract %slice3A_138[0] : i32 from vector<1xi32>
    %dma_start3A_140 = arith.constant 4 : i32
    %dma_start3A_141 = arith.constant 0 : i32
    %dma_start3A_142 = tpu.memref_slice %arg13[%dma_start3A_140, %dma_start3A_141] : memref<16x64xf32, #tpu.memory_space<vmem>> -> memref<1x64xf32, #tpu.memory_space<vmem>>
    %dma_start3A_143 = tpu.memref_squeeze %dma_start3A_142 : memref<1x64xf32, #tpu.memory_space<vmem>> -> memref<64xf32, #tpu.memory_space<vmem>>
    %dma_start3A_144 = arith.constant 0 : i32
    %dma_start3A_145 = tpu.memref_slice %arg5[%squeeze3A_139, %dma_start3A_144] : memref<1000000x64xf32, #tpu.memory_space<hbm>> -> memref<1x64xf32, #tpu.memory_space<hbm>>
    %dma_start3A_146 = tpu.memref_squeeze %dma_start3A_145 : memref<1x64xf32, #tpu.memory_space<hbm>> -> memref<64xf32, #tpu.memory_space<hbm>>
    %dma_start3A_147 = arith.constant 0 : i32
    %dma_start3A_148 = tpu.memref_slice %arg13[%dma_start3A_140, %dma_start3A_147] : memref<16x64xf32, #tpu.memory_space<vmem>> -> memref<1x64xf32, #tpu.memory_space<vmem>>
    %dma_start3A_149 = tpu.memref_squeeze %dma_start3A_148 : memref<1x64xf32, #tpu.memory_space<vmem>> -> memref<64xf32, #tpu.memory_space<vmem>>
    %dma_start3A_150 = arith.constant 0 : i32
    %dma_start3A_151 = tpu.memref_slice %arg5[%squeeze3A_139, %dma_start3A_150] : memref<1000000x64xf32, #tpu.memory_space<hbm>> -> memref<1x64xf32, #tpu.memory_space<hbm>>
    %dma_start3A_152 = tpu.memref_squeeze %dma_start3A_151 : memref<1x64xf32, #tpu.memory_space<hbm>> -> memref<64xf32, #tpu.memory_space<hbm>>
    tpu.enqueue_dma source(%dma_start3A_152 : memref<64xf32, #tpu.memory_space<hbm>>) target(%dma_start3A_149 : memref<64xf32, #tpu.memory_space<vmem>>) target_semaphore(%arg17 : memref<!tpu.dma_semaphore, #tpu.memory_space<semaphore_mem>>)
    %slice3A_153 = vector.extract_strided_slice %get3A_3 {offsets = [5], sizes = [1], strides = [1]} : vector<16xi32> to vector<1xi32>
    %squeeze3A_154 = vector.extract %slice3A_153[0] : i32 from vector<1xi32>
    %dma_start3A_155 = arith.constant 5 : i32
    %dma_start3A_156 = arith.constant 0 : i32
    %dma_start3A_157 = tpu.memref_slice %arg11[%dma_start3A_155, %dma_start3A_156] : memref<16x64xf32, #tpu.memory_space<vmem>> -> memref<1x64xf32, #tpu.memory_space<vmem>>
    %dma_start3A_158 = tpu.memref_squeeze %dma_start3A_157 : memref<1x64xf32, #tpu.memory_space<vmem>> -> memref<64xf32, #tpu.memory_space<vmem>>
    %dma_start3A_159 = arith.constant 0 : i32
    %dma_start3A_160 = tpu.memref_slice %arg4[%squeeze3A_154, %dma_start3A_159] : memref<1000000x64xf32, #tpu.memory_space<hbm>> -> memref<1x64xf32, #tpu.memory_space<hbm>>
    %dma_start3A_161 = tpu.memref_squeeze %dma_start3A_160 : memref<1x64xf32, #tpu.memory_space<hbm>> -> memref<64xf32, #tpu.memory_space<hbm>>
    %dma_start3A_162 = arith.constant 0 : i32
    %dma_start3A_163 = tpu.memref_slice %arg11[%dma_start3A_155, %dma_start3A_162] : memref<16x64xf32, #tpu.memory_space<vmem>> -> memref<1x64xf32, #tpu.memory_space<vmem>>
    %dma_start3A_164 = tpu.memref_squeeze %dma_start3A_163 : memref<1x64xf32, #tpu.memory_space<vmem>> -> memref<64xf32, #tpu.memory_space<vmem>>
    %dma_start3A_165 = arith.constant 0 : i32
    %dma_start3A_166 = tpu.memref_slice %arg4[%squeeze3A_154, %dma_start3A_165] : memref<1000000x64xf32, #tpu.memory_space<hbm>> -> memref<1x64xf32, #tpu.memory_space<hbm>>
    %dma_start3A_167 = tpu.memref_squeeze %dma_start3A_166 : memref<1x64xf32, #tpu.memory_space<hbm>> -> memref<64xf32, #tpu.memory_space<hbm>>
    tpu.enqueue_dma source(%dma_start3A_167 : memref<64xf32, #tpu.memory_space<hbm>>) target(%dma_start3A_164 : memref<64xf32, #tpu.memory_space<vmem>>) target_semaphore(%arg16 : memref<!tpu.dma_semaphore, #tpu.memory_space<semaphore_mem>>)
    %slice3A_168 = vector.extract_strided_slice %get3A_5 {offsets = [5], sizes = [1], strides = [1]} : vector<16xi32> to vector<1xi32>
    %squeeze3A_169 = vector.extract %slice3A_168[0] : i32 from vector<1xi32>
    %dma_start3A_170 = arith.constant 5 : i32
    %dma_start3A_171 = arith.constant 0 : i32
    %dma_start3A_172 = tpu.memref_slice %arg13[%dma_start3A_170, %dma_start3A_171] : memref<16x64xf32, #tpu.memory_space<vmem>> -> memref<1x64xf32, #tpu.memory_space<vmem>>
    %dma_start3A_173 = tpu.memref_squeeze %dma_start3A_172 : memref<1x64xf32, #tpu.memory_space<vmem>> -> memref<64xf32, #tpu.memory_space<vmem>>
    %dma_start3A_174 = arith.constant 0 : i32
    %dma_start3A_175 = tpu.memref_slice %arg5[%squeeze3A_169, %dma_start3A_174] : memref<1000000x64xf32, #tpu.memory_space<hbm>> -> memref<1x64xf32, #tpu.memory_space<hbm>>
    %dma_start3A_176 = tpu.memref_squeeze %dma_start3A_175 : memref<1x64xf32, #tpu.memory_space<hbm>> -> memref<64xf32, #tpu.memory_space<hbm>>
    %dma_start3A_177 = arith.constant 0 : i32
    %dma_start3A_178 = tpu.memref_slice %arg13[%dma_start3A_170, %dma_start3A_177] : memref<16x64xf32, #tpu.memory_space<vmem>> -> memref<1x64xf32, #tpu.memory_space<vmem>>
    %dma_start3A_179 = tpu.memref_squeeze %dma_start3A_178 : memref<1x64xf32, #tpu.memory_space<vmem>> -> memref<64xf32, #tpu.memory_space<vmem>>
    %dma_start3A_180 = arith.constant 0 : i32
    %dma_start3A_181 = tpu.memref_slice %arg5[%squeeze3A_169, %dma_start3A_180] : memref<1000000x64xf32, #tpu.memory_space<hbm>> -> memref<1x64xf32, #tpu.memory_space<hbm>>
    %dma_start3A_182 = tpu.memref_squeeze %dma_start3A_181 : memref<1x64xf32, #tpu.memory_space<hbm>> -> memref<64xf32, #tpu.memory_space<hbm>>
    tpu.enqueue_dma source(%dma_start3A_182 : memref<64xf32, #tpu.memory_space<hbm>>) target(%dma_start3A_179 : memref<64xf32, #tpu.memory_space<vmem>>) target_semaphore(%arg17 : memref<!tpu.dma_semaphore, #tpu.memory_space<semaphore_mem>>)
    %slice3A_183 = vector.extract_strided_slice %get3A_3 {offsets = [6], sizes = [1], strides = [1]} : vector<16xi32> to vector<1xi32>
    %squeeze3A_184 = vector.extract %slice3A_183[0] : i32 from vector<1xi32>
    %dma_start3A_185 = arith.constant 6 : i32
    %dma_start3A_186 = arith.constant 0 : i32
    %dma_start3A_187 = tpu.memref_slice %arg11[%dma_start3A_185, %dma_start3A_186] : memref<16x64xf32, #tpu.memory_space<vmem>> -> memref<1x64xf32, #tpu.memory_space<vmem>>
    %dma_start3A_188 = tpu.memref_squeeze %dma_start3A_187 : memref<1x64xf32, #tpu.memory_space<vmem>> -> memref<64xf32, #tpu.memory_space<vmem>>
    %dma_start3A_189 = arith.constant 0 : i32
    %dma_start3A_190 = tpu.memref_slice %arg4[%squeeze3A_184, %dma_start3A_189] : memref<1000000x64xf32, #tpu.memory_space<hbm>> -> memref<1x64xf32, #tpu.memory_space<hbm>>
    %dma_start3A_191 = tpu.memref_squeeze %dma_start3A_190 : memref<1x64xf32, #tpu.memory_space<hbm>> -> memref<64xf32, #tpu.memory_space<hbm>>
    %dma_start3A_192 = arith.constant 0 : i32
    %dma_start3A_193 = tpu.memref_slice %arg11[%dma_start3A_185, %dma_start3A_192] : memref<16x64xf32, #tpu.memory_space<vmem>> -> memref<1x64xf32, #tpu.memory_space<vmem>>
    %dma_start3A_194 = tpu.memref_squeeze %dma_start3A_193 : memref<1x64xf32, #tpu.memory_space<vmem>> -> memref<64xf32, #tpu.memory_space<vmem>>
    %dma_start3A_195 = arith.constant 0 : i32
    %dma_start3A_196 = tpu.memref_slice %arg4[%squeeze3A_184, %dma_start3A_195] : memref<1000000x64xf32, #tpu.memory_space<hbm>> -> memref<1x64xf32, #tpu.memory_space<hbm>>
    %dma_start3A_197 = tpu.memref_squeeze %dma_start3A_196 : memref<1x64xf32, #tpu.memory_space<hbm>> -> memref<64xf32, #tpu.memory_space<hbm>>
    tpu.enqueue_dma source(%dma_start3A_197 : memref<64xf32, #tpu.memory_space<hbm>>) target(%dma_start3A_194 : memref<64xf32, #tpu.memory_space<vmem>>) target_semaphore(%arg16 : memref<!tpu.dma_semaphore, #tpu.memory_space<semaphore_mem>>)
    %slice3A_198 = vector.extract_strided_slice %get3A_5 {offsets = [6], sizes = [1], strides = [1]} : vector<16xi32> to vector<1xi32>
    %squeeze3A_199 = vector.extract %slice3A_198[0] : i32 from vector<1xi32>
    %dma_start3A_200 = arith.constant 6 : i32
    %dma_start3A_201 = arith.constant 0 : i32
    %dma_start3A_202 = tpu.memref_slice %arg13[%dma_start3A_200, %dma_start3A_201] : memref<16x64xf32, #tpu.memory_space<vmem>> -> memref<1x64xf32, #tpu.memory_space<vmem>>
    %dma_start3A_203 = tpu.memref_squeeze %dma_start3A_202 : memref<1x64xf32, #tpu.memory_space<vmem>> -> memref<64xf32, #tpu.memory_space<vmem>>
    %dma_start3A_204 = arith.constant 0 : i32
    %dma_start3A_205 = tpu.memref_slice %arg5[%squeeze3A_199, %dma_start3A_204] : memref<1000000x64xf32, #tpu.memory_space<hbm>> -> memref<1x64xf32, #tpu.memory_space<hbm>>
    %dma_start3A_206 = tpu.memref_squeeze %dma_start3A_205 : memref<1x64xf32, #tpu.memory_space<hbm>> -> memref<64xf32, #tpu.memory_space<hbm>>
    %dma_start3A_207 = arith.constant 0 : i32
    %dma_start3A_208 = tpu.memref_slice %arg13[%dma_start3A_200, %dma_start3A_207] : memref<16x64xf32, #tpu.memory_space<vmem>> -> memref<1x64xf32, #tpu.memory_space<vmem>>
    %dma_start3A_209 = tpu.memref_squeeze %dma_start3A_208 : memref<1x64xf32, #tpu.memory_space<vmem>> -> memref<64xf32, #tpu.memory_space<vmem>>
    %dma_start3A_210 = arith.constant 0 : i32
    %dma_start3A_211 = tpu.memref_slice %arg5[%squeeze3A_199, %dma_start3A_210] : memref<1000000x64xf32, #tpu.memory_space<hbm>> -> memref<1x64xf32, #tpu.memory_space<hbm>>
    %dma_start3A_212 = tpu.memref_squeeze %dma_start3A_211 : memref<1x64xf32, #tpu.memory_space<hbm>> -> memref<64xf32, #tpu.memory_space<hbm>>
    tpu.enqueue_dma source(%dma_start3A_212 : memref<64xf32, #tpu.memory_space<hbm>>) target(%dma_start3A_209 : memref<64xf32, #tpu.memory_space<vmem>>) target_semaphore(%arg17 : memref<!tpu.dma_semaphore, #tpu.memory_space<semaphore_mem>>)
    %slice3A_213 = vector.extract_strided_slice %get3A_3 {offsets = [7], sizes = [1], strides = [1]} : vector<16xi32> to vector<1xi32>
    %squeeze3A_214 = vector.extract %slice3A_213[0] : i32 from vector<1xi32>
    %dma_start3A_215 = arith.constant 7 : i32
    %dma_start3A_216 = arith.constant 0 : i32
    %dma_start3A_217 = tpu.memref_slice %arg11[%dma_start3A_215, %dma_start3A_216] : memref<16x64xf32, #tpu.memory_space<vmem>> -> memref<1x64xf32, #tpu.memory_space<vmem>>
    %dma_start3A_218 = tpu.memref_squeeze %dma_start3A_217 : memref<1x64xf32, #tpu.memory_space<vmem>> -> memref<64xf32, #tpu.memory_space<vmem>>
    %dma_start3A_219 = arith.constant 0 : i32
    %dma_start3A_220 = tpu.memref_slice %arg4[%squeeze3A_214, %dma_start3A_219] : memref<1000000x64xf32, #tpu.memory_space<hbm>> -> memref<1x64xf32, #tpu.memory_space<hbm>>
    %dma_start3A_221 = tpu.memref_squeeze %dma_start3A_220 : memref<1x64xf32, #tpu.memory_space<hbm>> -> memref<64xf32, #tpu.memory_space<hbm>>
    %dma_start3A_222 = arith.constant 0 : i32
    %dma_start3A_223 = tpu.memref_slice %arg11[%dma_start3A_215, %dma_start3A_222] : memref<16x64xf32, #tpu.memory_space<vmem>> -> memref<1x64xf32, #tpu.memory_space<vmem>>
    %dma_start3A_224 = tpu.memref_squeeze %dma_start3A_223 : memref<1x64xf32, #tpu.memory_space<vmem>> -> memref<64xf32, #tpu.memory_space<vmem>>
    %dma_start3A_225 = arith.constant 0 : i32
    %dma_start3A_226 = tpu.memref_slice %arg4[%squeeze3A_214, %dma_start3A_225] : memref<1000000x64xf32, #tpu.memory_space<hbm>> -> memref<1x64xf32, #tpu.memory_space<hbm>>
    %dma_start3A_227 = tpu.memref_squeeze %dma_start3A_226 : memref<1x64xf32, #tpu.memory_space<hbm>> -> memref<64xf32, #tpu.memory_space<hbm>>
    tpu.enqueue_dma source(%dma_start3A_227 : memref<64xf32, #tpu.memory_space<hbm>>) target(%dma_start3A_224 : memref<64xf32, #tpu.memory_space<vmem>>) target_semaphore(%arg16 : memref<!tpu.dma_semaphore, #tpu.memory_space<semaphore_mem>>)
    %slice3A_228 = vector.extract_strided_slice %get3A_5 {offsets = [7], sizes = [1], strides = [1]} : vector<16xi32> to vector<1xi32>
    %squeeze3A_229 = vector.extract %slice3A_228[0] : i32 from vector<1xi32>
    %dma_start3A_230 = arith.constant 7 : i32
    %dma_start3A_231 = arith.constant 0 : i32
    %dma_start3A_232 = tpu.memref_slice %arg13[%dma_start3A_230, %dma_start3A_231] : memref<16x64xf32, #tpu.memory_space<vmem>> -> memref<1x64xf32, #tpu.memory_space<vmem>>
    %dma_start3A_233 = tpu.memref_squeeze %dma_start3A_232 : memref<1x64xf32, #tpu.memory_space<vmem>> -> memref<64xf32, #tpu.memory_space<vmem>>
    %dma_start3A_234 = arith.constant 0 : i32
    %dma_start3A_235 = tpu.memref_slice %arg5[%squeeze3A_229, %dma_start3A_234] : memref<1000000x64xf32, #tpu.memory_space<hbm>> -> memref<1x64xf32, #tpu.memory_space<hbm>>
    %dma_start3A_236 = tpu.memref_squeeze %dma_start3A_235 : memref<1x64xf32, #tpu.memory_space<hbm>> -> memref<64xf32, #tpu.memory_space<hbm>>
    %dma_start3A_237 = arith.constant 0 : i32
    %dma_start3A_238 = tpu.memref_slice %arg13[%dma_start3A_230, %dma_start3A_237] : memref<16x64xf32, #tpu.memory_space<vmem>> -> memref<1x64xf32, #tpu.memory_space<vmem>>
    %dma_start3A_239 = tpu.memref_squeeze %dma_start3A_238 : memref<1x64xf32, #tpu.memory_space<vmem>> -> memref<64xf32, #tpu.memory_space<vmem>>
    %dma_start3A_240 = arith.constant 0 : i32
    %dma_start3A_241 = tpu.memref_slice %arg5[%squeeze3A_229, %dma_start3A_240] : memref<1000000x64xf32, #tpu.memory_space<hbm>> -> memref<1x64xf32, #tpu.memory_space<hbm>>
    %dma_start3A_242 = tpu.memref_squeeze %dma_start3A_241 : memref<1x64xf32, #tpu.memory_space<hbm>> -> memref<64xf32, #tpu.memory_space<hbm>>
    tpu.enqueue_dma source(%dma_start3A_242 : memref<64xf32, #tpu.memory_space<hbm>>) target(%dma_start3A_239 : memref<64xf32, #tpu.memory_space<vmem>>) target_semaphore(%arg17 : memref<!tpu.dma_semaphore, #tpu.memory_space<semaphore_mem>>)
    %slice3A_243 = vector.extract_strided_slice %get3A_3 {offsets = [8], sizes = [1], strides = [1]} : vector<16xi32> to vector<1xi32>
    %squeeze3A_244 = vector.extract %slice3A_243[0] : i32 from vector<1xi32>
    %dma_start3A_245 = arith.constant 8 : i32
    %dma_start3A_246 = arith.constant 0 : i32
    %dma_start3A_247 = tpu.memref_slice %arg11[%dma_start3A_245, %dma_start3A_246] : memref<16x64xf32, #tpu.memory_space<vmem>> -> memref<1x64xf32, #tpu.memory_space<vmem>>
    %dma_start3A_248 = tpu.memref_squeeze %dma_start3A_247 : memref<1x64xf32, #tpu.memory_space<vmem>> -> memref<64xf32, #tpu.memory_space<vmem>>
    %dma_start3A_249 = arith.constant 0 : i32
    %dma_start3A_250 = tpu.memref_slice %arg4[%squeeze3A_244, %dma_start3A_249] : memref<1000000x64xf32, #tpu.memory_space<hbm>> -> memref<1x64xf32, #tpu.memory_space<hbm>>
    %dma_start3A_251 = tpu.memref_squeeze %dma_start3A_250 : memref<1x64xf32, #tpu.memory_space<hbm>> -> memref<64xf32, #tpu.memory_space<hbm>>
    %dma_start3A_252 = arith.constant 0 : i32
    %dma_start3A_253 = tpu.memref_slice %arg11[%dma_start3A_245, %dma_start3A_252] : memref<16x64xf32, #tpu.memory_space<vmem>> -> memref<1x64xf32, #tpu.memory_space<vmem>>
    %dma_start3A_254 = tpu.memref_squeeze %dma_start3A_253 : memref<1x64xf32, #tpu.memory_space<vmem>> -> memref<64xf32, #tpu.memory_space<vmem>>
    %dma_start3A_255 = arith.constant 0 : i32
    %dma_start3A_256 = tpu.memref_slice %arg4[%squeeze3A_244, %dma_start3A_255] : memref<1000000x64xf32, #tpu.memory_space<hbm>> -> memref<1x64xf32, #tpu.memory_space<hbm>>
    %dma_start3A_257 = tpu.memref_squeeze %dma_start3A_256 : memref<1x64xf32, #tpu.memory_space<hbm>> -> memref<64xf32, #tpu.memory_space<hbm>>
    tpu.enqueue_dma source(%dma_start3A_257 : memref<64xf32, #tpu.memory_space<hbm>>) target(%dma_start3A_254 : memref<64xf32, #tpu.memory_space<vmem>>) target_semaphore(%arg16 : memref<!tpu.dma_semaphore, #tpu.memory_space<semaphore_mem>>)
    %slice3A_258 = vector.extract_strided_slice %get3A_5 {offsets = [8], sizes = [1], strides = [1]} : vector<16xi32> to vector<1xi32>
    %squeeze3A_259 = vector.extract %slice3A_258[0] : i32 from vector<1xi32>
    %dma_start3A_260 = arith.constant 8 : i32
    %dma_start3A_261 = arith.constant 0 : i32
    %dma_start3A_262 = tpu.memref_slice %arg13[%dma_start3A_260, %dma_start3A_261] : memref<16x64xf32, #tpu.memory_space<vmem>> -> memref<1x64xf32, #tpu.memory_space<vmem>>
    %dma_start3A_263 = tpu.memref_squeeze %dma_start3A_262 : memref<1x64xf32, #tpu.memory_space<vmem>> -> memref<64xf32, #tpu.memory_space<vmem>>
    %dma_start3A_264 = arith.constant 0 : i32
    %dma_start3A_265 = tpu.memref_slice %arg5[%squeeze3A_259, %dma_start3A_264] : memref<1000000x64xf32, #tpu.memory_space<hbm>> -> memref<1x64xf32, #tpu.memory_space<hbm>>
    %dma_start3A_266 = tpu.memref_squeeze %dma_start3A_265 : memref<1x64xf32, #tpu.memory_space<hbm>> -> memref<64xf32, #tpu.memory_space<hbm>>
    %dma_start3A_267 = arith.constant 0 : i32
    %dma_start3A_268 = tpu.memref_slice %arg13[%dma_start3A_260, %dma_start3A_267] : memref<16x64xf32, #tpu.memory_space<vmem>> -> memref<1x64xf32, #tpu.memory_space<vmem>>
    %dma_start3A_269 = tpu.memref_squeeze %dma_start3A_268 : memref<1x64xf32, #tpu.memory_space<vmem>> -> memref<64xf32, #tpu.memory_space<vmem>>
    %dma_start3A_270 = arith.constant 0 : i32
    %dma_start3A_271 = tpu.memref_slice %arg5[%squeeze3A_259, %dma_start3A_270] : memref<1000000x64xf32, #tpu.memory_space<hbm>> -> memref<1x64xf32, #tpu.memory_space<hbm>>
    %dma_start3A_272 = tpu.memref_squeeze %dma_start3A_271 : memref<1x64xf32, #tpu.memory_space<hbm>> -> memref<64xf32, #tpu.memory_space<hbm>>
    tpu.enqueue_dma source(%dma_start3A_272 : memref<64xf32, #tpu.memory_space<hbm>>) target(%dma_start3A_269 : memref<64xf32, #tpu.memory_space<vmem>>) target_semaphore(%arg17 : memref<!tpu.dma_semaphore, #tpu.memory_space<semaphore_mem>>)
    %slice3A_273 = vector.extract_strided_slice %get3A_3 {offsets = [9], sizes = [1], strides = [1]} : vector<16xi32> to vector<1xi32>
    %squeeze3A_274 = vector.extract %slice3A_273[0] : i32 from vector<1xi32>
    %dma_start3A_275 = arith.constant 9 : i32
    %dma_start3A_276 = arith.constant 0 : i32
    %dma_start3A_277 = tpu.memref_slice %arg11[%dma_start3A_275, %dma_start3A_276] : memref<16x64xf32, #tpu.memory_space<vmem>> -> memref<1x64xf32, #tpu.memory_space<vmem>>
    %dma_start3A_278 = tpu.memref_squeeze %dma_start3A_277 : memref<1x64xf32, #tpu.memory_space<vmem>> -> memref<64xf32, #tpu.memory_space<vmem>>
    %dma_start3A_279 = arith.constant 0 : i32
    %dma_start3A_280 = tpu.memref_slice %arg4[%squeeze3A_274, %dma_start3A_279] : memref<1000000x64xf32, #tpu.memory_space<hbm>> -> memref<1x64xf32, #tpu.memory_space<hbm>>
    %dma_start3A_281 = tpu.memref_squeeze %dma_start3A_280 : memref<1x64xf32, #tpu.memory_space<hbm>> -> memref<64xf32, #tpu.memory_space<hbm>>
    %dma_start3A_282 = arith.constant 0 : i32
    %dma_start3A_283 = tpu.memref_slice %arg11[%dma_start3A_275, %dma_start3A_282] : memref<16x64xf32, #tpu.memory_space<vmem>> -> memref<1x64xf32, #tpu.memory_space<vmem>>
    %dma_start3A_284 = tpu.memref_squeeze %dma_start3A_283 : memref<1x64xf32, #tpu.memory_space<vmem>> -> memref<64xf32, #tpu.memory_space<vmem>>
    %dma_start3A_285 = arith.constant 0 : i32
    %dma_start3A_286 = tpu.memref_slice %arg4[%squeeze3A_274, %dma_start3A_285] : memref<1000000x64xf32, #tpu.memory_space<hbm>> -> memref<1x64xf32, #tpu.memory_space<hbm>>
    %dma_start3A_287 = tpu.memref_squeeze %dma_start3A_286 : memref<1x64xf32, #tpu.memory_space<hbm>> -> memref<64xf32, #tpu.memory_space<hbm>>
    tpu.enqueue_dma source(%dma_start3A_287 : memref<64xf32, #tpu.memory_space<hbm>>) target(%dma_start3A_284 : memref<64xf32, #tpu.memory_space<vmem>>) target_semaphore(%arg16 : memref<!tpu.dma_semaphore, #tpu.memory_space<semaphore_mem>>)
    %slice3A_288 = vector.extract_strided_slice %get3A_5 {offsets = [9], sizes = [1], strides = [1]} : vector<16xi32> to vector<1xi32>
    %squeeze3A_289 = vector.extract %slice3A_288[0] : i32 from vector<1xi32>
    %dma_start3A_290 = arith.constant 9 : i32
    %dma_start3A_291 = arith.constant 0 : i32
    %dma_start3A_292 = tpu.memref_slice %arg13[%dma_start3A_290, %dma_start3A_291] : memref<16x64xf32, #tpu.memory_space<vmem>> -> memref<1x64xf32, #tpu.memory_space<vmem>>
    %dma_start3A_293 = tpu.memref_squeeze %dma_start3A_292 : memref<1x64xf32, #tpu.memory_space<vmem>> -> memref<64xf32, #tpu.memory_space<vmem>>
    %dma_start3A_294 = arith.constant 0 : i32
    %dma_start3A_295 = tpu.memref_slice %arg5[%squeeze3A_289, %dma_start3A_294] : memref<1000000x64xf32, #tpu.memory_space<hbm>> -> memref<1x64xf32, #tpu.memory_space<hbm>>
    %dma_start3A_296 = tpu.memref_squeeze %dma_start3A_295 : memref<1x64xf32, #tpu.memory_space<hbm>> -> memref<64xf32, #tpu.memory_space<hbm>>
    %dma_start3A_297 = arith.constant 0 : i32
    %dma_start3A_298 = tpu.memref_slice %arg13[%dma_start3A_290, %dma_start3A_297] : memref<16x64xf32, #tpu.memory_space<vmem>> -> memref<1x64xf32, #tpu.memory_space<vmem>>
    %dma_start3A_299 = tpu.memref_squeeze %dma_start3A_298 : memref<1x64xf32, #tpu.memory_space<vmem>> -> memref<64xf32, #tpu.memory_space<vmem>>
    %dma_start3A_300 = arith.constant 0 : i32
    %dma_start3A_301 = tpu.memref_slice %arg5[%squeeze3A_289, %dma_start3A_300] : memref<1000000x64xf32, #tpu.memory_space<hbm>> -> memref<1x64xf32, #tpu.memory_space<hbm>>
    %dma_start3A_302 = tpu.memref_squeeze %dma_start3A_301 : memref<1x64xf32, #tpu.memory_space<hbm>> -> memref<64xf32, #tpu.memory_space<hbm>>
    tpu.enqueue_dma source(%dma_start3A_302 : memref<64xf32, #tpu.memory_space<hbm>>) target(%dma_start3A_299 : memref<64xf32, #tpu.memory_space<vmem>>) target_semaphore(%arg17 : memref<!tpu.dma_semaphore, #tpu.memory_space<semaphore_mem>>)
    %slice3A_303 = vector.extract_strided_slice %get3A_3 {offsets = [10], sizes = [1], strides = [1]} : vector<16xi32> to vector<1xi32>
    %squeeze3A_304 = vector.extract %slice3A_303[0] : i32 from vector<1xi32>
    %dma_start3A_305 = arith.constant 10 : i32
    %dma_start3A_306 = arith.constant 0 : i32
    %dma_start3A_307 = tpu.memref_slice %arg11[%dma_start3A_305, %dma_start3A_306] : memref<16x64xf32, #tpu.memory_space<vmem>> -> memref<1x64xf32, #tpu.memory_space<vmem>>
    %dma_start3A_308 = tpu.memref_squeeze %dma_start3A_307 : memref<1x64xf32, #tpu.memory_space<vmem>> -> memref<64xf32, #tpu.memory_space<vmem>>
    %dma_start3A_309 = arith.constant 0 : i32
    %dma_start3A_310 = tpu.memref_slice %arg4[%squeeze3A_304, %dma_start3A_309] : memref<1000000x64xf32, #tpu.memory_space<hbm>> -> memref<1x64xf32, #tpu.memory_space<hbm>>
    %dma_start3A_311 = tpu.memref_squeeze %dma_start3A_310 : memref<1x64xf32, #tpu.memory_space<hbm>> -> memref<64xf32, #tpu.memory_space<hbm>>
    %dma_start3A_312 = arith.constant 0 : i32
    %dma_start3A_313 = tpu.memref_slice %arg11[%dma_start3A_305, %dma_start3A_312] : memref<16x64xf32, #tpu.memory_space<vmem>> -> memref<1x64xf32, #tpu.memory_space<vmem>>
    %dma_start3A_314 = tpu.memref_squeeze %dma_start3A_313 : memref<1x64xf32, #tpu.memory_space<vmem>> -> memref<64xf32, #tpu.memory_space<vmem>>
    %dma_start3A_315 = arith.constant 0 : i32
    %dma_start3A_316 = tpu.memref_slice %arg4[%squeeze3A_304, %dma_start3A_315] : memref<1000000x64xf32, #tpu.memory_space<hbm>> -> memref<1x64xf32, #tpu.memory_space<hbm>>
    %dma_start3A_317 = tpu.memref_squeeze %dma_start3A_316 : memref<1x64xf32, #tpu.memory_space<hbm>> -> memref<64xf32, #tpu.memory_space<hbm>>
    tpu.enqueue_dma source(%dma_start3A_317 : memref<64xf32, #tpu.memory_space<hbm>>) target(%dma_start3A_314 : memref<64xf32, #tpu.memory_space<vmem>>) target_semaphore(%arg16 : memref<!tpu.dma_semaphore, #tpu.memory_space<semaphore_mem>>)
    %slice3A_318 = vector.extract_strided_slice %get3A_5 {offsets = [10], sizes = [1], strides = [1]} : vector<16xi32> to vector<1xi32>
    %squeeze3A_319 = vector.extract %slice3A_318[0] : i32 from vector<1xi32>
    %dma_start3A_320 = arith.constant 10 : i32
    %dma_start3A_321 = arith.constant 0 : i32
    %dma_start3A_322 = tpu.memref_slice %arg13[%dma_start3A_320, %dma_start3A_321] : memref<16x64xf32, #tpu.memory_space<vmem>> -> memref<1x64xf32, #tpu.memory_space<vmem>>
    %dma_start3A_323 = tpu.memref_squeeze %dma_start3A_322 : memref<1x64xf32, #tpu.memory_space<vmem>> -> memref<64xf32, #tpu.memory_space<vmem>>
    %dma_start3A_324 = arith.constant 0 : i32
    %dma_start3A_325 = tpu.memref_slice %arg5[%squeeze3A_319, %dma_start3A_324] : memref<1000000x64xf32, #tpu.memory_space<hbm>> -> memref<1x64xf32, #tpu.memory_space<hbm>>
    %dma_start3A_326 = tpu.memref_squeeze %dma_start3A_325 : memref<1x64xf32, #tpu.memory_space<hbm>> -> memref<64xf32, #tpu.memory_space<hbm>>
    %dma_start3A_327 = arith.constant 0 : i32
    %dma_start3A_328 = tpu.memref_slice %arg13[%dma_start3A_320, %dma_start3A_327] : memref<16x64xf32, #tpu.memory_space<vmem>> -> memref<1x64xf32, #tpu.memory_space<vmem>>
    %dma_start3A_329 = tpu.memref_squeeze %dma_start3A_328 : memref<1x64xf32, #tpu.memory_space<vmem>> -> memref<64xf32, #tpu.memory_space<vmem>>
    %dma_start3A_330 = arith.constant 0 : i32
    %dma_start3A_331 = tpu.memref_slice %arg5[%squeeze3A_319, %dma_start3A_330] : memref<1000000x64xf32, #tpu.memory_space<hbm>> -> memref<1x64xf32, #tpu.memory_space<hbm>>
    %dma_start3A_332 = tpu.memref_squeeze %dma_start3A_331 : memref<1x64xf32, #tpu.memory_space<hbm>> -> memref<64xf32, #tpu.memory_space<hbm>>
    tpu.enqueue_dma source(%dma_start3A_332 : memref<64xf32, #tpu.memory_space<hbm>>) target(%dma_start3A_329 : memref<64xf32, #tpu.memory_space<vmem>>) target_semaphore(%arg17 : memref<!tpu.dma_semaphore, #tpu.memory_space<semaphore_mem>>)
    %slice3A_333 = vector.extract_strided_slice %get3A_3 {offsets = [11], sizes = [1], strides = [1]} : vector<16xi32> to vector<1xi32>
    %squeeze3A_334 = vector.extract %slice3A_333[0] : i32 from vector<1xi32>
    %dma_start3A_335 = arith.constant 11 : i32
    %dma_start3A_336 = arith.constant 0 : i32
    %dma_start3A_337 = tpu.memref_slice %arg11[%dma_start3A_335, %dma_start3A_336] : memref<16x64xf32, #tpu.memory_space<vmem>> -> memref<1x64xf32, #tpu.memory_space<vmem>>
    %dma_start3A_338 = tpu.memref_squeeze %dma_start3A_337 : memref<1x64xf32, #tpu.memory_space<vmem>> -> memref<64xf32, #tpu.memory_space<vmem>>
    %dma_start3A_339 = arith.constant 0 : i32
    %dma_start3A_340 = tpu.memref_slice %arg4[%squeeze3A_334, %dma_start3A_339] : memref<1000000x64xf32, #tpu.memory_space<hbm>> -> memref<1x64xf32, #tpu.memory_space<hbm>>
    %dma_start3A_341 = tpu.memref_squeeze %dma_start3A_340 : memref<1x64xf32, #tpu.memory_space<hbm>> -> memref<64xf32, #tpu.memory_space<hbm>>
    %dma_start3A_342 = arith.constant 0 : i32
    %dma_start3A_343 = tpu.memref_slice %arg11[%dma_start3A_335, %dma_start3A_342] : memref<16x64xf32, #tpu.memory_space<vmem>> -> memref<1x64xf32, #tpu.memory_space<vmem>>
    %dma_start3A_344 = tpu.memref_squeeze %dma_start3A_343 : memref<1x64xf32, #tpu.memory_space<vmem>> -> memref<64xf32, #tpu.memory_space<vmem>>
    %dma_start3A_345 = arith.constant 0 : i32
    %dma_start3A_346 = tpu.memref_slice %arg4[%squeeze3A_334, %dma_start3A_345] : memref<1000000x64xf32, #tpu.memory_space<hbm>> -> memref<1x64xf32, #tpu.memory_space<hbm>>
    %dma_start3A_347 = tpu.memref_squeeze %dma_start3A_346 : memref<1x64xf32, #tpu.memory_space<hbm>> -> memref<64xf32, #tpu.memory_space<hbm>>
    tpu.enqueue_dma source(%dma_start3A_347 : memref<64xf32, #tpu.memory_space<hbm>>) target(%dma_start3A_344 : memref<64xf32, #tpu.memory_space<vmem>>) target_semaphore(%arg16 : memref<!tpu.dma_semaphore, #tpu.memory_space<semaphore_mem>>)
    %slice3A_348 = vector.extract_strided_slice %get3A_5 {offsets = [11], sizes = [1], strides = [1]} : vector<16xi32> to vector<1xi32>
    %squeeze3A_349 = vector.extract %slice3A_348[0] : i32 from vector<1xi32>
    %dma_start3A_350 = arith.constant 11 : i32
    %dma_start3A_351 = arith.constant 0 : i32
    %dma_start3A_352 = tpu.memref_slice %arg13[%dma_start3A_350, %dma_start3A_351] : memref<16x64xf32, #tpu.memory_space<vmem>> -> memref<1x64xf32, #tpu.memory_space<vmem>>
    %dma_start3A_353 = tpu.memref_squeeze %dma_start3A_352 : memref<1x64xf32, #tpu.memory_space<vmem>> -> memref<64xf32, #tpu.memory_space<vmem>>
    %dma_start3A_354 = arith.constant 0 : i32
    %dma_start3A_355 = tpu.memref_slice %arg5[%squeeze3A_349, %dma_start3A_354] : memref<1000000x64xf32, #tpu.memory_space<hbm>> -> memref<1x64xf32, #tpu.memory_space<hbm>>
    %dma_start3A_356 = tpu.memref_squeeze %dma_start3A_355 : memref<1x64xf32, #tpu.memory_space<hbm>> -> memref<64xf32, #tpu.memory_space<hbm>>
    %dma_start3A_357 = arith.constant 0 : i32
    %dma_start3A_358 = tpu.memref_slice %arg13[%dma_start3A_350, %dma_start3A_357] : memref<16x64xf32, #tpu.memory_space<vmem>> -> memref<1x64xf32, #tpu.memory_space<vmem>>
    %dma_start3A_359 = tpu.memref_squeeze %dma_start3A_358 : memref<1x64xf32, #tpu.memory_space<vmem>> -> memref<64xf32, #tpu.memory_space<vmem>>
    %dma_start3A_360 = arith.constant 0 : i32
    %dma_start3A_361 = tpu.memref_slice %arg5[%squeeze3A_349, %dma_start3A_360] : memref<1000000x64xf32, #tpu.memory_space<hbm>> -> memref<1x64xf32, #tpu.memory_space<hbm>>
    %dma_start3A_362 = tpu.memref_squeeze %dma_start3A_361 : memref<1x64xf32, #tpu.memory_space<hbm>> -> memref<64xf32, #tpu.memory_space<hbm>>
    tpu.enqueue_dma source(%dma_start3A_362 : memref<64xf32, #tpu.memory_space<hbm>>) target(%dma_start3A_359 : memref<64xf32, #tpu.memory_space<vmem>>) target_semaphore(%arg17 : memref<!tpu.dma_semaphore, #tpu.memory_space<semaphore_mem>>)
    %slice3A_363 = vector.extract_strided_slice %get3A_3 {offsets = [12], sizes = [1], strides = [1]} : vector<16xi32> to vector<1xi32>
    %squeeze3A_364 = vector.extract %slice3A_363[0] : i32 from vector<1xi32>
    %dma_start3A_365 = arith.constant 12 : i32
    %dma_start3A_366 = arith.constant 0 : i32
    %dma_start3A_367 = tpu.memref_slice %arg11[%dma_start3A_365, %dma_start3A_366] : memref<16x64xf32, #tpu.memory_space<vmem>> -> memref<1x64xf32, #tpu.memory_space<vmem>>
    %dma_start3A_368 = tpu.memref_squeeze %dma_start3A_367 : memref<1x64xf32, #tpu.memory_space<vmem>> -> memref<64xf32, #tpu.memory_space<vmem>>
    %dma_start3A_369 = arith.constant 0 : i32
    %dma_start3A_370 = tpu.memref_slice %arg4[%squeeze3A_364, %dma_start3A_369] : memref<1000000x64xf32, #tpu.memory_space<hbm>> -> memref<1x64xf32, #tpu.memory_space<hbm>>
    %dma_start3A_371 = tpu.memref_squeeze %dma_start3A_370 : memref<1x64xf32, #tpu.memory_space<hbm>> -> memref<64xf32, #tpu.memory_space<hbm>>
    %dma_start3A_372 = arith.constant 0 : i32
    %dma_start3A_373 = tpu.memref_slice %arg11[%dma_start3A_365, %dma_start3A_372] : memref<16x64xf32, #tpu.memory_space<vmem>> -> memref<1x64xf32, #tpu.memory_space<vmem>>
    %dma_start3A_374 = tpu.memref_squeeze %dma_start3A_373 : memref<1x64xf32, #tpu.memory_space<vmem>> -> memref<64xf32, #tpu.memory_space<vmem>>
    %dma_start3A_375 = arith.constant 0 : i32
    %dma_start3A_376 = tpu.memref_slice %arg4[%squeeze3A_364, %dma_start3A_375] : memref<1000000x64xf32, #tpu.memory_space<hbm>> -> memref<1x64xf32, #tpu.memory_space<hbm>>
    %dma_start3A_377 = tpu.memref_squeeze %dma_start3A_376 : memref<1x64xf32, #tpu.memory_space<hbm>> -> memref<64xf32, #tpu.memory_space<hbm>>
    tpu.enqueue_dma source(%dma_start3A_377 : memref<64xf32, #tpu.memory_space<hbm>>) target(%dma_start3A_374 : memref<64xf32, #tpu.memory_space<vmem>>) target_semaphore(%arg16 : memref<!tpu.dma_semaphore, #tpu.memory_space<semaphore_mem>>)
    %slice3A_378 = vector.extract_strided_slice %get3A_5 {offsets = [12], sizes = [1], strides = [1]} : vector<16xi32> to vector<1xi32>
    %squeeze3A_379 = vector.extract %slice3A_378[0] : i32 from vector<1xi32>
    %dma_start3A_380 = arith.constant 12 : i32
    %dma_start3A_381 = arith.constant 0 : i32
    %dma_start3A_382 = tpu.memref_slice %arg13[%dma_start3A_380, %dma_start3A_381] : memref<16x64xf32, #tpu.memory_space<vmem>> -> memref<1x64xf32, #tpu.memory_space<vmem>>
    %dma_start3A_383 = tpu.memref_squeeze %dma_start3A_382 : memref<1x64xf32, #tpu.memory_space<vmem>> -> memref<64xf32, #tpu.memory_space<vmem>>
    %dma_start3A_384 = arith.constant 0 : i32
    %dma_start3A_385 = tpu.memref_slice %arg5[%squeeze3A_379, %dma_start3A_384] : memref<1000000x64xf32, #tpu.memory_space<hbm>> -> memref<1x64xf32, #tpu.memory_space<hbm>>
    %dma_start3A_386 = tpu.memref_squeeze %dma_start3A_385 : memref<1x64xf32, #tpu.memory_space<hbm>> -> memref<64xf32, #tpu.memory_space<hbm>>
    %dma_start3A_387 = arith.constant 0 : i32
    %dma_start3A_388 = tpu.memref_slice %arg13[%dma_start3A_380, %dma_start3A_387] : memref<16x64xf32, #tpu.memory_space<vmem>> -> memref<1x64xf32, #tpu.memory_space<vmem>>
    %dma_start3A_389 = tpu.memref_squeeze %dma_start3A_388 : memref<1x64xf32, #tpu.memory_space<vmem>> -> memref<64xf32, #tpu.memory_space<vmem>>
    %dma_start3A_390 = arith.constant 0 : i32
    %dma_start3A_391 = tpu.memref_slice %arg5[%squeeze3A_379, %dma_start3A_390] : memref<1000000x64xf32, #tpu.memory_space<hbm>> -> memref<1x64xf32, #tpu.memory_space<hbm>>
    %dma_start3A_392 = tpu.memref_squeeze %dma_start3A_391 : memref<1x64xf32, #tpu.memory_space<hbm>> -> memref<64xf32, #tpu.memory_space<hbm>>
    tpu.enqueue_dma source(%dma_start3A_392 : memref<64xf32, #tpu.memory_space<hbm>>) target(%dma_start3A_389 : memref<64xf32, #tpu.memory_space<vmem>>) target_semaphore(%arg17 : memref<!tpu.dma_semaphore, #tpu.memory_space<semaphore_mem>>)
    %slice3A_393 = vector.extract_strided_slice %get3A_3 {offsets = [13], sizes = [1], strides = [1]} : vector<16xi32> to vector<1xi32>
    %squeeze3A_394 = vector.extract %slice3A_393[0] : i32 from vector<1xi32>
    %dma_start3A_395 = arith.constant 13 : i32
    %dma_start3A_396 = arith.constant 0 : i32
    %dma_start3A_397 = tpu.memref_slice %arg11[%dma_start3A_395, %dma_start3A_396] : memref<16x64xf32, #tpu.memory_space<vmem>> -> memref<1x64xf32, #tpu.memory_space<vmem>>
    %dma_start3A_398 = tpu.memref_squeeze %dma_start3A_397 : memref<1x64xf32, #tpu.memory_space<vmem>> -> memref<64xf32, #tpu.memory_space<vmem>>
    %dma_start3A_399 = arith.constant 0 : i32
    %dma_start3A_400 = tpu.memref_slice %arg4[%squeeze3A_394, %dma_start3A_399] : memref<1000000x64xf32, #tpu.memory_space<hbm>> -> memref<1x64xf32, #tpu.memory_space<hbm>>
    %dma_start3A_401 = tpu.memref_squeeze %dma_start3A_400 : memref<1x64xf32, #tpu.memory_space<hbm>> -> memref<64xf32, #tpu.memory_space<hbm>>
    %dma_start3A_402 = arith.constant 0 : i32
    %dma_start3A_403 = tpu.memref_slice %arg11[%dma_start3A_395, %dma_start3A_402] : memref<16x64xf32, #tpu.memory_space<vmem>> -> memref<1x64xf32, #tpu.memory_space<vmem>>
    %dma_start3A_404 = tpu.memref_squeeze %dma_start3A_403 : memref<1x64xf32, #tpu.memory_space<vmem>> -> memref<64xf32, #tpu.memory_space<vmem>>
    %dma_start3A_405 = arith.constant 0 : i32
    %dma_start3A_406 = tpu.memref_slice %arg4[%squeeze3A_394, %dma_start3A_405] : memref<1000000x64xf32, #tpu.memory_space<hbm>> -> memref<1x64xf32, #tpu.memory_space<hbm>>
    %dma_start3A_407 = tpu.memref_squeeze %dma_start3A_406 : memref<1x64xf32, #tpu.memory_space<hbm>> -> memref<64xf32, #tpu.memory_space<hbm>>
    tpu.enqueue_dma source(%dma_start3A_407 : memref<64xf32, #tpu.memory_space<hbm>>) target(%dma_start3A_404 : memref<64xf32, #tpu.memory_space<vmem>>) target_semaphore(%arg16 : memref<!tpu.dma_semaphore, #tpu.memory_space<semaphore_mem>>)
    %slice3A_408 = vector.extract_strided_slice %get3A_5 {offsets = [13], sizes = [1], strides = [1]} : vector<16xi32> to vector<1xi32>
    %squeeze3A_409 = vector.extract %slice3A_408[0] : i32 from vector<1xi32>
    %dma_start3A_410 = arith.constant 13 : i32
    %dma_start3A_411 = arith.constant 0 : i32
    %dma_start3A_412 = tpu.memref_slice %arg13[%dma_start3A_410, %dma_start3A_411] : memref<16x64xf32, #tpu.memory_space<vmem>> -> memref<1x64xf32, #tpu.memory_space<vmem>>
    %dma_start3A_413 = tpu.memref_squeeze %dma_start3A_412 : memref<1x64xf32, #tpu.memory_space<vmem>> -> memref<64xf32, #tpu.memory_space<vmem>>
    %dma_start3A_414 = arith.constant 0 : i32
    %dma_start3A_415 = tpu.memref_slice %arg5[%squeeze3A_409, %dma_start3A_414] : memref<1000000x64xf32, #tpu.memory_space<hbm>> -> memref<1x64xf32, #tpu.memory_space<hbm>>
    %dma_start3A_416 = tpu.memref_squeeze %dma_start3A_415 : memref<1x64xf32, #tpu.memory_space<hbm>> -> memref<64xf32, #tpu.memory_space<hbm>>
    %dma_start3A_417 = arith.constant 0 : i32
    %dma_start3A_418 = tpu.memref_slice %arg13[%dma_start3A_410, %dma_start3A_417] : memref<16x64xf32, #tpu.memory_space<vmem>> -> memref<1x64xf32, #tpu.memory_space<vmem>>
    %dma_start3A_419 = tpu.memref_squeeze %dma_start3A_418 : memref<1x64xf32, #tpu.memory_space<vmem>> -> memref<64xf32, #tpu.memory_space<vmem>>
    %dma_start3A_420 = arith.constant 0 : i32
    %dma_start3A_421 = tpu.memref_slice %arg5[%squeeze3A_409, %dma_start3A_420] : memref<1000000x64xf32, #tpu.memory_space<hbm>> -> memref<1x64xf32, #tpu.memory_space<hbm>>
    %dma_start3A_422 = tpu.memref_squeeze %dma_start3A_421 : memref<1x64xf32, #tpu.memory_space<hbm>> -> memref<64xf32, #tpu.memory_space<hbm>>
    tpu.enqueue_dma source(%dma_start3A_422 : memref<64xf32, #tpu.memory_space<hbm>>) target(%dma_start3A_419 : memref<64xf32, #tpu.memory_space<vmem>>) target_semaphore(%arg17 : memref<!tpu.dma_semaphore, #tpu.memory_space<semaphore_mem>>)
    %slice3A_423 = vector.extract_strided_slice %get3A_3 {offsets = [14], sizes = [1], strides = [1]} : vector<16xi32> to vector<1xi32>
    %squeeze3A_424 = vector.extract %slice3A_423[0] : i32 from vector<1xi32>
    %dma_start3A_425 = arith.constant 14 : i32
    %dma_start3A_426 = arith.constant 0 : i32
    %dma_start3A_427 = tpu.memref_slice %arg11[%dma_start3A_425, %dma_start3A_426] : memref<16x64xf32, #tpu.memory_space<vmem>> -> memref<1x64xf32, #tpu.memory_space<vmem>>
    %dma_start3A_428 = tpu.memref_squeeze %dma_start3A_427 : memref<1x64xf32, #tpu.memory_space<vmem>> -> memref<64xf32, #tpu.memory_space<vmem>>
    %dma_start3A_429 = arith.constant 0 : i32
    %dma_start3A_430 = tpu.memref_slice %arg4[%squeeze3A_424, %dma_start3A_429] : memref<1000000x64xf32, #tpu.memory_space<hbm>> -> memref<1x64xf32, #tpu.memory_space<hbm>>
    %dma_start3A_431 = tpu.memref_squeeze %dma_start3A_430 : memref<1x64xf32, #tpu.memory_space<hbm>> -> memref<64xf32, #tpu.memory_space<hbm>>
    %dma_start3A_432 = arith.constant 0 : i32
    %dma_start3A_433 = tpu.memref_slice %arg11[%dma_start3A_425, %dma_start3A_432] : memref<16x64xf32, #tpu.memory_space<vmem>> -> memref<1x64xf32, #tpu.memory_space<vmem>>
    %dma_start3A_434 = tpu.memref_squeeze %dma_start3A_433 : memref<1x64xf32, #tpu.memory_space<vmem>> -> memref<64xf32, #tpu.memory_space<vmem>>
    %dma_start3A_435 = arith.constant 0 : i32
    %dma_start3A_436 = tpu.memref_slice %arg4[%squeeze3A_424, %dma_start3A_435] : memref<1000000x64xf32, #tpu.memory_space<hbm>> -> memref<1x64xf32, #tpu.memory_space<hbm>>
    %dma_start3A_437 = tpu.memref_squeeze %dma_start3A_436 : memref<1x64xf32, #tpu.memory_space<hbm>> -> memref<64xf32, #tpu.memory_space<hbm>>
    tpu.enqueue_dma source(%dma_start3A_437 : memref<64xf32, #tpu.memory_space<hbm>>) target(%dma_start3A_434 : memref<64xf32, #tpu.memory_space<vmem>>) target_semaphore(%arg16 : memref<!tpu.dma_semaphore, #tpu.memory_space<semaphore_mem>>)
    %slice3A_438 = vector.extract_strided_slice %get3A_5 {offsets = [14], sizes = [1], strides = [1]} : vector<16xi32> to vector<1xi32>
    %squeeze3A_439 = vector.extract %slice3A_438[0] : i32 from vector<1xi32>
    %dma_start3A_440 = arith.constant 14 : i32
    %dma_start3A_441 = arith.constant 0 : i32
    %dma_start3A_442 = tpu.memref_slice %arg13[%dma_start3A_440, %dma_start3A_441] : memref<16x64xf32, #tpu.memory_space<vmem>> -> memref<1x64xf32, #tpu.memory_space<vmem>>
    %dma_start3A_443 = tpu.memref_squeeze %dma_start3A_442 : memref<1x64xf32, #tpu.memory_space<vmem>> -> memref<64xf32, #tpu.memory_space<vmem>>
    %dma_start3A_444 = arith.constant 0 : i32
    %dma_start3A_445 = tpu.memref_slice %arg5[%squeeze3A_439, %dma_start3A_444] : memref<1000000x64xf32, #tpu.memory_space<hbm>> -> memref<1x64xf32, #tpu.memory_space<hbm>>
    %dma_start3A_446 = tpu.memref_squeeze %dma_start3A_445 : memref<1x64xf32, #tpu.memory_space<hbm>> -> memref<64xf32, #tpu.memory_space<hbm>>
    %dma_start3A_447 = arith.constant 0 : i32
    %dma_start3A_448 = tpu.memref_slice %arg13[%dma_start3A_440, %dma_start3A_447] : memref<16x64xf32, #tpu.memory_space<vmem>> -> memref<1x64xf32, #tpu.memory_space<vmem>>
    %dma_start3A_449 = tpu.memref_squeeze %dma_start3A_448 : memref<1x64xf32, #tpu.memory_space<vmem>> -> memref<64xf32, #tpu.memory_space<vmem>>
    %dma_start3A_450 = arith.constant 0 : i32
    %dma_start3A_451 = tpu.memref_slice %arg5[%squeeze3A_439, %dma_start3A_450] : memref<1000000x64xf32, #tpu.memory_space<hbm>> -> memref<1x64xf32, #tpu.memory_space<hbm>>
    %dma_start3A_452 = tpu.memref_squeeze %dma_start3A_451 : memref<1x64xf32, #tpu.memory_space<hbm>> -> memref<64xf32, #tpu.memory_space<hbm>>
    tpu.enqueue_dma source(%dma_start3A_452 : memref<64xf32, #tpu.memory_space<hbm>>) target(%dma_start3A_449 : memref<64xf32, #tpu.memory_space<vmem>>) target_semaphore(%arg17 : memref<!tpu.dma_semaphore, #tpu.memory_space<semaphore_mem>>)
    %slice3A_453 = vector.extract_strided_slice %get3A_3 {offsets = [15], sizes = [1], strides = [1]} : vector<16xi32> to vector<1xi32>
    %squeeze3A_454 = vector.extract %slice3A_453[0] : i32 from vector<1xi32>
    %dma_start3A_455 = arith.constant 15 : i32
    %dma_start3A_456 = arith.constant 0 : i32
    %dma_start3A_457 = tpu.memref_slice %arg11[%dma_start3A_455, %dma_start3A_456] : memref<16x64xf32, #tpu.memory_space<vmem>> -> memref<1x64xf32, #tpu.memory_space<vmem>>
    %dma_start3A_458 = tpu.memref_squeeze %dma_start3A_457 : memref<1x64xf32, #tpu.memory_space<vmem>> -> memref<64xf32, #tpu.memory_space<vmem>>
    %dma_start3A_459 = arith.constant 0 : i32
    %dma_start3A_460 = tpu.memref_slice %arg4[%squeeze3A_454, %dma_start3A_459] : memref<1000000x64xf32, #tpu.memory_space<hbm>> -> memref<1x64xf32, #tpu.memory_space<hbm>>
    %dma_start3A_461 = tpu.memref_squeeze %dma_start3A_460 : memref<1x64xf32, #tpu.memory_space<hbm>> -> memref<64xf32, #tpu.memory_space<hbm>>
    %dma_start3A_462 = arith.constant 0 : i32
    %dma_start3A_463 = tpu.memref_slice %arg11[%dma_start3A_455, %dma_start3A_462] : memref<16x64xf32, #tpu.memory_space<vmem>> -> memref<1x64xf32, #tpu.memory_space<vmem>>
    %dma_start3A_464 = tpu.memref_squeeze %dma_start3A_463 : memref<1x64xf32, #tpu.memory_space<vmem>> -> memref<64xf32, #tpu.memory_space<vmem>>
    %dma_start3A_465 = arith.constant 0 : i32
    %dma_start3A_466 = tpu.memref_slice %arg4[%squeeze3A_454, %dma_start3A_465] : memref<1000000x64xf32, #tpu.memory_space<hbm>> -> memref<1x64xf32, #tpu.memory_space<hbm>>
    %dma_start3A_467 = tpu.memref_squeeze %dma_start3A_466 : memref<1x64xf32, #tpu.memory_space<hbm>> -> memref<64xf32, #tpu.memory_space<hbm>>
    tpu.enqueue_dma source(%dma_start3A_467 : memref<64xf32, #tpu.memory_space<hbm>>) target(%dma_start3A_464 : memref<64xf32, #tpu.memory_space<vmem>>) target_semaphore(%arg16 : memref<!tpu.dma_semaphore, #tpu.memory_space<semaphore_mem>>)
    %slice3A_468 = vector.extract_strided_slice %get3A_5 {offsets = [15], sizes = [1], strides = [1]} : vector<16xi32> to vector<1xi32>
    %squeeze3A_469 = vector.extract %slice3A_468[0] : i32 from vector<1xi32>
    %dma_start3A_470 = arith.constant 15 : i32
    %dma_start3A_471 = arith.constant 0 : i32
    %dma_start3A_472 = tpu.memref_slice %arg13[%dma_start3A_470, %dma_start3A_471] : memref<16x64xf32, #tpu.memory_space<vmem>> -> memref<1x64xf32, #tpu.memory_space<vmem>>
    %dma_start3A_473 = tpu.memref_squeeze %dma_start3A_472 : memref<1x64xf32, #tpu.memory_space<vmem>> -> memref<64xf32, #tpu.memory_space<vmem>>
    %dma_start3A_474 = arith.constant 0 : i32
    %dma_start3A_475 = tpu.memref_slice %arg5[%squeeze3A_469, %dma_start3A_474] : memref<1000000x64xf32, #tpu.memory_space<hbm>> -> memref<1x64xf32, #tpu.memory_space<hbm>>
    %dma_start3A_476 = tpu.memref_squeeze %dma_start3A_475 : memref<1x64xf32, #tpu.memory_space<hbm>> -> memref<64xf32, #tpu.memory_space<hbm>>
    %dma_start3A_477 = arith.constant 0 : i32
    %dma_start3A_478 = tpu.memref_slice %arg13[%dma_start3A_470, %dma_start3A_477] : memref<16x64xf32, #tpu.memory_space<vmem>> -> memref<1x64xf32, #tpu.memory_space<vmem>>
    %dma_start3A_479 = tpu.memref_squeeze %dma_start3A_478 : memref<1x64xf32, #tpu.memory_space<vmem>> -> memref<64xf32, #tpu.memory_space<vmem>>
    %dma_start3A_480 = arith.constant 0 : i32
    %dma_start3A_481 = tpu.memref_slice %arg5[%squeeze3A_469, %dma_start3A_480] : memref<1000000x64xf32, #tpu.memory_space<hbm>> -> memref<1x64xf32, #tpu.memory_space<hbm>>
    %dma_start3A_482 = tpu.memref_squeeze %dma_start3A_481 : memref<1x64xf32, #tpu.memory_space<hbm>> -> memref<64xf32, #tpu.memory_space<hbm>>
    tpu.enqueue_dma source(%dma_start3A_482 : memref<64xf32, #tpu.memory_space<hbm>>) target(%dma_start3A_479 : memref<64xf32, #tpu.memory_space<vmem>>) target_semaphore(%arg17 : memref<!tpu.dma_semaphore, #tpu.memory_space<semaphore_mem>>)
    %scan3A = arith.constant 0 : i32
    %scan3A_483 = arith.constant 0 : i32
    %scan3A_484 = arith.constant 16 : i32
    %scan3A_485 = arith.addi %scan3A_483, %scan3A_484 : i32
    %scan3A_486 = arith.constant 1 : i32
    scf.for %scan3A_488 = %scan3A_483 to %scan3A_485 step %scan3A_486  : i32 {
      %mul3A_489 = arith.constant 2 : i32
      %mul3A_490 = arith.muli %mul3A_489, %scan3A_488 : i32
      %add3A_491 = arith.constant 1 : i32
      %add3A_492 = arith.addi %mul3A_490, %add3A_491 : i32
      %lt3A = arith.constant 32 : i32
      %lt3A_493 = arith.cmpi slt, %add3A_492, %lt3A : i32
      %convert_element_type3A = arith.extui %lt3A_493 : i1 to i32
      %cond3A = arith.constant 0 : i32
      %cond3A_494 = arith.cmpi ne, %convert_element_type3A, %cond3A : i32
      scf.if %cond3A_494 {
        %mul3A_907 = arith.constant 16 : i32
        %mul3A_908 = arith.muli %add3A_492, %mul3A_907 : i32
        %get3A_909 = arith.index_cast %mul3A_908 : i32 to index
        %get3A_910 = tpu.vector_load %arg8[%get3A_909] {strides = array<i32>} : memref<512xi32, #tpu.memory_space<vmem>>, vector<16xi32>,
        %get3A_911 = arith.index_cast %mul3A_908 : i32 to index
        %get3A_912 = tpu.vector_load %arg9[%get3A_911] {strides = array<i32>} : memref<512xi32, #tpu.memory_space<vmem>>, vector<16xi32>,
        %slice3A_913 = vector.extract_strided_slice %get3A_910 {offsets = [0], sizes = [1], strides = [1]} : vector<16xi32> to vector<1xi32>
        %squeeze3A_914 = vector.extract %slice3A_913[0] : i32 from vector<1xi32>
        %dma_start3A_915 = arith.constant 0 : i32
        %dma_start3A_916 = arith.constant 0 : i32
        %dma_start3A_917 = tpu.memref_slice %arg12[%dma_start3A_915, %dma_start3A_916] : memref<16x64xf32, #tpu.memory_space<vmem>> -> memref<1x64xf32, #tpu.memory_space<vmem>>
        %dma_start3A_918 = tpu.memref_squeeze %dma_start3A_917 : memref<1x64xf32, #tpu.memory_space<vmem>> -> memref<64xf32, #tpu.memory_space<vmem>>
        %dma_start3A_919 = arith.constant 0 : i32
        %dma_start3A_920 = tpu.memref_slice %arg4[%squeeze3A_914, %dma_start3A_919] : memref<1000000x64xf32, #tpu.memory_space<hbm>> -> memref<1x64xf32, #tpu.memory_space<hbm>>
        %dma_start3A_921 = tpu.memref_squeeze %dma_start3A_920 : memref<1x64xf32, #tpu.memory_space<hbm>> -> memref<64xf32, #tpu.memory_space<hbm>>
        %dma_start3A_922 = arith.constant 0 : i32
        %dma_start3A_923 = tpu.memref_slice %arg12[%dma_start3A_915, %dma_start3A_922] : memref<16x64xf32, #tpu.memory_space<vmem>> -> memref<1x64xf32, #tpu.memory_space<vmem>>
        %dma_start3A_924 = tpu.memref_squeeze %dma_start3A_923 : memref<1x64xf32, #tpu.memory_space<vmem>> -> memref<64xf32, #tpu.memory_space<vmem>>
        %dma_start3A_925 = arith.constant 0 : i32
        %dma_start3A_926 = tpu.memref_slice %arg4[%squeeze3A_914, %dma_start3A_925] : memref<1000000x64xf32, #tpu.memory_space<hbm>> -> memref<1x64xf32, #tpu.memory_space<hbm>>
        %dma_start3A_927 = tpu.memref_squeeze %dma_start3A_926 : memref<1x64xf32, #tpu.memory_space<hbm>> -> memref<64xf32, #tpu.memory_space<hbm>>
        tpu.enqueue_dma source(%dma_start3A_927 : memref<64xf32, #tpu.memory_space<hbm>>) target(%dma_start3A_924 : memref<64xf32, #tpu.memory_space<vmem>>) target_semaphore(%arg16 : memref<!tpu.dma_semaphore, #tpu.memory_space<semaphore_mem>>)
        %slice3A_928 = vector.extract_strided_slice %get3A_912 {offsets = [0], sizes = [1], strides = [1]} : vector<16xi32> to vector<1xi32>
        %squeeze3A_929 = vector.extract %slice3A_928[0] : i32 from vector<1xi32>
        %dma_start3A_930 = arith.constant 0 : i32
        %dma_start3A_931 = arith.constant 0 : i32
        %dma_start3A_932 = tpu.memref_slice %arg14[%dma_start3A_930, %dma_start3A_931] : memref<16x64xf32, #tpu.memory_space<vmem>> -> memref<1x64xf32, #tpu.memory_space<vmem>>
        %dma_start3A_933 = tpu.memref_squeeze %dma_start3A_932 : memref<1x64xf32, #tpu.memory_space<vmem>> -> memref<64xf32, #tpu.memory_space<vmem>>
        %dma_start3A_934 = arith.constant 0 : i32
        %dma_start3A_935 = tpu.memref_slice %arg5[%squeeze3A_929, %dma_start3A_934] : memref<1000000x64xf32, #tpu.memory_space<hbm>> -> memref<1x64xf32, #tpu.memory_space<hbm>>
        %dma_start3A_936 = tpu.memref_squeeze %dma_start3A_935 : memref<1x64xf32, #tpu.memory_space<hbm>> -> memref<64xf32, #tpu.memory_space<hbm>>
        %dma_start3A_937 = arith.constant 0 : i32
        %dma_start3A_938 = tpu.memref_slice %arg14[%dma_start3A_930, %dma_start3A_937] : memref<16x64xf32, #tpu.memory_space<vmem>> -> memref<1x64xf32, #tpu.memory_space<vmem>>
        %dma_start3A_939 = tpu.memref_squeeze %dma_start3A_938 : memref<1x64xf32, #tpu.memory_space<vmem>> -> memref<64xf32, #tpu.memory_space<vmem>>
        %dma_start3A_940 = arith.constant 0 : i32
        %dma_start3A_941 = tpu.memref_slice %arg5[%squeeze3A_929, %dma_start3A_940] : memref<1000000x64xf32, #tpu.memory_space<hbm>> -> memref<1x64xf32, #tpu.memory_space<hbm>>
        %dma_start3A_942 = tpu.memref_squeeze %dma_start3A_941 : memref<1x64xf32, #tpu.memory_space<hbm>> -> memref<64xf32, #tpu.memory_space<hbm>>
        tpu.enqueue_dma source(%dma_start3A_942 : memref<64xf32, #tpu.memory_space<hbm>>) target(%dma_start3A_939 : memref<64xf32, #tpu.memory_space<vmem>>) target_semaphore(%arg17 : memref<!tpu.dma_semaphore, #tpu.memory_space<semaphore_mem>>)
        %slice3A_943 = vector.extract_strided_slice %get3A_910 {offsets = [1], sizes = [1], strides = [1]} : vector<16xi32> to vector<1xi32>
        %squeeze3A_944 = vector.extract %slice3A_943[0] : i32 from vector<1xi32>
        %dma_start3A_945 = arith.constant 1 : i32
        %dma_start3A_946 = arith.constant 0 : i32
        %dma_start3A_947 = tpu.memref_slice %arg12[%dma_start3A_945, %dma_start3A_946] : memref<16x64xf32, #tpu.memory_space<vmem>> -> memref<1x64xf32, #tpu.memory_space<vmem>>
        %dma_start3A_948 = tpu.memref_squeeze %dma_start3A_947 : memref<1x64xf32, #tpu.memory_space<vmem>> -> memref<64xf32, #tpu.memory_space<vmem>>
        %dma_start3A_949 = arith.constant 0 : i32
        %dma_start3A_950 = tpu.memref_slice %arg4[%squeeze3A_944, %dma_start3A_949] : memref<1000000x64xf32, #tpu.memory_space<hbm>> -> memref<1x64xf32, #tpu.memory_space<hbm>>
        %dma_start3A_951 = tpu.memref_squeeze %dma_start3A_950 : memref<1x64xf32, #tpu.memory_space<hbm>> -> memref<64xf32, #tpu.memory_space<hbm>>
        %dma_start3A_952 = arith.constant 0 : i32
        %dma_start3A_953 = tpu.memref_slice %arg12[%dma_start3A_945, %dma_start3A_952] : memref<16x64xf32, #tpu.memory_space<vmem>> -> memref<1x64xf32, #tpu.memory_space<vmem>>
        %dma_start3A_954 = tpu.memref_squeeze %dma_start3A_953 : memref<1x64xf32, #tpu.memory_space<vmem>> -> memref<64xf32, #tpu.memory_space<vmem>>
        %dma_start3A_955 = arith.constant 0 : i32
        %dma_start3A_956 = tpu.memref_slice %arg4[%squeeze3A_944, %dma_start3A_955] : memref<1000000x64xf32, #tpu.memory_space<hbm>> -> memref<1x64xf32, #tpu.memory_space<hbm>>
        %dma_start3A_957 = tpu.memref_squeeze %dma_start3A_956 : memref<1x64xf32, #tpu.memory_space<hbm>> -> memref<64xf32, #tpu.memory_space<hbm>>
        tpu.enqueue_dma source(%dma_start3A_957 : memref<64xf32, #tpu.memory_space<hbm>>) target(%dma_start3A_954 : memref<64xf32, #tpu.memory_space<vmem>>) target_semaphore(%arg16 : memref<!tpu.dma_semaphore, #tpu.memory_space<semaphore_mem>>)
        %slice3A_958 = vector.extract_strided_slice %get3A_912 {offsets = [1], sizes = [1], strides = [1]} : vector<16xi32> to vector<1xi32>
        %squeeze3A_959 = vector.extract %slice3A_958[0] : i32 from vector<1xi32>
        %dma_start3A_960 = arith.constant 1 : i32
        %dma_start3A_961 = arith.constant 0 : i32
        %dma_start3A_962 = tpu.memref_slice %arg14[%dma_start3A_960, %dma_start3A_961] : memref<16x64xf32, #tpu.memory_space<vmem>> -> memref<1x64xf32, #tpu.memory_space<vmem>>
        %dma_start3A_963 = tpu.memref_squeeze %dma_start3A_962 : memref<1x64xf32, #tpu.memory_space<vmem>> -> memref<64xf32, #tpu.memory_space<vmem>>
        %dma_start3A_964 = arith.constant 0 : i32
        %dma_start3A_965 = tpu.memref_slice %arg5[%squeeze3A_959, %dma_start3A_964] : memref<1000000x64xf32, #tpu.memory_space<hbm>> -> memref<1x64xf32, #tpu.memory_space<hbm>>
        %dma_start3A_966 = tpu.memref_squeeze %dma_start3A_965 : memref<1x64xf32, #tpu.memory_space<hbm>> -> memref<64xf32, #tpu.memory_space<hbm>>
        %dma_start3A_967 = arith.constant 0 : i32
        %dma_start3A_968 = tpu.memref_slice %arg14[%dma_start3A_960, %dma_start3A_967] : memref<16x64xf32, #tpu.memory_space<vmem>> -> memref<1x64xf32, #tpu.memory_space<vmem>>
        %dma_start3A_969 = tpu.memref_squeeze %dma_start3A_968 : memref<1x64xf32, #tpu.memory_space<vmem>> -> memref<64xf32, #tpu.memory_space<vmem>>
        %dma_start3A_970 = arith.constant 0 : i32
        %dma_start3A_971 = tpu.memref_slice %arg5[%squeeze3A_959, %dma_start3A_970] : memref<1000000x64xf32, #tpu.memory_space<hbm>> -> memref<1x64xf32, #tpu.memory_space<hbm>>
        %dma_start3A_972 = tpu.memref_squeeze %dma_start3A_971 : memref<1x64xf32, #tpu.memory_space<hbm>> -> memref<64xf32, #tpu.memory_space<hbm>>
        tpu.enqueue_dma source(%dma_start3A_972 : memref<64xf32, #tpu.memory_space<hbm>>) target(%dma_start3A_969 : memref<64xf32, #tpu.memory_space<vmem>>) target_semaphore(%arg17 : memref<!tpu.dma_semaphore, #tpu.memory_space<semaphore_mem>>)
        %slice3A_973 = vector.extract_strided_slice %get3A_910 {offsets = [2], sizes = [1], strides = [1]} : vector<16xi32> to vector<1xi32>
        %squeeze3A_974 = vector.extract %slice3A_973[0] : i32 from vector<1xi32>
        %dma_start3A_975 = arith.constant 2 : i32
        %dma_start3A_976 = arith.constant 0 : i32
        %dma_start3A_977 = tpu.memref_slice %arg12[%dma_start3A_975, %dma_start3A_976] : memref<16x64xf32, #tpu.memory_space<vmem>> -> memref<1x64xf32, #tpu.memory_space<vmem>>
        %dma_start3A_978 = tpu.memref_squeeze %dma_start3A_977 : memref<1x64xf32, #tpu.memory_space<vmem>> -> memref<64xf32, #tpu.memory_space<vmem>>
        %dma_start3A_979 = arith.constant 0 : i32
        %dma_start3A_980 = tpu.memref_slice %arg4[%squeeze3A_974, %dma_start3A_979] : memref<1000000x64xf32, #tpu.memory_space<hbm>> -> memref<1x64xf32, #tpu.memory_space<hbm>>
        %dma_start3A_981 = tpu.memref_squeeze %dma_start3A_980 : memref<1x64xf32, #tpu.memory_space<hbm>> -> memref<64xf32, #tpu.memory_space<hbm>>
        %dma_start3A_982 = arith.constant 0 : i32
        %dma_start3A_983 = tpu.memref_slice %arg12[%dma_start3A_975, %dma_start3A_982] : memref<16x64xf32, #tpu.memory_space<vmem>> -> memref<1x64xf32, #tpu.memory_space<vmem>>
        %dma_start3A_984 = tpu.memref_squeeze %dma_start3A_983 : memref<1x64xf32, #tpu.memory_space<vmem>> -> memref<64xf32, #tpu.memory_space<vmem>>
        %dma_start3A_985 = arith.constant 0 : i32
        %dma_start3A_986 = tpu.memref_slice %arg4[%squeeze3A_974, %dma_start3A_985] : memref<1000000x64xf32, #tpu.memory_space<hbm>> -> memref<1x64xf32, #tpu.memory_space<hbm>>
        %dma_start3A_987 = tpu.memref_squeeze %dma_start3A_986 : memref<1x64xf32, #tpu.memory_space<hbm>> -> memref<64xf32, #tpu.memory_space<hbm>>
        tpu.enqueue_dma source(%dma_start3A_987 : memref<64xf32, #tpu.memory_space<hbm>>) target(%dma_start3A_984 : memref<64xf32, #tpu.memory_space<vmem>>) target_semaphore(%arg16 : memref<!tpu.dma_semaphore, #tpu.memory_space<semaphore_mem>>)
        %slice3A_988 = vector.extract_strided_slice %get3A_912 {offsets = [2], sizes = [1], strides = [1]} : vector<16xi32> to vector<1xi32>
        %squeeze3A_989 = vector.extract %slice3A_988[0] : i32 from vector<1xi32>
        %dma_start3A_990 = arith.constant 2 : i32
        %dma_start3A_991 = arith.constant 0 : i32
        %dma_start3A_992 = tpu.memref_slice %arg14[%dma_start3A_990, %dma_start3A_991] : memref<16x64xf32, #tpu.memory_space<vmem>> -> memref<1x64xf32, #tpu.memory_space<vmem>>
        %dma_start3A_993 = tpu.memref_squeeze %dma_start3A_992 : memref<1x64xf32, #tpu.memory_space<vmem>> -> memref<64xf32, #tpu.memory_space<vmem>>
        %dma_start3A_994 = arith.constant 0 : i32
        %dma_start3A_995 = tpu.memref_slice %arg5[%squeeze3A_989, %dma_start3A_994] : memref<1000000x64xf32, #tpu.memory_space<hbm>> -> memref<1x64xf32, #tpu.memory_space<hbm>>
        %dma_start3A_996 = tpu.memref_squeeze %dma_start3A_995 : memref<1x64xf32, #tpu.memory_space<hbm>> -> memref<64xf32, #tpu.memory_space<hbm>>
        %dma_start3A_997 = arith.constant 0 : i32
        %dma_start3A_998 = tpu.memref_slice %arg14[%dma_start3A_990, %dma_start3A_997] : memref<16x64xf32, #tpu.memory_space<vmem>> -> memref<1x64xf32, #tpu.memory_space<vmem>>
        %dma_start3A_999 = tpu.memref_squeeze %dma_start3A_998 : memref<1x64xf32, #tpu.memory_space<vmem>> -> memref<64xf32, #tpu.memory_space<vmem>>
        %dma_start3A_1000 = arith.constant 0 : i32
        %dma_start3A_1001 = tpu.memref_slice %arg5[%squeeze3A_989, %dma_start3A_1000] : memref<1000000x64xf32, #tpu.memory_space<hbm>> -> memref<1x64xf32, #tpu.memory_space<hbm>>
        %dma_start3A_1002 = tpu.memref_squeeze %dma_start3A_1001 : memref<1x64xf32, #tpu.memory_space<hbm>> -> memref<64xf32, #tpu.memory_space<hbm>>
        tpu.enqueue_dma source(%dma_start3A_1002 : memref<64xf32, #tpu.memory_space<hbm>>) target(%dma_start3A_999 : memref<64xf32, #tpu.memory_space<vmem>>) target_semaphore(%arg17 : memref<!tpu.dma_semaphore, #tpu.memory_space<semaphore_mem>>)
        %slice3A_1003 = vector.extract_strided_slice %get3A_910 {offsets = [3], sizes = [1], strides = [1]} : vector<16xi32> to vector<1xi32>
        %squeeze3A_1004 = vector.extract %slice3A_1003[0] : i32 from vector<1xi32>
        %dma_start3A_1005 = arith.constant 3 : i32
        %dma_start3A_1006 = arith.constant 0 : i32
        %dma_start3A_1007 = tpu.memref_slice %arg12[%dma_start3A_1005, %dma_start3A_1006] : memref<16x64xf32, #tpu.memory_space<vmem>> -> memref<1x64xf32, #tpu.memory_space<vmem>>
        %dma_start3A_1008 = tpu.memref_squeeze %dma_start3A_1007 : memref<1x64xf32, #tpu.memory_space<vmem>> -> memref<64xf32, #tpu.memory_space<vmem>>
        %dma_start3A_1009 = arith.constant 0 : i32
        %dma_start3A_1010 = tpu.memref_slice %arg4[%squeeze3A_1004, %dma_start3A_1009] : memref<1000000x64xf32, #tpu.memory_space<hbm>> -> memref<1x64xf32, #tpu.memory_space<hbm>>
        %dma_start3A_1011 = tpu.memref_squeeze %dma_start3A_1010 : memref<1x64xf32, #tpu.memory_space<hbm>> -> memref<64xf32, #tpu.memory_space<hbm>>
        %dma_start3A_1012 = arith.constant 0 : i32
        %dma_start3A_1013 = tpu.memref_slice %arg12[%dma_start3A_1005, %dma_start3A_1012] : memref<16x64xf32, #tpu.memory_space<vmem>> -> memref<1x64xf32, #tpu.memory_space<vmem>>
        %dma_start3A_1014 = tpu.memref_squeeze %dma_start3A_1013 : memref<1x64xf32, #tpu.memory_space<vmem>> -> memref<64xf32, #tpu.memory_space<vmem>>
        %dma_start3A_1015 = arith.constant 0 : i32
        %dma_start3A_1016 = tpu.memref_slice %arg4[%squeeze3A_1004, %dma_start3A_1015] : memref<1000000x64xf32, #tpu.memory_space<hbm>> -> memref<1x64xf32, #tpu.memory_space<hbm>>
        %dma_start3A_1017 = tpu.memref_squeeze %dma_start3A_1016 : memref<1x64xf32, #tpu.memory_space<hbm>> -> memref<64xf32, #tpu.memory_space<hbm>>
        tpu.enqueue_dma source(%dma_start3A_1017 : memref<64xf32, #tpu.memory_space<hbm>>) target(%dma_start3A_1014 : memref<64xf32, #tpu.memory_space<vmem>>) target_semaphore(%arg16 : memref<!tpu.dma_semaphore, #tpu.memory_space<semaphore_mem>>)
        %slice3A_1018 = vector.extract_strided_slice %get3A_912 {offsets = [3], sizes = [1], strides = [1]} : vector<16xi32> to vector<1xi32>
        %squeeze3A_1019 = vector.extract %slice3A_1018[0] : i32 from vector<1xi32>
        %dma_start3A_1020 = arith.constant 3 : i32
        %dma_start3A_1021 = arith.constant 0 : i32
        %dma_start3A_1022 = tpu.memref_slice %arg14[%dma_start3A_1020, %dma_start3A_1021] : memref<16x64xf32, #tpu.memory_space<vmem>> -> memref<1x64xf32, #tpu.memory_space<vmem>>
        %dma_start3A_1023 = tpu.memref_squeeze %dma_start3A_1022 : memref<1x64xf32, #tpu.memory_space<vmem>> -> memref<64xf32, #tpu.memory_space<vmem>>
        %dma_start3A_1024 = arith.constant 0 : i32
        %dma_start3A_1025 = tpu.memref_slice %arg5[%squeeze3A_1019, %dma_start3A_1024] : memref<1000000x64xf32, #tpu.memory_space<hbm>> -> memref<1x64xf32, #tpu.memory_space<hbm>>
        %dma_start3A_1026 = tpu.memref_squeeze %dma_start3A_1025 : memref<1x64xf32, #tpu.memory_space<hbm>> -> memref<64xf32, #tpu.memory_space<hbm>>
        %dma_start3A_1027 = arith.constant 0 : i32
        %dma_start3A_1028 = tpu.memref_slice %arg14[%dma_start3A_1020, %dma_start3A_1027] : memref<16x64xf32, #tpu.memory_space<vmem>> -> memref<1x64xf32, #tpu.memory_space<vmem>>
        %dma_start3A_1029 = tpu.memref_squeeze %dma_start3A_1028 : memref<1x64xf32, #tpu.memory_space<vmem>> -> memref<64xf32, #tpu.memory_space<vmem>>
        %dma_start3A_1030 = arith.constant 0 : i32
        %dma_start3A_1031 = tpu.memref_slice %arg5[%squeeze3A_1019, %dma_start3A_1030] : memref<1000000x64xf32, #tpu.memory_space<hbm>> -> memref<1x64xf32, #tpu.memory_space<hbm>>
        %dma_start3A_1032 = tpu.memref_squeeze %dma_start3A_1031 : memref<1x64xf32, #tpu.memory_space<hbm>> -> memref<64xf32, #tpu.memory_space<hbm>>
        tpu.enqueue_dma source(%dma_start3A_1032 : memref<64xf32, #tpu.memory_space<hbm>>) target(%dma_start3A_1029 : memref<64xf32, #tpu.memory_space<vmem>>) target_semaphore(%arg17 : memref<!tpu.dma_semaphore, #tpu.memory_space<semaphore_mem>>)
        %slice3A_1033 = vector.extract_strided_slice %get3A_910 {offsets = [4], sizes = [1], strides = [1]} : vector<16xi32> to vector<1xi32>
        %squeeze3A_1034 = vector.extract %slice3A_1033[0] : i32 from vector<1xi32>
        %dma_start3A_1035 = arith.constant 4 : i32
        %dma_start3A_1036 = arith.constant 0 : i32
        %dma_start3A_1037 = tpu.memref_slice %arg12[%dma_start3A_1035, %dma_start3A_1036] : memref<16x64xf32, #tpu.memory_space<vmem>> -> memref<1x64xf32, #tpu.memory_space<vmem>>
        %dma_start3A_1038 = tpu.memref_squeeze %dma_start3A_1037 : memref<1x64xf32, #tpu.memory_space<vmem>> -> memref<64xf32, #tpu.memory_space<vmem>>
        %dma_start3A_1039 = arith.constant 0 : i32
        %dma_start3A_1040 = tpu.memref_slice %arg4[%squeeze3A_1034, %dma_start3A_1039] : memref<1000000x64xf32, #tpu.memory_space<hbm>> -> memref<1x64xf32, #tpu.memory_space<hbm>>
        %dma_start3A_1041 = tpu.memref_squeeze %dma_start3A_1040 : memref<1x64xf32, #tpu.memory_space<hbm>> -> memref<64xf32, #tpu.memory_space<hbm>>
        %dma_start3A_1042 = arith.constant 0 : i32
        %dma_start3A_1043 = tpu.memref_slice %arg12[%dma_start3A_1035, %dma_start3A_1042] : memref<16x64xf32, #tpu.memory_space<vmem>> -> memref<1x64xf32, #tpu.memory_space<vmem>>
        %dma_start3A_1044 = tpu.memref_squeeze %dma_start3A_1043 : memref<1x64xf32, #tpu.memory_space<vmem>> -> memref<64xf32, #tpu.memory_space<vmem>>
        %dma_start3A_1045 = arith.constant 0 : i32
        %dma_start3A_1046 = tpu.memref_slice %arg4[%squeeze3A_1034, %dma_start3A_1045] : memref<1000000x64xf32, #tpu.memory_space<hbm>> -> memref<1x64xf32, #tpu.memory_space<hbm>>
        %dma_start3A_1047 = tpu.memref_squeeze %dma_start3A_1046 : memref<1x64xf32, #tpu.memory_space<hbm>> -> memref<64xf32, #tpu.memory_space<hbm>>
        tpu.enqueue_dma source(%dma_start3A_1047 : memref<64xf32, #tpu.memory_space<hbm>>) target(%dma_start3A_1044 : memref<64xf32, #tpu.memory_space<vmem>>) target_semaphore(%arg16 : memref<!tpu.dma_semaphore, #tpu.memory_space<semaphore_mem>>)
        %slice3A_1048 = vector.extract_strided_slice %get3A_912 {offsets = [4], sizes = [1], strides = [1]} : vector<16xi32> to vector<1xi32>
        %squeeze3A_1049 = vector.extract %slice3A_1048[0] : i32 from vector<1xi32>
        %dma_start3A_1050 = arith.constant 4 : i32
        %dma_start3A_1051 = arith.constant 0 : i32
        %dma_start3A_1052 = tpu.memref_slice %arg14[%dma_start3A_1050, %dma_start3A_1051] : memref<16x64xf32, #tpu.memory_space<vmem>> -> memref<1x64xf32, #tpu.memory_space<vmem>>
        %dma_start3A_1053 = tpu.memref_squeeze %dma_start3A_1052 : memref<1x64xf32, #tpu.memory_space<vmem>> -> memref<64xf32, #tpu.memory_space<vmem>>
        %dma_start3A_1054 = arith.constant 0 : i32
        %dma_start3A_1055 = tpu.memref_slice %arg5[%squeeze3A_1049, %dma_start3A_1054] : memref<1000000x64xf32, #tpu.memory_space<hbm>> -> memref<1x64xf32, #tpu.memory_space<hbm>>
        %dma_start3A_1056 = tpu.memref_squeeze %dma_start3A_1055 : memref<1x64xf32, #tpu.memory_space<hbm>> -> memref<64xf32, #tpu.memory_space<hbm>>
        %dma_start3A_1057 = arith.constant 0 : i32
        %dma_start3A_1058 = tpu.memref_slice %arg14[%dma_start3A_1050, %dma_start3A_1057] : memref<16x64xf32, #tpu.memory_space<vmem>> -> memref<1x64xf32, #tpu.memory_space<vmem>>
        %dma_start3A_1059 = tpu.memref_squeeze %dma_start3A_1058 : memref<1x64xf32, #tpu.memory_space<vmem>> -> memref<64xf32, #tpu.memory_space<vmem>>
        %dma_start3A_1060 = arith.constant 0 : i32
        %dma_start3A_1061 = tpu.memref_slice %arg5[%squeeze3A_1049, %dma_start3A_1060] : memref<1000000x64xf32, #tpu.memory_space<hbm>> -> memref<1x64xf32, #tpu.memory_space<hbm>>
        %dma_start3A_1062 = tpu.memref_squeeze %dma_start3A_1061 : memref<1x64xf32, #tpu.memory_space<hbm>> -> memref<64xf32, #tpu.memory_space<hbm>>
        tpu.enqueue_dma source(%dma_start3A_1062 : memref<64xf32, #tpu.memory_space<hbm>>) target(%dma_start3A_1059 : memref<64xf32, #tpu.memory_space<vmem>>) target_semaphore(%arg17 : memref<!tpu.dma_semaphore, #tpu.memory_space<semaphore_mem>>)
        %slice3A_1063 = vector.extract_strided_slice %get3A_910 {offsets = [5], sizes = [1], strides = [1]} : vector<16xi32> to vector<1xi32>
        %squeeze3A_1064 = vector.extract %slice3A_1063[0] : i32 from vector<1xi32>
        %dma_start3A_1065 = arith.constant 5 : i32
        %dma_start3A_1066 = arith.constant 0 : i32
        %dma_start3A_1067 = tpu.memref_slice %arg12[%dma_start3A_1065, %dma_start3A_1066] : memref<16x64xf32, #tpu.memory_space<vmem>> -> memref<1x64xf32, #tpu.memory_space<vmem>>
        %dma_start3A_1068 = tpu.memref_squeeze %dma_start3A_1067 : memref<1x64xf32, #tpu.memory_space<vmem>> -> memref<64xf32, #tpu.memory_space<vmem>>
        %dma_start3A_1069 = arith.constant 0 : i32
        %dma_start3A_1070 = tpu.memref_slice %arg4[%squeeze3A_1064, %dma_start3A_1069] : memref<1000000x64xf32, #tpu.memory_space<hbm>> -> memref<1x64xf32, #tpu.memory_space<hbm>>
        %dma_start3A_1071 = tpu.memref_squeeze %dma_start3A_1070 : memref<1x64xf32, #tpu.memory_space<hbm>> -> memref<64xf32, #tpu.memory_space<hbm>>
        %dma_start3A_1072 = arith.constant 0 : i32
        %dma_start3A_1073 = tpu.memref_slice %arg12[%dma_start3A_1065, %dma_start3A_1072] : memref<16x64xf32, #tpu.memory_space<vmem>> -> memref<1x64xf32, #tpu.memory_space<vmem>>
        %dma_start3A_1074 = tpu.memref_squeeze %dma_start3A_1073 : memref<1x64xf32, #tpu.memory_space<vmem>> -> memref<64xf32, #tpu.memory_space<vmem>>
        %dma_start3A_1075 = arith.constant 0 : i32
        %dma_start3A_1076 = tpu.memref_slice %arg4[%squeeze3A_1064, %dma_start3A_1075] : memref<1000000x64xf32, #tpu.memory_space<hbm>> -> memref<1x64xf32, #tpu.memory_space<hbm>>
        %dma_start3A_1077 = tpu.memref_squeeze %dma_start3A_1076 : memref<1x64xf32, #tpu.memory_space<hbm>> -> memref<64xf32, #tpu.memory_space<hbm>>
        tpu.enqueue_dma source(%dma_start3A_1077 : memref<64xf32, #tpu.memory_space<hbm>>) target(%dma_start3A_1074 : memref<64xf32, #tpu.memory_space<vmem>>) target_semaphore(%arg16 : memref<!tpu.dma_semaphore, #tpu.memory_space<semaphore_mem>>)
        %slice3A_1078 = vector.extract_strided_slice %get3A_912 {offsets = [5], sizes = [1], strides = [1]} : vector<16xi32> to vector<1xi32>
        %squeeze3A_1079 = vector.extract %slice3A_1078[0] : i32 from vector<1xi32>
        %dma_start3A_1080 = arith.constant 5 : i32
        %dma_start3A_1081 = arith.constant 0 : i32
        %dma_start3A_1082 = tpu.memref_slice %arg14[%dma_start3A_1080, %dma_start3A_1081] : memref<16x64xf32, #tpu.memory_space<vmem>> -> memref<1x64xf32, #tpu.memory_space<vmem>>
        %dma_start3A_1083 = tpu.memref_squeeze %dma_start3A_1082 : memref<1x64xf32, #tpu.memory_space<vmem>> -> memref<64xf32, #tpu.memory_space<vmem>>
        %dma_start3A_1084 = arith.constant 0 : i32
        %dma_start3A_1085 = tpu.memref_slice %arg5[%squeeze3A_1079, %dma_start3A_1084] : memref<1000000x64xf32, #tpu.memory_space<hbm>> -> memref<1x64xf32, #tpu.memory_space<hbm>>
        %dma_start3A_1086 = tpu.memref_squeeze %dma_start3A_1085 : memref<1x64xf32, #tpu.memory_space<hbm>> -> memref<64xf32, #tpu.memory_space<hbm>>
        %dma_start3A_1087 = arith.constant 0 : i32
        %dma_start3A_1088 = tpu.memref_slice %arg14[%dma_start3A_1080, %dma_start3A_1087] : memref<16x64xf32, #tpu.memory_space<vmem>> -> memref<1x64xf32, #tpu.memory_space<vmem>>
        %dma_start3A_1089 = tpu.memref_squeeze %dma_start3A_1088 : memref<1x64xf32, #tpu.memory_space<vmem>> -> memref<64xf32, #tpu.memory_space<vmem>>
        %dma_start3A_1090 = arith.constant 0 : i32
        %dma_start3A_1091 = tpu.memref_slice %arg5[%squeeze3A_1079, %dma_start3A_1090] : memref<1000000x64xf32, #tpu.memory_space<hbm>> -> memref<1x64xf32, #tpu.memory_space<hbm>>
        %dma_start3A_1092 = tpu.memref_squeeze %dma_start3A_1091 : memref<1x64xf32, #tpu.memory_space<hbm>> -> memref<64xf32, #tpu.memory_space<hbm>>
        tpu.enqueue_dma source(%dma_start3A_1092 : memref<64xf32, #tpu.memory_space<hbm>>) target(%dma_start3A_1089 : memref<64xf32, #tpu.memory_space<vmem>>) target_semaphore(%arg17 : memref<!tpu.dma_semaphore, #tpu.memory_space<semaphore_mem>>)
        %slice3A_1093 = vector.extract_strided_slice %get3A_910 {offsets = [6], sizes = [1], strides = [1]} : vector<16xi32> to vector<1xi32>
        %squeeze3A_1094 = vector.extract %slice3A_1093[0] : i32 from vector<1xi32>
        %dma_start3A_1095 = arith.constant 6 : i32
        %dma_start3A_1096 = arith.constant 0 : i32
        %dma_start3A_1097 = tpu.memref_slice %arg12[%dma_start3A_1095, %dma_start3A_1096] : memref<16x64xf32, #tpu.memory_space<vmem>> -> memref<1x64xf32, #tpu.memory_space<vmem>>
        %dma_start3A_1098 = tpu.memref_squeeze %dma_start3A_1097 : memref<1x64xf32, #tpu.memory_space<vmem>> -> memref<64xf32, #tpu.memory_space<vmem>>
        %dma_start3A_1099 = arith.constant 0 : i32
        %dma_start3A_1100 = tpu.memref_slice %arg4[%squeeze3A_1094, %dma_start3A_1099] : memref<1000000x64xf32, #tpu.memory_space<hbm>> -> memref<1x64xf32, #tpu.memory_space<hbm>>
        %dma_start3A_1101 = tpu.memref_squeeze %dma_start3A_1100 : memref<1x64xf32, #tpu.memory_space<hbm>> -> memref<64xf32, #tpu.memory_space<hbm>>
        %dma_start3A_1102 = arith.constant 0 : i32
        %dma_start3A_1103 = tpu.memref_slice %arg12[%dma_start3A_1095, %dma_start3A_1102] : memref<16x64xf32, #tpu.memory_space<vmem>> -> memref<1x64xf32, #tpu.memory_space<vmem>>
        %dma_start3A_1104 = tpu.memref_squeeze %dma_start3A_1103 : memref<1x64xf32, #tpu.memory_space<vmem>> -> memref<64xf32, #tpu.memory_space<vmem>>
        %dma_start3A_1105 = arith.constant 0 : i32
        %dma_start3A_1106 = tpu.memref_slice %arg4[%squeeze3A_1094, %dma_start3A_1105] : memref<1000000x64xf32, #tpu.memory_space<hbm>> -> memref<1x64xf32, #tpu.memory_space<hbm>>
        %dma_start3A_1107 = tpu.memref_squeeze %dma_start3A_1106 : memref<1x64xf32, #tpu.memory_space<hbm>> -> memref<64xf32, #tpu.memory_space<hbm>>
        tpu.enqueue_dma source(%dma_start3A_1107 : memref<64xf32, #tpu.memory_space<hbm>>) target(%dma_start3A_1104 : memref<64xf32, #tpu.memory_space<vmem>>) target_semaphore(%arg16 : memref<!tpu.dma_semaphore, #tpu.memory_space<semaphore_mem>>)
        %slice3A_1108 = vector.extract_strided_slice %get3A_912 {offsets = [6], sizes = [1], strides = [1]} : vector<16xi32> to vector<1xi32>
        %squeeze3A_1109 = vector.extract %slice3A_1108[0] : i32 from vector<1xi32>
        %dma_start3A_1110 = arith.constant 6 : i32
        %dma_start3A_1111 = arith.constant 0 : i32
        %dma_start3A_1112 = tpu.memref_slice %arg14[%dma_start3A_1110, %dma_start3A_1111] : memref<16x64xf32, #tpu.memory_space<vmem>> -> memref<1x64xf32, #tpu.memory_space<vmem>>
        %dma_start3A_1113 = tpu.memref_squeeze %dma_start3A_1112 : memref<1x64xf32, #tpu.memory_space<vmem>> -> memref<64xf32, #tpu.memory_space<vmem>>
        %dma_start3A_1114 = arith.constant 0 : i32
        %dma_start3A_1115 = tpu.memref_slice %arg5[%squeeze3A_1109, %dma_start3A_1114] : memref<1000000x64xf32, #tpu.memory_space<hbm>> -> memref<1x64xf32, #tpu.memory_space<hbm>>
        %dma_start3A_1116 = tpu.memref_squeeze %dma_start3A_1115 : memref<1x64xf32, #tpu.memory_space<hbm>> -> memref<64xf32, #tpu.memory_space<hbm>>
        %dma_start3A_1117 = arith.constant 0 : i32
        %dma_start3A_1118 = tpu.memref_slice %arg14[%dma_start3A_1110, %dma_start3A_1117] : memref<16x64xf32, #tpu.memory_space<vmem>> -> memref<1x64xf32, #tpu.memory_space<vmem>>
        %dma_start3A_1119 = tpu.memref_squeeze %dma_start3A_1118 : memref<1x64xf32, #tpu.memory_space<vmem>> -> memref<64xf32, #tpu.memory_space<vmem>>
        %dma_start3A_1120 = arith.constant 0 : i32
        %dma_start3A_1121 = tpu.memref_slice %arg5[%squeeze3A_1109, %dma_start3A_1120] : memref<1000000x64xf32, #tpu.memory_space<hbm>> -> memref<1x64xf32, #tpu.memory_space<hbm>>
        %dma_start3A_1122 = tpu.memref_squeeze %dma_start3A_1121 : memref<1x64xf32, #tpu.memory_space<hbm>> -> memref<64xf32, #tpu.memory_space<hbm>>
        tpu.enqueue_dma source(%dma_start3A_1122 : memref<64xf32, #tpu.memory_space<hbm>>) target(%dma_start3A_1119 : memref<64xf32, #tpu.memory_space<vmem>>) target_semaphore(%arg17 : memref<!tpu.dma_semaphore, #tpu.memory_space<semaphore_mem>>)
        %slice3A_1123 = vector.extract_strided_slice %get3A_910 {offsets = [7], sizes = [1], strides = [1]} : vector<16xi32> to vector<1xi32>
        %squeeze3A_1124 = vector.extract %slice3A_1123[0] : i32 from vector<1xi32>
        %dma_start3A_1125 = arith.constant 7 : i32
        %dma_start3A_1126 = arith.constant 0 : i32
        %dma_start3A_1127 = tpu.memref_slice %arg12[%dma_start3A_1125, %dma_start3A_1126] : memref<16x64xf32, #tpu.memory_space<vmem>> -> memref<1x64xf32, #tpu.memory_space<vmem>>
        %dma_start3A_1128 = tpu.memref_squeeze %dma_start3A_1127 : memref<1x64xf32, #tpu.memory_space<vmem>> -> memref<64xf32, #tpu.memory_space<vmem>>
        %dma_start3A_1129 = arith.constant 0 : i32
        %dma_start3A_1130 = tpu.memref_slice %arg4[%squeeze3A_1124, %dma_start3A_1129] : memref<1000000x64xf32, #tpu.memory_space<hbm>> -> memref<1x64xf32, #tpu.memory_space<hbm>>
        %dma_start3A_1131 = tpu.memref_squeeze %dma_start3A_1130 : memref<1x64xf32, #tpu.memory_space<hbm>> -> memref<64xf32, #tpu.memory_space<hbm>>
        %dma_start3A_1132 = arith.constant 0 : i32
        %dma_start3A_1133 = tpu.memref_slice %arg12[%dma_start3A_1125, %dma_start3A_1132] : memref<16x64xf32, #tpu.memory_space<vmem>> -> memref<1x64xf32, #tpu.memory_space<vmem>>
        %dma_start3A_1134 = tpu.memref_squeeze %dma_start3A_1133 : memref<1x64xf32, #tpu.memory_space<vmem>> -> memref<64xf32, #tpu.memory_space<vmem>>
        %dma_start3A_1135 = arith.constant 0 : i32
        %dma_start3A_1136 = tpu.memref_slice %arg4[%squeeze3A_1124, %dma_start3A_1135] : memref<1000000x64xf32, #tpu.memory_space<hbm>> -> memref<1x64xf32, #tpu.memory_space<hbm>>
        %dma_start3A_1137 = tpu.memref_squeeze %dma_start3A_1136 : memref<1x64xf32, #tpu.memory_space<hbm>> -> memref<64xf32, #tpu.memory_space<hbm>>
        tpu.enqueue_dma source(%dma_start3A_1137 : memref<64xf32, #tpu.memory_space<hbm>>) target(%dma_start3A_1134 : memref<64xf32, #tpu.memory_space<vmem>>) target_semaphore(%arg16 : memref<!tpu.dma_semaphore, #tpu.memory_space<semaphore_mem>>)
        %slice3A_1138 = vector.extract_strided_slice %get3A_912 {offsets = [7], sizes = [1], strides = [1]} : vector<16xi32> to vector<1xi32>
        %squeeze3A_1139 = vector.extract %slice3A_1138[0] : i32 from vector<1xi32>
        %dma_start3A_1140 = arith.constant 7 : i32
        %dma_start3A_1141 = arith.constant 0 : i32
        %dma_start3A_1142 = tpu.memref_slice %arg14[%dma_start3A_1140, %dma_start3A_1141] : memref<16x64xf32, #tpu.memory_space<vmem>> -> memref<1x64xf32, #tpu.memory_space<vmem>>
        %dma_start3A_1143 = tpu.memref_squeeze %dma_start3A_1142 : memref<1x64xf32, #tpu.memory_space<vmem>> -> memref<64xf32, #tpu.memory_space<vmem>>
        %dma_start3A_1144 = arith.constant 0 : i32
        %dma_start3A_1145 = tpu.memref_slice %arg5[%squeeze3A_1139, %dma_start3A_1144] : memref<1000000x64xf32, #tpu.memory_space<hbm>> -> memref<1x64xf32, #tpu.memory_space<hbm>>
        %dma_start3A_1146 = tpu.memref_squeeze %dma_start3A_1145 : memref<1x64xf32, #tpu.memory_space<hbm>> -> memref<64xf32, #tpu.memory_space<hbm>>
        %dma_start3A_1147 = arith.constant 0 : i32
        %dma_start3A_1148 = tpu.memref_slice %arg14[%dma_start3A_1140, %dma_start3A_1147] : memref<16x64xf32, #tpu.memory_space<vmem>> -> memref<1x64xf32, #tpu.memory_space<vmem>>
        %dma_start3A_1149 = tpu.memref_squeeze %dma_start3A_1148 : memref<1x64xf32, #tpu.memory_space<vmem>> -> memref<64xf32, #tpu.memory_space<vmem>>
        %dma_start3A_1150 = arith.constant 0 : i32
        %dma_start3A_1151 = tpu.memref_slice %arg5[%squeeze3A_1139, %dma_start3A_1150] : memref<1000000x64xf32, #tpu.memory_space<hbm>> -> memref<1x64xf32, #tpu.memory_space<hbm>>
        %dma_start3A_1152 = tpu.memref_squeeze %dma_start3A_1151 : memref<1x64xf32, #tpu.memory_space<hbm>> -> memref<64xf32, #tpu.memory_space<hbm>>
        tpu.enqueue_dma source(%dma_start3A_1152 : memref<64xf32, #tpu.memory_space<hbm>>) target(%dma_start3A_1149 : memref<64xf32, #tpu.memory_space<vmem>>) target_semaphore(%arg17 : memref<!tpu.dma_semaphore, #tpu.memory_space<semaphore_mem>>)
        %slice3A_1153 = vector.extract_strided_slice %get3A_910 {offsets = [8], sizes = [1], strides = [1]} : vector<16xi32> to vector<1xi32>
        %squeeze3A_1154 = vector.extract %slice3A_1153[0] : i32 from vector<1xi32>
        %dma_start3A_1155 = arith.constant 8 : i32
        %dma_start3A_1156 = arith.constant 0 : i32
        %dma_start3A_1157 = tpu.memref_slice %arg12[%dma_start3A_1155, %dma_start3A_1156] : memref<16x64xf32, #tpu.memory_space<vmem>> -> memref<1x64xf32, #tpu.memory_space<vmem>>
        %dma_start3A_1158 = tpu.memref_squeeze %dma_start3A_1157 : memref<1x64xf32, #tpu.memory_space<vmem>> -> memref<64xf32, #tpu.memory_space<vmem>>
        %dma_start3A_1159 = arith.constant 0 : i32
        %dma_start3A_1160 = tpu.memref_slice %arg4[%squeeze3A_1154, %dma_start3A_1159] : memref<1000000x64xf32, #tpu.memory_space<hbm>> -> memref<1x64xf32, #tpu.memory_space<hbm>>
        %dma_start3A_1161 = tpu.memref_squeeze %dma_start3A_1160 : memref<1x64xf32, #tpu.memory_space<hbm>> -> memref<64xf32, #tpu.memory_space<hbm>>
        %dma_start3A_1162 = arith.constant 0 : i32
        %dma_start3A_1163 = tpu.memref_slice %arg12[%dma_start3A_1155, %dma_start3A_1162] : memref<16x64xf32, #tpu.memory_space<vmem>> -> memref<1x64xf32, #tpu.memory_space<vmem>>
        %dma_start3A_1164 = tpu.memref_squeeze %dma_start3A_1163 : memref<1x64xf32, #tpu.memory_space<vmem>> -> memref<64xf32, #tpu.memory_space<vmem>>
        %dma_start3A_1165 = arith.constant 0 : i32
        %dma_start3A_1166 = tpu.memref_slice %arg4[%squeeze3A_1154, %dma_start3A_1165] : memref<1000000x64xf32, #tpu.memory_space<hbm>> -> memref<1x64xf32, #tpu.memory_space<hbm>>
        %dma_start3A_1167 = tpu.memref_squeeze %dma_start3A_1166 : memref<1x64xf32, #tpu.memory_space<hbm>> -> memref<64xf32, #tpu.memory_space<hbm>>
        tpu.enqueue_dma source(%dma_start3A_1167 : memref<64xf32, #tpu.memory_space<hbm>>) target(%dma_start3A_1164 : memref<64xf32, #tpu.memory_space<vmem>>) target_semaphore(%arg16 : memref<!tpu.dma_semaphore, #tpu.memory_space<semaphore_mem>>)
        %slice3A_1168 = vector.extract_strided_slice %get3A_912 {offsets = [8], sizes = [1], strides = [1]} : vector<16xi32> to vector<1xi32>
        %squeeze3A_1169 = vector.extract %slice3A_1168[0] : i32 from vector<1xi32>
        %dma_start3A_1170 = arith.constant 8 : i32
        %dma_start3A_1171 = arith.constant 0 : i32
        %dma_start3A_1172 = tpu.memref_slice %arg14[%dma_start3A_1170, %dma_start3A_1171] : memref<16x64xf32, #tpu.memory_space<vmem>> -> memref<1x64xf32, #tpu.memory_space<vmem>>
        %dma_start3A_1173 = tpu.memref_squeeze %dma_start3A_1172 : memref<1x64xf32, #tpu.memory_space<vmem>> -> memref<64xf32, #tpu.memory_space<vmem>>
        %dma_start3A_1174 = arith.constant 0 : i32
        %dma_start3A_1175 = tpu.memref_slice %arg5[%squeeze3A_1169, %dma_start3A_1174] : memref<1000000x64xf32, #tpu.memory_space<hbm>> -> memref<1x64xf32, #tpu.memory_space<hbm>>
        %dma_start3A_1176 = tpu.memref_squeeze %dma_start3A_1175 : memref<1x64xf32, #tpu.memory_space<hbm>> -> memref<64xf32, #tpu.memory_space<hbm>>
        %dma_start3A_1177 = arith.constant 0 : i32
        %dma_start3A_1178 = tpu.memref_slice %arg14[%dma_start3A_1170, %dma_start3A_1177] : memref<16x64xf32, #tpu.memory_space<vmem>> -> memref<1x64xf32, #tpu.memory_space<vmem>>
        %dma_start3A_1179 = tpu.memref_squeeze %dma_start3A_1178 : memref<1x64xf32, #tpu.memory_space<vmem>> -> memref<64xf32, #tpu.memory_space<vmem>>
        %dma_start3A_1180 = arith.constant 0 : i32
        %dma_start3A_1181 = tpu.memref_slice %arg5[%squeeze3A_1169, %dma_start3A_1180] : memref<1000000x64xf32, #tpu.memory_space<hbm>> -> memref<1x64xf32, #tpu.memory_space<hbm>>
        %dma_start3A_1182 = tpu.memref_squeeze %dma_start3A_1181 : memref<1x64xf32, #tpu.memory_space<hbm>> -> memref<64xf32, #tpu.memory_space<hbm>>
        tpu.enqueue_dma source(%dma_start3A_1182 : memref<64xf32, #tpu.memory_space<hbm>>) target(%dma_start3A_1179 : memref<64xf32, #tpu.memory_space<vmem>>) target_semaphore(%arg17 : memref<!tpu.dma_semaphore, #tpu.memory_space<semaphore_mem>>)
        %slice3A_1183 = vector.extract_strided_slice %get3A_910 {offsets = [9], sizes = [1], strides = [1]} : vector<16xi32> to vector<1xi32>
        %squeeze3A_1184 = vector.extract %slice3A_1183[0] : i32 from vector<1xi32>
        %dma_start3A_1185 = arith.constant 9 : i32
        %dma_start3A_1186 = arith.constant 0 : i32
        %dma_start3A_1187 = tpu.memref_slice %arg12[%dma_start3A_1185, %dma_start3A_1186] : memref<16x64xf32, #tpu.memory_space<vmem>> -> memref<1x64xf32, #tpu.memory_space<vmem>>
        %dma_start3A_1188 = tpu.memref_squeeze %dma_start3A_1187 : memref<1x64xf32, #tpu.memory_space<vmem>> -> memref<64xf32, #tpu.memory_space<vmem>>
        %dma_start3A_1189 = arith.constant 0 : i32
        %dma_start3A_1190 = tpu.memref_slice %arg4[%squeeze3A_1184, %dma_start3A_1189] : memref<1000000x64xf32, #tpu.memory_space<hbm>> -> memref<1x64xf32, #tpu.memory_space<hbm>>
        %dma_start3A_1191 = tpu.memref_squeeze %dma_start3A_1190 : memref<1x64xf32, #tpu.memory_space<hbm>> -> memref<64xf32, #tpu.memory_space<hbm>>
        %dma_start3A_1192 = arith.constant 0 : i32
        %dma_start3A_1193 = tpu.memref_slice %arg12[%dma_start3A_1185, %dma_start3A_1192] : memref<16x64xf32, #tpu.memory_space<vmem>> -> memref<1x64xf32, #tpu.memory_space<vmem>>
        %dma_start3A_1194 = tpu.memref_squeeze %dma_start3A_1193 : memref<1x64xf32, #tpu.memory_space<vmem>> -> memref<64xf32, #tpu.memory_space<vmem>>
        %dma_start3A_1195 = arith.constant 0 : i32
        %dma_start3A_1196 = tpu.memref_slice %arg4[%squeeze3A_1184, %dma_start3A_1195] : memref<1000000x64xf32, #tpu.memory_space<hbm>> -> memref<1x64xf32, #tpu.memory_space<hbm>>
        %dma_start3A_1197 = tpu.memref_squeeze %dma_start3A_1196 : memref<1x64xf32, #tpu.memory_space<hbm>> -> memref<64xf32, #tpu.memory_space<hbm>>
        tpu.enqueue_dma source(%dma_start3A_1197 : memref<64xf32, #tpu.memory_space<hbm>>) target(%dma_start3A_1194 : memref<64xf32, #tpu.memory_space<vmem>>) target_semaphore(%arg16 : memref<!tpu.dma_semaphore, #tpu.memory_space<semaphore_mem>>)
        %slice3A_1198 = vector.extract_strided_slice %get3A_912 {offsets = [9], sizes = [1], strides = [1]} : vector<16xi32> to vector<1xi32>
        %squeeze3A_1199 = vector.extract %slice3A_1198[0] : i32 from vector<1xi32>
        %dma_start3A_1200 = arith.constant 9 : i32
        %dma_start3A_1201 = arith.constant 0 : i32
        %dma_start3A_1202 = tpu.memref_slice %arg14[%dma_start3A_1200, %dma_start3A_1201] : memref<16x64xf32, #tpu.memory_space<vmem>> -> memref<1x64xf32, #tpu.memory_space<vmem>>
        %dma_start3A_1203 = tpu.memref_squeeze %dma_start3A_1202 : memref<1x64xf32, #tpu.memory_space<vmem>> -> memref<64xf32, #tpu.memory_space<vmem>>
        %dma_start3A_1204 = arith.constant 0 : i32
        %dma_start3A_1205 = tpu.memref_slice %arg5[%squeeze3A_1199, %dma_start3A_1204] : memref<1000000x64xf32, #tpu.memory_space<hbm>> -> memref<1x64xf32, #tpu.memory_space<hbm>>
        %dma_start3A_1206 = tpu.memref_squeeze %dma_start3A_1205 : memref<1x64xf32, #tpu.memory_space<hbm>> -> memref<64xf32, #tpu.memory_space<hbm>>
        %dma_start3A_1207 = arith.constant 0 : i32
        %dma_start3A_1208 = tpu.memref_slice %arg14[%dma_start3A_1200, %dma_start3A_1207] : memref<16x64xf32, #tpu.memory_space<vmem>> -> memref<1x64xf32, #tpu.memory_space<vmem>>
        %dma_start3A_1209 = tpu.memref_squeeze %dma_start3A_1208 : memref<1x64xf32, #tpu.memory_space<vmem>> -> memref<64xf32, #tpu.memory_space<vmem>>
        %dma_start3A_1210 = arith.constant 0 : i32
        %dma_start3A_1211 = tpu.memref_slice %arg5[%squeeze3A_1199, %dma_start3A_1210] : memref<1000000x64xf32, #tpu.memory_space<hbm>> -> memref<1x64xf32, #tpu.memory_space<hbm>>
        %dma_start3A_1212 = tpu.memref_squeeze %dma_start3A_1211 : memref<1x64xf32, #tpu.memory_space<hbm>> -> memref<64xf32, #tpu.memory_space<hbm>>
        tpu.enqueue_dma source(%dma_start3A_1212 : memref<64xf32, #tpu.memory_space<hbm>>) target(%dma_start3A_1209 : memref<64xf32, #tpu.memory_space<vmem>>) target_semaphore(%arg17 : memref<!tpu.dma_semaphore, #tpu.memory_space<semaphore_mem>>)
        %slice3A_1213 = vector.extract_strided_slice %get3A_910 {offsets = [10], sizes = [1], strides = [1]} : vector<16xi32> to vector<1xi32>
        %squeeze3A_1214 = vector.extract %slice3A_1213[0] : i32 from vector<1xi32>
        %dma_start3A_1215 = arith.constant 10 : i32
        %dma_start3A_1216 = arith.constant 0 : i32
        %dma_start3A_1217 = tpu.memref_slice %arg12[%dma_start3A_1215, %dma_start3A_1216] : memref<16x64xf32, #tpu.memory_space<vmem>> -> memref<1x64xf32, #tpu.memory_space<vmem>>
        %dma_start3A_1218 = tpu.memref_squeeze %dma_start3A_1217 : memref<1x64xf32, #tpu.memory_space<vmem>> -> memref<64xf32, #tpu.memory_space<vmem>>
        %dma_start3A_1219 = arith.constant 0 : i32
        %dma_start3A_1220 = tpu.memref_slice %arg4[%squeeze3A_1214, %dma_start3A_1219] : memref<1000000x64xf32, #tpu.memory_space<hbm>> -> memref<1x64xf32, #tpu.memory_space<hbm>>
        %dma_start3A_1221 = tpu.memref_squeeze %dma_start3A_1220 : memref<1x64xf32, #tpu.memory_space<hbm>> -> memref<64xf32, #tpu.memory_space<hbm>>
        %dma_start3A_1222 = arith.constant 0 : i32
        %dma_start3A_1223 = tpu.memref_slice %arg12[%dma_start3A_1215, %dma_start3A_1222] : memref<16x64xf32, #tpu.memory_space<vmem>> -> memref<1x64xf32, #tpu.memory_space<vmem>>
        %dma_start3A_1224 = tpu.memref_squeeze %dma_start3A_1223 : memref<1x64xf32, #tpu.memory_space<vmem>> -> memref<64xf32, #tpu.memory_space<vmem>>
        %dma_start3A_1225 = arith.constant 0 : i32
        %dma_start3A_1226 = tpu.memref_slice %arg4[%squeeze3A_1214, %dma_start3A_1225] : memref<1000000x64xf32, #tpu.memory_space<hbm>> -> memref<1x64xf32, #tpu.memory_space<hbm>>
        %dma_start3A_1227 = tpu.memref_squeeze %dma_start3A_1226 : memref<1x64xf32, #tpu.memory_space<hbm>> -> memref<64xf32, #tpu.memory_space<hbm>>
        tpu.enqueue_dma source(%dma_start3A_1227 : memref<64xf32, #tpu.memory_space<hbm>>) target(%dma_start3A_1224 : memref<64xf32, #tpu.memory_space<vmem>>) target_semaphore(%arg16 : memref<!tpu.dma_semaphore, #tpu.memory_space<semaphore_mem>>)
        %slice3A_1228 = vector.extract_strided_slice %get3A_912 {offsets = [10], sizes = [1], strides = [1]} : vector<16xi32> to vector<1xi32>
        %squeeze3A_1229 = vector.extract %slice3A_1228[0] : i32 from vector<1xi32>
        %dma_start3A_1230 = arith.constant 10 : i32
        %dma_start3A_1231 = arith.constant 0 : i32
        %dma_start3A_1232 = tpu.memref_slice %arg14[%dma_start3A_1230, %dma_start3A_1231] : memref<16x64xf32, #tpu.memory_space<vmem>> -> memref<1x64xf32, #tpu.memory_space<vmem>>
        %dma_start3A_1233 = tpu.memref_squeeze %dma_start3A_1232 : memref<1x64xf32, #tpu.memory_space<vmem>> -> memref<64xf32, #tpu.memory_space<vmem>>
        %dma_start3A_1234 = arith.constant 0 : i32
        %dma_start3A_1235 = tpu.memref_slice %arg5[%squeeze3A_1229, %dma_start3A_1234] : memref<1000000x64xf32, #tpu.memory_space<hbm>> -> memref<1x64xf32, #tpu.memory_space<hbm>>
        %dma_start3A_1236 = tpu.memref_squeeze %dma_start3A_1235 : memref<1x64xf32, #tpu.memory_space<hbm>> -> memref<64xf32, #tpu.memory_space<hbm>>
        %dma_start3A_1237 = arith.constant 0 : i32
        %dma_start3A_1238 = tpu.memref_slice %arg14[%dma_start3A_1230, %dma_start3A_1237] : memref<16x64xf32, #tpu.memory_space<vmem>> -> memref<1x64xf32, #tpu.memory_space<vmem>>
        %dma_start3A_1239 = tpu.memref_squeeze %dma_start3A_1238 : memref<1x64xf32, #tpu.memory_space<vmem>> -> memref<64xf32, #tpu.memory_space<vmem>>
        %dma_start3A_1240 = arith.constant 0 : i32
        %dma_start3A_1241 = tpu.memref_slice %arg5[%squeeze3A_1229, %dma_start3A_1240] : memref<1000000x64xf32, #tpu.memory_space<hbm>> -> memref<1x64xf32, #tpu.memory_space<hbm>>
        %dma_start3A_1242 = tpu.memref_squeeze %dma_start3A_1241 : memref<1x64xf32, #tpu.memory_space<hbm>> -> memref<64xf32, #tpu.memory_space<hbm>>
        tpu.enqueue_dma source(%dma_start3A_1242 : memref<64xf32, #tpu.memory_space<hbm>>) target(%dma_start3A_1239 : memref<64xf32, #tpu.memory_space<vmem>>) target_semaphore(%arg17 : memref<!tpu.dma_semaphore, #tpu.memory_space<semaphore_mem>>)
        %slice3A_1243 = vector.extract_strided_slice %get3A_910 {offsets = [11], sizes = [1], strides = [1]} : vector<16xi32> to vector<1xi32>
        %squeeze3A_1244 = vector.extract %slice3A_1243[0] : i32 from vector<1xi32>
        %dma_start3A_1245 = arith.constant 11 : i32
        %dma_start3A_1246 = arith.constant 0 : i32
        %dma_start3A_1247 = tpu.memref_slice %arg12[%dma_start3A_1245, %dma_start3A_1246] : memref<16x64xf32, #tpu.memory_space<vmem>> -> memref<1x64xf32, #tpu.memory_space<vmem>>
        %dma_start3A_1248 = tpu.memref_squeeze %dma_start3A_1247 : memref<1x64xf32, #tpu.memory_space<vmem>> -> memref<64xf32, #tpu.memory_space<vmem>>
        %dma_start3A_1249 = arith.constant 0 : i32
        %dma_start3A_1250 = tpu.memref_slice %arg4[%squeeze3A_1244, %dma_start3A_1249] : memref<1000000x64xf32, #tpu.memory_space<hbm>> -> memref<1x64xf32, #tpu.memory_space<hbm>>
        %dma_start3A_1251 = tpu.memref_squeeze %dma_start3A_1250 : memref<1x64xf32, #tpu.memory_space<hbm>> -> memref<64xf32, #tpu.memory_space<hbm>>
        %dma_start3A_1252 = arith.constant 0 : i32
        %dma_start3A_1253 = tpu.memref_slice %arg12[%dma_start3A_1245, %dma_start3A_1252] : memref<16x64xf32, #tpu.memory_space<vmem>> -> memref<1x64xf32, #tpu.memory_space<vmem>>
        %dma_start3A_1254 = tpu.memref_squeeze %dma_start3A_1253 : memref<1x64xf32, #tpu.memory_space<vmem>> -> memref<64xf32, #tpu.memory_space<vmem>>
        %dma_start3A_1255 = arith.constant 0 : i32
        %dma_start3A_1256 = tpu.memref_slice %arg4[%squeeze3A_1244, %dma_start3A_1255] : memref<1000000x64xf32, #tpu.memory_space<hbm>> -> memref<1x64xf32, #tpu.memory_space<hbm>>
        %dma_start3A_1257 = tpu.memref_squeeze %dma_start3A_1256 : memref<1x64xf32, #tpu.memory_space<hbm>> -> memref<64xf32, #tpu.memory_space<hbm>>
        tpu.enqueue_dma source(%dma_start3A_1257 : memref<64xf32, #tpu.memory_space<hbm>>) target(%dma_start3A_1254 : memref<64xf32, #tpu.memory_space<vmem>>) target_semaphore(%arg16 : memref<!tpu.dma_semaphore, #tpu.memory_space<semaphore_mem>>)
        %slice3A_1258 = vector.extract_strided_slice %get3A_912 {offsets = [11], sizes = [1], strides = [1]} : vector<16xi32> to vector<1xi32>
        %squeeze3A_1259 = vector.extract %slice3A_1258[0] : i32 from vector<1xi32>
        %dma_start3A_1260 = arith.constant 11 : i32
        %dma_start3A_1261 = arith.constant 0 : i32
        %dma_start3A_1262 = tpu.memref_slice %arg14[%dma_start3A_1260, %dma_start3A_1261] : memref<16x64xf32, #tpu.memory_space<vmem>> -> memref<1x64xf32, #tpu.memory_space<vmem>>
        %dma_start3A_1263 = tpu.memref_squeeze %dma_start3A_1262 : memref<1x64xf32, #tpu.memory_space<vmem>> -> memref<64xf32, #tpu.memory_space<vmem>>
        %dma_start3A_1264 = arith.constant 0 : i32
        %dma_start3A_1265 = tpu.memref_slice %arg5[%squeeze3A_1259, %dma_start3A_1264] : memref<1000000x64xf32, #tpu.memory_space<hbm>> -> memref<1x64xf32, #tpu.memory_space<hbm>>
        %dma_start3A_1266 = tpu.memref_squeeze %dma_start3A_1265 : memref<1x64xf32, #tpu.memory_space<hbm>> -> memref<64xf32, #tpu.memory_space<hbm>>
        %dma_start3A_1267 = arith.constant 0 : i32
        %dma_start3A_1268 = tpu.memref_slice %arg14[%dma_start3A_1260, %dma_start3A_1267] : memref<16x64xf32, #tpu.memory_space<vmem>> -> memref<1x64xf32, #tpu.memory_space<vmem>>
        %dma_start3A_1269 = tpu.memref_squeeze %dma_start3A_1268 : memref<1x64xf32, #tpu.memory_space<vmem>> -> memref<64xf32, #tpu.memory_space<vmem>>
        %dma_start3A_1270 = arith.constant 0 : i32
        %dma_start3A_1271 = tpu.memref_slice %arg5[%squeeze3A_1259, %dma_start3A_1270] : memref<1000000x64xf32, #tpu.memory_space<hbm>> -> memref<1x64xf32, #tpu.memory_space<hbm>>
        %dma_start3A_1272 = tpu.memref_squeeze %dma_start3A_1271 : memref<1x64xf32, #tpu.memory_space<hbm>> -> memref<64xf32, #tpu.memory_space<hbm>>
        tpu.enqueue_dma source(%dma_start3A_1272 : memref<64xf32, #tpu.memory_space<hbm>>) target(%dma_start3A_1269 : memref<64xf32, #tpu.memory_space<vmem>>) target_semaphore(%arg17 : memref<!tpu.dma_semaphore, #tpu.memory_space<semaphore_mem>>)
        %slice3A_1273 = vector.extract_strided_slice %get3A_910 {offsets = [12], sizes = [1], strides = [1]} : vector<16xi32> to vector<1xi32>
        %squeeze3A_1274 = vector.extract %slice3A_1273[0] : i32 from vector<1xi32>
        %dma_start3A_1275 = arith.constant 12 : i32
        %dma_start3A_1276 = arith.constant 0 : i32
        %dma_start3A_1277 = tpu.memref_slice %arg12[%dma_start3A_1275, %dma_start3A_1276] : memref<16x64xf32, #tpu.memory_space<vmem>> -> memref<1x64xf32, #tpu.memory_space<vmem>>
        %dma_start3A_1278 = tpu.memref_squeeze %dma_start3A_1277 : memref<1x64xf32, #tpu.memory_space<vmem>> -> memref<64xf32, #tpu.memory_space<vmem>>
        %dma_start3A_1279 = arith.constant 0 : i32
        %dma_start3A_1280 = tpu.memref_slice %arg4[%squeeze3A_1274, %dma_start3A_1279] : memref<1000000x64xf32, #tpu.memory_space<hbm>> -> memref<1x64xf32, #tpu.memory_space<hbm>>
        %dma_start3A_1281 = tpu.memref_squeeze %dma_start3A_1280 : memref<1x64xf32, #tpu.memory_space<hbm>> -> memref<64xf32, #tpu.memory_space<hbm>>
        %dma_start3A_1282 = arith.constant 0 : i32
        %dma_start3A_1283 = tpu.memref_slice %arg12[%dma_start3A_1275, %dma_start3A_1282] : memref<16x64xf32, #tpu.memory_space<vmem>> -> memref<1x64xf32, #tpu.memory_space<vmem>>
        %dma_start3A_1284 = tpu.memref_squeeze %dma_start3A_1283 : memref<1x64xf32, #tpu.memory_space<vmem>> -> memref<64xf32, #tpu.memory_space<vmem>>
        %dma_start3A_1285 = arith.constant 0 : i32
        %dma_start3A_1286 = tpu.memref_slice %arg4[%squeeze3A_1274, %dma_start3A_1285] : memref<1000000x64xf32, #tpu.memory_space<hbm>> -> memref<1x64xf32, #tpu.memory_space<hbm>>
        %dma_start3A_1287 = tpu.memref_squeeze %dma_start3A_1286 : memref<1x64xf32, #tpu.memory_space<hbm>> -> memref<64xf32, #tpu.memory_space<hbm>>
        tpu.enqueue_dma source(%dma_start3A_1287 : memref<64xf32, #tpu.memory_space<hbm>>) target(%dma_start3A_1284 : memref<64xf32, #tpu.memory_space<vmem>>) target_semaphore(%arg16 : memref<!tpu.dma_semaphore, #tpu.memory_space<semaphore_mem>>)
        %slice3A_1288 = vector.extract_strided_slice %get3A_912 {offsets = [12], sizes = [1], strides = [1]} : vector<16xi32> to vector<1xi32>
        %squeeze3A_1289 = vector.extract %slice3A_1288[0] : i32 from vector<1xi32>
        %dma_start3A_1290 = arith.constant 12 : i32
        %dma_start3A_1291 = arith.constant 0 : i32
        %dma_start3A_1292 = tpu.memref_slice %arg14[%dma_start3A_1290, %dma_start3A_1291] : memref<16x64xf32, #tpu.memory_space<vmem>> -> memref<1x64xf32, #tpu.memory_space<vmem>>
        %dma_start3A_1293 = tpu.memref_squeeze %dma_start3A_1292 : memref<1x64xf32, #tpu.memory_space<vmem>> -> memref<64xf32, #tpu.memory_space<vmem>>
        %dma_start3A_1294 = arith.constant 0 : i32
        %dma_start3A_1295 = tpu.memref_slice %arg5[%squeeze3A_1289, %dma_start3A_1294] : memref<1000000x64xf32, #tpu.memory_space<hbm>> -> memref<1x64xf32, #tpu.memory_space<hbm>>
        %dma_start3A_1296 = tpu.memref_squeeze %dma_start3A_1295 : memref<1x64xf32, #tpu.memory_space<hbm>> -> memref<64xf32, #tpu.memory_space<hbm>>
        %dma_start3A_1297 = arith.constant 0 : i32
        %dma_start3A_1298 = tpu.memref_slice %arg14[%dma_start3A_1290, %dma_start3A_1297] : memref<16x64xf32, #tpu.memory_space<vmem>> -> memref<1x64xf32, #tpu.memory_space<vmem>>
        %dma_start3A_1299 = tpu.memref_squeeze %dma_start3A_1298 : memref<1x64xf32, #tpu.memory_space<vmem>> -> memref<64xf32, #tpu.memory_space<vmem>>
        %dma_start3A_1300 = arith.constant 0 : i32
        %dma_start3A_1301 = tpu.memref_slice %arg5[%squeeze3A_1289, %dma_start3A_1300] : memref<1000000x64xf32, #tpu.memory_space<hbm>> -> memref<1x64xf32, #tpu.memory_space<hbm>>
        %dma_start3A_1302 = tpu.memref_squeeze %dma_start3A_1301 : memref<1x64xf32, #tpu.memory_space<hbm>> -> memref<64xf32, #tpu.memory_space<hbm>>
        tpu.enqueue_dma source(%dma_start3A_1302 : memref<64xf32, #tpu.memory_space<hbm>>) target(%dma_start3A_1299 : memref<64xf32, #tpu.memory_space<vmem>>) target_semaphore(%arg17 : memref<!tpu.dma_semaphore, #tpu.memory_space<semaphore_mem>>)
        %slice3A_1303 = vector.extract_strided_slice %get3A_910 {offsets = [13], sizes = [1], strides = [1]} : vector<16xi32> to vector<1xi32>
        %squeeze3A_1304 = vector.extract %slice3A_1303[0] : i32 from vector<1xi32>
        %dma_start3A_1305 = arith.constant 13 : i32
        %dma_start3A_1306 = arith.constant 0 : i32
        %dma_start3A_1307 = tpu.memref_slice %arg12[%dma_start3A_1305, %dma_start3A_1306] : memref<16x64xf32, #tpu.memory_space<vmem>> -> memref<1x64xf32, #tpu.memory_space<vmem>>
        %dma_start3A_1308 = tpu.memref_squeeze %dma_start3A_1307 : memref<1x64xf32, #tpu.memory_space<vmem>> -> memref<64xf32, #tpu.memory_space<vmem>>
        %dma_start3A_1309 = arith.constant 0 : i32
        %dma_start3A_1310 = tpu.memref_slice %arg4[%squeeze3A_1304, %dma_start3A_1309] : memref<1000000x64xf32, #tpu.memory_space<hbm>> -> memref<1x64xf32, #tpu.memory_space<hbm>>
        %dma_start3A_1311 = tpu.memref_squeeze %dma_start3A_1310 : memref<1x64xf32, #tpu.memory_space<hbm>> -> memref<64xf32, #tpu.memory_space<hbm>>
        %dma_start3A_1312 = arith.constant 0 : i32
        %dma_start3A_1313 = tpu.memref_slice %arg12[%dma_start3A_1305, %dma_start3A_1312] : memref<16x64xf32, #tpu.memory_space<vmem>> -> memref<1x64xf32, #tpu.memory_space<vmem>>
        %dma_start3A_1314 = tpu.memref_squeeze %dma_start3A_1313 : memref<1x64xf32, #tpu.memory_space<vmem>> -> memref<64xf32, #tpu.memory_space<vmem>>
        %dma_start3A_1315 = arith.constant 0 : i32
        %dma_start3A_1316 = tpu.memref_slice %arg4[%squeeze3A_1304, %dma_start3A_1315] : memref<1000000x64xf32, #tpu.memory_space<hbm>> -> memref<1x64xf32, #tpu.memory_space<hbm>>
        %dma_start3A_1317 = tpu.memref_squeeze %dma_start3A_1316 : memref<1x64xf32, #tpu.memory_space<hbm>> -> memref<64xf32, #tpu.memory_space<hbm>>
        tpu.enqueue_dma source(%dma_start3A_1317 : memref<64xf32, #tpu.memory_space<hbm>>) target(%dma_start3A_1314 : memref<64xf32, #tpu.memory_space<vmem>>) target_semaphore(%arg16 : memref<!tpu.dma_semaphore, #tpu.memory_space<semaphore_mem>>)
        %slice3A_1318 = vector.extract_strided_slice %get3A_912 {offsets = [13], sizes = [1], strides = [1]} : vector<16xi32> to vector<1xi32>
        %squeeze3A_1319 = vector.extract %slice3A_1318[0] : i32 from vector<1xi32>
        %dma_start3A_1320 = arith.constant 13 : i32
        %dma_start3A_1321 = arith.constant 0 : i32
        %dma_start3A_1322 = tpu.memref_slice %arg14[%dma_start3A_1320, %dma_start3A_1321] : memref<16x64xf32, #tpu.memory_space<vmem>> -> memref<1x64xf32, #tpu.memory_space<vmem>>
        %dma_start3A_1323 = tpu.memref_squeeze %dma_start3A_1322 : memref<1x64xf32, #tpu.memory_space<vmem>> -> memref<64xf32, #tpu.memory_space<vmem>>
        %dma_start3A_1324 = arith.constant 0 : i32
        %dma_start3A_1325 = tpu.memref_slice %arg5[%squeeze3A_1319, %dma_start3A_1324] : memref<1000000x64xf32, #tpu.memory_space<hbm>> -> memref<1x64xf32, #tpu.memory_space<hbm>>
        %dma_start3A_1326 = tpu.memref_squeeze %dma_start3A_1325 : memref<1x64xf32, #tpu.memory_space<hbm>> -> memref<64xf32, #tpu.memory_space<hbm>>
        %dma_start3A_1327 = arith.constant 0 : i32
        %dma_start3A_1328 = tpu.memref_slice %arg14[%dma_start3A_1320, %dma_start3A_1327] : memref<16x64xf32, #tpu.memory_space<vmem>> -> memref<1x64xf32, #tpu.memory_space<vmem>>
        %dma_start3A_1329 = tpu.memref_squeeze %dma_start3A_1328 : memref<1x64xf32, #tpu.memory_space<vmem>> -> memref<64xf32, #tpu.memory_space<vmem>>
        %dma_start3A_1330 = arith.constant 0 : i32
        %dma_start3A_1331 = tpu.memref_slice %arg5[%squeeze3A_1319, %dma_start3A_1330] : memref<1000000x64xf32, #tpu.memory_space<hbm>> -> memref<1x64xf32, #tpu.memory_space<hbm>>
        %dma_start3A_1332 = tpu.memref_squeeze %dma_start3A_1331 : memref<1x64xf32, #tpu.memory_space<hbm>> -> memref<64xf32, #tpu.memory_space<hbm>>
        tpu.enqueue_dma source(%dma_start3A_1332 : memref<64xf32, #tpu.memory_space<hbm>>) target(%dma_start3A_1329 : memref<64xf32, #tpu.memory_space<vmem>>) target_semaphore(%arg17 : memref<!tpu.dma_semaphore, #tpu.memory_space<semaphore_mem>>)
        %slice3A_1333 = vector.extract_strided_slice %get3A_910 {offsets = [14], sizes = [1], strides = [1]} : vector<16xi32> to vector<1xi32>
        %squeeze3A_1334 = vector.extract %slice3A_1333[0] : i32 from vector<1xi32>
        %dma_start3A_1335 = arith.constant 14 : i32
        %dma_start3A_1336 = arith.constant 0 : i32
        %dma_start3A_1337 = tpu.memref_slice %arg12[%dma_start3A_1335, %dma_start3A_1336] : memref<16x64xf32, #tpu.memory_space<vmem>> -> memref<1x64xf32, #tpu.memory_space<vmem>>
        %dma_start3A_1338 = tpu.memref_squeeze %dma_start3A_1337 : memref<1x64xf32, #tpu.memory_space<vmem>> -> memref<64xf32, #tpu.memory_space<vmem>>
        %dma_start3A_1339 = arith.constant 0 : i32
        %dma_start3A_1340 = tpu.memref_slice %arg4[%squeeze3A_1334, %dma_start3A_1339] : memref<1000000x64xf32, #tpu.memory_space<hbm>> -> memref<1x64xf32, #tpu.memory_space<hbm>>
        %dma_start3A_1341 = tpu.memref_squeeze %dma_start3A_1340 : memref<1x64xf32, #tpu.memory_space<hbm>> -> memref<64xf32, #tpu.memory_space<hbm>>
        %dma_start3A_1342 = arith.constant 0 : i32
        %dma_start3A_1343 = tpu.memref_slice %arg12[%dma_start3A_1335, %dma_start3A_1342] : memref<16x64xf32, #tpu.memory_space<vmem>> -> memref<1x64xf32, #tpu.memory_space<vmem>>
        %dma_start3A_1344 = tpu.memref_squeeze %dma_start3A_1343 : memref<1x64xf32, #tpu.memory_space<vmem>> -> memref<64xf32, #tpu.memory_space<vmem>>
        %dma_start3A_1345 = arith.constant 0 : i32
        %dma_start3A_1346 = tpu.memref_slice %arg4[%squeeze3A_1334, %dma_start3A_1345] : memref<1000000x64xf32, #tpu.memory_space<hbm>> -> memref<1x64xf32, #tpu.memory_space<hbm>>
        %dma_start3A_1347 = tpu.memref_squeeze %dma_start3A_1346 : memref<1x64xf32, #tpu.memory_space<hbm>> -> memref<64xf32, #tpu.memory_space<hbm>>
        tpu.enqueue_dma source(%dma_start3A_1347 : memref<64xf32, #tpu.memory_space<hbm>>) target(%dma_start3A_1344 : memref<64xf32, #tpu.memory_space<vmem>>) target_semaphore(%arg16 : memref<!tpu.dma_semaphore, #tpu.memory_space<semaphore_mem>>)
        %slice3A_1348 = vector.extract_strided_slice %get3A_912 {offsets = [14], sizes = [1], strides = [1]} : vector<16xi32> to vector<1xi32>
        %squeeze3A_1349 = vector.extract %slice3A_1348[0] : i32 from vector<1xi32>
        %dma_start3A_1350 = arith.constant 14 : i32
        %dma_start3A_1351 = arith.constant 0 : i32
        %dma_start3A_1352 = tpu.memref_slice %arg14[%dma_start3A_1350, %dma_start3A_1351] : memref<16x64xf32, #tpu.memory_space<vmem>> -> memref<1x64xf32, #tpu.memory_space<vmem>>
        %dma_start3A_1353 = tpu.memref_squeeze %dma_start3A_1352 : memref<1x64xf32, #tpu.memory_space<vmem>> -> memref<64xf32, #tpu.memory_space<vmem>>
        %dma_start3A_1354 = arith.constant 0 : i32
        %dma_start3A_1355 = tpu.memref_slice %arg5[%squeeze3A_1349, %dma_start3A_1354] : memref<1000000x64xf32, #tpu.memory_space<hbm>> -> memref<1x64xf32, #tpu.memory_space<hbm>>
        %dma_start3A_1356 = tpu.memref_squeeze %dma_start3A_1355 : memref<1x64xf32, #tpu.memory_space<hbm>> -> memref<64xf32, #tpu.memory_space<hbm>>
        %dma_start3A_1357 = arith.constant 0 : i32
        %dma_start3A_1358 = tpu.memref_slice %arg14[%dma_start3A_1350, %dma_start3A_1357] : memref<16x64xf32, #tpu.memory_space<vmem>> -> memref<1x64xf32, #tpu.memory_space<vmem>>
        %dma_start3A_1359 = tpu.memref_squeeze %dma_start3A_1358 : memref<1x64xf32, #tpu.memory_space<vmem>> -> memref<64xf32, #tpu.memory_space<vmem>>
        %dma_start3A_1360 = arith.constant 0 : i32
        %dma_start3A_1361 = tpu.memref_slice %arg5[%squeeze3A_1349, %dma_start3A_1360] : memref<1000000x64xf32, #tpu.memory_space<hbm>> -> memref<1x64xf32, #tpu.memory_space<hbm>>
        %dma_start3A_1362 = tpu.memref_squeeze %dma_start3A_1361 : memref<1x64xf32, #tpu.memory_space<hbm>> -> memref<64xf32, #tpu.memory_space<hbm>>
        tpu.enqueue_dma source(%dma_start3A_1362 : memref<64xf32, #tpu.memory_space<hbm>>) target(%dma_start3A_1359 : memref<64xf32, #tpu.memory_space<vmem>>) target_semaphore(%arg17 : memref<!tpu.dma_semaphore, #tpu.memory_space<semaphore_mem>>)
        %slice3A_1363 = vector.extract_strided_slice %get3A_910 {offsets = [15], sizes = [1], strides = [1]} : vector<16xi32> to vector<1xi32>
        %squeeze3A_1364 = vector.extract %slice3A_1363[0] : i32 from vector<1xi32>
        %dma_start3A_1365 = arith.constant 15 : i32
        %dma_start3A_1366 = arith.constant 0 : i32
        %dma_start3A_1367 = tpu.memref_slice %arg12[%dma_start3A_1365, %dma_start3A_1366] : memref<16x64xf32, #tpu.memory_space<vmem>> -> memref<1x64xf32, #tpu.memory_space<vmem>>
        %dma_start3A_1368 = tpu.memref_squeeze %dma_start3A_1367 : memref<1x64xf32, #tpu.memory_space<vmem>> -> memref<64xf32, #tpu.memory_space<vmem>>
        %dma_start3A_1369 = arith.constant 0 : i32
        %dma_start3A_1370 = tpu.memref_slice %arg4[%squeeze3A_1364, %dma_start3A_1369] : memref<1000000x64xf32, #tpu.memory_space<hbm>> -> memref<1x64xf32, #tpu.memory_space<hbm>>
        %dma_start3A_1371 = tpu.memref_squeeze %dma_start3A_1370 : memref<1x64xf32, #tpu.memory_space<hbm>> -> memref<64xf32, #tpu.memory_space<hbm>>
        %dma_start3A_1372 = arith.constant 0 : i32
        %dma_start3A_1373 = tpu.memref_slice %arg12[%dma_start3A_1365, %dma_start3A_1372] : memref<16x64xf32, #tpu.memory_space<vmem>> -> memref<1x64xf32, #tpu.memory_space<vmem>>
        %dma_start3A_1374 = tpu.memref_squeeze %dma_start3A_1373 : memref<1x64xf32, #tpu.memory_space<vmem>> -> memref<64xf32, #tpu.memory_space<vmem>>
        %dma_start3A_1375 = arith.constant 0 : i32
        %dma_start3A_1376 = tpu.memref_slice %arg4[%squeeze3A_1364, %dma_start3A_1375] : memref<1000000x64xf32, #tpu.memory_space<hbm>> -> memref<1x64xf32, #tpu.memory_space<hbm>>
        %dma_start3A_1377 = tpu.memref_squeeze %dma_start3A_1376 : memref<1x64xf32, #tpu.memory_space<hbm>> -> memref<64xf32, #tpu.memory_space<hbm>>
        tpu.enqueue_dma source(%dma_start3A_1377 : memref<64xf32, #tpu.memory_space<hbm>>) target(%dma_start3A_1374 : memref<64xf32, #tpu.memory_space<vmem>>) target_semaphore(%arg16 : memref<!tpu.dma_semaphore, #tpu.memory_space<semaphore_mem>>)
        %slice3A_1378 = vector.extract_strided_slice %get3A_912 {offsets = [15], sizes = [1], strides = [1]} : vector<16xi32> to vector<1xi32>
        %squeeze3A_1379 = vector.extract %slice3A_1378[0] : i32 from vector<1xi32>
        %dma_start3A_1380 = arith.constant 15 : i32
        %dma_start3A_1381 = arith.constant 0 : i32
        %dma_start3A_1382 = tpu.memref_slice %arg14[%dma_start3A_1380, %dma_start3A_1381] : memref<16x64xf32, #tpu.memory_space<vmem>> -> memref<1x64xf32, #tpu.memory_space<vmem>>
        %dma_start3A_1383 = tpu.memref_squeeze %dma_start3A_1382 : memref<1x64xf32, #tpu.memory_space<vmem>> -> memref<64xf32, #tpu.memory_space<vmem>>
        %dma_start3A_1384 = arith.constant 0 : i32
        %dma_start3A_1385 = tpu.memref_slice %arg5[%squeeze3A_1379, %dma_start3A_1384] : memref<1000000x64xf32, #tpu.memory_space<hbm>> -> memref<1x64xf32, #tpu.memory_space<hbm>>
        %dma_start3A_1386 = tpu.memref_squeeze %dma_start3A_1385 : memref<1x64xf32, #tpu.memory_space<hbm>> -> memref<64xf32, #tpu.memory_space<hbm>>
        %dma_start3A_1387 = arith.constant 0 : i32
        %dma_start3A_1388 = tpu.memref_slice %arg14[%dma_start3A_1380, %dma_start3A_1387] : memref<16x64xf32, #tpu.memory_space<vmem>> -> memref<1x64xf32, #tpu.memory_space<vmem>>
        %dma_start3A_1389 = tpu.memref_squeeze %dma_start3A_1388 : memref<1x64xf32, #tpu.memory_space<vmem>> -> memref<64xf32, #tpu.memory_space<vmem>>
        %dma_start3A_1390 = arith.constant 0 : i32
        %dma_start3A_1391 = tpu.memref_slice %arg5[%squeeze3A_1379, %dma_start3A_1390] : memref<1000000x64xf32, #tpu.memory_space<hbm>> -> memref<1x64xf32, #tpu.memory_space<hbm>>
        %dma_start3A_1392 = tpu.memref_squeeze %dma_start3A_1391 : memref<1x64xf32, #tpu.memory_space<hbm>> -> memref<64xf32, #tpu.memory_space<hbm>>
        tpu.enqueue_dma source(%dma_start3A_1392 : memref<64xf32, #tpu.memory_space<hbm>>) target(%dma_start3A_1389 : memref<64xf32, #tpu.memory_space<vmem>>) target_semaphore(%arg17 : memref<!tpu.dma_semaphore, #tpu.memory_space<semaphore_mem>>)
      } else {
      }
      %dma_wait3A = arith.constant 0 : i32
      %dma_wait3A_495 = arith.constant 0 : i32
      %dma_wait3A_496 = tpu.memref_slice %arg4[%dma_wait3A, %dma_wait3A_495] : memref<1000000x64xf32, #tpu.memory_space<hbm>> -> memref<16x64xf32, #tpu.memory_space<hbm>>
      %dma_wait3A_497 = arith.constant 0 : i32
      %dma_wait3A_498 = arith.constant 0 : i32
      %dma_wait3A_499 = tpu.memref_slice %arg4[%dma_wait3A_497, %dma_wait3A_498] : memref<1000000x64xf32, #tpu.memory_space<hbm>> -> memref<16x64xf32, #tpu.memory_space<hbm>>
      tpu.wait_dma2 semaphore(%arg16 : memref<!tpu.dma_semaphore, #tpu.memory_space<semaphore_mem>>) src(%dma_wait3A_499 : memref<16x64xf32, #tpu.memory_space<hbm>>) dst(%arg11 : memref<16x64xf32, #tpu.memory_space<vmem>>)
      %dma_wait3A_500 = arith.constant 0 : i32
      %dma_wait3A_501 = arith.constant 0 : i32
      %dma_wait3A_502 = tpu.memref_slice %arg5[%dma_wait3A_500, %dma_wait3A_501] : memref<1000000x64xf32, #tpu.memory_space<hbm>> -> memref<16x64xf32, #tpu.memory_space<hbm>>
      %dma_wait3A_503 = arith.constant 0 : i32
      %dma_wait3A_504 = arith.constant 0 : i32
      %dma_wait3A_505 = tpu.memref_slice %arg5[%dma_wait3A_503, %dma_wait3A_504] : memref<1000000x64xf32, #tpu.memory_space<hbm>> -> memref<16x64xf32, #tpu.memory_space<hbm>>
      tpu.wait_dma2 semaphore(%arg17 : memref<!tpu.dma_semaphore, #tpu.memory_space<semaphore_mem>>) src(%dma_wait3A_505 : memref<16x64xf32, #tpu.memory_space<hbm>>) dst(%arg13 : memref<16x64xf32, #tpu.memory_space<vmem>>)
      %mul3A_506 = arith.constant 16 : i32
      %mul3A_507 = arith.muli %mul3A_490, %mul3A_506 : i32
      %get3A_508 = arith.index_cast %mul3A_507 : i32 to index
      %get3A_509 = tpu.vector_load %arg10[%get3A_508] {strides = array<i32>} : memref<512xf32, #tpu.memory_space<vmem>>, vector<16xf32>,
      %broadcast_in_dim3A = arith.constant 0 : i32
      %broadcast_in_dim3A_510 = vector.broadcast %broadcast_in_dim3A : i32 to vector<16xi32>
      %gather3A = tpu.vector_load_idx %arg11[%iota3A, %broadcast_in_dim3A_510] : memref<16x64xf32, #tpu.memory_space<vmem>>[vector<16xi32>, vector<16xi32>], vector<16xf32>,
      %gather3A_511 = tpu.vector_load_idx %arg13[%iota3A, %broadcast_in_dim3A_510] : memref<16x64xf32, #tpu.memory_space<vmem>>[vector<16xi32>, vector<16xi32>], vector<16xf32>,
      %mul3A_512 = arith.mulf %gather3A, %gather3A_511 : vector<16xf32>
      %add3A_513 = arith.addf %get3A_509, %mul3A_512 : vector<16xf32>
      %broadcast_in_dim3A_514 = arith.constant 1 : i32
      %broadcast_in_dim3A_515 = vector.broadcast %broadcast_in_dim3A_514 : i32 to vector<16xi32>
      %gather3A_516 = tpu.vector_load_idx %arg11[%iota3A, %broadcast_in_dim3A_515] : memref<16x64xf32, #tpu.memory_space<vmem>>[vector<16xi32>, vector<16xi32>], vector<16xf32>,
      %gather3A_517 = tpu.vector_load_idx %arg13[%iota3A, %broadcast_in_dim3A_515] : memref<16x64xf32, #tpu.memory_space<vmem>>[vector<16xi32>, vector<16xi32>], vector<16xf32>,
      %mul3A_518 = arith.mulf %gather3A_516, %gather3A_517 : vector<16xf32>
      %add3A_519 = arith.addf %add3A_513, %mul3A_518 : vector<16xf32>
      %broadcast_in_dim3A_520 = arith.constant 2 : i32
      %broadcast_in_dim3A_521 = vector.broadcast %broadcast_in_dim3A_520 : i32 to vector<16xi32>
      %gather3A_522 = tpu.vector_load_idx %arg11[%iota3A, %broadcast_in_dim3A_521] : memref<16x64xf32, #tpu.memory_space<vmem>>[vector<16xi32>, vector<16xi32>], vector<16xf32>,
      %gather3A_523 = tpu.vector_load_idx %arg13[%iota3A, %broadcast_in_dim3A_521] : memref<16x64xf32, #tpu.memory_space<vmem>>[vector<16xi32>, vector<16xi32>], vector<16xf32>,
      %mul3A_524 = arith.mulf %gather3A_522, %gather3A_523 : vector<16xf32>
      %add3A_525 = arith.addf %add3A_519, %mul3A_524 : vector<16xf32>
      %broadcast_in_dim3A_526 = arith.constant 3 : i32
      %broadcast_in_dim3A_527 = vector.broadcast %broadcast_in_dim3A_526 : i32 to vector<16xi32>
      %gather3A_528 = tpu.vector_load_idx %arg11[%iota3A, %broadcast_in_dim3A_527] : memref<16x64xf32, #tpu.memory_space<vmem>>[vector<16xi32>, vector<16xi32>], vector<16xf32>,
      %gather3A_529 = tpu.vector_load_idx %arg13[%iota3A, %broadcast_in_dim3A_527] : memref<16x64xf32, #tpu.memory_space<vmem>>[vector<16xi32>, vector<16xi32>], vector<16xf32>,
      %mul3A_530 = arith.mulf %gather3A_528, %gather3A_529 : vector<16xf32>
      %add3A_531 = arith.addf %add3A_525, %mul3A_530 : vector<16xf32>
      %broadcast_in_dim3A_532 = arith.constant 4 : i32
      %broadcast_in_dim3A_533 = vector.broadcast %broadcast_in_dim3A_532 : i32 to vector<16xi32>
      %gather3A_534 = tpu.vector_load_idx %arg11[%iota3A, %broadcast_in_dim3A_533] : memref<16x64xf32, #tpu.memory_space<vmem>>[vector<16xi32>, vector<16xi32>], vector<16xf32>,
      %gather3A_535 = tpu.vector_load_idx %arg13[%iota3A, %broadcast_in_dim3A_533] : memref<16x64xf32, #tpu.memory_space<vmem>>[vector<16xi32>, vector<16xi32>], vector<16xf32>,
      %mul3A_536 = arith.mulf %gather3A_534, %gather3A_535 : vector<16xf32>
      %add3A_537 = arith.addf %add3A_531, %mul3A_536 : vector<16xf32>
      %broadcast_in_dim3A_538 = arith.constant 5 : i32
      %broadcast_in_dim3A_539 = vector.broadcast %broadcast_in_dim3A_538 : i32 to vector<16xi32>
      %gather3A_540 = tpu.vector_load_idx %arg11[%iota3A, %broadcast_in_dim3A_539] : memref<16x64xf32, #tpu.memory_space<vmem>>[vector<16xi32>, vector<16xi32>], vector<16xf32>,
      %gather3A_541 = tpu.vector_load_idx %arg13[%iota3A, %broadcast_in_dim3A_539] : memref<16x64xf32, #tpu.memory_space<vmem>>[vector<16xi32>, vector<16xi32>], vector<16xf32>,
      %mul3A_542 = arith.mulf %gather3A_540, %gather3A_541 : vector<16xf32>
      %add3A_543 = arith.addf %add3A_537, %mul3A_542 : vector<16xf32>
      %broadcast_in_dim3A_544 = arith.constant 6 : i32
      %broadcast_in_dim3A_545 = vector.broadcast %broadcast_in_dim3A_544 : i32 to vector<16xi32>
      %gather3A_546 = tpu.vector_load_idx %arg11[%iota3A, %broadcast_in_dim3A_545] : memref<16x64xf32, #tpu.memory_space<vmem>>[vector<16xi32>, vector<16xi32>], vector<16xf32>,
      %gather3A_547 = tpu.vector_load_idx %arg13[%iota3A, %broadcast_in_dim3A_545] : memref<16x64xf32, #tpu.memory_space<vmem>>[vector<16xi32>, vector<16xi32>], vector<16xf32>,
      %mul3A_548 = arith.mulf %gather3A_546, %gather3A_547 : vector<16xf32>
      %add3A_549 = arith.addf %add3A_543, %mul3A_548 : vector<16xf32>
      %broadcast_in_dim3A_550 = arith.constant 7 : i32
      %broadcast_in_dim3A_551 = vector.broadcast %broadcast_in_dim3A_550 : i32 to vector<16xi32>
      %gather3A_552 = tpu.vector_load_idx %arg11[%iota3A, %broadcast_in_dim3A_551] : memref<16x64xf32, #tpu.memory_space<vmem>>[vector<16xi32>, vector<16xi32>], vector<16xf32>,
      %gather3A_553 = tpu.vector_load_idx %arg13[%iota3A, %broadcast_in_dim3A_551] : memref<16x64xf32, #tpu.memory_space<vmem>>[vector<16xi32>, vector<16xi32>], vector<16xf32>,
      %mul3A_554 = arith.mulf %gather3A_552, %gather3A_553 : vector<16xf32>
      %add3A_555 = arith.addf %add3A_549, %mul3A_554 : vector<16xf32>
      %broadcast_in_dim3A_556 = arith.constant 8 : i32
      %broadcast_in_dim3A_557 = vector.broadcast %broadcast_in_dim3A_556 : i32 to vector<16xi32>
      %gather3A_558 = tpu.vector_load_idx %arg11[%iota3A, %broadcast_in_dim3A_557] : memref<16x64xf32, #tpu.memory_space<vmem>>[vector<16xi32>, vector<16xi32>], vector<16xf32>,
      %gather3A_559 = tpu.vector_load_idx %arg13[%iota3A, %broadcast_in_dim3A_557] : memref<16x64xf32, #tpu.memory_space<vmem>>[vector<16xi32>, vector<16xi32>], vector<16xf32>,
      %mul3A_560 = arith.mulf %gather3A_558, %gather3A_559 : vector<16xf32>
      %add3A_561 = arith.addf %add3A_555, %mul3A_560 : vector<16xf32>
      %broadcast_in_dim3A_562 = arith.constant 9 : i32
      %broadcast_in_dim3A_563 = vector.broadcast %broadcast_in_dim3A_562 : i32 to vector<16xi32>
      %gather3A_564 = tpu.vector_load_idx %arg11[%iota3A, %broadcast_in_dim3A_563] : memref<16x64xf32, #tpu.memory_space<vmem>>[vector<16xi32>, vector<16xi32>], vector<16xf32>,
      %gather3A_565 = tpu.vector_load_idx %arg13[%iota3A, %broadcast_in_dim3A_563] : memref<16x64xf32, #tpu.memory_space<vmem>>[vector<16xi32>, vector<16xi32>], vector<16xf32>,
      %mul3A_566 = arith.mulf %gather3A_564, %gather3A_565 : vector<16xf32>
      %add3A_567 = arith.addf %add3A_561, %mul3A_566 : vector<16xf32>
      %broadcast_in_dim3A_568 = arith.constant 10 : i32
      %broadcast_in_dim3A_569 = vector.broadcast %broadcast_in_dim3A_568 : i32 to vector<16xi32>
      %gather3A_570 = tpu.vector_load_idx %arg11[%iota3A, %broadcast_in_dim3A_569] : memref<16x64xf32, #tpu.memory_space<vmem>>[vector<16xi32>, vector<16xi32>], vector<16xf32>,
      %gather3A_571 = tpu.vector_load_idx %arg13[%iota3A, %broadcast_in_dim3A_569] : memref<16x64xf32, #tpu.memory_space<vmem>>[vector<16xi32>, vector<16xi32>], vector<16xf32>,
      %mul3A_572 = arith.mulf %gather3A_570, %gather3A_571 : vector<16xf32>
      %add3A_573 = arith.addf %add3A_567, %mul3A_572 : vector<16xf32>
      %broadcast_in_dim3A_574 = arith.constant 11 : i32
      %broadcast_in_dim3A_575 = vector.broadcast %broadcast_in_dim3A_574 : i32 to vector<16xi32>
      %gather3A_576 = tpu.vector_load_idx %arg11[%iota3A, %broadcast_in_dim3A_575] : memref<16x64xf32, #tpu.memory_space<vmem>>[vector<16xi32>, vector<16xi32>], vector<16xf32>,
      %gather3A_577 = tpu.vector_load_idx %arg13[%iota3A, %broadcast_in_dim3A_575] : memref<16x64xf32, #tpu.memory_space<vmem>>[vector<16xi32>, vector<16xi32>], vector<16xf32>,
      %mul3A_578 = arith.mulf %gather3A_576, %gather3A_577 : vector<16xf32>
      %add3A_579 = arith.addf %add3A_573, %mul3A_578 : vector<16xf32>
      %broadcast_in_dim3A_580 = arith.constant 12 : i32
      %broadcast_in_dim3A_581 = vector.broadcast %broadcast_in_dim3A_580 : i32 to vector<16xi32>
      %gather3A_582 = tpu.vector_load_idx %arg11[%iota3A, %broadcast_in_dim3A_581] : memref<16x64xf32, #tpu.memory_space<vmem>>[vector<16xi32>, vector<16xi32>], vector<16xf32>,
      %gather3A_583 = tpu.vector_load_idx %arg13[%iota3A, %broadcast_in_dim3A_581] : memref<16x64xf32, #tpu.memory_space<vmem>>[vector<16xi32>, vector<16xi32>], vector<16xf32>,
      %mul3A_584 = arith.mulf %gather3A_582, %gather3A_583 : vector<16xf32>
      %add3A_585 = arith.addf %add3A_579, %mul3A_584 : vector<16xf32>
      %broadcast_in_dim3A_586 = arith.constant 13 : i32
      %broadcast_in_dim3A_587 = vector.broadcast %broadcast_in_dim3A_586 : i32 to vector<16xi32>
      %gather3A_588 = tpu.vector_load_idx %arg11[%iota3A, %broadcast_in_dim3A_587] : memref<16x64xf32, #tpu.memory_space<vmem>>[vector<16xi32>, vector<16xi32>], vector<16xf32>,
      %gather3A_589 = tpu.vector_load_idx %arg13[%iota3A, %broadcast_in_dim3A_587] : memref<16x64xf32, #tpu.memory_space<vmem>>[vector<16xi32>, vector<16xi32>], vector<16xf32>,
      %mul3A_590 = arith.mulf %gather3A_588, %gather3A_589 : vector<16xf32>
      %add3A_591 = arith.addf %add3A_585, %mul3A_590 : vector<16xf32>
      %broadcast_in_dim3A_592 = arith.constant 14 : i32
      %broadcast_in_dim3A_593 = vector.broadcast %broadcast_in_dim3A_592 : i32 to vector<16xi32>
      %gather3A_594 = tpu.vector_load_idx %arg11[%iota3A, %broadcast_in_dim3A_593] : memref<16x64xf32, #tpu.memory_space<vmem>>[vector<16xi32>, vector<16xi32>], vector<16xf32>,
      %gather3A_595 = tpu.vector_load_idx %arg13[%iota3A, %broadcast_in_dim3A_593] : memref<16x64xf32, #tpu.memory_space<vmem>>[vector<16xi32>, vector<16xi32>], vector<16xf32>,
      %mul3A_596 = arith.mulf %gather3A_594, %gather3A_595 : vector<16xf32>
      %add3A_597 = arith.addf %add3A_591, %mul3A_596 : vector<16xf32>
      %broadcast_in_dim3A_598 = arith.constant 15 : i32
      %broadcast_in_dim3A_599 = vector.broadcast %broadcast_in_dim3A_598 : i32 to vector<16xi32>
      %gather3A_600 = tpu.vector_load_idx %arg11[%iota3A, %broadcast_in_dim3A_599] : memref<16x64xf32, #tpu.memory_space<vmem>>[vector<16xi32>, vector<16xi32>], vector<16xf32>,
      %gather3A_601 = tpu.vector_load_idx %arg13[%iota3A, %broadcast_in_dim3A_599] : memref<16x64xf32, #tpu.memory_space<vmem>>[vector<16xi32>, vector<16xi32>], vector<16xf32>,
      %mul3A_602 = arith.mulf %gather3A_600, %gather3A_601 : vector<16xf32>
      %add3A_603 = arith.addf %add3A_597, %mul3A_602 : vector<16xf32>
      %broadcast_in_dim3A_604 = arith.constant 16 : i32
      %broadcast_in_dim3A_605 = vector.broadcast %broadcast_in_dim3A_604 : i32 to vector<16xi32>
      %gather3A_606 = tpu.vector_load_idx %arg11[%iota3A, %broadcast_in_dim3A_605] : memref<16x64xf32, #tpu.memory_space<vmem>>[vector<16xi32>, vector<16xi32>], vector<16xf32>,
      %gather3A_607 = tpu.vector_load_idx %arg13[%iota3A, %broadcast_in_dim3A_605] : memref<16x64xf32, #tpu.memory_space<vmem>>[vector<16xi32>, vector<16xi32>], vector<16xf32>,
      %mul3A_608 = arith.mulf %gather3A_606, %gather3A_607 : vector<16xf32>
      %add3A_609 = arith.addf %add3A_603, %mul3A_608 : vector<16xf32>
      %broadcast_in_dim3A_610 = arith.constant 17 : i32
      %broadcast_in_dim3A_611 = vector.broadcast %broadcast_in_dim3A_610 : i32 to vector<16xi32>
      %gather3A_612 = tpu.vector_load_idx %arg11[%iota3A, %broadcast_in_dim3A_611] : memref<16x64xf32, #tpu.memory_space<vmem>>[vector<16xi32>, vector<16xi32>], vector<16xf32>,
      %gather3A_613 = tpu.vector_load_idx %arg13[%iota3A, %broadcast_in_dim3A_611] : memref<16x64xf32, #tpu.memory_space<vmem>>[vector<16xi32>, vector<16xi32>], vector<16xf32>,
      %mul3A_614 = arith.mulf %gather3A_612, %gather3A_613 : vector<16xf32>
      %add3A_615 = arith.addf %add3A_609, %mul3A_614 : vector<16xf32>
      %broadcast_in_dim3A_616 = arith.constant 18 : i32
      %broadcast_in_dim3A_617 = vector.broadcast %broadcast_in_dim3A_616 : i32 to vector<16xi32>
      %gather3A_618 = tpu.vector_load_idx %arg11[%iota3A, %broadcast_in_dim3A_617] : memref<16x64xf32, #tpu.memory_space<vmem>>[vector<16xi32>, vector<16xi32>], vector<16xf32>,
      %gather3A_619 = tpu.vector_load_idx %arg13[%iota3A, %broadcast_in_dim3A_617] : memref<16x64xf32, #tpu.memory_space<vmem>>[vector<16xi32>, vector<16xi32>], vector<16xf32>,
      %mul3A_620 = arith.mulf %gather3A_618, %gather3A_619 : vector<16xf32>
      %add3A_621 = arith.addf %add3A_615, %mul3A_620 : vector<16xf32>
      %broadcast_in_dim3A_622 = arith.constant 19 : i32
      %broadcast_in_dim3A_623 = vector.broadcast %broadcast_in_dim3A_622 : i32 to vector<16xi32>
      %gather3A_624 = tpu.vector_load_idx %arg11[%iota3A, %broadcast_in_dim3A_623] : memref<16x64xf32, #tpu.memory_space<vmem>>[vector<16xi32>, vector<16xi32>], vector<16xf32>,
      %gather3A_625 = tpu.vector_load_idx %arg13[%iota3A, %broadcast_in_dim3A_623] : memref<16x64xf32, #tpu.memory_space<vmem>>[vector<16xi32>, vector<16xi32>], vector<16xf32>,
      %mul3A_626 = arith.mulf %gather3A_624, %gather3A_625 : vector<16xf32>
      %add3A_627 = arith.addf %add3A_621, %mul3A_626 : vector<16xf32>
      %broadcast_in_dim3A_628 = arith.constant 20 : i32
      %broadcast_in_dim3A_629 = vector.broadcast %broadcast_in_dim3A_628 : i32 to vector<16xi32>
      %gather3A_630 = tpu.vector_load_idx %arg11[%iota3A, %broadcast_in_dim3A_629] : memref<16x64xf32, #tpu.memory_space<vmem>>[vector<16xi32>, vector<16xi32>], vector<16xf32>,
      %gather3A_631 = tpu.vector_load_idx %arg13[%iota3A, %broadcast_in_dim3A_629] : memref<16x64xf32, #tpu.memory_space<vmem>>[vector<16xi32>, vector<16xi32>], vector<16xf32>,
      %mul3A_632 = arith.mulf %gather3A_630, %gather3A_631 : vector<16xf32>
      %add3A_633 = arith.addf %add3A_627, %mul3A_632 : vector<16xf32>
      %broadcast_in_dim3A_634 = arith.constant 21 : i32
      %broadcast_in_dim3A_635 = vector.broadcast %broadcast_in_dim3A_634 : i32 to vector<16xi32>
      %gather3A_636 = tpu.vector_load_idx %arg11[%iota3A, %broadcast_in_dim3A_635] : memref<16x64xf32, #tpu.memory_space<vmem>>[vector<16xi32>, vector<16xi32>], vector<16xf32>,
      %gather3A_637 = tpu.vector_load_idx %arg13[%iota3A, %broadcast_in_dim3A_635] : memref<16x64xf32, #tpu.memory_space<vmem>>[vector<16xi32>, vector<16xi32>], vector<16xf32>,
      %mul3A_638 = arith.mulf %gather3A_636, %gather3A_637 : vector<16xf32>
      %add3A_639 = arith.addf %add3A_633, %mul3A_638 : vector<16xf32>
      %broadcast_in_dim3A_640 = arith.constant 22 : i32
      %broadcast_in_dim3A_641 = vector.broadcast %broadcast_in_dim3A_640 : i32 to vector<16xi32>
      %gather3A_642 = tpu.vector_load_idx %arg11[%iota3A, %broadcast_in_dim3A_641] : memref<16x64xf32, #tpu.memory_space<vmem>>[vector<16xi32>, vector<16xi32>], vector<16xf32>,
      %gather3A_643 = tpu.vector_load_idx %arg13[%iota3A, %broadcast_in_dim3A_641] : memref<16x64xf32, #tpu.memory_space<vmem>>[vector<16xi32>, vector<16xi32>], vector<16xf32>,
      %mul3A_644 = arith.mulf %gather3A_642, %gather3A_643 : vector<16xf32>
      %add3A_645 = arith.addf %add3A_639, %mul3A_644 : vector<16xf32>
      %broadcast_in_dim3A_646 = arith.constant 23 : i32
      %broadcast_in_dim3A_647 = vector.broadcast %broadcast_in_dim3A_646 : i32 to vector<16xi32>
      %gather3A_648 = tpu.vector_load_idx %arg11[%iota3A, %broadcast_in_dim3A_647] : memref<16x64xf32, #tpu.memory_space<vmem>>[vector<16xi32>, vector<16xi32>], vector<16xf32>,
      %gather3A_649 = tpu.vector_load_idx %arg13[%iota3A, %broadcast_in_dim3A_647] : memref<16x64xf32, #tpu.memory_space<vmem>>[vector<16xi32>, vector<16xi32>], vector<16xf32>,
      %mul3A_650 = arith.mulf %gather3A_648, %gather3A_649 : vector<16xf32>
      %add3A_651 = arith.addf %add3A_645, %mul3A_650 : vector<16xf32>
      %broadcast_in_dim3A_652 = arith.constant 24 : i32
      %broadcast_in_dim3A_653 = vector.broadcast %broadcast_in_dim3A_652 : i32 to vector<16xi32>
      %gather3A_654 = tpu.vector_load_idx %arg11[%iota3A, %broadcast_in_dim3A_653] : memref<16x64xf32, #tpu.memory_space<vmem>>[vector<16xi32>, vector<16xi32>], vector<16xf32>,
      %gather3A_655 = tpu.vector_load_idx %arg13[%iota3A, %broadcast_in_dim3A_653] : memref<16x64xf32, #tpu.memory_space<vmem>>[vector<16xi32>, vector<16xi32>], vector<16xf32>,
      %mul3A_656 = arith.mulf %gather3A_654, %gather3A_655 : vector<16xf32>
      %add3A_657 = arith.addf %add3A_651, %mul3A_656 : vector<16xf32>
      %broadcast_in_dim3A_658 = arith.constant 25 : i32
      %broadcast_in_dim3A_659 = vector.broadcast %broadcast_in_dim3A_658 : i32 to vector<16xi32>
      %gather3A_660 = tpu.vector_load_idx %arg11[%iota3A, %broadcast_in_dim3A_659] : memref<16x64xf32, #tpu.memory_space<vmem>>[vector<16xi32>, vector<16xi32>], vector<16xf32>,
      %gather3A_661 = tpu.vector_load_idx %arg13[%iota3A, %broadcast_in_dim3A_659] : memref<16x64xf32, #tpu.memory_space<vmem>>[vector<16xi32>, vector<16xi32>], vector<16xf32>,
      %mul3A_662 = arith.mulf %gather3A_660, %gather3A_661 : vector<16xf32>
      %add3A_663 = arith.addf %add3A_657, %mul3A_662 : vector<16xf32>
      %broadcast_in_dim3A_664 = arith.constant 26 : i32
      %broadcast_in_dim3A_665 = vector.broadcast %broadcast_in_dim3A_664 : i32 to vector<16xi32>
      %gather3A_666 = tpu.vector_load_idx %arg11[%iota3A, %broadcast_in_dim3A_665] : memref<16x64xf32, #tpu.memory_space<vmem>>[vector<16xi32>, vector<16xi32>], vector<16xf32>,
      %gather3A_667 = tpu.vector_load_idx %arg13[%iota3A, %broadcast_in_dim3A_665] : memref<16x64xf32, #tpu.memory_space<vmem>>[vector<16xi32>, vector<16xi32>], vector<16xf32>,
      %mul3A_668 = arith.mulf %gather3A_666, %gather3A_667 : vector<16xf32>
      %add3A_669 = arith.addf %add3A_663, %mul3A_668 : vector<16xf32>
      %broadcast_in_dim3A_670 = arith.constant 27 : i32
      %broadcast_in_dim3A_671 = vector.broadcast %broadcast_in_dim3A_670 : i32 to vector<16xi32>
      %gather3A_672 = tpu.vector_load_idx %arg11[%iota3A, %broadcast_in_dim3A_671] : memref<16x64xf32, #tpu.memory_space<vmem>>[vector<16xi32>, vector<16xi32>], vector<16xf32>,
      %gather3A_673 = tpu.vector_load_idx %arg13[%iota3A, %broadcast_in_dim3A_671] : memref<16x64xf32, #tpu.memory_space<vmem>>[vector<16xi32>, vector<16xi32>], vector<16xf32>,
      %mul3A_674 = arith.mulf %gather3A_672, %gather3A_673 : vector<16xf32>
      %add3A_675 = arith.addf %add3A_669, %mul3A_674 : vector<16xf32>
      %broadcast_in_dim3A_676 = arith.constant 28 : i32
      %broadcast_in_dim3A_677 = vector.broadcast %broadcast_in_dim3A_676 : i32 to vector<16xi32>
      %gather3A_678 = tpu.vector_load_idx %arg11[%iota3A, %broadcast_in_dim3A_677] : memref<16x64xf32, #tpu.memory_space<vmem>>[vector<16xi32>, vector<16xi32>], vector<16xf32>,
      %gather3A_679 = tpu.vector_load_idx %arg13[%iota3A, %broadcast_in_dim3A_677] : memref<16x64xf32, #tpu.memory_space<vmem>>[vector<16xi32>, vector<16xi32>], vector<16xf32>,
      %mul3A_680 = arith.mulf %gather3A_678, %gather3A_679 : vector<16xf32>
      %add3A_681 = arith.addf %add3A_675, %mul3A_680 : vector<16xf32>
      %broadcast_in_dim3A_682 = arith.constant 29 : i32
      %broadcast_in_dim3A_683 = vector.broadcast %broadcast_in_dim3A_682 : i32 to vector<16xi32>
      %gather3A_684 = tpu.vector_load_idx %arg11[%iota3A, %broadcast_in_dim3A_683] : memref<16x64xf32, #tpu.memory_space<vmem>>[vector<16xi32>, vector<16xi32>], vector<16xf32>,
      %gather3A_685 = tpu.vector_load_idx %arg13[%iota3A, %broadcast_in_dim3A_683] : memref<16x64xf32, #tpu.memory_space<vmem>>[vector<16xi32>, vector<16xi32>], vector<16xf32>,
      %mul3A_686 = arith.mulf %gather3A_684, %gather3A_685 : vector<16xf32>
      %add3A_687 = arith.addf %add3A_681, %mul3A_686 : vector<16xf32>
      %broadcast_in_dim3A_688 = arith.constant 30 : i32
      %broadcast_in_dim3A_689 = vector.broadcast %broadcast_in_dim3A_688 : i32 to vector<16xi32>
      %gather3A_690 = tpu.vector_load_idx %arg11[%iota3A, %broadcast_in_dim3A_689] : memref<16x64xf32, #tpu.memory_space<vmem>>[vector<16xi32>, vector<16xi32>], vector<16xf32>,
      %gather3A_691 = tpu.vector_load_idx %arg13[%iota3A, %broadcast_in_dim3A_689] : memref<16x64xf32, #tpu.memory_space<vmem>>[vector<16xi32>, vector<16xi32>], vector<16xf32>,
      %mul3A_692 = arith.mulf %gather3A_690, %gather3A_691 : vector<16xf32>
      %add3A_693 = arith.addf %add3A_687, %mul3A_692 : vector<16xf32>
      %broadcast_in_dim3A_694 = arith.constant 31 : i32
      %broadcast_in_dim3A_695 = vector.broadcast %broadcast_in_dim3A_694 : i32 to vector<16xi32>
      %gather3A_696 = tpu.vector_load_idx %arg11[%iota3A, %broadcast_in_dim3A_695] : memref<16x64xf32, #tpu.memory_space<vmem>>[vector<16xi32>, vector<16xi32>], vector<16xf32>,
      %gather3A_697 = tpu.vector_load_idx %arg13[%iota3A, %broadcast_in_dim3A_695] : memref<16x64xf32, #tpu.memory_space<vmem>>[vector<16xi32>, vector<16xi32>], vector<16xf32>,
      %mul3A_698 = arith.mulf %gather3A_696, %gather3A_697 : vector<16xf32>
      %add3A_699 = arith.addf %add3A_693, %mul3A_698 : vector<16xf32>
      %broadcast_in_dim3A_700 = arith.constant 32 : i32
      %broadcast_in_dim3A_701 = vector.broadcast %broadcast_in_dim3A_700 : i32 to vector<16xi32>
      %gather3A_702 = tpu.vector_load_idx %arg11[%iota3A, %broadcast_in_dim3A_701] : memref<16x64xf32, #tpu.memory_space<vmem>>[vector<16xi32>, vector<16xi32>], vector<16xf32>,
      %gather3A_703 = tpu.vector_load_idx %arg13[%iota3A, %broadcast_in_dim3A_701] : memref<16x64xf32, #tpu.memory_space<vmem>>[vector<16xi32>, vector<16xi32>], vector<16xf32>,
      %mul3A_704 = arith.mulf %gather3A_702, %gather3A_703 : vector<16xf32>
      %add3A_705 = arith.addf %add3A_699, %mul3A_704 : vector<16xf32>
      %broadcast_in_dim3A_706 = arith.constant 33 : i32
      %broadcast_in_dim3A_707 = vector.broadcast %broadcast_in_dim3A_706 : i32 to vector<16xi32>
      %gather3A_708 = tpu.vector_load_idx %arg11[%iota3A, %broadcast_in_dim3A_707] : memref<16x64xf32, #tpu.memory_space<vmem>>[vector<16xi32>, vector<16xi32>], vector<16xf32>,
      %gather3A_709 = tpu.vector_load_idx %arg13[%iota3A, %broadcast_in_dim3A_707] : memref<16x64xf32, #tpu.memory_space<vmem>>[vector<16xi32>, vector<16xi32>], vector<16xf32>,
      %mul3A_710 = arith.mulf %gather3A_708, %gather3A_709 : vector<16xf32>
      %add3A_711 = arith.addf %add3A_705, %mul3A_710 : vector<16xf32>
      %broadcast_in_dim3A_712 = arith.constant 34 : i32
      %broadcast_in_dim3A_713 = vector.broadcast %broadcast_in_dim3A_712 : i32 to vector<16xi32>
      %gather3A_714 = tpu.vector_load_idx %arg11[%iota3A, %broadcast_in_dim3A_713] : memref<16x64xf32, #tpu.memory_space<vmem>>[vector<16xi32>, vector<16xi32>], vector<16xf32>,
      %gather3A_715 = tpu.vector_load_idx %arg13[%iota3A, %broadcast_in_dim3A_713] : memref<16x64xf32, #tpu.memory_space<vmem>>[vector<16xi32>, vector<16xi32>], vector<16xf32>,
      %mul3A_716 = arith.mulf %gather3A_714, %gather3A_715 : vector<16xf32>
      %add3A_717 = arith.addf %add3A_711, %mul3A_716 : vector<16xf32>
      %broadcast_in_dim3A_718 = arith.constant 35 : i32
      %broadcast_in_dim3A_719 = vector.broadcast %broadcast_in_dim3A_718 : i32 to vector<16xi32>
      %gather3A_720 = tpu.vector_load_idx %arg11[%iota3A, %broadcast_in_dim3A_719] : memref<16x64xf32, #tpu.memory_space<vmem>>[vector<16xi32>, vector<16xi32>], vector<16xf32>,
      %gather3A_721 = tpu.vector_load_idx %arg13[%iota3A, %broadcast_in_dim3A_719] : memref<16x64xf32, #tpu.memory_space<vmem>>[vector<16xi32>, vector<16xi32>], vector<16xf32>,
      %mul3A_722 = arith.mulf %gather3A_720, %gather3A_721 : vector<16xf32>
      %add3A_723 = arith.addf %add3A_717, %mul3A_722 : vector<16xf32>
      %broadcast_in_dim3A_724 = arith.constant 36 : i32
      %broadcast_in_dim3A_725 = vector.broadcast %broadcast_in_dim3A_724 : i32 to vector<16xi32>
      %gather3A_726 = tpu.vector_load_idx %arg11[%iota3A, %broadcast_in_dim3A_725] : memref<16x64xf32, #tpu.memory_space<vmem>>[vector<16xi32>, vector<16xi32>], vector<16xf32>,
      %gather3A_727 = tpu.vector_load_idx %arg13[%iota3A, %broadcast_in_dim3A_725] : memref<16x64xf32, #tpu.memory_space<vmem>>[vector<16xi32>, vector<16xi32>], vector<16xf32>,
      %mul3A_728 = arith.mulf %gather3A_726, %gather3A_727 : vector<16xf32>
      %add3A_729 = arith.addf %add3A_723, %mul3A_728 : vector<16xf32>
      %broadcast_in_dim3A_730 = arith.constant 37 : i32
      %broadcast_in_dim3A_731 = vector.broadcast %broadcast_in_dim3A_730 : i32 to vector<16xi32>
      %gather3A_732 = tpu.vector_load_idx %arg11[%iota3A, %broadcast_in_dim3A_731] : memref<16x64xf32, #tpu.memory_space<vmem>>[vector<16xi32>, vector<16xi32>], vector<16xf32>,
      %gather3A_733 = tpu.vector_load_idx %arg13[%iota3A, %broadcast_in_dim3A_731] : memref<16x64xf32, #tpu.memory_space<vmem>>[vector<16xi32>, vector<16xi32>], vector<16xf32>,
      %mul3A_734 = arith.mulf %gather3A_732, %gather3A_733 : vector<16xf32>
      %add3A_735 = arith.addf %add3A_729, %mul3A_734 : vector<16xf32>
      %broadcast_in_dim3A_736 = arith.constant 38 : i32
      %broadcast_in_dim3A_737 = vector.broadcast %broadcast_in_dim3A_736 : i32 to vector<16xi32>
      %gather3A_738 = tpu.vector_load_idx %arg11[%iota3A, %broadcast_in_dim3A_737] : memref<16x64xf32, #tpu.memory_space<vmem>>[vector<16xi32>, vector<16xi32>], vector<16xf32>,
      %gather3A_739 = tpu.vector_load_idx %arg13[%iota3A, %broadcast_in_dim3A_737] : memref<16x64xf32, #tpu.memory_space<vmem>>[vector<16xi32>, vector<16xi32>], vector<16xf32>,
      %mul3A_740 = arith.mulf %gather3A_738, %gather3A_739 : vector<16xf32>
      %add3A_741 = arith.addf %add3A_735, %mul3A_740 : vector<16xf32>
      %broadcast_in_dim3A_742 = arith.constant 39 : i32
      %broadcast_in_dim3A_743 = vector.broadcast %broadcast_in_dim3A_742 : i32 to vector<16xi32>
      %gather3A_744 = tpu.vector_load_idx %arg11[%iota3A, %broadcast_in_dim3A_743] : memref<16x64xf32, #tpu.memory_space<vmem>>[vector<16xi32>, vector<16xi32>], vector<16xf32>,
      %gather3A_745 = tpu.vector_load_idx %arg13[%iota3A, %broadcast_in_dim3A_743] : memref<16x64xf32, #tpu.memory_space<vmem>>[vector<16xi32>, vector<16xi32>], vector<16xf32>,
      %mul3A_746 = arith.mulf %gather3A_744, %gather3A_745 : vector<16xf32>
      %add3A_747 = arith.addf %add3A_741, %mul3A_746 : vector<16xf32>
      %broadcast_in_dim3A_748 = arith.constant 40 : i32
      %broadcast_in_dim3A_749 = vector.broadcast %broadcast_in_dim3A_748 : i32 to vector<16xi32>
      %gather3A_750 = tpu.vector_load_idx %arg11[%iota3A, %broadcast_in_dim3A_749] : memref<16x64xf32, #tpu.memory_space<vmem>>[vector<16xi32>, vector<16xi32>], vector<16xf32>,
      %gather3A_751 = tpu.vector_load_idx %arg13[%iota3A, %broadcast_in_dim3A_749] : memref<16x64xf32, #tpu.memory_space<vmem>>[vector<16xi32>, vector<16xi32>], vector<16xf32>,
      %mul3A_752 = arith.mulf %gather3A_750, %gather3A_751 : vector<16xf32>
      %add3A_753 = arith.addf %add3A_747, %mul3A_752 : vector<16xf32>
      %broadcast_in_dim3A_754 = arith.constant 41 : i32
      %broadcast_in_dim3A_755 = vector.broadcast %broadcast_in_dim3A_754 : i32 to vector<16xi32>
      %gather3A_756 = tpu.vector_load_idx %arg11[%iota3A, %broadcast_in_dim3A_755] : memref<16x64xf32, #tpu.memory_space<vmem>>[vector<16xi32>, vector<16xi32>], vector<16xf32>,
      %gather3A_757 = tpu.vector_load_idx %arg13[%iota3A, %broadcast_in_dim3A_755] : memref<16x64xf32, #tpu.memory_space<vmem>>[vector<16xi32>, vector<16xi32>], vector<16xf32>,
      %mul3A_758 = arith.mulf %gather3A_756, %gather3A_757 : vector<16xf32>
      %add3A_759 = arith.addf %add3A_753, %mul3A_758 : vector<16xf32>
      %broadcast_in_dim3A_760 = arith.constant 42 : i32
      %broadcast_in_dim3A_761 = vector.broadcast %broadcast_in_dim3A_760 : i32 to vector<16xi32>
      %gather3A_762 = tpu.vector_load_idx %arg11[%iota3A, %broadcast_in_dim3A_761] : memref<16x64xf32, #tpu.memory_space<vmem>>[vector<16xi32>, vector<16xi32>], vector<16xf32>,
      %gather3A_763 = tpu.vector_load_idx %arg13[%iota3A, %broadcast_in_dim3A_761] : memref<16x64xf32, #tpu.memory_space<vmem>>[vector<16xi32>, vector<16xi32>], vector<16xf32>,
      %mul3A_764 = arith.mulf %gather3A_762, %gather3A_763 : vector<16xf32>
      %add3A_765 = arith.addf %add3A_759, %mul3A_764 : vector<16xf32>
      %broadcast_in_dim3A_766 = arith.constant 43 : i32
      %broadcast_in_dim3A_767 = vector.broadcast %broadcast_in_dim3A_766 : i32 to vector<16xi32>
      %gather3A_768 = tpu.vector_load_idx %arg11[%iota3A, %broadcast_in_dim3A_767] : memref<16x64xf32, #tpu.memory_space<vmem>>[vector<16xi32>, vector<16xi32>], vector<16xf32>,
      %gather3A_769 = tpu.vector_load_idx %arg13[%iota3A, %broadcast_in_dim3A_767] : memref<16x64xf32, #tpu.memory_space<vmem>>[vector<16xi32>, vector<16xi32>], vector<16xf32>,
      %mul3A_770 = arith.mulf %gather3A_768, %gather3A_769 : vector<16xf32>
      %add3A_771 = arith.addf %add3A_765, %mul3A_770 : vector<16xf32>
      %broadcast_in_dim3A_772 = arith.constant 44 : i32
      %broadcast_in_dim3A_773 = vector.broadcast %broadcast_in_dim3A_772 : i32 to vector<16xi32>
      %gather3A_774 = tpu.vector_load_idx %arg11[%iota3A, %broadcast_in_dim3A_773] : memref<16x64xf32, #tpu.memory_space<vmem>>[vector<16xi32>, vector<16xi32>], vector<16xf32>,
      %gather3A_775 = tpu.vector_load_idx %arg13[%iota3A, %broadcast_in_dim3A_773] : memref<16x64xf32, #tpu.memory_space<vmem>>[vector<16xi32>, vector<16xi32>], vector<16xf32>,
      %mul3A_776 = arith.mulf %gather3A_774, %gather3A_775 : vector<16xf32>
      %add3A_777 = arith.addf %add3A_771, %mul3A_776 : vector<16xf32>
      %broadcast_in_dim3A_778 = arith.constant 45 : i32
      %broadcast_in_dim3A_779 = vector.broadcast %broadcast_in_dim3A_778 : i32 to vector<16xi32>
      %gather3A_780 = tpu.vector_load_idx %arg11[%iota3A, %broadcast_in_dim3A_779] : memref<16x64xf32, #tpu.memory_space<vmem>>[vector<16xi32>, vector<16xi32>], vector<16xf32>,
      %gather3A_781 = tpu.vector_load_idx %arg13[%iota3A, %broadcast_in_dim3A_779] : memref<16x64xf32, #tpu.memory_space<vmem>>[vector<16xi32>, vector<16xi32>], vector<16xf32>,
      %mul3A_782 = arith.mulf %gather3A_780, %gather3A_781 : vector<16xf32>
      %add3A_783 = arith.addf %add3A_777, %mul3A_782 : vector<16xf32>
      %broadcast_in_dim3A_784 = arith.constant 46 : i32
      %broadcast_in_dim3A_785 = vector.broadcast %broadcast_in_dim3A_784 : i32 to vector<16xi32>
      %gather3A_786 = tpu.vector_load_idx %arg11[%iota3A, %broadcast_in_dim3A_785] : memref<16x64xf32, #tpu.memory_space<vmem>>[vector<16xi32>, vector<16xi32>], vector<16xf32>,
      %gather3A_787 = tpu.vector_load_idx %arg13[%iota3A, %broadcast_in_dim3A_785] : memref<16x64xf32, #tpu.memory_space<vmem>>[vector<16xi32>, vector<16xi32>], vector<16xf32>,
      %mul3A_788 = arith.mulf %gather3A_786, %gather3A_787 : vector<16xf32>
      %add3A_789 = arith.addf %add3A_783, %mul3A_788 : vector<16xf32>
      %broadcast_in_dim3A_790 = arith.constant 47 : i32
      %broadcast_in_dim3A_791 = vector.broadcast %broadcast_in_dim3A_790 : i32 to vector<16xi32>
      %gather3A_792 = tpu.vector_load_idx %arg11[%iota3A, %broadcast_in_dim3A_791] : memref<16x64xf32, #tpu.memory_space<vmem>>[vector<16xi32>, vector<16xi32>], vector<16xf32>,
      %gather3A_793 = tpu.vector_load_idx %arg13[%iota3A, %broadcast_in_dim3A_791] : memref<16x64xf32, #tpu.memory_space<vmem>>[vector<16xi32>, vector<16xi32>], vector<16xf32>,
      %mul3A_794 = arith.mulf %gather3A_792, %gather3A_793 : vector<16xf32>
      %add3A_795 = arith.addf %add3A_789, %mul3A_794 : vector<16xf32>
      %broadcast_in_dim3A_796 = arith.constant 48 : i32
      %broadcast_in_dim3A_797 = vector.broadcast %broadcast_in_dim3A_796 : i32 to vector<16xi32>
      %gather3A_798 = tpu.vector_load_idx %arg11[%iota3A, %broadcast_in_dim3A_797] : memref<16x64xf32, #tpu.memory_space<vmem>>[vector<16xi32>, vector<16xi32>], vector<16xf32>,
      %gather3A_799 = tpu.vector_load_idx %arg13[%iota3A, %broadcast_in_dim3A_797] : memref<16x64xf32, #tpu.memory_space<vmem>>[vector<16xi32>, vector<16xi32>], vector<16xf32>,
      %mul3A_800 = arith.mulf %gather3A_798, %gather3A_799 : vector<16xf32>
      %add3A_801 = arith.addf %add3A_795, %mul3A_800 : vector<16xf32>
      %broadcast_in_dim3A_802 = arith.constant 49 : i32
      %broadcast_in_dim3A_803 = vector.broadcast %broadcast_in_dim3A_802 : i32 to vector<16xi32>
      %gather3A_804 = tpu.vector_load_idx %arg11[%iota3A, %broadcast_in_dim3A_803] : memref<16x64xf32, #tpu.memory_space<vmem>>[vector<16xi32>, vector<16xi32>], vector<16xf32>,
      %gather3A_805 = tpu.vector_load_idx %arg13[%iota3A, %broadcast_in_dim3A_803] : memref<16x64xf32, #tpu.memory_space<vmem>>[vector<16xi32>, vector<16xi32>], vector<16xf32>,
      %mul3A_806 = arith.mulf %gather3A_804, %gather3A_805 : vector<16xf32>
      %add3A_807 = arith.addf %add3A_801, %mul3A_806 : vector<16xf32>
      %broadcast_in_dim3A_808 = arith.constant 50 : i32
      %broadcast_in_dim3A_809 = vector.broadcast %broadcast_in_dim3A_808 : i32 to vector<16xi32>
      %gather3A_810 = tpu.vector_load_idx %arg11[%iota3A, %broadcast_in_dim3A_809] : memref<16x64xf32, #tpu.memory_space<vmem>>[vector<16xi32>, vector<16xi32>], vector<16xf32>,
      %gather3A_811 = tpu.vector_load_idx %arg13[%iota3A, %broadcast_in_dim3A_809] : memref<16x64xf32, #tpu.memory_space<vmem>>[vector<16xi32>, vector<16xi32>], vector<16xf32>,
      %mul3A_812 = arith.mulf %gather3A_810, %gather3A_811 : vector<16xf32>
      %add3A_813 = arith.addf %add3A_807, %mul3A_812 : vector<16xf32>
      %broadcast_in_dim3A_814 = arith.constant 51 : i32
      %broadcast_in_dim3A_815 = vector.broadcast %broadcast_in_dim3A_814 : i32 to vector<16xi32>
      %gather3A_816 = tpu.vector_load_idx %arg11[%iota3A, %broadcast_in_dim3A_815] : memref<16x64xf32, #tpu.memory_space<vmem>>[vector<16xi32>, vector<16xi32>], vector<16xf32>,
      %gather3A_817 = tpu.vector_load_idx %arg13[%iota3A, %broadcast_in_dim3A_815] : memref<16x64xf32, #tpu.memory_space<vmem>>[vector<16xi32>, vector<16xi32>], vector<16xf32>,
      %mul3A_818 = arith.mulf %gather3A_816, %gather3A_817 : vector<16xf32>
      %add3A_819 = arith.addf %add3A_813, %mul3A_818 : vector<16xf32>
      %broadcast_in_dim3A_820 = arith.constant 52 : i32
      %broadcast_in_dim3A_821 = vector.broadcast %broadcast_in_dim3A_820 : i32 to vector<16xi32>
      %gather3A_822 = tpu.vector_load_idx %arg11[%iota3A, %broadcast_in_dim3A_821] : memref<16x64xf32, #tpu.memory_space<vmem>>[vector<16xi32>, vector<16xi32>], vector<16xf32>,
      %gather3A_823 = tpu.vector_load_idx %arg13[%iota3A, %broadcast_in_dim3A_821] : memref<16x64xf32, #tpu.memory_space<vmem>>[vector<16xi32>, vector<16xi32>], vector<16xf32>,
      %mul3A_824 = arith.mulf %gather3A_822, %gather3A_823 : vector<16xf32>
      %add3A_825 = arith.addf %add3A_819, %mul3A_824 : vector<16xf32>
      %broadcast_in_dim3A_826 = arith.constant 53 : i32
      %broadcast_in_dim3A_827 = vector.broadcast %broadcast_in_dim3A_826 : i32 to vector<16xi32>
      %gather3A_828 = tpu.vector_load_idx %arg11[%iota3A, %broadcast_in_dim3A_827] : memref<16x64xf32, #tpu.memory_space<vmem>>[vector<16xi32>, vector<16xi32>], vector<16xf32>,
      %gather3A_829 = tpu.vector_load_idx %arg13[%iota3A, %broadcast_in_dim3A_827] : memref<16x64xf32, #tpu.memory_space<vmem>>[vector<16xi32>, vector<16xi32>], vector<16xf32>,
      %mul3A_830 = arith.mulf %gather3A_828, %gather3A_829 : vector<16xf32>
      %add3A_831 = arith.addf %add3A_825, %mul3A_830 : vector<16xf32>
      %broadcast_in_dim3A_832 = arith.constant 54 : i32
      %broadcast_in_dim3A_833 = vector.broadcast %broadcast_in_dim3A_832 : i32 to vector<16xi32>
      %gather3A_834 = tpu.vector_load_idx %arg11[%iota3A, %broadcast_in_dim3A_833] : memref<16x64xf32, #tpu.memory_space<vmem>>[vector<16xi32>, vector<16xi32>], vector<16xf32>,
      %gather3A_835 = tpu.vector_load_idx %arg13[%iota3A, %broadcast_in_dim3A_833] : memref<16x64xf32, #tpu.memory_space<vmem>>[vector<16xi32>, vector<16xi32>], vector<16xf32>,
      %mul3A_836 = arith.mulf %gather3A_834, %gather3A_835 : vector<16xf32>
      %add3A_837 = arith.addf %add3A_831, %mul3A_836 : vector<16xf32>
      %broadcast_in_dim3A_838 = arith.constant 55 : i32
      %broadcast_in_dim3A_839 = vector.broadcast %broadcast_in_dim3A_838 : i32 to vector<16xi32>
      %gather3A_840 = tpu.vector_load_idx %arg11[%iota3A, %broadcast_in_dim3A_839] : memref<16x64xf32, #tpu.memory_space<vmem>>[vector<16xi32>, vector<16xi32>], vector<16xf32>,
      %gather3A_841 = tpu.vector_load_idx %arg13[%iota3A, %broadcast_in_dim3A_839] : memref<16x64xf32, #tpu.memory_space<vmem>>[vector<16xi32>, vector<16xi32>], vector<16xf32>,
      %mul3A_842 = arith.mulf %gather3A_840, %gather3A_841 : vector<16xf32>
      %add3A_843 = arith.addf %add3A_837, %mul3A_842 : vector<16xf32>
      %broadcast_in_dim3A_844 = arith.constant 56 : i32
      %broadcast_in_dim3A_845 = vector.broadcast %broadcast_in_dim3A_844 : i32 to vector<16xi32>
      %gather3A_846 = tpu.vector_load_idx %arg11[%iota3A, %broadcast_in_dim3A_845] : memref<16x64xf32, #tpu.memory_space<vmem>>[vector<16xi32>, vector<16xi32>], vector<16xf32>,
      %gather3A_847 = tpu.vector_load_idx %arg13[%iota3A, %broadcast_in_dim3A_845] : memref<16x64xf32, #tpu.memory_space<vmem>>[vector<16xi32>, vector<16xi32>], vector<16xf32>,
      %mul3A_848 = arith.mulf %gather3A_846, %gather3A_847 : vector<16xf32>
      %add3A_849 = arith.addf %add3A_843, %mul3A_848 : vector<16xf32>
      %broadcast_in_dim3A_850 = arith.constant 57 : i32
      %broadcast_in_dim3A_851 = vector.broadcast %broadcast_in_dim3A_850 : i32 to vector<16xi32>
      %gather3A_852 = tpu.vector_load_idx %arg11[%iota3A, %broadcast_in_dim3A_851] : memref<16x64xf32, #tpu.memory_space<vmem>>[vector<16xi32>, vector<16xi32>], vector<16xf32>,
      %gather3A_853 = tpu.vector_load_idx %arg13[%iota3A, %broadcast_in_dim3A_851] : memref<16x64xf32, #tpu.memory_space<vmem>>[vector<16xi32>, vector<16xi32>], vector<16xf32>,
      %mul3A_854 = arith.mulf %gather3A_852, %gather3A_853 : vector<16xf32>
      %add3A_855 = arith.addf %add3A_849, %mul3A_854 : vector<16xf32>
      %broadcast_in_dim3A_856 = arith.constant 58 : i32
      %broadcast_in_dim3A_857 = vector.broadcast %broadcast_in_dim3A_856 : i32 to vector<16xi32>
      %gather3A_858 = tpu.vector_load_idx %arg11[%iota3A, %broadcast_in_dim3A_857] : memref<16x64xf32, #tpu.memory_space<vmem>>[vector<16xi32>, vector<16xi32>], vector<16xf32>,
      %gather3A_859 = tpu.vector_load_idx %arg13[%iota3A, %broadcast_in_dim3A_857] : memref<16x64xf32, #tpu.memory_space<vmem>>[vector<16xi32>, vector<16xi32>], vector<16xf32>,
      %mul3A_860 = arith.mulf %gather3A_858, %gather3A_859 : vector<16xf32>
      %add3A_861 = arith.addf %add3A_855, %mul3A_860 : vector<16xf32>
      %broadcast_in_dim3A_862 = arith.constant 59 : i32
      %broadcast_in_dim3A_863 = vector.broadcast %broadcast_in_dim3A_862 : i32 to vector<16xi32>
      %gather3A_864 = tpu.vector_load_idx %arg11[%iota3A, %broadcast_in_dim3A_863] : memref<16x64xf32, #tpu.memory_space<vmem>>[vector<16xi32>, vector<16xi32>], vector<16xf32>,
      %gather3A_865 = tpu.vector_load_idx %arg13[%iota3A, %broadcast_in_dim3A_863] : memref<16x64xf32, #tpu.memory_space<vmem>>[vector<16xi32>, vector<16xi32>], vector<16xf32>,
      %mul3A_866 = arith.mulf %gather3A_864, %gather3A_865 : vector<16xf32>
      %add3A_867 = arith.addf %add3A_861, %mul3A_866 : vector<16xf32>
      %broadcast_in_dim3A_868 = arith.constant 60 : i32
      %broadcast_in_dim3A_869 = vector.broadcast %broadcast_in_dim3A_868 : i32 to vector<16xi32>
      %gather3A_870 = tpu.vector_load_idx %arg11[%iota3A, %broadcast_in_dim3A_869] : memref<16x64xf32, #tpu.memory_space<vmem>>[vector<16xi32>, vector<16xi32>], vector<16xf32>,
      %gather3A_871 = tpu.vector_load_idx %arg13[%iota3A, %broadcast_in_dim3A_869] : memref<16x64xf32, #tpu.memory_space<vmem>>[vector<16xi32>, vector<16xi32>], vector<16xf32>,
      %mul3A_872 = arith.mulf %gather3A_870, %gather3A_871 : vector<16xf32>
      %add3A_873 = arith.addf %add3A_867, %mul3A_872 : vector<16xf32>
      %broadcast_in_dim3A_874 = arith.constant 61 : i32
      %broadcast_in_dim3A_875 = vector.broadcast %broadcast_in_dim3A_874 : i32 to vector<16xi32>
      %gather3A_876 = tpu.vector_load_idx %arg11[%iota3A, %broadcast_in_dim3A_875] : memref<16x64xf32, #tpu.memory_space<vmem>>[vector<16xi32>, vector<16xi32>], vector<16xf32>,
      %gather3A_877 = tpu.vector_load_idx %arg13[%iota3A, %broadcast_in_dim3A_875] : memref<16x64xf32, #tpu.memory_space<vmem>>[vector<16xi32>, vector<16xi32>], vector<16xf32>,
      %mul3A_878 = arith.mulf %gather3A_876, %gather3A_877 : vector<16xf32>
      %add3A_879 = arith.addf %add3A_873, %mul3A_878 : vector<16xf32>
      %broadcast_in_dim3A_880 = arith.constant 62 : i32
      %broadcast_in_dim3A_881 = vector.broadcast %broadcast_in_dim3A_880 : i32 to vector<16xi32>
      %gather3A_882 = tpu.vector_load_idx %arg11[%iota3A, %broadcast_in_dim3A_881] : memref<16x64xf32, #tpu.memory_space<vmem>>[vector<16xi32>, vector<16xi32>], vector<16xf32>,
      %gather3A_883 = tpu.vector_load_idx %arg13[%iota3A, %broadcast_in_dim3A_881] : memref<16x64xf32, #tpu.memory_space<vmem>>[vector<16xi32>, vector<16xi32>], vector<16xf32>,
      %mul3A_884 = arith.mulf %gather3A_882, %gather3A_883 : vector<16xf32>
      %add3A_885 = arith.addf %add3A_879, %mul3A_884 : vector<16xf32>
      %broadcast_in_dim3A_886 = arith.constant 63 : i32
      %broadcast_in_dim3A_887 = vector.broadcast %broadcast_in_dim3A_886 : i32 to vector<16xi32>
      %gather3A_888 = tpu.vector_load_idx %arg11[%iota3A, %broadcast_in_dim3A_887] : memref<16x64xf32, #tpu.memory_space<vmem>>[vector<16xi32>, vector<16xi32>], vector<16xf32>,
      %gather3A_889 = tpu.vector_load_idx %arg13[%iota3A, %broadcast_in_dim3A_887] : memref<16x64xf32, #tpu.memory_space<vmem>>[vector<16xi32>, vector<16xi32>], vector<16xf32>,
      %mul3A_890 = arith.mulf %gather3A_888, %gather3A_889 : vector<16xf32>
      %add3A_891 = arith.addf %add3A_885, %mul3A_890 : vector<16xf32>
      %mul3A_892 = arith.constant 16 : i32
      %mul3A_893 = arith.muli %mul3A_490, %mul3A_892 : i32
      %swap3A = arith.index_cast %mul3A_893 : i32 to index
      %swap3A_894 = tpu.vector_load %arg15[%swap3A] {strides = array<i32>} : memref<512xf32, #tpu.memory_space<vmem>>, vector<16xf32>,
      tpu.vector_store %arg15[%swap3A], %add3A_891 {strides = array<i32>} : memref<512xf32, #tpu.memory_space<vmem>>, vector<16xf32>,
      %add3A_895 = arith.constant 2 : i32
      %add3A_896 = arith.addi %mul3A_490, %add3A_895 : i32
      %lt3A_897 = arith.constant 32 : i32
      %lt3A_898 = arith.cmpi slt, %add3A_896, %lt3A_897 : i32
      %convert_element_type3A_899 = arith.extui %lt3A_898 : i1 to i32
      %cond3A_900 = arith.constant 0 : i32
      %cond3A_901 = arith.cmpi ne, %convert_element_type3A_899, %cond3A_900 : i32
      scf.if %cond3A_901 {
        %add3A_907 = arith.constant 2 : i32
        %add3A_908 = arith.addi %mul3A_490, %add3A_907 : i32
        %mul3A_909 = arith.constant 16 : i32
        %mul3A_910 = arith.muli %add3A_908, %mul3A_909 : i32
        %get3A_911 = arith.index_cast %mul3A_910 : i32 to index
        %get3A_912 = tpu.vector_load %arg8[%get3A_911] {strides = array<i32>} : memref<512xi32, #tpu.memory_space<vmem>>, vector<16xi32>,
        %get3A_913 = arith.index_cast %mul3A_910 : i32 to index
        %get3A_914 = tpu.vector_load %arg9[%get3A_913] {strides = array<i32>} : memref<512xi32, #tpu.memory_space<vmem>>, vector<16xi32>,
        %slice3A_915 = vector.extract_strided_slice %get3A_912 {offsets = [0], sizes = [1], strides = [1]} : vector<16xi32> to vector<1xi32>
        %squeeze3A_916 = vector.extract %slice3A_915[0] : i32 from vector<1xi32>
        %dma_start3A_917 = arith.constant 0 : i32
        %dma_start3A_918 = arith.constant 0 : i32
        %dma_start3A_919 = tpu.memref_slice %arg11[%dma_start3A_917, %dma_start3A_918] : memref<16x64xf32, #tpu.memory_space<vmem>> -> memref<1x64xf32, #tpu.memory_space<vmem>>
        %dma_start3A_920 = tpu.memref_squeeze %dma_start3A_919 : memref<1x64xf32, #tpu.memory_space<vmem>> -> memref<64xf32, #tpu.memory_space<vmem>>
        %dma_start3A_921 = arith.constant 0 : i32
        %dma_start3A_922 = tpu.memref_slice %arg4[%squeeze3A_916, %dma_start3A_921] : memref<1000000x64xf32, #tpu.memory_space<hbm>> -> memref<1x64xf32, #tpu.memory_space<hbm>>
        %dma_start3A_923 = tpu.memref_squeeze %dma_start3A_922 : memref<1x64xf32, #tpu.memory_space<hbm>> -> memref<64xf32, #tpu.memory_space<hbm>>
        %dma_start3A_924 = arith.constant 0 : i32
        %dma_start3A_925 = tpu.memref_slice %arg11[%dma_start3A_917, %dma_start3A_924] : memref<16x64xf32, #tpu.memory_space<vmem>> -> memref<1x64xf32, #tpu.memory_space<vmem>>
        %dma_start3A_926 = tpu.memref_squeeze %dma_start3A_925 : memref<1x64xf32, #tpu.memory_space<vmem>> -> memref<64xf32, #tpu.memory_space<vmem>>
        %dma_start3A_927 = arith.constant 0 : i32
        %dma_start3A_928 = tpu.memref_slice %arg4[%squeeze3A_916, %dma_start3A_927] : memref<1000000x64xf32, #tpu.memory_space<hbm>> -> memref<1x64xf32, #tpu.memory_space<hbm>>
        %dma_start3A_929 = tpu.memref_squeeze %dma_start3A_928 : memref<1x64xf32, #tpu.memory_space<hbm>> -> memref<64xf32, #tpu.memory_space<hbm>>
        tpu.enqueue_dma source(%dma_start3A_929 : memref<64xf32, #tpu.memory_space<hbm>>) target(%dma_start3A_926 : memref<64xf32, #tpu.memory_space<vmem>>) target_semaphore(%arg16 : memref<!tpu.dma_semaphore, #tpu.memory_space<semaphore_mem>>)
        %slice3A_930 = vector.extract_strided_slice %get3A_914 {offsets = [0], sizes = [1], strides = [1]} : vector<16xi32> to vector<1xi32>
        %squeeze3A_931 = vector.extract %slice3A_930[0] : i32 from vector<1xi32>
        %dma_start3A_932 = arith.constant 0 : i32
        %dma_start3A_933 = arith.constant 0 : i32
        %dma_start3A_934 = tpu.memref_slice %arg13[%dma_start3A_932, %dma_start3A_933] : memref<16x64xf32, #tpu.memory_space<vmem>> -> memref<1x64xf32, #tpu.memory_space<vmem>>
        %dma_start3A_935 = tpu.memref_squeeze %dma_start3A_934 : memref<1x64xf32, #tpu.memory_space<vmem>> -> memref<64xf32, #tpu.memory_space<vmem>>
        %dma_start3A_936 = arith.constant 0 : i32
        %dma_start3A_937 = tpu.memref_slice %arg5[%squeeze3A_931, %dma_start3A_936] : memref<1000000x64xf32, #tpu.memory_space<hbm>> -> memref<1x64xf32, #tpu.memory_space<hbm>>
        %dma_start3A_938 = tpu.memref_squeeze %dma_start3A_937 : memref<1x64xf32, #tpu.memory_space<hbm>> -> memref<64xf32, #tpu.memory_space<hbm>>
        %dma_start3A_939 = arith.constant 0 : i32
        %dma_start3A_940 = tpu.memref_slice %arg13[%dma_start3A_932, %dma_start3A_939] : memref<16x64xf32, #tpu.memory_space<vmem>> -> memref<1x64xf32, #tpu.memory_space<vmem>>
        %dma_start3A_941 = tpu.memref_squeeze %dma_start3A_940 : memref<1x64xf32, #tpu.memory_space<vmem>> -> memref<64xf32, #tpu.memory_space<vmem>>
        %dma_start3A_942 = arith.constant 0 : i32
        %dma_start3A_943 = tpu.memref_slice %arg5[%squeeze3A_931, %dma_start3A_942] : memref<1000000x64xf32, #tpu.memory_space<hbm>> -> memref<1x64xf32, #tpu.memory_space<hbm>>
        %dma_start3A_944 = tpu.memref_squeeze %dma_start3A_943 : memref<1x64xf32, #tpu.memory_space<hbm>> -> memref<64xf32, #tpu.memory_space<hbm>>
        tpu.enqueue_dma source(%dma_start3A_944 : memref<64xf32, #tpu.memory_space<hbm>>) target(%dma_start3A_941 : memref<64xf32, #tpu.memory_space<vmem>>) target_semaphore(%arg17 : memref<!tpu.dma_semaphore, #tpu.memory_space<semaphore_mem>>)
        %slice3A_945 = vector.extract_strided_slice %get3A_912 {offsets = [1], sizes = [1], strides = [1]} : vector<16xi32> to vector<1xi32>
        %squeeze3A_946 = vector.extract %slice3A_945[0] : i32 from vector<1xi32>
        %dma_start3A_947 = arith.constant 1 : i32
        %dma_start3A_948 = arith.constant 0 : i32
        %dma_start3A_949 = tpu.memref_slice %arg11[%dma_start3A_947, %dma_start3A_948] : memref<16x64xf32, #tpu.memory_space<vmem>> -> memref<1x64xf32, #tpu.memory_space<vmem>>
        %dma_start3A_950 = tpu.memref_squeeze %dma_start3A_949 : memref<1x64xf32, #tpu.memory_space<vmem>> -> memref<64xf32, #tpu.memory_space<vmem>>
        %dma_start3A_951 = arith.constant 0 : i32
        %dma_start3A_952 = tpu.memref_slice %arg4[%squeeze3A_946, %dma_start3A_951] : memref<1000000x64xf32, #tpu.memory_space<hbm>> -> memref<1x64xf32, #tpu.memory_space<hbm>>
        %dma_start3A_953 = tpu.memref_squeeze %dma_start3A_952 : memref<1x64xf32, #tpu.memory_space<hbm>> -> memref<64xf32, #tpu.memory_space<hbm>>
        %dma_start3A_954 = arith.constant 0 : i32
        %dma_start3A_955 = tpu.memref_slice %arg11[%dma_start3A_947, %dma_start3A_954] : memref<16x64xf32, #tpu.memory_space<vmem>> -> memref<1x64xf32, #tpu.memory_space<vmem>>
        %dma_start3A_956 = tpu.memref_squeeze %dma_start3A_955 : memref<1x64xf32, #tpu.memory_space<vmem>> -> memref<64xf32, #tpu.memory_space<vmem>>
        %dma_start3A_957 = arith.constant 0 : i32
        %dma_start3A_958 = tpu.memref_slice %arg4[%squeeze3A_946, %dma_start3A_957] : memref<1000000x64xf32, #tpu.memory_space<hbm>> -> memref<1x64xf32, #tpu.memory_space<hbm>>
        %dma_start3A_959 = tpu.memref_squeeze %dma_start3A_958 : memref<1x64xf32, #tpu.memory_space<hbm>> -> memref<64xf32, #tpu.memory_space<hbm>>
        tpu.enqueue_dma source(%dma_start3A_959 : memref<64xf32, #tpu.memory_space<hbm>>) target(%dma_start3A_956 : memref<64xf32, #tpu.memory_space<vmem>>) target_semaphore(%arg16 : memref<!tpu.dma_semaphore, #tpu.memory_space<semaphore_mem>>)
        %slice3A_960 = vector.extract_strided_slice %get3A_914 {offsets = [1], sizes = [1], strides = [1]} : vector<16xi32> to vector<1xi32>
        %squeeze3A_961 = vector.extract %slice3A_960[0] : i32 from vector<1xi32>
        %dma_start3A_962 = arith.constant 1 : i32
        %dma_start3A_963 = arith.constant 0 : i32
        %dma_start3A_964 = tpu.memref_slice %arg13[%dma_start3A_962, %dma_start3A_963] : memref<16x64xf32, #tpu.memory_space<vmem>> -> memref<1x64xf32, #tpu.memory_space<vmem>>
        %dma_start3A_965 = tpu.memref_squeeze %dma_start3A_964 : memref<1x64xf32, #tpu.memory_space<vmem>> -> memref<64xf32, #tpu.memory_space<vmem>>
        %dma_start3A_966 = arith.constant 0 : i32
        %dma_start3A_967 = tpu.memref_slice %arg5[%squeeze3A_961, %dma_start3A_966] : memref<1000000x64xf32, #tpu.memory_space<hbm>> -> memref<1x64xf32, #tpu.memory_space<hbm>>
        %dma_start3A_968 = tpu.memref_squeeze %dma_start3A_967 : memref<1x64xf32, #tpu.memory_space<hbm>> -> memref<64xf32, #tpu.memory_space<hbm>>
        %dma_start3A_969 = arith.constant 0 : i32
        %dma_start3A_970 = tpu.memref_slice %arg13[%dma_start3A_962, %dma_start3A_969] : memref<16x64xf32, #tpu.memory_space<vmem>> -> memref<1x64xf32, #tpu.memory_space<vmem>>
        %dma_start3A_971 = tpu.memref_squeeze %dma_start3A_970 : memref<1x64xf32, #tpu.memory_space<vmem>> -> memref<64xf32, #tpu.memory_space<vmem>>
        %dma_start3A_972 = arith.constant 0 : i32
        %dma_start3A_973 = tpu.memref_slice %arg5[%squeeze3A_961, %dma_start3A_972] : memref<1000000x64xf32, #tpu.memory_space<hbm>> -> memref<1x64xf32, #tpu.memory_space<hbm>>
        %dma_start3A_974 = tpu.memref_squeeze %dma_start3A_973 : memref<1x64xf32, #tpu.memory_space<hbm>> -> memref<64xf32, #tpu.memory_space<hbm>>
        tpu.enqueue_dma source(%dma_start3A_974 : memref<64xf32, #tpu.memory_space<hbm>>) target(%dma_start3A_971 : memref<64xf32, #tpu.memory_space<vmem>>) target_semaphore(%arg17 : memref<!tpu.dma_semaphore, #tpu.memory_space<semaphore_mem>>)
        %slice3A_975 = vector.extract_strided_slice %get3A_912 {offsets = [2], sizes = [1], strides = [1]} : vector<16xi32> to vector<1xi32>
        %squeeze3A_976 = vector.extract %slice3A_975[0] : i32 from vector<1xi32>
        %dma_start3A_977 = arith.constant 2 : i32
        %dma_start3A_978 = arith.constant 0 : i32
        %dma_start3A_979 = tpu.memref_slice %arg11[%dma_start3A_977, %dma_start3A_978] : memref<16x64xf32, #tpu.memory_space<vmem>> -> memref<1x64xf32, #tpu.memory_space<vmem>>
        %dma_start3A_980 = tpu.memref_squeeze %dma_start3A_979 : memref<1x64xf32, #tpu.memory_space<vmem>> -> memref<64xf32, #tpu.memory_space<vmem>>
        %dma_start3A_981 = arith.constant 0 : i32
        %dma_start3A_982 = tpu.memref_slice %arg4[%squeeze3A_976, %dma_start3A_981] : memref<1000000x64xf32, #tpu.memory_space<hbm>> -> memref<1x64xf32, #tpu.memory_space<hbm>>
        %dma_start3A_983 = tpu.memref_squeeze %dma_start3A_982 : memref<1x64xf32, #tpu.memory_space<hbm>> -> memref<64xf32, #tpu.memory_space<hbm>>
        %dma_start3A_984 = arith.constant 0 : i32
        %dma_start3A_985 = tpu.memref_slice %arg11[%dma_start3A_977, %dma_start3A_984] : memref<16x64xf32, #tpu.memory_space<vmem>> -> memref<1x64xf32, #tpu.memory_space<vmem>>
        %dma_start3A_986 = tpu.memref_squeeze %dma_start3A_985 : memref<1x64xf32, #tpu.memory_space<vmem>> -> memref<64xf32, #tpu.memory_space<vmem>>
        %dma_start3A_987 = arith.constant 0 : i32
        %dma_start3A_988 = tpu.memref_slice %arg4[%squeeze3A_976, %dma_start3A_987] : memref<1000000x64xf32, #tpu.memory_space<hbm>> -> memref<1x64xf32, #tpu.memory_space<hbm>>
        %dma_start3A_989 = tpu.memref_squeeze %dma_start3A_988 : memref<1x64xf32, #tpu.memory_space<hbm>> -> memref<64xf32, #tpu.memory_space<hbm>>
        tpu.enqueue_dma source(%dma_start3A_989 : memref<64xf32, #tpu.memory_space<hbm>>) target(%dma_start3A_986 : memref<64xf32, #tpu.memory_space<vmem>>) target_semaphore(%arg16 : memref<!tpu.dma_semaphore, #tpu.memory_space<semaphore_mem>>)
        %slice3A_990 = vector.extract_strided_slice %get3A_914 {offsets = [2], sizes = [1], strides = [1]} : vector<16xi32> to vector<1xi32>
        %squeeze3A_991 = vector.extract %slice3A_990[0] : i32 from vector<1xi32>
        %dma_start3A_992 = arith.constant 2 : i32
        %dma_start3A_993 = arith.constant 0 : i32
        %dma_start3A_994 = tpu.memref_slice %arg13[%dma_start3A_992, %dma_start3A_993] : memref<16x64xf32, #tpu.memory_space<vmem>> -> memref<1x64xf32, #tpu.memory_space<vmem>>
        %dma_start3A_995 = tpu.memref_squeeze %dma_start3A_994 : memref<1x64xf32, #tpu.memory_space<vmem>> -> memref<64xf32, #tpu.memory_space<vmem>>
        %dma_start3A_996 = arith.constant 0 : i32
        %dma_start3A_997 = tpu.memref_slice %arg5[%squeeze3A_991, %dma_start3A_996] : memref<1000000x64xf32, #tpu.memory_space<hbm>> -> memref<1x64xf32, #tpu.memory_space<hbm>>
        %dma_start3A_998 = tpu.memref_squeeze %dma_start3A_997 : memref<1x64xf32, #tpu.memory_space<hbm>> -> memref<64xf32, #tpu.memory_space<hbm>>
        %dma_start3A_999 = arith.constant 0 : i32
        %dma_start3A_1000 = tpu.memref_slice %arg13[%dma_start3A_992, %dma_start3A_999] : memref<16x64xf32, #tpu.memory_space<vmem>> -> memref<1x64xf32, #tpu.memory_space<vmem>>
        %dma_start3A_1001 = tpu.memref_squeeze %dma_start3A_1000 : memref<1x64xf32, #tpu.memory_space<vmem>> -> memref<64xf32, #tpu.memory_space<vmem>>
        %dma_start3A_1002 = arith.constant 0 : i32
        %dma_start3A_1003 = tpu.memref_slice %arg5[%squeeze3A_991, %dma_start3A_1002] : memref<1000000x64xf32, #tpu.memory_space<hbm>> -> memref<1x64xf32, #tpu.memory_space<hbm>>
        %dma_start3A_1004 = tpu.memref_squeeze %dma_start3A_1003 : memref<1x64xf32, #tpu.memory_space<hbm>> -> memref<64xf32, #tpu.memory_space<hbm>>
        tpu.enqueue_dma source(%dma_start3A_1004 : memref<64xf32, #tpu.memory_space<hbm>>) target(%dma_start3A_1001 : memref<64xf32, #tpu.memory_space<vmem>>) target_semaphore(%arg17 : memref<!tpu.dma_semaphore, #tpu.memory_space<semaphore_mem>>)
        %slice3A_1005 = vector.extract_strided_slice %get3A_912 {offsets = [3], sizes = [1], strides = [1]} : vector<16xi32> to vector<1xi32>
        %squeeze3A_1006 = vector.extract %slice3A_1005[0] : i32 from vector<1xi32>
        %dma_start3A_1007 = arith.constant 3 : i32
        %dma_start3A_1008 = arith.constant 0 : i32
        %dma_start3A_1009 = tpu.memref_slice %arg11[%dma_start3A_1007, %dma_start3A_1008] : memref<16x64xf32, #tpu.memory_space<vmem>> -> memref<1x64xf32, #tpu.memory_space<vmem>>
        %dma_start3A_1010 = tpu.memref_squeeze %dma_start3A_1009 : memref<1x64xf32, #tpu.memory_space<vmem>> -> memref<64xf32, #tpu.memory_space<vmem>>
        %dma_start3A_1011 = arith.constant 0 : i32
        %dma_start3A_1012 = tpu.memref_slice %arg4[%squeeze3A_1006, %dma_start3A_1011] : memref<1000000x64xf32, #tpu.memory_space<hbm>> -> memref<1x64xf32, #tpu.memory_space<hbm>>
        %dma_start3A_1013 = tpu.memref_squeeze %dma_start3A_1012 : memref<1x64xf32, #tpu.memory_space<hbm>> -> memref<64xf32, #tpu.memory_space<hbm>>
        %dma_start3A_1014 = arith.constant 0 : i32
        %dma_start3A_1015 = tpu.memref_slice %arg11[%dma_start3A_1007, %dma_start3A_1014] : memref<16x64xf32, #tpu.memory_space<vmem>> -> memref<1x64xf32, #tpu.memory_space<vmem>>
        %dma_start3A_1016 = tpu.memref_squeeze %dma_start3A_1015 : memref<1x64xf32, #tpu.memory_space<vmem>> -> memref<64xf32, #tpu.memory_space<vmem>>
        %dma_start3A_1017 = arith.constant 0 : i32
        %dma_start3A_1018 = tpu.memref_slice %arg4[%squeeze3A_1006, %dma_start3A_1017] : memref<1000000x64xf32, #tpu.memory_space<hbm>> -> memref<1x64xf32, #tpu.memory_space<hbm>>
        %dma_start3A_1019 = tpu.memref_squeeze %dma_start3A_1018 : memref<1x64xf32, #tpu.memory_space<hbm>> -> memref<64xf32, #tpu.memory_space<hbm>>
        tpu.enqueue_dma source(%dma_start3A_1019 : memref<64xf32, #tpu.memory_space<hbm>>) target(%dma_start3A_1016 : memref<64xf32, #tpu.memory_space<vmem>>) target_semaphore(%arg16 : memref<!tpu.dma_semaphore, #tpu.memory_space<semaphore_mem>>)
        %slice3A_1020 = vector.extract_strided_slice %get3A_914 {offsets = [3], sizes = [1], strides = [1]} : vector<16xi32> to vector<1xi32>
        %squeeze3A_1021 = vector.extract %slice3A_1020[0] : i32 from vector<1xi32>
        %dma_start3A_1022 = arith.constant 3 : i32
        %dma_start3A_1023 = arith.constant 0 : i32
        %dma_start3A_1024 = tpu.memref_slice %arg13[%dma_start3A_1022, %dma_start3A_1023] : memref<16x64xf32, #tpu.memory_space<vmem>> -> memref<1x64xf32, #tpu.memory_space<vmem>>
        %dma_start3A_1025 = tpu.memref_squeeze %dma_start3A_1024 : memref<1x64xf32, #tpu.memory_space<vmem>> -> memref<64xf32, #tpu.memory_space<vmem>>
        %dma_start3A_1026 = arith.constant 0 : i32
        %dma_start3A_1027 = tpu.memref_slice %arg5[%squeeze3A_1021, %dma_start3A_1026] : memref<1000000x64xf32, #tpu.memory_space<hbm>> -> memref<1x64xf32, #tpu.memory_space<hbm>>
        %dma_start3A_1028 = tpu.memref_squeeze %dma_start3A_1027 : memref<1x64xf32, #tpu.memory_space<hbm>> -> memref<64xf32, #tpu.memory_space<hbm>>
        %dma_start3A_1029 = arith.constant 0 : i32
        %dma_start3A_1030 = tpu.memref_slice %arg13[%dma_start3A_1022, %dma_start3A_1029] : memref<16x64xf32, #tpu.memory_space<vmem>> -> memref<1x64xf32, #tpu.memory_space<vmem>>
        %dma_start3A_1031 = tpu.memref_squeeze %dma_start3A_1030 : memref<1x64xf32, #tpu.memory_space<vmem>> -> memref<64xf32, #tpu.memory_space<vmem>>
        %dma_start3A_1032 = arith.constant 0 : i32
        %dma_start3A_1033 = tpu.memref_slice %arg5[%squeeze3A_1021, %dma_start3A_1032] : memref<1000000x64xf32, #tpu.memory_space<hbm>> -> memref<1x64xf32, #tpu.memory_space<hbm>>
        %dma_start3A_1034 = tpu.memref_squeeze %dma_start3A_1033 : memref<1x64xf32, #tpu.memory_space<hbm>> -> memref<64xf32, #tpu.memory_space<hbm>>
        tpu.enqueue_dma source(%dma_start3A_1034 : memref<64xf32, #tpu.memory_space<hbm>>) target(%dma_start3A_1031 : memref<64xf32, #tpu.memory_space<vmem>>) target_semaphore(%arg17 : memref<!tpu.dma_semaphore, #tpu.memory_space<semaphore_mem>>)
        %slice3A_1035 = vector.extract_strided_slice %get3A_912 {offsets = [4], sizes = [1], strides = [1]} : vector<16xi32> to vector<1xi32>
        %squeeze3A_1036 = vector.extract %slice3A_1035[0] : i32 from vector<1xi32>
        %dma_start3A_1037 = arith.constant 4 : i32
        %dma_start3A_1038 = arith.constant 0 : i32
        %dma_start3A_1039 = tpu.memref_slice %arg11[%dma_start3A_1037, %dma_start3A_1038] : memref<16x64xf32, #tpu.memory_space<vmem>> -> memref<1x64xf32, #tpu.memory_space<vmem>>
        %dma_start3A_1040 = tpu.memref_squeeze %dma_start3A_1039 : memref<1x64xf32, #tpu.memory_space<vmem>> -> memref<64xf32, #tpu.memory_space<vmem>>
        %dma_start3A_1041 = arith.constant 0 : i32
        %dma_start3A_1042 = tpu.memref_slice %arg4[%squeeze3A_1036, %dma_start3A_1041] : memref<1000000x64xf32, #tpu.memory_space<hbm>> -> memref<1x64xf32, #tpu.memory_space<hbm>>
        %dma_start3A_1043 = tpu.memref_squeeze %dma_start3A_1042 : memref<1x64xf32, #tpu.memory_space<hbm>> -> memref<64xf32, #tpu.memory_space<hbm>>
        %dma_start3A_1044 = arith.constant 0 : i32
        %dma_start3A_1045 = tpu.memref_slice %arg11[%dma_start3A_1037, %dma_start3A_1044] : memref<16x64xf32, #tpu.memory_space<vmem>> -> memref<1x64xf32, #tpu.memory_space<vmem>>
        %dma_start3A_1046 = tpu.memref_squeeze %dma_start3A_1045 : memref<1x64xf32, #tpu.memory_space<vmem>> -> memref<64xf32, #tpu.memory_space<vmem>>
        %dma_start3A_1047 = arith.constant 0 : i32
        %dma_start3A_1048 = tpu.memref_slice %arg4[%squeeze3A_1036, %dma_start3A_1047] : memref<1000000x64xf32, #tpu.memory_space<hbm>> -> memref<1x64xf32, #tpu.memory_space<hbm>>
        %dma_start3A_1049 = tpu.memref_squeeze %dma_start3A_1048 : memref<1x64xf32, #tpu.memory_space<hbm>> -> memref<64xf32, #tpu.memory_space<hbm>>
        tpu.enqueue_dma source(%dma_start3A_1049 : memref<64xf32, #tpu.memory_space<hbm>>) target(%dma_start3A_1046 : memref<64xf32, #tpu.memory_space<vmem>>) target_semaphore(%arg16 : memref<!tpu.dma_semaphore, #tpu.memory_space<semaphore_mem>>)
        %slice3A_1050 = vector.extract_strided_slice %get3A_914 {offsets = [4], sizes = [1], strides = [1]} : vector<16xi32> to vector<1xi32>
        %squeeze3A_1051 = vector.extract %slice3A_1050[0] : i32 from vector<1xi32>
        %dma_start3A_1052 = arith.constant 4 : i32
        %dma_start3A_1053 = arith.constant 0 : i32
        %dma_start3A_1054 = tpu.memref_slice %arg13[%dma_start3A_1052, %dma_start3A_1053] : memref<16x64xf32, #tpu.memory_space<vmem>> -> memref<1x64xf32, #tpu.memory_space<vmem>>
        %dma_start3A_1055 = tpu.memref_squeeze %dma_start3A_1054 : memref<1x64xf32, #tpu.memory_space<vmem>> -> memref<64xf32, #tpu.memory_space<vmem>>
        %dma_start3A_1056 = arith.constant 0 : i32
        %dma_start3A_1057 = tpu.memref_slice %arg5[%squeeze3A_1051, %dma_start3A_1056] : memref<1000000x64xf32, #tpu.memory_space<hbm>> -> memref<1x64xf32, #tpu.memory_space<hbm>>
        %dma_start3A_1058 = tpu.memref_squeeze %dma_start3A_1057 : memref<1x64xf32, #tpu.memory_space<hbm>> -> memref<64xf32, #tpu.memory_space<hbm>>
        %dma_start3A_1059 = arith.constant 0 : i32
        %dma_start3A_1060 = tpu.memref_slice %arg13[%dma_start3A_1052, %dma_start3A_1059] : memref<16x64xf32, #tpu.memory_space<vmem>> -> memref<1x64xf32, #tpu.memory_space<vmem>>
        %dma_start3A_1061 = tpu.memref_squeeze %dma_start3A_1060 : memref<1x64xf32, #tpu.memory_space<vmem>> -> memref<64xf32, #tpu.memory_space<vmem>>
        %dma_start3A_1062 = arith.constant 0 : i32
        %dma_start3A_1063 = tpu.memref_slice %arg5[%squeeze3A_1051, %dma_start3A_1062] : memref<1000000x64xf32, #tpu.memory_space<hbm>> -> memref<1x64xf32, #tpu.memory_space<hbm>>
        %dma_start3A_1064 = tpu.memref_squeeze %dma_start3A_1063 : memref<1x64xf32, #tpu.memory_space<hbm>> -> memref<64xf32, #tpu.memory_space<hbm>>
        tpu.enqueue_dma source(%dma_start3A_1064 : memref<64xf32, #tpu.memory_space<hbm>>) target(%dma_start3A_1061 : memref<64xf32, #tpu.memory_space<vmem>>) target_semaphore(%arg17 : memref<!tpu.dma_semaphore, #tpu.memory_space<semaphore_mem>>)
        %slice3A_1065 = vector.extract_strided_slice %get3A_912 {offsets = [5], sizes = [1], strides = [1]} : vector<16xi32> to vector<1xi32>
        %squeeze3A_1066 = vector.extract %slice3A_1065[0] : i32 from vector<1xi32>
        %dma_start3A_1067 = arith.constant 5 : i32
        %dma_start3A_1068 = arith.constant 0 : i32
        %dma_start3A_1069 = tpu.memref_slice %arg11[%dma_start3A_1067, %dma_start3A_1068] : memref<16x64xf32, #tpu.memory_space<vmem>> -> memref<1x64xf32, #tpu.memory_space<vmem>>
        %dma_start3A_1070 = tpu.memref_squeeze %dma_start3A_1069 : memref<1x64xf32, #tpu.memory_space<vmem>> -> memref<64xf32, #tpu.memory_space<vmem>>
        %dma_start3A_1071 = arith.constant 0 : i32
        %dma_start3A_1072 = tpu.memref_slice %arg4[%squeeze3A_1066, %dma_start3A_1071] : memref<1000000x64xf32, #tpu.memory_space<hbm>> -> memref<1x64xf32, #tpu.memory_space<hbm>>
        %dma_start3A_1073 = tpu.memref_squeeze %dma_start3A_1072 : memref<1x64xf32, #tpu.memory_space<hbm>> -> memref<64xf32, #tpu.memory_space<hbm>>
        %dma_start3A_1074 = arith.constant 0 : i32
        %dma_start3A_1075 = tpu.memref_slice %arg11[%dma_start3A_1067, %dma_start3A_1074] : memref<16x64xf32, #tpu.memory_space<vmem>> -> memref<1x64xf32, #tpu.memory_space<vmem>>
        %dma_start3A_1076 = tpu.memref_squeeze %dma_start3A_1075 : memref<1x64xf32, #tpu.memory_space<vmem>> -> memref<64xf32, #tpu.memory_space<vmem>>
        %dma_start3A_1077 = arith.constant 0 : i32
        %dma_start3A_1078 = tpu.memref_slice %arg4[%squeeze3A_1066, %dma_start3A_1077] : memref<1000000x64xf32, #tpu.memory_space<hbm>> -> memref<1x64xf32, #tpu.memory_space<hbm>>
        %dma_start3A_1079 = tpu.memref_squeeze %dma_start3A_1078 : memref<1x64xf32, #tpu.memory_space<hbm>> -> memref<64xf32, #tpu.memory_space<hbm>>
        tpu.enqueue_dma source(%dma_start3A_1079 : memref<64xf32, #tpu.memory_space<hbm>>) target(%dma_start3A_1076 : memref<64xf32, #tpu.memory_space<vmem>>) target_semaphore(%arg16 : memref<!tpu.dma_semaphore, #tpu.memory_space<semaphore_mem>>)
        %slice3A_1080 = vector.extract_strided_slice %get3A_914 {offsets = [5], sizes = [1], strides = [1]} : vector<16xi32> to vector<1xi32>
        %squeeze3A_1081 = vector.extract %slice3A_1080[0] : i32 from vector<1xi32>
        %dma_start3A_1082 = arith.constant 5 : i32
        %dma_start3A_1083 = arith.constant 0 : i32
        %dma_start3A_1084 = tpu.memref_slice %arg13[%dma_start3A_1082, %dma_start3A_1083] : memref<16x64xf32, #tpu.memory_space<vmem>> -> memref<1x64xf32, #tpu.memory_space<vmem>>
        %dma_start3A_1085 = tpu.memref_squeeze %dma_start3A_1084 : memref<1x64xf32, #tpu.memory_space<vmem>> -> memref<64xf32, #tpu.memory_space<vmem>>
        %dma_start3A_1086 = arith.constant 0 : i32
        %dma_start3A_1087 = tpu.memref_slice %arg5[%squeeze3A_1081, %dma_start3A_1086] : memref<1000000x64xf32, #tpu.memory_space<hbm>> -> memref<1x64xf32, #tpu.memory_space<hbm>>
        %dma_start3A_1088 = tpu.memref_squeeze %dma_start3A_1087 : memref<1x64xf32, #tpu.memory_space<hbm>> -> memref<64xf32, #tpu.memory_space<hbm>>
        %dma_start3A_1089 = arith.constant 0 : i32
        %dma_start3A_1090 = tpu.memref_slice %arg13[%dma_start3A_1082, %dma_start3A_1089] : memref<16x64xf32, #tpu.memory_space<vmem>> -> memref<1x64xf32, #tpu.memory_space<vmem>>
        %dma_start3A_1091 = tpu.memref_squeeze %dma_start3A_1090 : memref<1x64xf32, #tpu.memory_space<vmem>> -> memref<64xf32, #tpu.memory_space<vmem>>
        %dma_start3A_1092 = arith.constant 0 : i32
        %dma_start3A_1093 = tpu.memref_slice %arg5[%squeeze3A_1081, %dma_start3A_1092] : memref<1000000x64xf32, #tpu.memory_space<hbm>> -> memref<1x64xf32, #tpu.memory_space<hbm>>
        %dma_start3A_1094 = tpu.memref_squeeze %dma_start3A_1093 : memref<1x64xf32, #tpu.memory_space<hbm>> -> memref<64xf32, #tpu.memory_space<hbm>>
        tpu.enqueue_dma source(%dma_start3A_1094 : memref<64xf32, #tpu.memory_space<hbm>>) target(%dma_start3A_1091 : memref<64xf32, #tpu.memory_space<vmem>>) target_semaphore(%arg17 : memref<!tpu.dma_semaphore, #tpu.memory_space<semaphore_mem>>)
        %slice3A_1095 = vector.extract_strided_slice %get3A_912 {offsets = [6], sizes = [1], strides = [1]} : vector<16xi32> to vector<1xi32>
        %squeeze3A_1096 = vector.extract %slice3A_1095[0] : i32 from vector<1xi32>
        %dma_start3A_1097 = arith.constant 6 : i32
        %dma_start3A_1098 = arith.constant 0 : i32
        %dma_start3A_1099 = tpu.memref_slice %arg11[%dma_start3A_1097, %dma_start3A_1098] : memref<16x64xf32, #tpu.memory_space<vmem>> -> memref<1x64xf32, #tpu.memory_space<vmem>>
        %dma_start3A_1100 = tpu.memref_squeeze %dma_start3A_1099 : memref<1x64xf32, #tpu.memory_space<vmem>> -> memref<64xf32, #tpu.memory_space<vmem>>
        %dma_start3A_1101 = arith.constant 0 : i32
        %dma_start3A_1102 = tpu.memref_slice %arg4[%squeeze3A_1096, %dma_start3A_1101] : memref<1000000x64xf32, #tpu.memory_space<hbm>> -> memref<1x64xf32, #tpu.memory_space<hbm>>
        %dma_start3A_1103 = tpu.memref_squeeze %dma_start3A_1102 : memref<1x64xf32, #tpu.memory_space<hbm>> -> memref<64xf32, #tpu.memory_space<hbm>>
        %dma_start3A_1104 = arith.constant 0 : i32
        %dma_start3A_1105 = tpu.memref_slice %arg11[%dma_start3A_1097, %dma_start3A_1104] : memref<16x64xf32, #tpu.memory_space<vmem>> -> memref<1x64xf32, #tpu.memory_space<vmem>>
        %dma_start3A_1106 = tpu.memref_squeeze %dma_start3A_1105 : memref<1x64xf32, #tpu.memory_space<vmem>> -> memref<64xf32, #tpu.memory_space<vmem>>
        %dma_start3A_1107 = arith.constant 0 : i32
        %dma_start3A_1108 = tpu.memref_slice %arg4[%squeeze3A_1096, %dma_start3A_1107] : memref<1000000x64xf32, #tpu.memory_space<hbm>> -> memref<1x64xf32, #tpu.memory_space<hbm>>
        %dma_start3A_1109 = tpu.memref_squeeze %dma_start3A_1108 : memref<1x64xf32, #tpu.memory_space<hbm>> -> memref<64xf32, #tpu.memory_space<hbm>>
        tpu.enqueue_dma source(%dma_start3A_1109 : memref<64xf32, #tpu.memory_space<hbm>>) target(%dma_start3A_1106 : memref<64xf32, #tpu.memory_space<vmem>>) target_semaphore(%arg16 : memref<!tpu.dma_semaphore, #tpu.memory_space<semaphore_mem>>)
        %slice3A_1110 = vector.extract_strided_slice %get3A_914 {offsets = [6], sizes = [1], strides = [1]} : vector<16xi32> to vector<1xi32>
        %squeeze3A_1111 = vector.extract %slice3A_1110[0] : i32 from vector<1xi32>
        %dma_start3A_1112 = arith.constant 6 : i32
        %dma_start3A_1113 = arith.constant 0 : i32
        %dma_start3A_1114 = tpu.memref_slice %arg13[%dma_start3A_1112, %dma_start3A_1113] : memref<16x64xf32, #tpu.memory_space<vmem>> -> memref<1x64xf32, #tpu.memory_space<vmem>>
        %dma_start3A_1115 = tpu.memref_squeeze %dma_start3A_1114 : memref<1x64xf32, #tpu.memory_space<vmem>> -> memref<64xf32, #tpu.memory_space<vmem>>
        %dma_start3A_1116 = arith.constant 0 : i32
        %dma_start3A_1117 = tpu.memref_slice %arg5[%squeeze3A_1111, %dma_start3A_1116] : memref<1000000x64xf32, #tpu.memory_space<hbm>> -> memref<1x64xf32, #tpu.memory_space<hbm>>
        %dma_start3A_1118 = tpu.memref_squeeze %dma_start3A_1117 : memref<1x64xf32, #tpu.memory_space<hbm>> -> memref<64xf32, #tpu.memory_space<hbm>>
        %dma_start3A_1119 = arith.constant 0 : i32
        %dma_start3A_1120 = tpu.memref_slice %arg13[%dma_start3A_1112, %dma_start3A_1119] : memref<16x64xf32, #tpu.memory_space<vmem>> -> memref<1x64xf32, #tpu.memory_space<vmem>>
        %dma_start3A_1121 = tpu.memref_squeeze %dma_start3A_1120 : memref<1x64xf32, #tpu.memory_space<vmem>> -> memref<64xf32, #tpu.memory_space<vmem>>
        %dma_start3A_1122 = arith.constant 0 : i32
        %dma_start3A_1123 = tpu.memref_slice %arg5[%squeeze3A_1111, %dma_start3A_1122] : memref<1000000x64xf32, #tpu.memory_space<hbm>> -> memref<1x64xf32, #tpu.memory_space<hbm>>
        %dma_start3A_1124 = tpu.memref_squeeze %dma_start3A_1123 : memref<1x64xf32, #tpu.memory_space<hbm>> -> memref<64xf32, #tpu.memory_space<hbm>>
        tpu.enqueue_dma source(%dma_start3A_1124 : memref<64xf32, #tpu.memory_space<hbm>>) target(%dma_start3A_1121 : memref<64xf32, #tpu.memory_space<vmem>>) target_semaphore(%arg17 : memref<!tpu.dma_semaphore, #tpu.memory_space<semaphore_mem>>)
        %slice3A_1125 = vector.extract_strided_slice %get3A_912 {offsets = [7], sizes = [1], strides = [1]} : vector<16xi32> to vector<1xi32>
        %squeeze3A_1126 = vector.extract %slice3A_1125[0] : i32 from vector<1xi32>
        %dma_start3A_1127 = arith.constant 7 : i32
        %dma_start3A_1128 = arith.constant 0 : i32
        %dma_start3A_1129 = tpu.memref_slice %arg11[%dma_start3A_1127, %dma_start3A_1128] : memref<16x64xf32, #tpu.memory_space<vmem>> -> memref<1x64xf32, #tpu.memory_space<vmem>>
        %dma_start3A_1130 = tpu.memref_squeeze %dma_start3A_1129 : memref<1x64xf32, #tpu.memory_space<vmem>> -> memref<64xf32, #tpu.memory_space<vmem>>
        %dma_start3A_1131 = arith.constant 0 : i32
        %dma_start3A_1132 = tpu.memref_slice %arg4[%squeeze3A_1126, %dma_start3A_1131] : memref<1000000x64xf32, #tpu.memory_space<hbm>> -> memref<1x64xf32, #tpu.memory_space<hbm>>
        %dma_start3A_1133 = tpu.memref_squeeze %dma_start3A_1132 : memref<1x64xf32, #tpu.memory_space<hbm>> -> memref<64xf32, #tpu.memory_space<hbm>>
        %dma_start3A_1134 = arith.constant 0 : i32
        %dma_start3A_1135 = tpu.memref_slice %arg11[%dma_start3A_1127, %dma_start3A_1134] : memref<16x64xf32, #tpu.memory_space<vmem>> -> memref<1x64xf32, #tpu.memory_space<vmem>>
        %dma_start3A_1136 = tpu.memref_squeeze %dma_start3A_1135 : memref<1x64xf32, #tpu.memory_space<vmem>> -> memref<64xf32, #tpu.memory_space<vmem>>
        %dma_start3A_1137 = arith.constant 0 : i32
        %dma_start3A_1138 = tpu.memref_slice %arg4[%squeeze3A_1126, %dma_start3A_1137] : memref<1000000x64xf32, #tpu.memory_space<hbm>> -> memref<1x64xf32, #tpu.memory_space<hbm>>
        %dma_start3A_1139 = tpu.memref_squeeze %dma_start3A_1138 : memref<1x64xf32, #tpu.memory_space<hbm>> -> memref<64xf32, #tpu.memory_space<hbm>>
        tpu.enqueue_dma source(%dma_start3A_1139 : memref<64xf32, #tpu.memory_space<hbm>>) target(%dma_start3A_1136 : memref<64xf32, #tpu.memory_space<vmem>>) target_semaphore(%arg16 : memref<!tpu.dma_semaphore, #tpu.memory_space<semaphore_mem>>)
        %slice3A_1140 = vector.extract_strided_slice %get3A_914 {offsets = [7], sizes = [1], strides = [1]} : vector<16xi32> to vector<1xi32>
        %squeeze3A_1141 = vector.extract %slice3A_1140[0] : i32 from vector<1xi32>
        %dma_start3A_1142 = arith.constant 7 : i32
        %dma_start3A_1143 = arith.constant 0 : i32
        %dma_start3A_1144 = tpu.memref_slice %arg13[%dma_start3A_1142, %dma_start3A_1143] : memref<16x64xf32, #tpu.memory_space<vmem>> -> memref<1x64xf32, #tpu.memory_space<vmem>>
        %dma_start3A_1145 = tpu.memref_squeeze %dma_start3A_1144 : memref<1x64xf32, #tpu.memory_space<vmem>> -> memref<64xf32, #tpu.memory_space<vmem>>
        %dma_start3A_1146 = arith.constant 0 : i32
        %dma_start3A_1147 = tpu.memref_slice %arg5[%squeeze3A_1141, %dma_start3A_1146] : memref<1000000x64xf32, #tpu.memory_space<hbm>> -> memref<1x64xf32, #tpu.memory_space<hbm>>
        %dma_start3A_1148 = tpu.memref_squeeze %dma_start3A_1147 : memref<1x64xf32, #tpu.memory_space<hbm>> -> memref<64xf32, #tpu.memory_space<hbm>>
        %dma_start3A_1149 = arith.constant 0 : i32
        %dma_start3A_1150 = tpu.memref_slice %arg13[%dma_start3A_1142, %dma_start3A_1149] : memref<16x64xf32, #tpu.memory_space<vmem>> -> memref<1x64xf32, #tpu.memory_space<vmem>>
        %dma_start3A_1151 = tpu.memref_squeeze %dma_start3A_1150 : memref<1x64xf32, #tpu.memory_space<vmem>> -> memref<64xf32, #tpu.memory_space<vmem>>
        %dma_start3A_1152 = arith.constant 0 : i32
        %dma_start3A_1153 = tpu.memref_slice %arg5[%squeeze3A_1141, %dma_start3A_1152] : memref<1000000x64xf32, #tpu.memory_space<hbm>> -> memref<1x64xf32, #tpu.memory_space<hbm>>
        %dma_start3A_1154 = tpu.memref_squeeze %dma_start3A_1153 : memref<1x64xf32, #tpu.memory_space<hbm>> -> memref<64xf32, #tpu.memory_space<hbm>>
        tpu.enqueue_dma source(%dma_start3A_1154 : memref<64xf32, #tpu.memory_space<hbm>>) target(%dma_start3A_1151 : memref<64xf32, #tpu.memory_space<vmem>>) target_semaphore(%arg17 : memref<!tpu.dma_semaphore, #tpu.memory_space<semaphore_mem>>)
        %slice3A_1155 = vector.extract_strided_slice %get3A_912 {offsets = [8], sizes = [1], strides = [1]} : vector<16xi32> to vector<1xi32>
        %squeeze3A_1156 = vector.extract %slice3A_1155[0] : i32 from vector<1xi32>
        %dma_start3A_1157 = arith.constant 8 : i32
        %dma_start3A_1158 = arith.constant 0 : i32
        %dma_start3A_1159 = tpu.memref_slice %arg11[%dma_start3A_1157, %dma_start3A_1158] : memref<16x64xf32, #tpu.memory_space<vmem>> -> memref<1x64xf32, #tpu.memory_space<vmem>>
        %dma_start3A_1160 = tpu.memref_squeeze %dma_start3A_1159 : memref<1x64xf32, #tpu.memory_space<vmem>> -> memref<64xf32, #tpu.memory_space<vmem>>
        %dma_start3A_1161 = arith.constant 0 : i32
        %dma_start3A_1162 = tpu.memref_slice %arg4[%squeeze3A_1156, %dma_start3A_1161] : memref<1000000x64xf32, #tpu.memory_space<hbm>> -> memref<1x64xf32, #tpu.memory_space<hbm>>
        %dma_start3A_1163 = tpu.memref_squeeze %dma_start3A_1162 : memref<1x64xf32, #tpu.memory_space<hbm>> -> memref<64xf32, #tpu.memory_space<hbm>>
        %dma_start3A_1164 = arith.constant 0 : i32
        %dma_start3A_1165 = tpu.memref_slice %arg11[%dma_start3A_1157, %dma_start3A_1164] : memref<16x64xf32, #tpu.memory_space<vmem>> -> memref<1x64xf32, #tpu.memory_space<vmem>>
        %dma_start3A_1166 = tpu.memref_squeeze %dma_start3A_1165 : memref<1x64xf32, #tpu.memory_space<vmem>> -> memref<64xf32, #tpu.memory_space<vmem>>
        %dma_start3A_1167 = arith.constant 0 : i32
        %dma_start3A_1168 = tpu.memref_slice %arg4[%squeeze3A_1156, %dma_start3A_1167] : memref<1000000x64xf32, #tpu.memory_space<hbm>> -> memref<1x64xf32, #tpu.memory_space<hbm>>
        %dma_start3A_1169 = tpu.memref_squeeze %dma_start3A_1168 : memref<1x64xf32, #tpu.memory_space<hbm>> -> memref<64xf32, #tpu.memory_space<hbm>>
        tpu.enqueue_dma source(%dma_start3A_1169 : memref<64xf32, #tpu.memory_space<hbm>>) target(%dma_start3A_1166 : memref<64xf32, #tpu.memory_space<vmem>>) target_semaphore(%arg16 : memref<!tpu.dma_semaphore, #tpu.memory_space<semaphore_mem>>)
        %slice3A_1170 = vector.extract_strided_slice %get3A_914 {offsets = [8], sizes = [1], strides = [1]} : vector<16xi32> to vector<1xi32>
        %squeeze3A_1171 = vector.extract %slice3A_1170[0] : i32 from vector<1xi32>
        %dma_start3A_1172 = arith.constant 8 : i32
        %dma_start3A_1173 = arith.constant 0 : i32
        %dma_start3A_1174 = tpu.memref_slice %arg13[%dma_start3A_1172, %dma_start3A_1173] : memref<16x64xf32, #tpu.memory_space<vmem>> -> memref<1x64xf32, #tpu.memory_space<vmem>>
        %dma_start3A_1175 = tpu.memref_squeeze %dma_start3A_1174 : memref<1x64xf32, #tpu.memory_space<vmem>> -> memref<64xf32, #tpu.memory_space<vmem>>
        %dma_start3A_1176 = arith.constant 0 : i32
        %dma_start3A_1177 = tpu.memref_slice %arg5[%squeeze3A_1171, %dma_start3A_1176] : memref<1000000x64xf32, #tpu.memory_space<hbm>> -> memref<1x64xf32, #tpu.memory_space<hbm>>
        %dma_start3A_1178 = tpu.memref_squeeze %dma_start3A_1177 : memref<1x64xf32, #tpu.memory_space<hbm>> -> memref<64xf32, #tpu.memory_space<hbm>>
        %dma_start3A_1179 = arith.constant 0 : i32
        %dma_start3A_1180 = tpu.memref_slice %arg13[%dma_start3A_1172, %dma_start3A_1179] : memref<16x64xf32, #tpu.memory_space<vmem>> -> memref<1x64xf32, #tpu.memory_space<vmem>>
        %dma_start3A_1181 = tpu.memref_squeeze %dma_start3A_1180 : memref<1x64xf32, #tpu.memory_space<vmem>> -> memref<64xf32, #tpu.memory_space<vmem>>
        %dma_start3A_1182 = arith.constant 0 : i32
        %dma_start3A_1183 = tpu.memref_slice %arg5[%squeeze3A_1171, %dma_start3A_1182] : memref<1000000x64xf32, #tpu.memory_space<hbm>> -> memref<1x64xf32, #tpu.memory_space<hbm>>
        %dma_start3A_1184 = tpu.memref_squeeze %dma_start3A_1183 : memref<1x64xf32, #tpu.memory_space<hbm>> -> memref<64xf32, #tpu.memory_space<hbm>>
        tpu.enqueue_dma source(%dma_start3A_1184 : memref<64xf32, #tpu.memory_space<hbm>>) target(%dma_start3A_1181 : memref<64xf32, #tpu.memory_space<vmem>>) target_semaphore(%arg17 : memref<!tpu.dma_semaphore, #tpu.memory_space<semaphore_mem>>)
        %slice3A_1185 = vector.extract_strided_slice %get3A_912 {offsets = [9], sizes = [1], strides = [1]} : vector<16xi32> to vector<1xi32>
        %squeeze3A_1186 = vector.extract %slice3A_1185[0] : i32 from vector<1xi32>
        %dma_start3A_1187 = arith.constant 9 : i32
        %dma_start3A_1188 = arith.constant 0 : i32
        %dma_start3A_1189 = tpu.memref_slice %arg11[%dma_start3A_1187, %dma_start3A_1188] : memref<16x64xf32, #tpu.memory_space<vmem>> -> memref<1x64xf32, #tpu.memory_space<vmem>>
        %dma_start3A_1190 = tpu.memref_squeeze %dma_start3A_1189 : memref<1x64xf32, #tpu.memory_space<vmem>> -> memref<64xf32, #tpu.memory_space<vmem>>
        %dma_start3A_1191 = arith.constant 0 : i32
        %dma_start3A_1192 = tpu.memref_slice %arg4[%squeeze3A_1186, %dma_start3A_1191] : memref<1000000x64xf32, #tpu.memory_space<hbm>> -> memref<1x64xf32, #tpu.memory_space<hbm>>
        %dma_start3A_1193 = tpu.memref_squeeze %dma_start3A_1192 : memref<1x64xf32, #tpu.memory_space<hbm>> -> memref<64xf32, #tpu.memory_space<hbm>>
        %dma_start3A_1194 = arith.constant 0 : i32
        %dma_start3A_1195 = tpu.memref_slice %arg11[%dma_start3A_1187, %dma_start3A_1194] : memref<16x64xf32, #tpu.memory_space<vmem>> -> memref<1x64xf32, #tpu.memory_space<vmem>>
        %dma_start3A_1196 = tpu.memref_squeeze %dma_start3A_1195 : memref<1x64xf32, #tpu.memory_space<vmem>> -> memref<64xf32, #tpu.memory_space<vmem>>
        %dma_start3A_1197 = arith.constant 0 : i32
        %dma_start3A_1198 = tpu.memref_slice %arg4[%squeeze3A_1186, %dma_start3A_1197] : memref<1000000x64xf32, #tpu.memory_space<hbm>> -> memref<1x64xf32, #tpu.memory_space<hbm>>
        %dma_start3A_1199 = tpu.memref_squeeze %dma_start3A_1198 : memref<1x64xf32, #tpu.memory_space<hbm>> -> memref<64xf32, #tpu.memory_space<hbm>>
        tpu.enqueue_dma source(%dma_start3A_1199 : memref<64xf32, #tpu.memory_space<hbm>>) target(%dma_start3A_1196 : memref<64xf32, #tpu.memory_space<vmem>>) target_semaphore(%arg16 : memref<!tpu.dma_semaphore, #tpu.memory_space<semaphore_mem>>)
        %slice3A_1200 = vector.extract_strided_slice %get3A_914 {offsets = [9], sizes = [1], strides = [1]} : vector<16xi32> to vector<1xi32>
        %squeeze3A_1201 = vector.extract %slice3A_1200[0] : i32 from vector<1xi32>
        %dma_start3A_1202 = arith.constant 9 : i32
        %dma_start3A_1203 = arith.constant 0 : i32
        %dma_start3A_1204 = tpu.memref_slice %arg13[%dma_start3A_1202, %dma_start3A_1203] : memref<16x64xf32, #tpu.memory_space<vmem>> -> memref<1x64xf32, #tpu.memory_space<vmem>>
        %dma_start3A_1205 = tpu.memref_squeeze %dma_start3A_1204 : memref<1x64xf32, #tpu.memory_space<vmem>> -> memref<64xf32, #tpu.memory_space<vmem>>
        %dma_start3A_1206 = arith.constant 0 : i32
        %dma_start3A_1207 = tpu.memref_slice %arg5[%squeeze3A_1201, %dma_start3A_1206] : memref<1000000x64xf32, #tpu.memory_space<hbm>> -> memref<1x64xf32, #tpu.memory_space<hbm>>
        %dma_start3A_1208 = tpu.memref_squeeze %dma_start3A_1207 : memref<1x64xf32, #tpu.memory_space<hbm>> -> memref<64xf32, #tpu.memory_space<hbm>>
        %dma_start3A_1209 = arith.constant 0 : i32
        %dma_start3A_1210 = tpu.memref_slice %arg13[%dma_start3A_1202, %dma_start3A_1209] : memref<16x64xf32, #tpu.memory_space<vmem>> -> memref<1x64xf32, #tpu.memory_space<vmem>>
        %dma_start3A_1211 = tpu.memref_squeeze %dma_start3A_1210 : memref<1x64xf32, #tpu.memory_space<vmem>> -> memref<64xf32, #tpu.memory_space<vmem>>
        %dma_start3A_1212 = arith.constant 0 : i32
        %dma_start3A_1213 = tpu.memref_slice %arg5[%squeeze3A_1201, %dma_start3A_1212] : memref<1000000x64xf32, #tpu.memory_space<hbm>> -> memref<1x64xf32, #tpu.memory_space<hbm>>
        %dma_start3A_1214 = tpu.memref_squeeze %dma_start3A_1213 : memref<1x64xf32, #tpu.memory_space<hbm>> -> memref<64xf32, #tpu.memory_space<hbm>>
        tpu.enqueue_dma source(%dma_start3A_1214 : memref<64xf32, #tpu.memory_space<hbm>>) target(%dma_start3A_1211 : memref<64xf32, #tpu.memory_space<vmem>>) target_semaphore(%arg17 : memref<!tpu.dma_semaphore, #tpu.memory_space<semaphore_mem>>)
        %slice3A_1215 = vector.extract_strided_slice %get3A_912 {offsets = [10], sizes = [1], strides = [1]} : vector<16xi32> to vector<1xi32>
        %squeeze3A_1216 = vector.extract %slice3A_1215[0] : i32 from vector<1xi32>
        %dma_start3A_1217 = arith.constant 10 : i32
        %dma_start3A_1218 = arith.constant 0 : i32
        %dma_start3A_1219 = tpu.memref_slice %arg11[%dma_start3A_1217, %dma_start3A_1218] : memref<16x64xf32, #tpu.memory_space<vmem>> -> memref<1x64xf32, #tpu.memory_space<vmem>>
        %dma_start3A_1220 = tpu.memref_squeeze %dma_start3A_1219 : memref<1x64xf32, #tpu.memory_space<vmem>> -> memref<64xf32, #tpu.memory_space<vmem>>
        %dma_start3A_1221 = arith.constant 0 : i32
        %dma_start3A_1222 = tpu.memref_slice %arg4[%squeeze3A_1216, %dma_start3A_1221] : memref<1000000x64xf32, #tpu.memory_space<hbm>> -> memref<1x64xf32, #tpu.memory_space<hbm>>
        %dma_start3A_1223 = tpu.memref_squeeze %dma_start3A_1222 : memref<1x64xf32, #tpu.memory_space<hbm>> -> memref<64xf32, #tpu.memory_space<hbm>>
        %dma_start3A_1224 = arith.constant 0 : i32
        %dma_start3A_1225 = tpu.memref_slice %arg11[%dma_start3A_1217, %dma_start3A_1224] : memref<16x64xf32, #tpu.memory_space<vmem>> -> memref<1x64xf32, #tpu.memory_space<vmem>>
        %dma_start3A_1226 = tpu.memref_squeeze %dma_start3A_1225 : memref<1x64xf32, #tpu.memory_space<vmem>> -> memref<64xf32, #tpu.memory_space<vmem>>
        %dma_start3A_1227 = arith.constant 0 : i32
        %dma_start3A_1228 = tpu.memref_slice %arg4[%squeeze3A_1216, %dma_start3A_1227] : memref<1000000x64xf32, #tpu.memory_space<hbm>> -> memref<1x64xf32, #tpu.memory_space<hbm>>
        %dma_start3A_1229 = tpu.memref_squeeze %dma_start3A_1228 : memref<1x64xf32, #tpu.memory_space<hbm>> -> memref<64xf32, #tpu.memory_space<hbm>>
        tpu.enqueue_dma source(%dma_start3A_1229 : memref<64xf32, #tpu.memory_space<hbm>>) target(%dma_start3A_1226 : memref<64xf32, #tpu.memory_space<vmem>>) target_semaphore(%arg16 : memref<!tpu.dma_semaphore, #tpu.memory_space<semaphore_mem>>)
        %slice3A_1230 = vector.extract_strided_slice %get3A_914 {offsets = [10], sizes = [1], strides = [1]} : vector<16xi32> to vector<1xi32>
        %squeeze3A_1231 = vector.extract %slice3A_1230[0] : i32 from vector<1xi32>
        %dma_start3A_1232 = arith.constant 10 : i32
        %dma_start3A_1233 = arith.constant 0 : i32
        %dma_start3A_1234 = tpu.memref_slice %arg13[%dma_start3A_1232, %dma_start3A_1233] : memref<16x64xf32, #tpu.memory_space<vmem>> -> memref<1x64xf32, #tpu.memory_space<vmem>>
        %dma_start3A_1235 = tpu.memref_squeeze %dma_start3A_1234 : memref<1x64xf32, #tpu.memory_space<vmem>> -> memref<64xf32, #tpu.memory_space<vmem>>
        %dma_start3A_1236 = arith.constant 0 : i32
        %dma_start3A_1237 = tpu.memref_slice %arg5[%squeeze3A_1231, %dma_start3A_1236] : memref<1000000x64xf32, #tpu.memory_space<hbm>> -> memref<1x64xf32, #tpu.memory_space<hbm>>
        %dma_start3A_1238 = tpu.memref_squeeze %dma_start3A_1237 : memref<1x64xf32, #tpu.memory_space<hbm>> -> memref<64xf32, #tpu.memory_space<hbm>>
        %dma_start3A_1239 = arith.constant 0 : i32
        %dma_start3A_1240 = tpu.memref_slice %arg13[%dma_start3A_1232, %dma_start3A_1239] : memref<16x64xf32, #tpu.memory_space<vmem>> -> memref<1x64xf32, #tpu.memory_space<vmem>>
        %dma_start3A_1241 = tpu.memref_squeeze %dma_start3A_1240 : memref<1x64xf32, #tpu.memory_space<vmem>> -> memref<64xf32, #tpu.memory_space<vmem>>
        %dma_start3A_1242 = arith.constant 0 : i32
        %dma_start3A_1243 = tpu.memref_slice %arg5[%squeeze3A_1231, %dma_start3A_1242] : memref<1000000x64xf32, #tpu.memory_space<hbm>> -> memref<1x64xf32, #tpu.memory_space<hbm>>
        %dma_start3A_1244 = tpu.memref_squeeze %dma_start3A_1243 : memref<1x64xf32, #tpu.memory_space<hbm>> -> memref<64xf32, #tpu.memory_space<hbm>>
        tpu.enqueue_dma source(%dma_start3A_1244 : memref<64xf32, #tpu.memory_space<hbm>>) target(%dma_start3A_1241 : memref<64xf32, #tpu.memory_space<vmem>>) target_semaphore(%arg17 : memref<!tpu.dma_semaphore, #tpu.memory_space<semaphore_mem>>)
        %slice3A_1245 = vector.extract_strided_slice %get3A_912 {offsets = [11], sizes = [1], strides = [1]} : vector<16xi32> to vector<1xi32>
        %squeeze3A_1246 = vector.extract %slice3A_1245[0] : i32 from vector<1xi32>
        %dma_start3A_1247 = arith.constant 11 : i32
        %dma_start3A_1248 = arith.constant 0 : i32
        %dma_start3A_1249 = tpu.memref_slice %arg11[%dma_start3A_1247, %dma_start3A_1248] : memref<16x64xf32, #tpu.memory_space<vmem>> -> memref<1x64xf32, #tpu.memory_space<vmem>>
        %dma_start3A_1250 = tpu.memref_squeeze %dma_start3A_1249 : memref<1x64xf32, #tpu.memory_space<vmem>> -> memref<64xf32, #tpu.memory_space<vmem>>
        %dma_start3A_1251 = arith.constant 0 : i32
        %dma_start3A_1252 = tpu.memref_slice %arg4[%squeeze3A_1246, %dma_start3A_1251] : memref<1000000x64xf32, #tpu.memory_space<hbm>> -> memref<1x64xf32, #tpu.memory_space<hbm>>
        %dma_start3A_1253 = tpu.memref_squeeze %dma_start3A_1252 : memref<1x64xf32, #tpu.memory_space<hbm>> -> memref<64xf32, #tpu.memory_space<hbm>>
        %dma_start3A_1254 = arith.constant 0 : i32
        %dma_start3A_1255 = tpu.memref_slice %arg11[%dma_start3A_1247, %dma_start3A_1254] : memref<16x64xf32, #tpu.memory_space<vmem>> -> memref<1x64xf32, #tpu.memory_space<vmem>>
        %dma_start3A_1256 = tpu.memref_squeeze %dma_start3A_1255 : memref<1x64xf32, #tpu.memory_space<vmem>> -> memref<64xf32, #tpu.memory_space<vmem>>
        %dma_start3A_1257 = arith.constant 0 : i32
        %dma_start3A_1258 = tpu.memref_slice %arg4[%squeeze3A_1246, %dma_start3A_1257] : memref<1000000x64xf32, #tpu.memory_space<hbm>> -> memref<1x64xf32, #tpu.memory_space<hbm>>
        %dma_start3A_1259 = tpu.memref_squeeze %dma_start3A_1258 : memref<1x64xf32, #tpu.memory_space<hbm>> -> memref<64xf32, #tpu.memory_space<hbm>>
        tpu.enqueue_dma source(%dma_start3A_1259 : memref<64xf32, #tpu.memory_space<hbm>>) target(%dma_start3A_1256 : memref<64xf32, #tpu.memory_space<vmem>>) target_semaphore(%arg16 : memref<!tpu.dma_semaphore, #tpu.memory_space<semaphore_mem>>)
        %slice3A_1260 = vector.extract_strided_slice %get3A_914 {offsets = [11], sizes = [1], strides = [1]} : vector<16xi32> to vector<1xi32>
        %squeeze3A_1261 = vector.extract %slice3A_1260[0] : i32 from vector<1xi32>
        %dma_start3A_1262 = arith.constant 11 : i32
        %dma_start3A_1263 = arith.constant 0 : i32
        %dma_start3A_1264 = tpu.memref_slice %arg13[%dma_start3A_1262, %dma_start3A_1263] : memref<16x64xf32, #tpu.memory_space<vmem>> -> memref<1x64xf32, #tpu.memory_space<vmem>>
        %dma_start3A_1265 = tpu.memref_squeeze %dma_start3A_1264 : memref<1x64xf32, #tpu.memory_space<vmem>> -> memref<64xf32, #tpu.memory_space<vmem>>
        %dma_start3A_1266 = arith.constant 0 : i32
        %dma_start3A_1267 = tpu.memref_slice %arg5[%squeeze3A_1261, %dma_start3A_1266] : memref<1000000x64xf32, #tpu.memory_space<hbm>> -> memref<1x64xf32, #tpu.memory_space<hbm>>
        %dma_start3A_1268 = tpu.memref_squeeze %dma_start3A_1267 : memref<1x64xf32, #tpu.memory_space<hbm>> -> memref<64xf32, #tpu.memory_space<hbm>>
        %dma_start3A_1269 = arith.constant 0 : i32
        %dma_start3A_1270 = tpu.memref_slice %arg13[%dma_start3A_1262, %dma_start3A_1269] : memref<16x64xf32, #tpu.memory_space<vmem>> -> memref<1x64xf32, #tpu.memory_space<vmem>>
        %dma_start3A_1271 = tpu.memref_squeeze %dma_start3A_1270 : memref<1x64xf32, #tpu.memory_space<vmem>> -> memref<64xf32, #tpu.memory_space<vmem>>
        %dma_start3A_1272 = arith.constant 0 : i32
        %dma_start3A_1273 = tpu.memref_slice %arg5[%squeeze3A_1261, %dma_start3A_1272] : memref<1000000x64xf32, #tpu.memory_space<hbm>> -> memref<1x64xf32, #tpu.memory_space<hbm>>
        %dma_start3A_1274 = tpu.memref_squeeze %dma_start3A_1273 : memref<1x64xf32, #tpu.memory_space<hbm>> -> memref<64xf32, #tpu.memory_space<hbm>>
        tpu.enqueue_dma source(%dma_start3A_1274 : memref<64xf32, #tpu.memory_space<hbm>>) target(%dma_start3A_1271 : memref<64xf32, #tpu.memory_space<vmem>>) target_semaphore(%arg17 : memref<!tpu.dma_semaphore, #tpu.memory_space<semaphore_mem>>)
        %slice3A_1275 = vector.extract_strided_slice %get3A_912 {offsets = [12], sizes = [1], strides = [1]} : vector<16xi32> to vector<1xi32>
        %squeeze3A_1276 = vector.extract %slice3A_1275[0] : i32 from vector<1xi32>
        %dma_start3A_1277 = arith.constant 12 : i32
        %dma_start3A_1278 = arith.constant 0 : i32
        %dma_start3A_1279 = tpu.memref_slice %arg11[%dma_start3A_1277, %dma_start3A_1278] : memref<16x64xf32, #tpu.memory_space<vmem>> -> memref<1x64xf32, #tpu.memory_space<vmem>>
        %dma_start3A_1280 = tpu.memref_squeeze %dma_start3A_1279 : memref<1x64xf32, #tpu.memory_space<vmem>> -> memref<64xf32, #tpu.memory_space<vmem>>
        %dma_start3A_1281 = arith.constant 0 : i32
        %dma_start3A_1282 = tpu.memref_slice %arg4[%squeeze3A_1276, %dma_start3A_1281] : memref<1000000x64xf32, #tpu.memory_space<hbm>> -> memref<1x64xf32, #tpu.memory_space<hbm>>
        %dma_start3A_1283 = tpu.memref_squeeze %dma_start3A_1282 : memref<1x64xf32, #tpu.memory_space<hbm>> -> memref<64xf32, #tpu.memory_space<hbm>>
        %dma_start3A_1284 = arith.constant 0 : i32
        %dma_start3A_1285 = tpu.memref_slice %arg11[%dma_start3A_1277, %dma_start3A_1284] : memref<16x64xf32, #tpu.memory_space<vmem>> -> memref<1x64xf32, #tpu.memory_space<vmem>>
        %dma_start3A_1286 = tpu.memref_squeeze %dma_start3A_1285 : memref<1x64xf32, #tpu.memory_space<vmem>> -> memref<64xf32, #tpu.memory_space<vmem>>
        %dma_start3A_1287 = arith.constant 0 : i32
        %dma_start3A_1288 = tpu.memref_slice %arg4[%squeeze3A_1276, %dma_start3A_1287] : memref<1000000x64xf32, #tpu.memory_space<hbm>> -> memref<1x64xf32, #tpu.memory_space<hbm>>
        %dma_start3A_1289 = tpu.memref_squeeze %dma_start3A_1288 : memref<1x64xf32, #tpu.memory_space<hbm>> -> memref<64xf32, #tpu.memory_space<hbm>>
        tpu.enqueue_dma source(%dma_start3A_1289 : memref<64xf32, #tpu.memory_space<hbm>>) target(%dma_start3A_1286 : memref<64xf32, #tpu.memory_space<vmem>>) target_semaphore(%arg16 : memref<!tpu.dma_semaphore, #tpu.memory_space<semaphore_mem>>)
        %slice3A_1290 = vector.extract_strided_slice %get3A_914 {offsets = [12], sizes = [1], strides = [1]} : vector<16xi32> to vector<1xi32>
        %squeeze3A_1291 = vector.extract %slice3A_1290[0] : i32 from vector<1xi32>
        %dma_start3A_1292 = arith.constant 12 : i32
        %dma_start3A_1293 = arith.constant 0 : i32
        %dma_start3A_1294 = tpu.memref_slice %arg13[%dma_start3A_1292, %dma_start3A_1293] : memref<16x64xf32, #tpu.memory_space<vmem>> -> memref<1x64xf32, #tpu.memory_space<vmem>>
        %dma_start3A_1295 = tpu.memref_squeeze %dma_start3A_1294 : memref<1x64xf32, #tpu.memory_space<vmem>> -> memref<64xf32, #tpu.memory_space<vmem>>
        %dma_start3A_1296 = arith.constant 0 : i32
        %dma_start3A_1297 = tpu.memref_slice %arg5[%squeeze3A_1291, %dma_start3A_1296] : memref<1000000x64xf32, #tpu.memory_space<hbm>> -> memref<1x64xf32, #tpu.memory_space<hbm>>
        %dma_start3A_1298 = tpu.memref_squeeze %dma_start3A_1297 : memref<1x64xf32, #tpu.memory_space<hbm>> -> memref<64xf32, #tpu.memory_space<hbm>>
        %dma_start3A_1299 = arith.constant 0 : i32
        %dma_start3A_1300 = tpu.memref_slice %arg13[%dma_start3A_1292, %dma_start3A_1299] : memref<16x64xf32, #tpu.memory_space<vmem>> -> memref<1x64xf32, #tpu.memory_space<vmem>>
        %dma_start3A_1301 = tpu.memref_squeeze %dma_start3A_1300 : memref<1x64xf32, #tpu.memory_space<vmem>> -> memref<64xf32, #tpu.memory_space<vmem>>
        %dma_start3A_1302 = arith.constant 0 : i32
        %dma_start3A_1303 = tpu.memref_slice %arg5[%squeeze3A_1291, %dma_start3A_1302] : memref<1000000x64xf32, #tpu.memory_space<hbm>> -> memref<1x64xf32, #tpu.memory_space<hbm>>
        %dma_start3A_1304 = tpu.memref_squeeze %dma_start3A_1303 : memref<1x64xf32, #tpu.memory_space<hbm>> -> memref<64xf32, #tpu.memory_space<hbm>>
        tpu.enqueue_dma source(%dma_start3A_1304 : memref<64xf32, #tpu.memory_space<hbm>>) target(%dma_start3A_1301 : memref<64xf32, #tpu.memory_space<vmem>>) target_semaphore(%arg17 : memref<!tpu.dma_semaphore, #tpu.memory_space<semaphore_mem>>)
        %slice3A_1305 = vector.extract_strided_slice %get3A_912 {offsets = [13], sizes = [1], strides = [1]} : vector<16xi32> to vector<1xi32>
        %squeeze3A_1306 = vector.extract %slice3A_1305[0] : i32 from vector<1xi32>
        %dma_start3A_1307 = arith.constant 13 : i32
        %dma_start3A_1308 = arith.constant 0 : i32
        %dma_start3A_1309 = tpu.memref_slice %arg11[%dma_start3A_1307, %dma_start3A_1308] : memref<16x64xf32, #tpu.memory_space<vmem>> -> memref<1x64xf32, #tpu.memory_space<vmem>>
        %dma_start3A_1310 = tpu.memref_squeeze %dma_start3A_1309 : memref<1x64xf32, #tpu.memory_space<vmem>> -> memref<64xf32, #tpu.memory_space<vmem>>
        %dma_start3A_1311 = arith.constant 0 : i32
        %dma_start3A_1312 = tpu.memref_slice %arg4[%squeeze3A_1306, %dma_start3A_1311] : memref<1000000x64xf32, #tpu.memory_space<hbm>> -> memref<1x64xf32, #tpu.memory_space<hbm>>
        %dma_start3A_1313 = tpu.memref_squeeze %dma_start3A_1312 : memref<1x64xf32, #tpu.memory_space<hbm>> -> memref<64xf32, #tpu.memory_space<hbm>>
        %dma_start3A_1314 = arith.constant 0 : i32
        %dma_start3A_1315 = tpu.memref_slice %arg11[%dma_start3A_1307, %dma_start3A_1314] : memref<16x64xf32, #tpu.memory_space<vmem>> -> memref<1x64xf32, #tpu.memory_space<vmem>>
        %dma_start3A_1316 = tpu.memref_squeeze %dma_start3A_1315 : memref<1x64xf32, #tpu.memory_space<vmem>> -> memref<64xf32, #tpu.memory_space<vmem>>
        %dma_start3A_1317 = arith.constant 0 : i32
        %dma_start3A_1318 = tpu.memref_slice %arg4[%squeeze3A_1306, %dma_start3A_1317] : memref<1000000x64xf32, #tpu.memory_space<hbm>> -> memref<1x64xf32, #tpu.memory_space<hbm>>
        %dma_start3A_1319 = tpu.memref_squeeze %dma_start3A_1318 : memref<1x64xf32, #tpu.memory_space<hbm>> -> memref<64xf32, #tpu.memory_space<hbm>>
        tpu.enqueue_dma source(%dma_start3A_1319 : memref<64xf32, #tpu.memory_space<hbm>>) target(%dma_start3A_1316 : memref<64xf32, #tpu.memory_space<vmem>>) target_semaphore(%arg16 : memref<!tpu.dma_semaphore, #tpu.memory_space<semaphore_mem>>)
        %slice3A_1320 = vector.extract_strided_slice %get3A_914 {offsets = [13], sizes = [1], strides = [1]} : vector<16xi32> to vector<1xi32>
        %squeeze3A_1321 = vector.extract %slice3A_1320[0] : i32 from vector<1xi32>
        %dma_start3A_1322 = arith.constant 13 : i32
        %dma_start3A_1323 = arith.constant 0 : i32
        %dma_start3A_1324 = tpu.memref_slice %arg13[%dma_start3A_1322, %dma_start3A_1323] : memref<16x64xf32, #tpu.memory_space<vmem>> -> memref<1x64xf32, #tpu.memory_space<vmem>>
        %dma_start3A_1325 = tpu.memref_squeeze %dma_start3A_1324 : memref<1x64xf32, #tpu.memory_space<vmem>> -> memref<64xf32, #tpu.memory_space<vmem>>
        %dma_start3A_1326 = arith.constant 0 : i32
        %dma_start3A_1327 = tpu.memref_slice %arg5[%squeeze3A_1321, %dma_start3A_1326] : memref<1000000x64xf32, #tpu.memory_space<hbm>> -> memref<1x64xf32, #tpu.memory_space<hbm>>
        %dma_start3A_1328 = tpu.memref_squeeze %dma_start3A_1327 : memref<1x64xf32, #tpu.memory_space<hbm>> -> memref<64xf32, #tpu.memory_space<hbm>>
        %dma_start3A_1329 = arith.constant 0 : i32
        %dma_start3A_1330 = tpu.memref_slice %arg13[%dma_start3A_1322, %dma_start3A_1329] : memref<16x64xf32, #tpu.memory_space<vmem>> -> memref<1x64xf32, #tpu.memory_space<vmem>>
        %dma_start3A_1331 = tpu.memref_squeeze %dma_start3A_1330 : memref<1x64xf32, #tpu.memory_space<vmem>> -> memref<64xf32, #tpu.memory_space<vmem>>
        %dma_start3A_1332 = arith.constant 0 : i32
        %dma_start3A_1333 = tpu.memref_slice %arg5[%squeeze3A_1321, %dma_start3A_1332] : memref<1000000x64xf32, #tpu.memory_space<hbm>> -> memref<1x64xf32, #tpu.memory_space<hbm>>
        %dma_start3A_1334 = tpu.memref_squeeze %dma_start3A_1333 : memref<1x64xf32, #tpu.memory_space<hbm>> -> memref<64xf32, #tpu.memory_space<hbm>>
        tpu.enqueue_dma source(%dma_start3A_1334 : memref<64xf32, #tpu.memory_space<hbm>>) target(%dma_start3A_1331 : memref<64xf32, #tpu.memory_space<vmem>>) target_semaphore(%arg17 : memref<!tpu.dma_semaphore, #tpu.memory_space<semaphore_mem>>)
        %slice3A_1335 = vector.extract_strided_slice %get3A_912 {offsets = [14], sizes = [1], strides = [1]} : vector<16xi32> to vector<1xi32>
        %squeeze3A_1336 = vector.extract %slice3A_1335[0] : i32 from vector<1xi32>
        %dma_start3A_1337 = arith.constant 14 : i32
        %dma_start3A_1338 = arith.constant 0 : i32
        %dma_start3A_1339 = tpu.memref_slice %arg11[%dma_start3A_1337, %dma_start3A_1338] : memref<16x64xf32, #tpu.memory_space<vmem>> -> memref<1x64xf32, #tpu.memory_space<vmem>>
        %dma_start3A_1340 = tpu.memref_squeeze %dma_start3A_1339 : memref<1x64xf32, #tpu.memory_space<vmem>> -> memref<64xf32, #tpu.memory_space<vmem>>
        %dma_start3A_1341 = arith.constant 0 : i32
        %dma_start3A_1342 = tpu.memref_slice %arg4[%squeeze3A_1336, %dma_start3A_1341] : memref<1000000x64xf32, #tpu.memory_space<hbm>> -> memref<1x64xf32, #tpu.memory_space<hbm>>
        %dma_start3A_1343 = tpu.memref_squeeze %dma_start3A_1342 : memref<1x64xf32, #tpu.memory_space<hbm>> -> memref<64xf32, #tpu.memory_space<hbm>>
        %dma_start3A_1344 = arith.constant 0 : i32
        %dma_start3A_1345 = tpu.memref_slice %arg11[%dma_start3A_1337, %dma_start3A_1344] : memref<16x64xf32, #tpu.memory_space<vmem>> -> memref<1x64xf32, #tpu.memory_space<vmem>>
        %dma_start3A_1346 = tpu.memref_squeeze %dma_start3A_1345 : memref<1x64xf32, #tpu.memory_space<vmem>> -> memref<64xf32, #tpu.memory_space<vmem>>
        %dma_start3A_1347 = arith.constant 0 : i32
        %dma_start3A_1348 = tpu.memref_slice %arg4[%squeeze3A_1336, %dma_start3A_1347] : memref<1000000x64xf32, #tpu.memory_space<hbm>> -> memref<1x64xf32, #tpu.memory_space<hbm>>
        %dma_start3A_1349 = tpu.memref_squeeze %dma_start3A_1348 : memref<1x64xf32, #tpu.memory_space<hbm>> -> memref<64xf32, #tpu.memory_space<hbm>>
        tpu.enqueue_dma source(%dma_start3A_1349 : memref<64xf32, #tpu.memory_space<hbm>>) target(%dma_start3A_1346 : memref<64xf32, #tpu.memory_space<vmem>>) target_semaphore(%arg16 : memref<!tpu.dma_semaphore, #tpu.memory_space<semaphore_mem>>)
        %slice3A_1350 = vector.extract_strided_slice %get3A_914 {offsets = [14], sizes = [1], strides = [1]} : vector<16xi32> to vector<1xi32>
        %squeeze3A_1351 = vector.extract %slice3A_1350[0] : i32 from vector<1xi32>
        %dma_start3A_1352 = arith.constant 14 : i32
        %dma_start3A_1353 = arith.constant 0 : i32
        %dma_start3A_1354 = tpu.memref_slice %arg13[%dma_start3A_1352, %dma_start3A_1353] : memref<16x64xf32, #tpu.memory_space<vmem>> -> memref<1x64xf32, #tpu.memory_space<vmem>>
        %dma_start3A_1355 = tpu.memref_squeeze %dma_start3A_1354 : memref<1x64xf32, #tpu.memory_space<vmem>> -> memref<64xf32, #tpu.memory_space<vmem>>
        %dma_start3A_1356 = arith.constant 0 : i32
        %dma_start3A_1357 = tpu.memref_slice %arg5[%squeeze3A_1351, %dma_start3A_1356] : memref<1000000x64xf32, #tpu.memory_space<hbm>> -> memref<1x64xf32, #tpu.memory_space<hbm>>
        %dma_start3A_1358 = tpu.memref_squeeze %dma_start3A_1357 : memref<1x64xf32, #tpu.memory_space<hbm>> -> memref<64xf32, #tpu.memory_space<hbm>>
        %dma_start3A_1359 = arith.constant 0 : i32
        %dma_start3A_1360 = tpu.memref_slice %arg13[%dma_start3A_1352, %dma_start3A_1359] : memref<16x64xf32, #tpu.memory_space<vmem>> -> memref<1x64xf32, #tpu.memory_space<vmem>>
        %dma_start3A_1361 = tpu.memref_squeeze %dma_start3A_1360 : memref<1x64xf32, #tpu.memory_space<vmem>> -> memref<64xf32, #tpu.memory_space<vmem>>
        %dma_start3A_1362 = arith.constant 0 : i32
        %dma_start3A_1363 = tpu.memref_slice %arg5[%squeeze3A_1351, %dma_start3A_1362] : memref<1000000x64xf32, #tpu.memory_space<hbm>> -> memref<1x64xf32, #tpu.memory_space<hbm>>
        %dma_start3A_1364 = tpu.memref_squeeze %dma_start3A_1363 : memref<1x64xf32, #tpu.memory_space<hbm>> -> memref<64xf32, #tpu.memory_space<hbm>>
        tpu.enqueue_dma source(%dma_start3A_1364 : memref<64xf32, #tpu.memory_space<hbm>>) target(%dma_start3A_1361 : memref<64xf32, #tpu.memory_space<vmem>>) target_semaphore(%arg17 : memref<!tpu.dma_semaphore, #tpu.memory_space<semaphore_mem>>)
        %slice3A_1365 = vector.extract_strided_slice %get3A_912 {offsets = [15], sizes = [1], strides = [1]} : vector<16xi32> to vector<1xi32>
        %squeeze3A_1366 = vector.extract %slice3A_1365[0] : i32 from vector<1xi32>
        %dma_start3A_1367 = arith.constant 15 : i32
        %dma_start3A_1368 = arith.constant 0 : i32
        %dma_start3A_1369 = tpu.memref_slice %arg11[%dma_start3A_1367, %dma_start3A_1368] : memref<16x64xf32, #tpu.memory_space<vmem>> -> memref<1x64xf32, #tpu.memory_space<vmem>>
        %dma_start3A_1370 = tpu.memref_squeeze %dma_start3A_1369 : memref<1x64xf32, #tpu.memory_space<vmem>> -> memref<64xf32, #tpu.memory_space<vmem>>
        %dma_start3A_1371 = arith.constant 0 : i32
        %dma_start3A_1372 = tpu.memref_slice %arg4[%squeeze3A_1366, %dma_start3A_1371] : memref<1000000x64xf32, #tpu.memory_space<hbm>> -> memref<1x64xf32, #tpu.memory_space<hbm>>
        %dma_start3A_1373 = tpu.memref_squeeze %dma_start3A_1372 : memref<1x64xf32, #tpu.memory_space<hbm>> -> memref<64xf32, #tpu.memory_space<hbm>>
        %dma_start3A_1374 = arith.constant 0 : i32
        %dma_start3A_1375 = tpu.memref_slice %arg11[%dma_start3A_1367, %dma_start3A_1374] : memref<16x64xf32, #tpu.memory_space<vmem>> -> memref<1x64xf32, #tpu.memory_space<vmem>>
        %dma_start3A_1376 = tpu.memref_squeeze %dma_start3A_1375 : memref<1x64xf32, #tpu.memory_space<vmem>> -> memref<64xf32, #tpu.memory_space<vmem>>
        %dma_start3A_1377 = arith.constant 0 : i32
        %dma_start3A_1378 = tpu.memref_slice %arg4[%squeeze3A_1366, %dma_start3A_1377] : memref<1000000x64xf32, #tpu.memory_space<hbm>> -> memref<1x64xf32, #tpu.memory_space<hbm>>
        %dma_start3A_1379 = tpu.memref_squeeze %dma_start3A_1378 : memref<1x64xf32, #tpu.memory_space<hbm>> -> memref<64xf32, #tpu.memory_space<hbm>>
        tpu.enqueue_dma source(%dma_start3A_1379 : memref<64xf32, #tpu.memory_space<hbm>>) target(%dma_start3A_1376 : memref<64xf32, #tpu.memory_space<vmem>>) target_semaphore(%arg16 : memref<!tpu.dma_semaphore, #tpu.memory_space<semaphore_mem>>)
        %slice3A_1380 = vector.extract_strided_slice %get3A_914 {offsets = [15], sizes = [1], strides = [1]} : vector<16xi32> to vector<1xi32>
        %squeeze3A_1381 = vector.extract %slice3A_1380[0] : i32 from vector<1xi32>
        %dma_start3A_1382 = arith.constant 15 : i32
        %dma_start3A_1383 = arith.constant 0 : i32
        %dma_start3A_1384 = tpu.memref_slice %arg13[%dma_start3A_1382, %dma_start3A_1383] : memref<16x64xf32, #tpu.memory_space<vmem>> -> memref<1x64xf32, #tpu.memory_space<vmem>>
        %dma_start3A_1385 = tpu.memref_squeeze %dma_start3A_1384 : memref<1x64xf32, #tpu.memory_space<vmem>> -> memref<64xf32, #tpu.memory_space<vmem>>
        %dma_start3A_1386 = arith.constant 0 : i32
        %dma_start3A_1387 = tpu.memref_slice %arg5[%squeeze3A_1381, %dma_start3A_1386] : memref<1000000x64xf32, #tpu.memory_space<hbm>> -> memref<1x64xf32, #tpu.memory_space<hbm>>
        %dma_start3A_1388 = tpu.memref_squeeze %dma_start3A_1387 : memref<1x64xf32, #tpu.memory_space<hbm>> -> memref<64xf32, #tpu.memory_space<hbm>>
        %dma_start3A_1389 = arith.constant 0 : i32
        %dma_start3A_1390 = tpu.memref_slice %arg13[%dma_start3A_1382, %dma_start3A_1389] : memref<16x64xf32, #tpu.memory_space<vmem>> -> memref<1x64xf32, #tpu.memory_space<vmem>>
        %dma_start3A_1391 = tpu.memref_squeeze %dma_start3A_1390 : memref<1x64xf32, #tpu.memory_space<vmem>> -> memref<64xf32, #tpu.memory_space<vmem>>
        %dma_start3A_1392 = arith.constant 0 : i32
        %dma_start3A_1393 = tpu.memref_slice %arg5[%squeeze3A_1381, %dma_start3A_1392] : memref<1000000x64xf32, #tpu.memory_space<hbm>> -> memref<1x64xf32, #tpu.memory_space<hbm>>
        %dma_start3A_1394 = tpu.memref_squeeze %dma_start3A_1393 : memref<1x64xf32, #tpu.memory_space<hbm>> -> memref<64xf32, #tpu.memory_space<hbm>>
        tpu.enqueue_dma source(%dma_start3A_1394 : memref<64xf32, #tpu.memory_space<hbm>>) target(%dma_start3A_1391 : memref<64xf32, #tpu.memory_space<vmem>>) target_semaphore(%arg17 : memref<!tpu.dma_semaphore, #tpu.memory_space<semaphore_mem>>)
      } else {
      }
      %lt3A_902 = arith.constant 32 : i32
      %lt3A_903 = arith.cmpi slt, %add3A_492, %lt3A_902 : i32
      %convert_element_type3A_904 = arith.extui %lt3A_903 : i1 to i32
      %cond3A_905 = arith.constant 0 : i32
      %cond3A_906 = arith.cmpi ne, %convert_element_type3A_904, %cond3A_905 : i32
      scf.if %cond3A_906 {
        %dma_wait3A_907 = arith.constant 0 : i32
        %dma_wait3A_908 = arith.constant 0 : i32
        %dma_wait3A_909 = tpu.memref_slice %arg4[%dma_wait3A_907, %dma_wait3A_908] : memref<1000000x64xf32, #tpu.memory_space<hbm>> -> memref<16x64xf32, #tpu.memory_space<hbm>>
        %dma_wait3A_910 = arith.constant 0 : i32
        %dma_wait3A_911 = arith.constant 0 : i32
        %dma_wait3A_912 = tpu.memref_slice %arg4[%dma_wait3A_910, %dma_wait3A_911] : memref<1000000x64xf32, #tpu.memory_space<hbm>> -> memref<16x64xf32, #tpu.memory_space<hbm>>
        tpu.wait_dma2 semaphore(%arg16 : memref<!tpu.dma_semaphore, #tpu.memory_space<semaphore_mem>>) src(%dma_wait3A_912 : memref<16x64xf32, #tpu.memory_space<hbm>>) dst(%arg12 : memref<16x64xf32, #tpu.memory_space<vmem>>)
        %dma_wait3A_913 = arith.constant 0 : i32
        %dma_wait3A_914 = arith.constant 0 : i32
        %dma_wait3A_915 = tpu.memref_slice %arg5[%dma_wait3A_913, %dma_wait3A_914] : memref<1000000x64xf32, #tpu.memory_space<hbm>> -> memref<16x64xf32, #tpu.memory_space<hbm>>
        %dma_wait3A_916 = arith.constant 0 : i32
        %dma_wait3A_917 = arith.constant 0 : i32
        %dma_wait3A_918 = tpu.memref_slice %arg5[%dma_wait3A_916, %dma_wait3A_917] : memref<1000000x64xf32, #tpu.memory_space<hbm>> -> memref<16x64xf32, #tpu.memory_space<hbm>>
        tpu.wait_dma2 semaphore(%arg17 : memref<!tpu.dma_semaphore, #tpu.memory_space<semaphore_mem>>) src(%dma_wait3A_918 : memref<16x64xf32, #tpu.memory_space<hbm>>) dst(%arg14 : memref<16x64xf32, #tpu.memory_space<vmem>>)
        %mul3A_919 = arith.constant 16 : i32
        %mul3A_920 = arith.muli %add3A_492, %mul3A_919 : i32
        %get3A_921 = arith.index_cast %mul3A_920 : i32 to index
        %get3A_922 = tpu.vector_load %arg10[%get3A_921] {strides = array<i32>} : memref<512xf32, #tpu.memory_space<vmem>>, vector<16xf32>,
        %broadcast_in_dim3A_923 = arith.constant 0 : i32
        %broadcast_in_dim3A_924 = vector.broadcast %broadcast_in_dim3A_923 : i32 to vector<16xi32>
        %gather3A_925 = tpu.vector_load_idx %arg12[%iota3A, %broadcast_in_dim3A_924] : memref<16x64xf32, #tpu.memory_space<vmem>>[vector<16xi32>, vector<16xi32>], vector<16xf32>,
        %gather3A_926 = tpu.vector_load_idx %arg14[%iota3A, %broadcast_in_dim3A_924] : memref<16x64xf32, #tpu.memory_space<vmem>>[vector<16xi32>, vector<16xi32>], vector<16xf32>,
        %mul3A_927 = arith.mulf %gather3A_925, %gather3A_926 : vector<16xf32>
        %add3A_928 = arith.addf %get3A_922, %mul3A_927 : vector<16xf32>
        %broadcast_in_dim3A_929 = arith.constant 1 : i32
        %broadcast_in_dim3A_930 = vector.broadcast %broadcast_in_dim3A_929 : i32 to vector<16xi32>
        %gather3A_931 = tpu.vector_load_idx %arg12[%iota3A, %broadcast_in_dim3A_930] : memref<16x64xf32, #tpu.memory_space<vmem>>[vector<16xi32>, vector<16xi32>], vector<16xf32>,
        %gather3A_932 = tpu.vector_load_idx %arg14[%iota3A, %broadcast_in_dim3A_930] : memref<16x64xf32, #tpu.memory_space<vmem>>[vector<16xi32>, vector<16xi32>], vector<16xf32>,
        %mul3A_933 = arith.mulf %gather3A_931, %gather3A_932 : vector<16xf32>
        %add3A_934 = arith.addf %add3A_928, %mul3A_933 : vector<16xf32>
        %broadcast_in_dim3A_935 = arith.constant 2 : i32
        %broadcast_in_dim3A_936 = vector.broadcast %broadcast_in_dim3A_935 : i32 to vector<16xi32>
        %gather3A_937 = tpu.vector_load_idx %arg12[%iota3A, %broadcast_in_dim3A_936] : memref<16x64xf32, #tpu.memory_space<vmem>>[vector<16xi32>, vector<16xi32>], vector<16xf32>,
        %gather3A_938 = tpu.vector_load_idx %arg14[%iota3A, %broadcast_in_dim3A_936] : memref<16x64xf32, #tpu.memory_space<vmem>>[vector<16xi32>, vector<16xi32>], vector<16xf32>,
        %mul3A_939 = arith.mulf %gather3A_937, %gather3A_938 : vector<16xf32>
        %add3A_940 = arith.addf %add3A_934, %mul3A_939 : vector<16xf32>
        %broadcast_in_dim3A_941 = arith.constant 3 : i32
        %broadcast_in_dim3A_942 = vector.broadcast %broadcast_in_dim3A_941 : i32 to vector<16xi32>
        %gather3A_943 = tpu.vector_load_idx %arg12[%iota3A, %broadcast_in_dim3A_942] : memref<16x64xf32, #tpu.memory_space<vmem>>[vector<16xi32>, vector<16xi32>], vector<16xf32>,
        %gather3A_944 = tpu.vector_load_idx %arg14[%iota3A, %broadcast_in_dim3A_942] : memref<16x64xf32, #tpu.memory_space<vmem>>[vector<16xi32>, vector<16xi32>], vector<16xf32>,
        %mul3A_945 = arith.mulf %gather3A_943, %gather3A_944 : vector<16xf32>
        %add3A_946 = arith.addf %add3A_940, %mul3A_945 : vector<16xf32>
        %broadcast_in_dim3A_947 = arith.constant 4 : i32
        %broadcast_in_dim3A_948 = vector.broadcast %broadcast_in_dim3A_947 : i32 to vector<16xi32>
        %gather3A_949 = tpu.vector_load_idx %arg12[%iota3A, %broadcast_in_dim3A_948] : memref<16x64xf32, #tpu.memory_space<vmem>>[vector<16xi32>, vector<16xi32>], vector<16xf32>,
        %gather3A_950 = tpu.vector_load_idx %arg14[%iota3A, %broadcast_in_dim3A_948] : memref<16x64xf32, #tpu.memory_space<vmem>>[vector<16xi32>, vector<16xi32>], vector<16xf32>,
        %mul3A_951 = arith.mulf %gather3A_949, %gather3A_950 : vector<16xf32>
        %add3A_952 = arith.addf %add3A_946, %mul3A_951 : vector<16xf32>
        %broadcast_in_dim3A_953 = arith.constant 5 : i32
        %broadcast_in_dim3A_954 = vector.broadcast %broadcast_in_dim3A_953 : i32 to vector<16xi32>
        %gather3A_955 = tpu.vector_load_idx %arg12[%iota3A, %broadcast_in_dim3A_954] : memref<16x64xf32, #tpu.memory_space<vmem>>[vector<16xi32>, vector<16xi32>], vector<16xf32>,
        %gather3A_956 = tpu.vector_load_idx %arg14[%iota3A, %broadcast_in_dim3A_954] : memref<16x64xf32, #tpu.memory_space<vmem>>[vector<16xi32>, vector<16xi32>], vector<16xf32>,
        %mul3A_957 = arith.mulf %gather3A_955, %gather3A_956 : vector<16xf32>
        %add3A_958 = arith.addf %add3A_952, %mul3A_957 : vector<16xf32>
        %broadcast_in_dim3A_959 = arith.constant 6 : i32
        %broadcast_in_dim3A_960 = vector.broadcast %broadcast_in_dim3A_959 : i32 to vector<16xi32>
        %gather3A_961 = tpu.vector_load_idx %arg12[%iota3A, %broadcast_in_dim3A_960] : memref<16x64xf32, #tpu.memory_space<vmem>>[vector<16xi32>, vector<16xi32>], vector<16xf32>,
        %gather3A_962 = tpu.vector_load_idx %arg14[%iota3A, %broadcast_in_dim3A_960] : memref<16x64xf32, #tpu.memory_space<vmem>>[vector<16xi32>, vector<16xi32>], vector<16xf32>,
        %mul3A_963 = arith.mulf %gather3A_961, %gather3A_962 : vector<16xf32>
        %add3A_964 = arith.addf %add3A_958, %mul3A_963 : vector<16xf32>
        %broadcast_in_dim3A_965 = arith.constant 7 : i32
        %broadcast_in_dim3A_966 = vector.broadcast %broadcast_in_dim3A_965 : i32 to vector<16xi32>
        %gather3A_967 = tpu.vector_load_idx %arg12[%iota3A, %broadcast_in_dim3A_966] : memref<16x64xf32, #tpu.memory_space<vmem>>[vector<16xi32>, vector<16xi32>], vector<16xf32>,
        %gather3A_968 = tpu.vector_load_idx %arg14[%iota3A, %broadcast_in_dim3A_966] : memref<16x64xf32, #tpu.memory_space<vmem>>[vector<16xi32>, vector<16xi32>], vector<16xf32>,
        %mul3A_969 = arith.mulf %gather3A_967, %gather3A_968 : vector<16xf32>
        %add3A_970 = arith.addf %add3A_964, %mul3A_969 : vector<16xf32>
        %broadcast_in_dim3A_971 = arith.constant 8 : i32
        %broadcast_in_dim3A_972 = vector.broadcast %broadcast_in_dim3A_971 : i32 to vector<16xi32>
        %gather3A_973 = tpu.vector_load_idx %arg12[%iota3A, %broadcast_in_dim3A_972] : memref<16x64xf32, #tpu.memory_space<vmem>>[vector<16xi32>, vector<16xi32>], vector<16xf32>,
        %gather3A_974 = tpu.vector_load_idx %arg14[%iota3A, %broadcast_in_dim3A_972] : memref<16x64xf32, #tpu.memory_space<vmem>>[vector<16xi32>, vector<16xi32>], vector<16xf32>,
        %mul3A_975 = arith.mulf %gather3A_973, %gather3A_974 : vector<16xf32>
        %add3A_976 = arith.addf %add3A_970, %mul3A_975 : vector<16xf32>
        %broadcast_in_dim3A_977 = arith.constant 9 : i32
        %broadcast_in_dim3A_978 = vector.broadcast %broadcast_in_dim3A_977 : i32 to vector<16xi32>
        %gather3A_979 = tpu.vector_load_idx %arg12[%iota3A, %broadcast_in_dim3A_978] : memref<16x64xf32, #tpu.memory_space<vmem>>[vector<16xi32>, vector<16xi32>], vector<16xf32>,
        %gather3A_980 = tpu.vector_load_idx %arg14[%iota3A, %broadcast_in_dim3A_978] : memref<16x64xf32, #tpu.memory_space<vmem>>[vector<16xi32>, vector<16xi32>], vector<16xf32>,
        %mul3A_981 = arith.mulf %gather3A_979, %gather3A_980 : vector<16xf32>
        %add3A_982 = arith.addf %add3A_976, %mul3A_981 : vector<16xf32>
        %broadcast_in_dim3A_983 = arith.constant 10 : i32
        %broadcast_in_dim3A_984 = vector.broadcast %broadcast_in_dim3A_983 : i32 to vector<16xi32>
        %gather3A_985 = tpu.vector_load_idx %arg12[%iota3A, %broadcast_in_dim3A_984] : memref<16x64xf32, #tpu.memory_space<vmem>>[vector<16xi32>, vector<16xi32>], vector<16xf32>,
        %gather3A_986 = tpu.vector_load_idx %arg14[%iota3A, %broadcast_in_dim3A_984] : memref<16x64xf32, #tpu.memory_space<vmem>>[vector<16xi32>, vector<16xi32>], vector<16xf32>,
        %mul3A_987 = arith.mulf %gather3A_985, %gather3A_986 : vector<16xf32>
        %add3A_988 = arith.addf %add3A_982, %mul3A_987 : vector<16xf32>
        %broadcast_in_dim3A_989 = arith.constant 11 : i32
        %broadcast_in_dim3A_990 = vector.broadcast %broadcast_in_dim3A_989 : i32 to vector<16xi32>
        %gather3A_991 = tpu.vector_load_idx %arg12[%iota3A, %broadcast_in_dim3A_990] : memref<16x64xf32, #tpu.memory_space<vmem>>[vector<16xi32>, vector<16xi32>], vector<16xf32>,
        %gather3A_992 = tpu.vector_load_idx %arg14[%iota3A, %broadcast_in_dim3A_990] : memref<16x64xf32, #tpu.memory_space<vmem>>[vector<16xi32>, vector<16xi32>], vector<16xf32>,
        %mul3A_993 = arith.mulf %gather3A_991, %gather3A_992 : vector<16xf32>
        %add3A_994 = arith.addf %add3A_988, %mul3A_993 : vector<16xf32>
        %broadcast_in_dim3A_995 = arith.constant 12 : i32
        %broadcast_in_dim3A_996 = vector.broadcast %broadcast_in_dim3A_995 : i32 to vector<16xi32>
        %gather3A_997 = tpu.vector_load_idx %arg12[%iota3A, %broadcast_in_dim3A_996] : memref<16x64xf32, #tpu.memory_space<vmem>>[vector<16xi32>, vector<16xi32>], vector<16xf32>,
        %gather3A_998 = tpu.vector_load_idx %arg14[%iota3A, %broadcast_in_dim3A_996] : memref<16x64xf32, #tpu.memory_space<vmem>>[vector<16xi32>, vector<16xi32>], vector<16xf32>,
        %mul3A_999 = arith.mulf %gather3A_997, %gather3A_998 : vector<16xf32>
        %add3A_1000 = arith.addf %add3A_994, %mul3A_999 : vector<16xf32>
        %broadcast_in_dim3A_1001 = arith.constant 13 : i32
        %broadcast_in_dim3A_1002 = vector.broadcast %broadcast_in_dim3A_1001 : i32 to vector<16xi32>
        %gather3A_1003 = tpu.vector_load_idx %arg12[%iota3A, %broadcast_in_dim3A_1002] : memref<16x64xf32, #tpu.memory_space<vmem>>[vector<16xi32>, vector<16xi32>], vector<16xf32>,
        %gather3A_1004 = tpu.vector_load_idx %arg14[%iota3A, %broadcast_in_dim3A_1002] : memref<16x64xf32, #tpu.memory_space<vmem>>[vector<16xi32>, vector<16xi32>], vector<16xf32>,
        %mul3A_1005 = arith.mulf %gather3A_1003, %gather3A_1004 : vector<16xf32>
        %add3A_1006 = arith.addf %add3A_1000, %mul3A_1005 : vector<16xf32>
        %broadcast_in_dim3A_1007 = arith.constant 14 : i32
        %broadcast_in_dim3A_1008 = vector.broadcast %broadcast_in_dim3A_1007 : i32 to vector<16xi32>
        %gather3A_1009 = tpu.vector_load_idx %arg12[%iota3A, %broadcast_in_dim3A_1008] : memref<16x64xf32, #tpu.memory_space<vmem>>[vector<16xi32>, vector<16xi32>], vector<16xf32>,
        %gather3A_1010 = tpu.vector_load_idx %arg14[%iota3A, %broadcast_in_dim3A_1008] : memref<16x64xf32, #tpu.memory_space<vmem>>[vector<16xi32>, vector<16xi32>], vector<16xf32>,
        %mul3A_1011 = arith.mulf %gather3A_1009, %gather3A_1010 : vector<16xf32>
        %add3A_1012 = arith.addf %add3A_1006, %mul3A_1011 : vector<16xf32>
        %broadcast_in_dim3A_1013 = arith.constant 15 : i32
        %broadcast_in_dim3A_1014 = vector.broadcast %broadcast_in_dim3A_1013 : i32 to vector<16xi32>
        %gather3A_1015 = tpu.vector_load_idx %arg12[%iota3A, %broadcast_in_dim3A_1014] : memref<16x64xf32, #tpu.memory_space<vmem>>[vector<16xi32>, vector<16xi32>], vector<16xf32>,
        %gather3A_1016 = tpu.vector_load_idx %arg14[%iota3A, %broadcast_in_dim3A_1014] : memref<16x64xf32, #tpu.memory_space<vmem>>[vector<16xi32>, vector<16xi32>], vector<16xf32>,
        %mul3A_1017 = arith.mulf %gather3A_1015, %gather3A_1016 : vector<16xf32>
        %add3A_1018 = arith.addf %add3A_1012, %mul3A_1017 : vector<16xf32>
        %broadcast_in_dim3A_1019 = arith.constant 16 : i32
        %broadcast_in_dim3A_1020 = vector.broadcast %broadcast_in_dim3A_1019 : i32 to vector<16xi32>
        %gather3A_1021 = tpu.vector_load_idx %arg12[%iota3A, %broadcast_in_dim3A_1020] : memref<16x64xf32, #tpu.memory_space<vmem>>[vector<16xi32>, vector<16xi32>], vector<16xf32>,
        %gather3A_1022 = tpu.vector_load_idx %arg14[%iota3A, %broadcast_in_dim3A_1020] : memref<16x64xf32, #tpu.memory_space<vmem>>[vector<16xi32>, vector<16xi32>], vector<16xf32>,
        %mul3A_1023 = arith.mulf %gather3A_1021, %gather3A_1022 : vector<16xf32>
        %add3A_1024 = arith.addf %add3A_1018, %mul3A_1023 : vector<16xf32>
        %broadcast_in_dim3A_1025 = arith.constant 17 : i32
        %broadcast_in_dim3A_1026 = vector.broadcast %broadcast_in_dim3A_1025 : i32 to vector<16xi32>
        %gather3A_1027 = tpu.vector_load_idx %arg12[%iota3A, %broadcast_in_dim3A_1026] : memref<16x64xf32, #tpu.memory_space<vmem>>[vector<16xi32>, vector<16xi32>], vector<16xf32>,
        %gather3A_1028 = tpu.vector_load_idx %arg14[%iota3A, %broadcast_in_dim3A_1026] : memref<16x64xf32, #tpu.memory_space<vmem>>[vector<16xi32>, vector<16xi32>], vector<16xf32>,
        %mul3A_1029 = arith.mulf %gather3A_1027, %gather3A_1028 : vector<16xf32>
        %add3A_1030 = arith.addf %add3A_1024, %mul3A_1029 : vector<16xf32>
        %broadcast_in_dim3A_1031 = arith.constant 18 : i32
        %broadcast_in_dim3A_1032 = vector.broadcast %broadcast_in_dim3A_1031 : i32 to vector<16xi32>
        %gather3A_1033 = tpu.vector_load_idx %arg12[%iota3A, %broadcast_in_dim3A_1032] : memref<16x64xf32, #tpu.memory_space<vmem>>[vector<16xi32>, vector<16xi32>], vector<16xf32>,
        %gather3A_1034 = tpu.vector_load_idx %arg14[%iota3A, %broadcast_in_dim3A_1032] : memref<16x64xf32, #tpu.memory_space<vmem>>[vector<16xi32>, vector<16xi32>], vector<16xf32>,
        %mul3A_1035 = arith.mulf %gather3A_1033, %gather3A_1034 : vector<16xf32>
        %add3A_1036 = arith.addf %add3A_1030, %mul3A_1035 : vector<16xf32>
        %broadcast_in_dim3A_1037 = arith.constant 19 : i32
        %broadcast_in_dim3A_1038 = vector.broadcast %broadcast_in_dim3A_1037 : i32 to vector<16xi32>
        %gather3A_1039 = tpu.vector_load_idx %arg12[%iota3A, %broadcast_in_dim3A_1038] : memref<16x64xf32, #tpu.memory_space<vmem>>[vector<16xi32>, vector<16xi32>], vector<16xf32>,
        %gather3A_1040 = tpu.vector_load_idx %arg14[%iota3A, %broadcast_in_dim3A_1038] : memref<16x64xf32, #tpu.memory_space<vmem>>[vector<16xi32>, vector<16xi32>], vector<16xf32>,
        %mul3A_1041 = arith.mulf %gather3A_1039, %gather3A_1040 : vector<16xf32>
        %add3A_1042 = arith.addf %add3A_1036, %mul3A_1041 : vector<16xf32>
        %broadcast_in_dim3A_1043 = arith.constant 20 : i32
        %broadcast_in_dim3A_1044 = vector.broadcast %broadcast_in_dim3A_1043 : i32 to vector<16xi32>
        %gather3A_1045 = tpu.vector_load_idx %arg12[%iota3A, %broadcast_in_dim3A_1044] : memref<16x64xf32, #tpu.memory_space<vmem>>[vector<16xi32>, vector<16xi32>], vector<16xf32>,
        %gather3A_1046 = tpu.vector_load_idx %arg14[%iota3A, %broadcast_in_dim3A_1044] : memref<16x64xf32, #tpu.memory_space<vmem>>[vector<16xi32>, vector<16xi32>], vector<16xf32>,
        %mul3A_1047 = arith.mulf %gather3A_1045, %gather3A_1046 : vector<16xf32>
        %add3A_1048 = arith.addf %add3A_1042, %mul3A_1047 : vector<16xf32>
        %broadcast_in_dim3A_1049 = arith.constant 21 : i32
        %broadcast_in_dim3A_1050 = vector.broadcast %broadcast_in_dim3A_1049 : i32 to vector<16xi32>
        %gather3A_1051 = tpu.vector_load_idx %arg12[%iota3A, %broadcast_in_dim3A_1050] : memref<16x64xf32, #tpu.memory_space<vmem>>[vector<16xi32>, vector<16xi32>], vector<16xf32>,
        %gather3A_1052 = tpu.vector_load_idx %arg14[%iota3A, %broadcast_in_dim3A_1050] : memref<16x64xf32, #tpu.memory_space<vmem>>[vector<16xi32>, vector<16xi32>], vector<16xf32>,
        %mul3A_1053 = arith.mulf %gather3A_1051, %gather3A_1052 : vector<16xf32>
        %add3A_1054 = arith.addf %add3A_1048, %mul3A_1053 : vector<16xf32>
        %broadcast_in_dim3A_1055 = arith.constant 22 : i32
        %broadcast_in_dim3A_1056 = vector.broadcast %broadcast_in_dim3A_1055 : i32 to vector<16xi32>
        %gather3A_1057 = tpu.vector_load_idx %arg12[%iota3A, %broadcast_in_dim3A_1056] : memref<16x64xf32, #tpu.memory_space<vmem>>[vector<16xi32>, vector<16xi32>], vector<16xf32>,
        %gather3A_1058 = tpu.vector_load_idx %arg14[%iota3A, %broadcast_in_dim3A_1056] : memref<16x64xf32, #tpu.memory_space<vmem>>[vector<16xi32>, vector<16xi32>], vector<16xf32>,
        %mul3A_1059 = arith.mulf %gather3A_1057, %gather3A_1058 : vector<16xf32>
        %add3A_1060 = arith.addf %add3A_1054, %mul3A_1059 : vector<16xf32>
        %broadcast_in_dim3A_1061 = arith.constant 23 : i32
        %broadcast_in_dim3A_1062 = vector.broadcast %broadcast_in_dim3A_1061 : i32 to vector<16xi32>
        %gather3A_1063 = tpu.vector_load_idx %arg12[%iota3A, %broadcast_in_dim3A_1062] : memref<16x64xf32, #tpu.memory_space<vmem>>[vector<16xi32>, vector<16xi32>], vector<16xf32>,
        %gather3A_1064 = tpu.vector_load_idx %arg14[%iota3A, %broadcast_in_dim3A_1062] : memref<16x64xf32, #tpu.memory_space<vmem>>[vector<16xi32>, vector<16xi32>], vector<16xf32>,
        %mul3A_1065 = arith.mulf %gather3A_1063, %gather3A_1064 : vector<16xf32>
        %add3A_1066 = arith.addf %add3A_1060, %mul3A_1065 : vector<16xf32>
        %broadcast_in_dim3A_1067 = arith.constant 24 : i32
        %broadcast_in_dim3A_1068 = vector.broadcast %broadcast_in_dim3A_1067 : i32 to vector<16xi32>
        %gather3A_1069 = tpu.vector_load_idx %arg12[%iota3A, %broadcast_in_dim3A_1068] : memref<16x64xf32, #tpu.memory_space<vmem>>[vector<16xi32>, vector<16xi32>], vector<16xf32>,
        %gather3A_1070 = tpu.vector_load_idx %arg14[%iota3A, %broadcast_in_dim3A_1068] : memref<16x64xf32, #tpu.memory_space<vmem>>[vector<16xi32>, vector<16xi32>], vector<16xf32>,
        %mul3A_1071 = arith.mulf %gather3A_1069, %gather3A_1070 : vector<16xf32>
        %add3A_1072 = arith.addf %add3A_1066, %mul3A_1071 : vector<16xf32>
        %broadcast_in_dim3A_1073 = arith.constant 25 : i32
        %broadcast_in_dim3A_1074 = vector.broadcast %broadcast_in_dim3A_1073 : i32 to vector<16xi32>
        %gather3A_1075 = tpu.vector_load_idx %arg12[%iota3A, %broadcast_in_dim3A_1074] : memref<16x64xf32, #tpu.memory_space<vmem>>[vector<16xi32>, vector<16xi32>], vector<16xf32>,
        %gather3A_1076 = tpu.vector_load_idx %arg14[%iota3A, %broadcast_in_dim3A_1074] : memref<16x64xf32, #tpu.memory_space<vmem>>[vector<16xi32>, vector<16xi32>], vector<16xf32>,
        %mul3A_1077 = arith.mulf %gather3A_1075, %gather3A_1076 : vector<16xf32>
        %add3A_1078 = arith.addf %add3A_1072, %mul3A_1077 : vector<16xf32>
        %broadcast_in_dim3A_1079 = arith.constant 26 : i32
        %broadcast_in_dim3A_1080 = vector.broadcast %broadcast_in_dim3A_1079 : i32 to vector<16xi32>
        %gather3A_1081 = tpu.vector_load_idx %arg12[%iota3A, %broadcast_in_dim3A_1080] : memref<16x64xf32, #tpu.memory_space<vmem>>[vector<16xi32>, vector<16xi32>], vector<16xf32>,
        %gather3A_1082 = tpu.vector_load_idx %arg14[%iota3A, %broadcast_in_dim3A_1080] : memref<16x64xf32, #tpu.memory_space<vmem>>[vector<16xi32>, vector<16xi32>], vector<16xf32>,
        %mul3A_1083 = arith.mulf %gather3A_1081, %gather3A_1082 : vector<16xf32>
        %add3A_1084 = arith.addf %add3A_1078, %mul3A_1083 : vector<16xf32>
        %broadcast_in_dim3A_1085 = arith.constant 27 : i32
        %broadcast_in_dim3A_1086 = vector.broadcast %broadcast_in_dim3A_1085 : i32 to vector<16xi32>
        %gather3A_1087 = tpu.vector_load_idx %arg12[%iota3A, %broadcast_in_dim3A_1086] : memref<16x64xf32, #tpu.memory_space<vmem>>[vector<16xi32>, vector<16xi32>], vector<16xf32>,
        %gather3A_1088 = tpu.vector_load_idx %arg14[%iota3A, %broadcast_in_dim3A_1086] : memref<16x64xf32, #tpu.memory_space<vmem>>[vector<16xi32>, vector<16xi32>], vector<16xf32>,
        %mul3A_1089 = arith.mulf %gather3A_1087, %gather3A_1088 : vector<16xf32>
        %add3A_1090 = arith.addf %add3A_1084, %mul3A_1089 : vector<16xf32>
        %broadcast_in_dim3A_1091 = arith.constant 28 : i32
        %broadcast_in_dim3A_1092 = vector.broadcast %broadcast_in_dim3A_1091 : i32 to vector<16xi32>
        %gather3A_1093 = tpu.vector_load_idx %arg12[%iota3A, %broadcast_in_dim3A_1092] : memref<16x64xf32, #tpu.memory_space<vmem>>[vector<16xi32>, vector<16xi32>], vector<16xf32>,
        %gather3A_1094 = tpu.vector_load_idx %arg14[%iota3A, %broadcast_in_dim3A_1092] : memref<16x64xf32, #tpu.memory_space<vmem>>[vector<16xi32>, vector<16xi32>], vector<16xf32>,
        %mul3A_1095 = arith.mulf %gather3A_1093, %gather3A_1094 : vector<16xf32>
        %add3A_1096 = arith.addf %add3A_1090, %mul3A_1095 : vector<16xf32>
        %broadcast_in_dim3A_1097 = arith.constant 29 : i32
        %broadcast_in_dim3A_1098 = vector.broadcast %broadcast_in_dim3A_1097 : i32 to vector<16xi32>
        %gather3A_1099 = tpu.vector_load_idx %arg12[%iota3A, %broadcast_in_dim3A_1098] : memref<16x64xf32, #tpu.memory_space<vmem>>[vector<16xi32>, vector<16xi32>], vector<16xf32>,
        %gather3A_1100 = tpu.vector_load_idx %arg14[%iota3A, %broadcast_in_dim3A_1098] : memref<16x64xf32, #tpu.memory_space<vmem>>[vector<16xi32>, vector<16xi32>], vector<16xf32>,
        %mul3A_1101 = arith.mulf %gather3A_1099, %gather3A_1100 : vector<16xf32>
        %add3A_1102 = arith.addf %add3A_1096, %mul3A_1101 : vector<16xf32>
        %broadcast_in_dim3A_1103 = arith.constant 30 : i32
        %broadcast_in_dim3A_1104 = vector.broadcast %broadcast_in_dim3A_1103 : i32 to vector<16xi32>
        %gather3A_1105 = tpu.vector_load_idx %arg12[%iota3A, %broadcast_in_dim3A_1104] : memref<16x64xf32, #tpu.memory_space<vmem>>[vector<16xi32>, vector<16xi32>], vector<16xf32>,
        %gather3A_1106 = tpu.vector_load_idx %arg14[%iota3A, %broadcast_in_dim3A_1104] : memref<16x64xf32, #tpu.memory_space<vmem>>[vector<16xi32>, vector<16xi32>], vector<16xf32>,
        %mul3A_1107 = arith.mulf %gather3A_1105, %gather3A_1106 : vector<16xf32>
        %add3A_1108 = arith.addf %add3A_1102, %mul3A_1107 : vector<16xf32>
        %broadcast_in_dim3A_1109 = arith.constant 31 : i32
        %broadcast_in_dim3A_1110 = vector.broadcast %broadcast_in_dim3A_1109 : i32 to vector<16xi32>
        %gather3A_1111 = tpu.vector_load_idx %arg12[%iota3A, %broadcast_in_dim3A_1110] : memref<16x64xf32, #tpu.memory_space<vmem>>[vector<16xi32>, vector<16xi32>], vector<16xf32>,
        %gather3A_1112 = tpu.vector_load_idx %arg14[%iota3A, %broadcast_in_dim3A_1110] : memref<16x64xf32, #tpu.memory_space<vmem>>[vector<16xi32>, vector<16xi32>], vector<16xf32>,
        %mul3A_1113 = arith.mulf %gather3A_1111, %gather3A_1112 : vector<16xf32>
        %add3A_1114 = arith.addf %add3A_1108, %mul3A_1113 : vector<16xf32>
        %broadcast_in_dim3A_1115 = arith.constant 32 : i32
        %broadcast_in_dim3A_1116 = vector.broadcast %broadcast_in_dim3A_1115 : i32 to vector<16xi32>
        %gather3A_1117 = tpu.vector_load_idx %arg12[%iota3A, %broadcast_in_dim3A_1116] : memref<16x64xf32, #tpu.memory_space<vmem>>[vector<16xi32>, vector<16xi32>], vector<16xf32>,
        %gather3A_1118 = tpu.vector_load_idx %arg14[%iota3A, %broadcast_in_dim3A_1116] : memref<16x64xf32, #tpu.memory_space<vmem>>[vector<16xi32>, vector<16xi32>], vector<16xf32>,
        %mul3A_1119 = arith.mulf %gather3A_1117, %gather3A_1118 : vector<16xf32>
        %add3A_1120 = arith.addf %add3A_1114, %mul3A_1119 : vector<16xf32>
        %broadcast_in_dim3A_1121 = arith.constant 33 : i32
        %broadcast_in_dim3A_1122 = vector.broadcast %broadcast_in_dim3A_1121 : i32 to vector<16xi32>
        %gather3A_1123 = tpu.vector_load_idx %arg12[%iota3A, %broadcast_in_dim3A_1122] : memref<16x64xf32, #tpu.memory_space<vmem>>[vector<16xi32>, vector<16xi32>], vector<16xf32>,
        %gather3A_1124 = tpu.vector_load_idx %arg14[%iota3A, %broadcast_in_dim3A_1122] : memref<16x64xf32, #tpu.memory_space<vmem>>[vector<16xi32>, vector<16xi32>], vector<16xf32>,
        %mul3A_1125 = arith.mulf %gather3A_1123, %gather3A_1124 : vector<16xf32>
        %add3A_1126 = arith.addf %add3A_1120, %mul3A_1125 : vector<16xf32>
        %broadcast_in_dim3A_1127 = arith.constant 34 : i32
        %broadcast_in_dim3A_1128 = vector.broadcast %broadcast_in_dim3A_1127 : i32 to vector<16xi32>
        %gather3A_1129 = tpu.vector_load_idx %arg12[%iota3A, %broadcast_in_dim3A_1128] : memref<16x64xf32, #tpu.memory_space<vmem>>[vector<16xi32>, vector<16xi32>], vector<16xf32>,
        %gather3A_1130 = tpu.vector_load_idx %arg14[%iota3A, %broadcast_in_dim3A_1128] : memref<16x64xf32, #tpu.memory_space<vmem>>[vector<16xi32>, vector<16xi32>], vector<16xf32>,
        %mul3A_1131 = arith.mulf %gather3A_1129, %gather3A_1130 : vector<16xf32>
        %add3A_1132 = arith.addf %add3A_1126, %mul3A_1131 : vector<16xf32>
        %broadcast_in_dim3A_1133 = arith.constant 35 : i32
        %broadcast_in_dim3A_1134 = vector.broadcast %broadcast_in_dim3A_1133 : i32 to vector<16xi32>
        %gather3A_1135 = tpu.vector_load_idx %arg12[%iota3A, %broadcast_in_dim3A_1134] : memref<16x64xf32, #tpu.memory_space<vmem>>[vector<16xi32>, vector<16xi32>], vector<16xf32>,
        %gather3A_1136 = tpu.vector_load_idx %arg14[%iota3A, %broadcast_in_dim3A_1134] : memref<16x64xf32, #tpu.memory_space<vmem>>[vector<16xi32>, vector<16xi32>], vector<16xf32>,
        %mul3A_1137 = arith.mulf %gather3A_1135, %gather3A_1136 : vector<16xf32>
        %add3A_1138 = arith.addf %add3A_1132, %mul3A_1137 : vector<16xf32>
        %broadcast_in_dim3A_1139 = arith.constant 36 : i32
        %broadcast_in_dim3A_1140 = vector.broadcast %broadcast_in_dim3A_1139 : i32 to vector<16xi32>
        %gather3A_1141 = tpu.vector_load_idx %arg12[%iota3A, %broadcast_in_dim3A_1140] : memref<16x64xf32, #tpu.memory_space<vmem>>[vector<16xi32>, vector<16xi32>], vector<16xf32>,
        %gather3A_1142 = tpu.vector_load_idx %arg14[%iota3A, %broadcast_in_dim3A_1140] : memref<16x64xf32, #tpu.memory_space<vmem>>[vector<16xi32>, vector<16xi32>], vector<16xf32>,
        %mul3A_1143 = arith.mulf %gather3A_1141, %gather3A_1142 : vector<16xf32>
        %add3A_1144 = arith.addf %add3A_1138, %mul3A_1143 : vector<16xf32>
        %broadcast_in_dim3A_1145 = arith.constant 37 : i32
        %broadcast_in_dim3A_1146 = vector.broadcast %broadcast_in_dim3A_1145 : i32 to vector<16xi32>
        %gather3A_1147 = tpu.vector_load_idx %arg12[%iota3A, %broadcast_in_dim3A_1146] : memref<16x64xf32, #tpu.memory_space<vmem>>[vector<16xi32>, vector<16xi32>], vector<16xf32>,
        %gather3A_1148 = tpu.vector_load_idx %arg14[%iota3A, %broadcast_in_dim3A_1146] : memref<16x64xf32, #tpu.memory_space<vmem>>[vector<16xi32>, vector<16xi32>], vector<16xf32>,
        %mul3A_1149 = arith.mulf %gather3A_1147, %gather3A_1148 : vector<16xf32>
        %add3A_1150 = arith.addf %add3A_1144, %mul3A_1149 : vector<16xf32>
        %broadcast_in_dim3A_1151 = arith.constant 38 : i32
        %broadcast_in_dim3A_1152 = vector.broadcast %broadcast_in_dim3A_1151 : i32 to vector<16xi32>
        %gather3A_1153 = tpu.vector_load_idx %arg12[%iota3A, %broadcast_in_dim3A_1152] : memref<16x64xf32, #tpu.memory_space<vmem>>[vector<16xi32>, vector<16xi32>], vector<16xf32>,
        %gather3A_1154 = tpu.vector_load_idx %arg14[%iota3A, %broadcast_in_dim3A_1152] : memref<16x64xf32, #tpu.memory_space<vmem>>[vector<16xi32>, vector<16xi32>], vector<16xf32>,
        %mul3A_1155 = arith.mulf %gather3A_1153, %gather3A_1154 : vector<16xf32>
        %add3A_1156 = arith.addf %add3A_1150, %mul3A_1155 : vector<16xf32>
        %broadcast_in_dim3A_1157 = arith.constant 39 : i32
        %broadcast_in_dim3A_1158 = vector.broadcast %broadcast_in_dim3A_1157 : i32 to vector<16xi32>
        %gather3A_1159 = tpu.vector_load_idx %arg12[%iota3A, %broadcast_in_dim3A_1158] : memref<16x64xf32, #tpu.memory_space<vmem>>[vector<16xi32>, vector<16xi32>], vector<16xf32>,
        %gather3A_1160 = tpu.vector_load_idx %arg14[%iota3A, %broadcast_in_dim3A_1158] : memref<16x64xf32, #tpu.memory_space<vmem>>[vector<16xi32>, vector<16xi32>], vector<16xf32>,
        %mul3A_1161 = arith.mulf %gather3A_1159, %gather3A_1160 : vector<16xf32>
        %add3A_1162 = arith.addf %add3A_1156, %mul3A_1161 : vector<16xf32>
        %broadcast_in_dim3A_1163 = arith.constant 40 : i32
        %broadcast_in_dim3A_1164 = vector.broadcast %broadcast_in_dim3A_1163 : i32 to vector<16xi32>
        %gather3A_1165 = tpu.vector_load_idx %arg12[%iota3A, %broadcast_in_dim3A_1164] : memref<16x64xf32, #tpu.memory_space<vmem>>[vector<16xi32>, vector<16xi32>], vector<16xf32>,
        %gather3A_1166 = tpu.vector_load_idx %arg14[%iota3A, %broadcast_in_dim3A_1164] : memref<16x64xf32, #tpu.memory_space<vmem>>[vector<16xi32>, vector<16xi32>], vector<16xf32>,
        %mul3A_1167 = arith.mulf %gather3A_1165, %gather3A_1166 : vector<16xf32>
        %add3A_1168 = arith.addf %add3A_1162, %mul3A_1167 : vector<16xf32>
        %broadcast_in_dim3A_1169 = arith.constant 41 : i32
        %broadcast_in_dim3A_1170 = vector.broadcast %broadcast_in_dim3A_1169 : i32 to vector<16xi32>
        %gather3A_1171 = tpu.vector_load_idx %arg12[%iota3A, %broadcast_in_dim3A_1170] : memref<16x64xf32, #tpu.memory_space<vmem>>[vector<16xi32>, vector<16xi32>], vector<16xf32>,
        %gather3A_1172 = tpu.vector_load_idx %arg14[%iota3A, %broadcast_in_dim3A_1170] : memref<16x64xf32, #tpu.memory_space<vmem>>[vector<16xi32>, vector<16xi32>], vector<16xf32>,
        %mul3A_1173 = arith.mulf %gather3A_1171, %gather3A_1172 : vector<16xf32>
        %add3A_1174 = arith.addf %add3A_1168, %mul3A_1173 : vector<16xf32>
        %broadcast_in_dim3A_1175 = arith.constant 42 : i32
        %broadcast_in_dim3A_1176 = vector.broadcast %broadcast_in_dim3A_1175 : i32 to vector<16xi32>
        %gather3A_1177 = tpu.vector_load_idx %arg12[%iota3A, %broadcast_in_dim3A_1176] : memref<16x64xf32, #tpu.memory_space<vmem>>[vector<16xi32>, vector<16xi32>], vector<16xf32>,
        %gather3A_1178 = tpu.vector_load_idx %arg14[%iota3A, %broadcast_in_dim3A_1176] : memref<16x64xf32, #tpu.memory_space<vmem>>[vector<16xi32>, vector<16xi32>], vector<16xf32>,
        %mul3A_1179 = arith.mulf %gather3A_1177, %gather3A_1178 : vector<16xf32>
        %add3A_1180 = arith.addf %add3A_1174, %mul3A_1179 : vector<16xf32>
        %broadcast_in_dim3A_1181 = arith.constant 43 : i32
        %broadcast_in_dim3A_1182 = vector.broadcast %broadcast_in_dim3A_1181 : i32 to vector<16xi32>
        %gather3A_1183 = tpu.vector_load_idx %arg12[%iota3A, %broadcast_in_dim3A_1182] : memref<16x64xf32, #tpu.memory_space<vmem>>[vector<16xi32>, vector<16xi32>], vector<16xf32>,
        %gather3A_1184 = tpu.vector_load_idx %arg14[%iota3A, %broadcast_in_dim3A_1182] : memref<16x64xf32, #tpu.memory_space<vmem>>[vector<16xi32>, vector<16xi32>], vector<16xf32>,
        %mul3A_1185 = arith.mulf %gather3A_1183, %gather3A_1184 : vector<16xf32>
        %add3A_1186 = arith.addf %add3A_1180, %mul3A_1185 : vector<16xf32>
        %broadcast_in_dim3A_1187 = arith.constant 44 : i32
        %broadcast_in_dim3A_1188 = vector.broadcast %broadcast_in_dim3A_1187 : i32 to vector<16xi32>
        %gather3A_1189 = tpu.vector_load_idx %arg12[%iota3A, %broadcast_in_dim3A_1188] : memref<16x64xf32, #tpu.memory_space<vmem>>[vector<16xi32>, vector<16xi32>], vector<16xf32>,
        %gather3A_1190 = tpu.vector_load_idx %arg14[%iota3A, %broadcast_in_dim3A_1188] : memref<16x64xf32, #tpu.memory_space<vmem>>[vector<16xi32>, vector<16xi32>], vector<16xf32>,
        %mul3A_1191 = arith.mulf %gather3A_1189, %gather3A_1190 : vector<16xf32>
        %add3A_1192 = arith.addf %add3A_1186, %mul3A_1191 : vector<16xf32>
        %broadcast_in_dim3A_1193 = arith.constant 45 : i32
        %broadcast_in_dim3A_1194 = vector.broadcast %broadcast_in_dim3A_1193 : i32 to vector<16xi32>
        %gather3A_1195 = tpu.vector_load_idx %arg12[%iota3A, %broadcast_in_dim3A_1194] : memref<16x64xf32, #tpu.memory_space<vmem>>[vector<16xi32>, vector<16xi32>], vector<16xf32>,
        %gather3A_1196 = tpu.vector_load_idx %arg14[%iota3A, %broadcast_in_dim3A_1194] : memref<16x64xf32, #tpu.memory_space<vmem>>[vector<16xi32>, vector<16xi32>], vector<16xf32>,
        %mul3A_1197 = arith.mulf %gather3A_1195, %gather3A_1196 : vector<16xf32>
        %add3A_1198 = arith.addf %add3A_1192, %mul3A_1197 : vector<16xf32>
        %broadcast_in_dim3A_1199 = arith.constant 46 : i32
        %broadcast_in_dim3A_1200 = vector.broadcast %broadcast_in_dim3A_1199 : i32 to vector<16xi32>
        %gather3A_1201 = tpu.vector_load_idx %arg12[%iota3A, %broadcast_in_dim3A_1200] : memref<16x64xf32, #tpu.memory_space<vmem>>[vector<16xi32>, vector<16xi32>], vector<16xf32>,
        %gather3A_1202 = tpu.vector_load_idx %arg14[%iota3A, %broadcast_in_dim3A_1200] : memref<16x64xf32, #tpu.memory_space<vmem>>[vector<16xi32>, vector<16xi32>], vector<16xf32>,
        %mul3A_1203 = arith.mulf %gather3A_1201, %gather3A_1202 : vector<16xf32>
        %add3A_1204 = arith.addf %add3A_1198, %mul3A_1203 : vector<16xf32>
        %broadcast_in_dim3A_1205 = arith.constant 47 : i32
        %broadcast_in_dim3A_1206 = vector.broadcast %broadcast_in_dim3A_1205 : i32 to vector<16xi32>
        %gather3A_1207 = tpu.vector_load_idx %arg12[%iota3A, %broadcast_in_dim3A_1206] : memref<16x64xf32, #tpu.memory_space<vmem>>[vector<16xi32>, vector<16xi32>], vector<16xf32>,
        %gather3A_1208 = tpu.vector_load_idx %arg14[%iota3A, %broadcast_in_dim3A_1206] : memref<16x64xf32, #tpu.memory_space<vmem>>[vector<16xi32>, vector<16xi32>], vector<16xf32>,
        %mul3A_1209 = arith.mulf %gather3A_1207, %gather3A_1208 : vector<16xf32>
        %add3A_1210 = arith.addf %add3A_1204, %mul3A_1209 : vector<16xf32>
        %broadcast_in_dim3A_1211 = arith.constant 48 : i32
        %broadcast_in_dim3A_1212 = vector.broadcast %broadcast_in_dim3A_1211 : i32 to vector<16xi32>
        %gather3A_1213 = tpu.vector_load_idx %arg12[%iota3A, %broadcast_in_dim3A_1212] : memref<16x64xf32, #tpu.memory_space<vmem>>[vector<16xi32>, vector<16xi32>], vector<16xf32>,
        %gather3A_1214 = tpu.vector_load_idx %arg14[%iota3A, %broadcast_in_dim3A_1212] : memref<16x64xf32, #tpu.memory_space<vmem>>[vector<16xi32>, vector<16xi32>], vector<16xf32>,
        %mul3A_1215 = arith.mulf %gather3A_1213, %gather3A_1214 : vector<16xf32>
        %add3A_1216 = arith.addf %add3A_1210, %mul3A_1215 : vector<16xf32>
        %broadcast_in_dim3A_1217 = arith.constant 49 : i32
        %broadcast_in_dim3A_1218 = vector.broadcast %broadcast_in_dim3A_1217 : i32 to vector<16xi32>
        %gather3A_1219 = tpu.vector_load_idx %arg12[%iota3A, %broadcast_in_dim3A_1218] : memref<16x64xf32, #tpu.memory_space<vmem>>[vector<16xi32>, vector<16xi32>], vector<16xf32>,
        %gather3A_1220 = tpu.vector_load_idx %arg14[%iota3A, %broadcast_in_dim3A_1218] : memref<16x64xf32, #tpu.memory_space<vmem>>[vector<16xi32>, vector<16xi32>], vector<16xf32>,
        %mul3A_1221 = arith.mulf %gather3A_1219, %gather3A_1220 : vector<16xf32>
        %add3A_1222 = arith.addf %add3A_1216, %mul3A_1221 : vector<16xf32>
        %broadcast_in_dim3A_1223 = arith.constant 50 : i32
        %broadcast_in_dim3A_1224 = vector.broadcast %broadcast_in_dim3A_1223 : i32 to vector<16xi32>
        %gather3A_1225 = tpu.vector_load_idx %arg12[%iota3A, %broadcast_in_dim3A_1224] : memref<16x64xf32, #tpu.memory_space<vmem>>[vector<16xi32>, vector<16xi32>], vector<16xf32>,
        %gather3A_1226 = tpu.vector_load_idx %arg14[%iota3A, %broadcast_in_dim3A_1224] : memref<16x64xf32, #tpu.memory_space<vmem>>[vector<16xi32>, vector<16xi32>], vector<16xf32>,
        %mul3A_1227 = arith.mulf %gather3A_1225, %gather3A_1226 : vector<16xf32>
        %add3A_1228 = arith.addf %add3A_1222, %mul3A_1227 : vector<16xf32>
        %broadcast_in_dim3A_1229 = arith.constant 51 : i32
        %broadcast_in_dim3A_1230 = vector.broadcast %broadcast_in_dim3A_1229 : i32 to vector<16xi32>
        %gather3A_1231 = tpu.vector_load_idx %arg12[%iota3A, %broadcast_in_dim3A_1230] : memref<16x64xf32, #tpu.memory_space<vmem>>[vector<16xi32>, vector<16xi32>], vector<16xf32>,
        %gather3A_1232 = tpu.vector_load_idx %arg14[%iota3A, %broadcast_in_dim3A_1230] : memref<16x64xf32, #tpu.memory_space<vmem>>[vector<16xi32>, vector<16xi32>], vector<16xf32>,
        %mul3A_1233 = arith.mulf %gather3A_1231, %gather3A_1232 : vector<16xf32>
        %add3A_1234 = arith.addf %add3A_1228, %mul3A_1233 : vector<16xf32>
        %broadcast_in_dim3A_1235 = arith.constant 52 : i32
        %broadcast_in_dim3A_1236 = vector.broadcast %broadcast_in_dim3A_1235 : i32 to vector<16xi32>
        %gather3A_1237 = tpu.vector_load_idx %arg12[%iota3A, %broadcast_in_dim3A_1236] : memref<16x64xf32, #tpu.memory_space<vmem>>[vector<16xi32>, vector<16xi32>], vector<16xf32>,
        %gather3A_1238 = tpu.vector_load_idx %arg14[%iota3A, %broadcast_in_dim3A_1236] : memref<16x64xf32, #tpu.memory_space<vmem>>[vector<16xi32>, vector<16xi32>], vector<16xf32>,
        %mul3A_1239 = arith.mulf %gather3A_1237, %gather3A_1238 : vector<16xf32>
        %add3A_1240 = arith.addf %add3A_1234, %mul3A_1239 : vector<16xf32>
        %broadcast_in_dim3A_1241 = arith.constant 53 : i32
        %broadcast_in_dim3A_1242 = vector.broadcast %broadcast_in_dim3A_1241 : i32 to vector<16xi32>
        %gather3A_1243 = tpu.vector_load_idx %arg12[%iota3A, %broadcast_in_dim3A_1242] : memref<16x64xf32, #tpu.memory_space<vmem>>[vector<16xi32>, vector<16xi32>], vector<16xf32>,
        %gather3A_1244 = tpu.vector_load_idx %arg14[%iota3A, %broadcast_in_dim3A_1242] : memref<16x64xf32, #tpu.memory_space<vmem>>[vector<16xi32>, vector<16xi32>], vector<16xf32>,
        %mul3A_1245 = arith.mulf %gather3A_1243, %gather3A_1244 : vector<16xf32>
        %add3A_1246 = arith.addf %add3A_1240, %mul3A_1245 : vector<16xf32>
        %broadcast_in_dim3A_1247 = arith.constant 54 : i32
        %broadcast_in_dim3A_1248 = vector.broadcast %broadcast_in_dim3A_1247 : i32 to vector<16xi32>
        %gather3A_1249 = tpu.vector_load_idx %arg12[%iota3A, %broadcast_in_dim3A_1248] : memref<16x64xf32, #tpu.memory_space<vmem>>[vector<16xi32>, vector<16xi32>], vector<16xf32>,
        %gather3A_1250 = tpu.vector_load_idx %arg14[%iota3A, %broadcast_in_dim3A_1248] : memref<16x64xf32, #tpu.memory_space<vmem>>[vector<16xi32>, vector<16xi32>], vector<16xf32>,
        %mul3A_1251 = arith.mulf %gather3A_1249, %gather3A_1250 : vector<16xf32>
        %add3A_1252 = arith.addf %add3A_1246, %mul3A_1251 : vector<16xf32>
        %broadcast_in_dim3A_1253 = arith.constant 55 : i32
        %broadcast_in_dim3A_1254 = vector.broadcast %broadcast_in_dim3A_1253 : i32 to vector<16xi32>
        %gather3A_1255 = tpu.vector_load_idx %arg12[%iota3A, %broadcast_in_dim3A_1254] : memref<16x64xf32, #tpu.memory_space<vmem>>[vector<16xi32>, vector<16xi32>], vector<16xf32>,
        %gather3A_1256 = tpu.vector_load_idx %arg14[%iota3A, %broadcast_in_dim3A_1254] : memref<16x64xf32, #tpu.memory_space<vmem>>[vector<16xi32>, vector<16xi32>], vector<16xf32>,
        %mul3A_1257 = arith.mulf %gather3A_1255, %gather3A_1256 : vector<16xf32>
        %add3A_1258 = arith.addf %add3A_1252, %mul3A_1257 : vector<16xf32>
        %broadcast_in_dim3A_1259 = arith.constant 56 : i32
        %broadcast_in_dim3A_1260 = vector.broadcast %broadcast_in_dim3A_1259 : i32 to vector<16xi32>
        %gather3A_1261 = tpu.vector_load_idx %arg12[%iota3A, %broadcast_in_dim3A_1260] : memref<16x64xf32, #tpu.memory_space<vmem>>[vector<16xi32>, vector<16xi32>], vector<16xf32>,
        %gather3A_1262 = tpu.vector_load_idx %arg14[%iota3A, %broadcast_in_dim3A_1260] : memref<16x64xf32, #tpu.memory_space<vmem>>[vector<16xi32>, vector<16xi32>], vector<16xf32>,
        %mul3A_1263 = arith.mulf %gather3A_1261, %gather3A_1262 : vector<16xf32>
        %add3A_1264 = arith.addf %add3A_1258, %mul3A_1263 : vector<16xf32>
        %broadcast_in_dim3A_1265 = arith.constant 57 : i32
        %broadcast_in_dim3A_1266 = vector.broadcast %broadcast_in_dim3A_1265 : i32 to vector<16xi32>
        %gather3A_1267 = tpu.vector_load_idx %arg12[%iota3A, %broadcast_in_dim3A_1266] : memref<16x64xf32, #tpu.memory_space<vmem>>[vector<16xi32>, vector<16xi32>], vector<16xf32>,
        %gather3A_1268 = tpu.vector_load_idx %arg14[%iota3A, %broadcast_in_dim3A_1266] : memref<16x64xf32, #tpu.memory_space<vmem>>[vector<16xi32>, vector<16xi32>], vector<16xf32>,
        %mul3A_1269 = arith.mulf %gather3A_1267, %gather3A_1268 : vector<16xf32>
        %add3A_1270 = arith.addf %add3A_1264, %mul3A_1269 : vector<16xf32>
        %broadcast_in_dim3A_1271 = arith.constant 58 : i32
        %broadcast_in_dim3A_1272 = vector.broadcast %broadcast_in_dim3A_1271 : i32 to vector<16xi32>
        %gather3A_1273 = tpu.vector_load_idx %arg12[%iota3A, %broadcast_in_dim3A_1272] : memref<16x64xf32, #tpu.memory_space<vmem>>[vector<16xi32>, vector<16xi32>], vector<16xf32>,
        %gather3A_1274 = tpu.vector_load_idx %arg14[%iota3A, %broadcast_in_dim3A_1272] : memref<16x64xf32, #tpu.memory_space<vmem>>[vector<16xi32>, vector<16xi32>], vector<16xf32>,
        %mul3A_1275 = arith.mulf %gather3A_1273, %gather3A_1274 : vector<16xf32>
        %add3A_1276 = arith.addf %add3A_1270, %mul3A_1275 : vector<16xf32>
        %broadcast_in_dim3A_1277 = arith.constant 59 : i32
        %broadcast_in_dim3A_1278 = vector.broadcast %broadcast_in_dim3A_1277 : i32 to vector<16xi32>
        %gather3A_1279 = tpu.vector_load_idx %arg12[%iota3A, %broadcast_in_dim3A_1278] : memref<16x64xf32, #tpu.memory_space<vmem>>[vector<16xi32>, vector<16xi32>], vector<16xf32>,
        %gather3A_1280 = tpu.vector_load_idx %arg14[%iota3A, %broadcast_in_dim3A_1278] : memref<16x64xf32, #tpu.memory_space<vmem>>[vector<16xi32>, vector<16xi32>], vector<16xf32>,
        %mul3A_1281 = arith.mulf %gather3A_1279, %gather3A_1280 : vector<16xf32>
        %add3A_1282 = arith.addf %add3A_1276, %mul3A_1281 : vector<16xf32>
        %broadcast_in_dim3A_1283 = arith.constant 60 : i32
        %broadcast_in_dim3A_1284 = vector.broadcast %broadcast_in_dim3A_1283 : i32 to vector<16xi32>
        %gather3A_1285 = tpu.vector_load_idx %arg12[%iota3A, %broadcast_in_dim3A_1284] : memref<16x64xf32, #tpu.memory_space<vmem>>[vector<16xi32>, vector<16xi32>], vector<16xf32>,
        %gather3A_1286 = tpu.vector_load_idx %arg14[%iota3A, %broadcast_in_dim3A_1284] : memref<16x64xf32, #tpu.memory_space<vmem>>[vector<16xi32>, vector<16xi32>], vector<16xf32>,
        %mul3A_1287 = arith.mulf %gather3A_1285, %gather3A_1286 : vector<16xf32>
        %add3A_1288 = arith.addf %add3A_1282, %mul3A_1287 : vector<16xf32>
        %broadcast_in_dim3A_1289 = arith.constant 61 : i32
        %broadcast_in_dim3A_1290 = vector.broadcast %broadcast_in_dim3A_1289 : i32 to vector<16xi32>
        %gather3A_1291 = tpu.vector_load_idx %arg12[%iota3A, %broadcast_in_dim3A_1290] : memref<16x64xf32, #tpu.memory_space<vmem>>[vector<16xi32>, vector<16xi32>], vector<16xf32>,
        %gather3A_1292 = tpu.vector_load_idx %arg14[%iota3A, %broadcast_in_dim3A_1290] : memref<16x64xf32, #tpu.memory_space<vmem>>[vector<16xi32>, vector<16xi32>], vector<16xf32>,
        %mul3A_1293 = arith.mulf %gather3A_1291, %gather3A_1292 : vector<16xf32>
        %add3A_1294 = arith.addf %add3A_1288, %mul3A_1293 : vector<16xf32>
        %broadcast_in_dim3A_1295 = arith.constant 62 : i32
        %broadcast_in_dim3A_1296 = vector.broadcast %broadcast_in_dim3A_1295 : i32 to vector<16xi32>
        %gather3A_1297 = tpu.vector_load_idx %arg12[%iota3A, %broadcast_in_dim3A_1296] : memref<16x64xf32, #tpu.memory_space<vmem>>[vector<16xi32>, vector<16xi32>], vector<16xf32>,
        %gather3A_1298 = tpu.vector_load_idx %arg14[%iota3A, %broadcast_in_dim3A_1296] : memref<16x64xf32, #tpu.memory_space<vmem>>[vector<16xi32>, vector<16xi32>], vector<16xf32>,
        %mul3A_1299 = arith.mulf %gather3A_1297, %gather3A_1298 : vector<16xf32>
        %add3A_1300 = arith.addf %add3A_1294, %mul3A_1299 : vector<16xf32>
        %broadcast_in_dim3A_1301 = arith.constant 63 : i32
        %broadcast_in_dim3A_1302 = vector.broadcast %broadcast_in_dim3A_1301 : i32 to vector<16xi32>
        %gather3A_1303 = tpu.vector_load_idx %arg12[%iota3A, %broadcast_in_dim3A_1302] : memref<16x64xf32, #tpu.memory_space<vmem>>[vector<16xi32>, vector<16xi32>], vector<16xf32>,
        %gather3A_1304 = tpu.vector_load_idx %arg14[%iota3A, %broadcast_in_dim3A_1302] : memref<16x64xf32, #tpu.memory_space<vmem>>[vector<16xi32>, vector<16xi32>], vector<16xf32>,
        %mul3A_1305 = arith.mulf %gather3A_1303, %gather3A_1304 : vector<16xf32>
        %add3A_1306 = arith.addf %add3A_1300, %mul3A_1305 : vector<16xf32>
        %mul3A_1307 = arith.constant 16 : i32
        %mul3A_1308 = arith.muli %add3A_492, %mul3A_1307 : i32
        %swap3A_1309 = arith.index_cast %mul3A_1308 : i32 to index
        %swap3A_1310 = tpu.vector_load %arg15[%swap3A_1309] {strides = array<i32>} : memref<512xf32, #tpu.memory_space<vmem>>, vector<16xf32>,
        tpu.vector_store %arg15[%swap3A_1309], %add3A_1306 {strides = array<i32>} : memref<512xf32, #tpu.memory_space<vmem>>, vector<16xf32>,
      } else {
      }
    }
    %scan3A_487 = arith.constant 16 : i32
    "tpu.region"() ({
      %run_scoped3A = tpu.sem_alloc : memref<!tpu.dma_semaphore, #tpu.memory_space<semaphore_mem>>
      %dma_start3A_488 = tpu.memref_slice %arg7[%mul3A_2] : memref<16384xf32, #tpu.memory_space<hbm>> -> memref<512xf32, #tpu.memory_space<hbm>>
      %dma_start3A_489 = tpu.memref_slice %arg7[%mul3A_2] : memref<16384xf32, #tpu.memory_space<hbm>> -> memref<512xf32, #tpu.memory_space<hbm>>
      tpu.enqueue_dma source(%arg15 : memref<512xf32, #tpu.memory_space<vmem>>) target(%dma_start3A_489 : memref<512xf32, #tpu.memory_space<hbm>>) target_semaphore(%run_scoped3A : memref<!tpu.dma_semaphore, #tpu.memory_space<semaphore_mem>>)
      %dma_wait3A = tpu.memref_slice %arg7[%mul3A_2] : memref<16384xf32, #tpu.memory_space<hbm>> -> memref<512xf32, #tpu.memory_space<hbm>>
      %dma_wait3A_490 = tpu.memref_slice %arg7[%mul3A_2] : memref<16384xf32, #tpu.memory_space<hbm>> -> memref<512xf32, #tpu.memory_space<hbm>>
      tpu.wait_dma2 semaphore(%run_scoped3A : memref<!tpu.dma_semaphore, #tpu.memory_space<semaphore_mem>>) src(%arg15 : memref<512xf32, #tpu.memory_space<vmem>>) dst(%dma_wait3A_490 : memref<512xf32, #tpu.memory_space<hbm>>)
      tpu.yield
    }) : () -> ()
    return
  }
}

</mosaic_0001>

<sc_bundles>
// kernel: kernel.4.cloned.1.call-start
scs
__scs_entry_jumppad:
0x0: {  	(pc) =	sbr.rel $0x88, $3  }
0x1: {  	(tag) =	ssettag $0x0;
	lr =	simm.s32 $0x1  }
0x2: {  	[smem:$0x3F9B] =	sst lr;
	_ =	strace $0xD0000000  }
0x3: {  	_ = 	snop  }
0x4: {  	_ = 	snop  }
0x5: {  	_ = 	snop  }
0x6: {  	_ = 	snop  }
0x7: {  	_ = 	snop  }
__scs_overlays_trampoline_lowered:
0x8: {  	[smem:$0x3FAA] =	sst s0  }
0x9: {  	[smem:$0x3FAB] =	sst s1  }
0xa: {  	[smem:$0x3FAC] =	sst s2  }
0xb: {  	[smem:$0x3FAD] =	sst s3  }
0xc: {  	[smem:$0x3FAE] =	sst s4  }
0xd: {  	[smem:$0x3FAF] =	sst s5  }
0xe: {  	[smem:$0x3FB0] =	sst s6  }
0xf: {  	[smem:$0x3FB1] =	sst s7  }
0x10: {  	[smem:$0x3FB2] =	sst s8  }
0x11: {  	[smem:$0x3FB3] =	sst s9;
	s0 =	simm.s32 @!p0 $0x0  }
0x12: {  	s1 =	sld [smem:$0x3F99];
	s0 =	simm.s32 @p0 $0x1  }
0x13: {  	[smem:$0x3FB4] =	sst s0;
	s0 =	simm.s32 @!p1 $0x0  }
0x14: {  	s2 =	sld [smem:$0x3F98];
	s0 =	simm.s32 @p1 $0x1  }
0x15: {  	[smem:$0x3FB5] =	sst s0;
	s0 =	simm.s32 @!p2 $0x0  }
0x16: {  	s3 =	sld [smem:$0x3FDB];
	s0 =	simm.s32 @p2 $0x1  }
0x17: {  	s4 =	simm.s32 $0x1BF5;
	[smem:$0x3FB7] =	sst s0  }
0x18: {  	s0 =	sld [smem:$0x3F9A];
	_ =	swait.ge [sflag:s4], $0x0  }
0x19: {  	s7 =	sld [smem:$0x3F9B]  }
0x1a: {  	s8 =	sadd.s32 $0xFFFFE003, lr  }
0x1b: {  	s9 =	sadd.s32 $0xFFFFFEF7, lr;
	s5 =	simm.s32 $0xFFFFFFFF;
	p2 =	slt.u32 s8, $0xFFFFF086  }
0x1c: {  	p1 =	slt.u32 s9, $0xF7A;
	s5 =	simm.s32 @!p2 $0x0  }
0x1d: {  	s5 =	simm.s32 @p1 $0x1;
	p0 =	seq.s32 s7, s2  }
0x1e: {  	s7 =	smul.u32 @!p0 $0xF7A, s2;
	p2 =	seq.s32 @!p0 s5, $0x0  }
0x1f: {  	s9 =	smul.u32 $0xF7A, s1;
	s8 =	simm.s32 @!p0 $0x1BF5;
	p2 =	por !p2, p0  }
0x20: {  	[sflag:s8] =	ssyncset.s32 @!p0 $0xFFFFF086;
	s6 =	sadd.s32 @!p0 s3, s7;
	s7 =	simm.s32 @!p0 $0x108  }
0x21: {  	s3 =	sadd.s32 s3, s9;
	s6 =	sadd.s32 @!p0 $0x88, s6;
	s7 =	simm.s32 @p2 $0x1082  }
0x22: {  	[simem:s7], [sflag:s8] =	dma.local @!p0 [hbm:s6], $0xF7A  }
0x23: {  	s9 =	sor.u32 $0xD0000000, s2;
	s6 =	simm.s32 $0x108;
	_ =	swait.ge @!p0 [sflag:s8], $0x0  }
0x24: {  	s3 =	sadd.s32 $0x88, s3;
	s6 =	simm.s32 @!p1 $0x1082;
	[sflag:s4] =	ssyncset.s32 $0xFFFFF086  }
0x25: {  	[simem:s6], [sflag:s4] =	dma.local [hbm:s3], $0xF7A  }
0x26: {  	[smem:$0x3F9B] =	sst s1;
	(tag) =	ssettag s2;
	_ =	strace s9  }
0x27: {  	s1 =	sld [smem:$0x3FAB]  }
0x28: {  	s2 =	sld [smem:$0x3FAC]  }
0x29: {  	s4 =	sld [smem:$0x3FAE]  }
0x2a: {  	p0 =	seq.s32 s5, $0x0;
	s5 =	sld [smem:$0x3FAF]  }
0x2b: {  	s6 =	sld [smem:$0x3FB0]  }
0x2c: {  	s7 =	sld [smem:$0x3FB1]  }
0x2d: {  	s3 =	simm.s32 $0x108;
	s8 =	sld [smem:$0x3FB2]  }
0x2e: {  	s3 =	simm.s32 @!p0 $0x1082;
	s9 =	sld [smem:$0x3FB3]  }
0x2f: {  	lr =	sadd.s32 s0, s3;
	s0 =	sld [smem:$0x3FAA]  }
0x30: {  	s3 =	sld [smem:$0x3FAD]  }
0x31: {  	[smem:$0x3FB6] =	sst s10  }
0x32: {  	s10 =	sld [smem:$0x3FB4];
	_ =	sdelay $0x3  }
0x33: {  	p0 =	seq.s32 s10, $0x1;
	s10 =	sld [smem:$0x3FB6];
	_ =	sdelay $0x3  }
0x34: {  	[smem:$0x3FB6] =	sst s10  }
0x35: {  	s10 =	sld [smem:$0x3FB5];
	_ =	sdelay $0x3  }
0x36: {  	p1 =	seq.s32 s10, $0x1;
	s10 =	sld [smem:$0x3FB6];
	_ =	sdelay $0x3  }
0x37: {  	[smem:$0x3FB6] =	sst s10  }
0x38: {  	s10 =	sld [smem:$0x3FB7]  }
0x39: {  	_ = 	snop;
	(pc) =	sbr.ind lr, $3  }
0x3a: {  	_ = 	snop  }
0x3b: {  	_ = 	snop  }
0x3c: {  	p2 =	seq.s32 s10, $0x1;
	s10 =	sld [smem:$0x3FB6]  }
0x3d: {  	_ =	shalt  }
0x3e: {  	_ =	shalt  }
0x3f: {  	_ =	shalt  }
0x40: {  	_ =	shalt  }
0x41: {  	_ =	shalt  }
0x42: {  	_ =	shalt  }
0x43: {  	_ =	shalt  }
0x44: {  	_ =	shalt  }
0x45: {  	_ =	shalt  }
0x46: {  	_ =	shalt  }
0x47: {  	_ =	shalt  }
0x48: {  	_ =	shalt  }
0x49: {  	_ =	shalt  }
0x4a: {  	_ =	shalt  }
0x4b: {  	_ =	shalt  }
0x4c: {  	_ =	shalt  }
0x4d: {  	_ =	shalt  }
0x4e: {  	_ =	shalt  }
0x4f: {  	_ =	shalt  }
0x50: {  	_ =	shalt  }
0x51: {  	_ =	shalt  }
0x52: {  	_ =	shalt  }
0x53: {  	_ =	shalt  }
0x54: {  	_ =	shalt  }
0x55: {  	_ =	shalt  }
0x56: {  	_ =	shalt  }
0x57: {  	_ =	shalt  }
0x58: {  	_ =	shalt  }
0x59: {  	_ =	shalt  }
0x5a: {  	_ =	shalt  }
0x5b: {  	_ =	shalt  }
0x5c: {  	_ =	shalt  }
0x5d: {  	_ =	shalt  }
0x5e: {  	_ =	shalt  }
0x5f: {  	_ =	shalt  }
0x60: {  	_ =	shalt  }
0x61: {  	_ =	shalt  }
0x62: {  	_ =	shalt  }
0x63: {  	_ =	shalt  }
0x64: {  	_ =	shalt  }
0x65: {  	_ =	shalt  }
0x66: {  	_ =	shalt  }
0x67: {  	_ =	shalt  }
0x68: {  	_ =	shalt  }
0x69: {  	_ =	shalt  }
0x6a: {  	_ =	shalt  }
0x6b: {  	_ =	shalt  }
0x6c: {  	_ =	shalt  }
0x6d: {  	_ =	shalt  }
0x6e: {  	_ =	shalt  }
0x6f: {  	_ =	shalt  }
0x70: {  	_ =	shalt  }
0x71: {  	_ =	shalt  }
0x72: {  	_ =	shalt  }
0x73: {  	_ =	shalt  }
0x74: {  	_ =	shalt  }
0x75: {  	_ =	shalt  }
0x76: {  	_ =	shalt  }
0x77: {  	_ =	shalt  }
0x78: {  	_ =	shalt  }
0x79: {  	_ =	shalt  }
0x7a: {  	_ =	shalt  }
0x7b: {  	_ =	shalt  }
0x7c: {  	_ =	shalt  }
0x7d: {  	_ =	shalt  }
0x7e: {  	_ =	shalt  }
0x7f: {  	_ =	shalt  }
0x80: {  	_ =	shalt  }
0x81: {  	_ =	shalt  }
0x82: {  	_ =	shalt  }
0x83: {  	_ =	shalt  }
0x84: {  	_ =	shalt  }
0x85: {  	_ =	shalt  }
0x86: {  	_ =	shalt  }
0x87: {  	_ =	shalt  }
.Lfunc_end0:
.L_simem_size_0:
called_computation_lowered:
.L_overlay_start_0:
0x88: {  	s2 =	sld [smem:$0x3FD9]  }
0x89: {  	s3 =	sld [smem:$0x3FFE];
	_ =	sdelay $0x1  }
0x8a: {  	s1 =	srdreg.scid  }
0x8b: {  	s0 =	sand.u32 $0x1, s1  }
0x8c: {  	s17 =	sshll.u32 s0, $0xA;
	s2 =	sadd.s32 s3, s2  }
0x8d: {  	s2 =	sadd.s32 s2, s17  }
0x8e: {  	[smem:$0x3FC2] =	sst s2  }
0x8f: {  	_ = 	snop  }
0x90: {  	s2 =	sld [smem:$0x3FC9]  }
0x91: {  	s18 =	sld [smem:$0x3FC8];
	(tm) =	ssettm $0x1  }
0x92: {  	s4 =	sld [smem:$0x3FFB];
	_ =	sdelay $0x3  }
0x93: {  	_ =	strace s4  }
0x94: {  	s4 =	sld [smem:$0x3FFC];
	_ =	sdelay $0x3  }
0x95: {  	_ =	strace s4  }
0x96: {  	s4 =	sld [smem:$0x3FFD];
	_ =	sdelay $0x3  }
0x97: {  	_ =	strace s4  }
0x98: {  	_ =	strace $0x8FFFFFFF  }
0x99: {  	s19 =	sld [smem:$0x3FDB];
	_ =	sdelay $0x1  }
0x9a: {  	s5 =	simm.s32 $_scs_section_size  }
0x9b: {  	s6 =	simm.s32 $_size__tile_overlayer_lowered;
	s7 =	simm.s32 $_tile_overlayer_lowered  }
0x9c: {  	s22 =	simm.s32 $0x1BFF;
	s21 =	sshll.u32 s7, $0x1;
	s4 =	sadd.s32 s5, s19  }
0x9d: {  	s8 =	simm.s32 $0x0;
	s20 =	sshll.u32 s6, $0x1;
	s6 =	sadd.s32 s21, s4  }
0x9e: {  	[timem:s8], [sflag:s22] =	dma.local [hbm:s6], s20  }
0x9f: {  	_ =	swait.ge [sflag:s22], s20  }
0xa0: {  	s5 =	ssub.s32 $0x0, s20;
	[sflag:s22] =	ssyncset.done $0x0  }
0xa1: {  	[sflag:s22] =	ssyncadd.s32 s5;
	_ =	sdelay $0x1  }
0xa2: {  	s23 =	simm.s32 $0x1B8B  }
0xa3: {  	_ =	swait.ge [sflag:s23], $0x1  }
0xa4: {  	[sflag:s23] =	ssyncset.done $0x0  }
0xa5: {  	s25 =	simm.s32 $0x1B8E;
	s24 =	sld [smem:$0x3FFE];
	[sflag:s23] =	ssyncadd.s32 $0xFFFFFFFF  }
0xa6: {  	s26 =	simm.s32 $execute0_lowered;
	[smem:$0x3FD2] =	sst s25  }
0xa7: {  	s6 =	sshll.u32 s26, $0x1;
	_ =	strace $0x80000046;
	[dreg:$0x1] =	wrdreg $0xFFFFFFFF  }
0xa8: {  	s28 =	simm.s32 $_size_execute0_lowered;
	s4 =	sadd.s32 s4, s6;
	[dreg:$0x0] =	wrdreg $0x0  }
0xa9: {  	s6 =	sshll.u32 s28, $0x1;
	[dreg:$0x2] =	wrdreg s4  }
0xaa: {  	[dreg:$0x3] =	wrdreg s6  }
0xab: {  	[dreg:$0x4] =	wrdreg $0xC0  }
0xac: {  	_ =	task [dreg:s8], $0x5FFFF  }
0xad: {  	[dreg:$0x1] =	wrdreg $0xFFFFFFFF  }
0xae: {  	[dreg:$0x0] =	wrdreg $0x60  }
0xaf: {  	[dreg:$0x2] =	wrdreg s2  }
0xb0: {  	[dreg:$0x3] =	wrdreg s18  }
0xb1: {  	[dreg:$0x4] =	wrdreg s24  }
0xb2: {  	[dreg:$0x5] =	wrdreg $0x9  }
0xb3: {  	_ =	task.clear_ibuf [dreg:s8], $0x6FFFF;
	_ =	strace $0x90000046  }
0xb4: {  	s29 =	simm.s32 $0x9;
	_ =	strace $0x80000048  }
0xb5: {  	_ =	swait.ge [sflag:s29], $0x1  }
0xb6: {  	[sflag:s29] =	ssyncadd.s32 $0xFFFFFFFF  }
0xb7: {  	_ =	strace $0x90000048  }
0xb8: {  	_ =	sfence  }
0xb9: {  	s30 =	sld [smem:$0x0];
	_ =	sdelay $0x2  }
0xba: {  	s31 =	sshll.u32 s1, $0xD;
	s1 =	sshrl.u32 s1, $0x2  }
0xbb: {  	s3 =	sand.u32 $0x4000, s31;
	s1 =	sadd.s32 s1, s30  }
0xbc: {  	s0 =	sor.u32 s3, s0;
	s1 =	sshll.u32 s1, $0x11  }
0xbd: {  	s0 =	sor.u32 s1, s0  }
0xbe: {  	s0 =	sadd.s32 $0x8F2B, s0  }
0xbf: {  	[sflag:s0] =	ssyncadd.remote.s32 $0x1  }
0xc0: {  	_ =	sfence.sel $0xFFFF  }
0xc1: {  	[dreg:$0x0] =	wrdreg $0xFFFFFFFF;
	(pc) =	sbr.abs _section_cstart, $3  }
0xc2: {  	[dreg:$0x1] =	wrdreg $0xFFFFFFFF  }
0xc3: {  	_ =	task.clear_ibuf [dreg:s8], $0x2FFFF;
	_ =	strace $0x9FFFFFFF  }
0xc4: {  	(tm) =	ssettm $0x7FFFFFFF  }
0xc5: {  	_ =	shalt  }
tec
execute0_lowered:
.L_overlay_start_1:
0x0: {  	(tag) =	ssettag $0x1  }
0x1: {  	s0 =	rddreg [dreg:$0x0]  }
0x2: {  	s1 =	rddreg [dreg:$0x1]  }
0x3: {  	s2 =	rddreg [dreg:$0x2]  }
0x4: {  	s4 =	srdreg.scid;
	s3 =	simm.s32 $0x0;
	s5 =	stileid.u32  }
0x5: {  	s15 =	simm.s32 $0x2;
	s16 =	simm.s32 $0x200;
	s17 =	simm.s32 $0x80  }
0x6: {  	s18 =	simm.s32 $0x280;
	s19 =	simm.s32 $0x100;
	s20 =	simm.s32 $0x300  }
0x7: {  	s21 =	simm.s32 $0x180;
	s22 =	simm.s32 $0x380;
	s28 =	simm.s32 $0x500  }
0x8: {  	s29 =	simm.s32 $0x700;
	s30 =	simm.s32 $0x580;
	s31 =	simm.s32 $0x780  }
0x9: {  	s23 =	simm.s32 $0x0;
	s4 =	sand.u32 $0x1, s4;
	[smem:$0x7FF] =	sst s3  }
0xa: {  	s5 =	sshll.u32 s5, $0x7;
	s6 =	sshll.u32 s4, $0x6;
	s25 =	ssub.s32 $0x2, s4  }
0xb: {  	_ =	strace $0x80000047;
	s10 =	sor.u32 s6, s5;
	s26 =	sshrl.u32 s25, $0x1  }
0xc: {  	s4 =	sadd.s32 $0x1EA00, s2;
	s13 =	sadd.s32 s10, s2;
	s14 =	ssub.s32 s25, s26  }
0xd: {  	s5 =	sadd.s32 s0, s10;
	s8 =	sor.u32 $0x10, s10;
	s6 =	sadd.s32 s1, s10  }
0xe: {  	s11 =	sor.u32 $0x20, s10;
	s12 =	sor.u32 $0x30, s10;
	s7 =	sadd.s32 s0, s8  }
0xf: {  	s8 =	sadd.s32 s1, s8;
	s9 =	sadd.s32 s0, s11;
	s10 =	sadd.s32 s1, s11  }
0x10: {  	s11 =	sadd.s32 s0, s12;
	s12 =	sadd.s32 s1, s12;
	s13 =	sadd.s32 $0x3D400, s13  }
0x11: {  	s14 =	smax.u32 s14, $0x1;
	s0 =	simm.s32 $0x1;
	s1 =	simm.s32 $0x800  }
.LBB2_1:
0x12: {  	[tilespmem:s3], [sflag:$0x2] =	stream.linear.gather [hbm4b:s5+s3], $0x80, $0x38;
	[tilespmem:$0xA00] =	vst v63  }
0x13: {  	_ =	swait.ge [sflag:s15], $0x80  }
0x14: {  	[sflag:s15] =	ssyncset.done $0x0  }
0x15: {  	[sflag:s15] =	ssyncadd.s32 $0xFFFFFF80  }
0x16: {  	[tilespmem:s16], [sflag:$0x2] =	stream.linear.gather [hbm4b:s6+s3], $0x80, $0x38;
	[tilespmem:$0xA00] =	vst v63  }
0x17: {  	_ =	swait.ge [sflag:s15], $0x80  }
0x18: {  	[sflag:s15] =	ssyncset.done $0x0  }
0x19: {  	[sflag:s15] =	ssyncadd.s32 $0xFFFFFF80  }
0x1a: {  	[tilespmem:s17], [sflag:$0x2] =	stream.linear.gather [hbm4b:s7+s3], $0x80, $0x38;
	[tilespmem:$0xA00] =	vst v63  }
0x1b: {  	_ =	swait.ge [sflag:s15], $0x80  }
0x1c: {  	[sflag:s15] =	ssyncset.done $0x0  }
0x1d: {  	[sflag:s15] =	ssyncadd.s32 $0xFFFFFF80  }
0x1e: {  	[tilespmem:s18], [sflag:$0x2] =	stream.linear.gather [hbm4b:s8+s3], $0x80, $0x38;
	[tilespmem:$0xA00] =	vst v63  }
0x1f: {  	_ =	swait.ge [sflag:s15], $0x80  }
0x20: {  	[sflag:s15] =	ssyncset.done $0x0  }
0x21: {  	[sflag:s15] =	ssyncadd.s32 $0xFFFFFF80  }
0x22: {  	[tilespmem:s19], [sflag:$0x2] =	stream.linear.gather [hbm4b:s9+s3], $0x80, $0x38;
	[tilespmem:$0xA00] =	vst v63  }
0x23: {  	_ =	swait.ge [sflag:s15], $0x80  }
0x24: {  	[sflag:s15] =	ssyncset.done $0x0  }
0x25: {  	[sflag:s15] =	ssyncadd.s32 $0xFFFFFF80  }
0x26: {  	[tilespmem:s20], [sflag:$0x2] =	stream.linear.gather [hbm4b:s10+s3], $0x80, $0x38;
	[tilespmem:$0xA00] =	vst v63  }
0x27: {  	_ =	swait.ge [sflag:s15], $0x80  }
0x28: {  	[sflag:s15] =	ssyncset.done $0x0  }
0x29: {  	[sflag:s15] =	ssyncadd.s32 $0xFFFFFF80  }
0x2a: {  	[tilespmem:s21], [sflag:$0x2] =	stream.linear.gather [hbm4b:s11+s3], $0x80, $0x38;
	[tilespmem:$0xA00] =	vst v63  }
0x2b: {  	_ =	swait.ge [sflag:s15], $0x80  }
0x2c: {  	[sflag:s15] =	ssyncset.done $0x0  }
0x2d: {  	[sflag:s15] =	ssyncadd.s32 $0xFFFFFF80  }
0x2e: {  	[tilespmem:s22], [sflag:$0x2] =	stream.linear.gather [hbm4b:s12+s3], $0x80, $0x38;
	[tilespmem:$0xA00] =	vst v63  }
0x2f: {  	_ =	swait.ge [sflag:s15], $0x80  }
0x30: {  	[sflag:s15] =	ssyncset.done $0x0  }
0x31: {  	s24 =	simm.s32 $0x400;
	[sflag:s15] =	ssyncadd.s32 $0xFFFFFF80  }
0x32: {  	[tilespmem:s24], [sflag:$0x1] =	stream.indirect.gather [hbm4b:s2+s17], $0x1, s3, s17, $0xb8;
	[tilespmem:$0xA00] =	vst v63  }
0x33: {  	s26 =	simm.s32 $0x600  }
0x34: {  	[tilespmem:s26], [sflag:$0x1] =	stream.indirect.gather [hbm4b:s4+s17], $0x1, s16, s17, $0xb8;
	[tilespmem:$0xA00] =	vst v63  }
0x35: {  	s25 =	simm.s32 $0x480  }
0x36: {  	[tilespmem:s25], [sflag:$0x1] =	stream.indirect.gather [hbm4b:s2+s17], $0x1, s17, s17, $0xb8;
	[tilespmem:$0xA00] =	vst v63  }
0x37: {  	s26 =	simm.s32 $0x680  }
0x38: {  	[tilespmem:s26], [sflag:$0x1] =	stream.indirect.gather [hbm4b:s4+s17], $0x1, s18, s17, $0xb8;
	[tilespmem:$0xA00] =	vst v63  }
0x39: {  	_ = 	snop  }
0x3a: {  	[tilespmem:s28], [sflag:$0x1] =	stream.indirect.gather [hbm4b:s2+s17], $0x1, s19, s17, $0xb8;
	[tilespmem:$0xA00] =	vst v63  }
0x3b: {  	_ = 	snop  }
0x3c: {  	[tilespmem:s29], [sflag:$0x1] =	stream.indirect.gather [hbm4b:s4+s17], $0x1, s20, s17, $0xb8;
	[tilespmem:$0xA00] =	vst v63  }
0x3d: {  	_ = 	snop  }
0x3e: {  	[tilespmem:s30], [sflag:$0x1] =	stream.indirect.gather [hbm4b:s2+s17], $0x1, s21, s17, $0xb8;
	[tilespmem:$0xA00] =	vst v63  }
0x3f: {  	_ = 	snop  }
0x40: {  	[tilespmem:s31], [sflag:$0x1] =	stream.indirect.gather [hbm4b:s4+s17], $0x1, s22, s17, $0xb8;
	[tilespmem:$0xA00] =	vst v63  }
0x41: {  	_ =	swait.ge [sflag:s0], $0x80  }
0x42: {  	[sflag:s0] =	ssyncset.done $0x0  }
0x43: {  	[sflag:s0] =	ssyncadd.s32 $0xFFFFFF80  }
0x44: {  	_ =	swait.ge [sflag:s0], $0x80  }
0x45: {  	[sflag:s0] =	ssyncset.done $0x0  }
0x46: {  	[sflag:s0] =	ssyncadd.s32 $0xFFFFFF80  }
0x47: {  	_ =	swait.ge [sflag:s0], $0x80  }
0x48: {  	[sflag:s0] =	ssyncset.done $0x0  }
0x49: {  	[sflag:s0] =	ssyncadd.s32 $0xFFFFFF80  }
0x4a: {  	_ =	swait.ge [sflag:s0], $0x80  }
0x4b: {  	[sflag:s0] =	ssyncset.done $0x0  }
0x4c: {  	[sflag:s0] =	ssyncadd.s32 $0xFFFFFF80  }
0x4d: {  	_ =	swait.ge [sflag:s0], $0x80  }
0x4e: {  	[sflag:s0] =	ssyncset.done $0x0  }
0x4f: {  	[sflag:s0] =	ssyncadd.s32 $0xFFFFFF80  }
0x50: {  	_ =	swait.ge [sflag:s0], $0x80  }
0x51: {  	[sflag:s0] =	ssyncset.done $0x0  }
0x52: {  	[sflag:s0] =	ssyncadd.s32 $0xFFFFFF80  }
0x53: {  	_ =	swait.ge [sflag:s0], $0x80  }
0x54: {  	[sflag:s0] =	ssyncset.done $0x0  }
0x55: {  	[sflag:s0] =	ssyncadd.s32 $0xFFFFFF80  }
0x56: {  	_ =	swait.ge [sflag:s0], $0x80  }
0x57: {  	[sflag:s0] =	ssyncset.done $0x0  }
0x58: {  	s24 =	simm.s32 $0x0;
	[sflag:s0] =	ssyncadd.s32 $0xFFFFFF80  }
0x59: {  	v0 =	vld [tilespmem:s24+$0x400]  }
0x5a: {  	s25 =	simm.s32 $0x40;
	v1 =	vld [tilespmem:s24+$0x600]  }
.LBB2_2:
0x5b: {  	_ = 	snop  }
0x5c: {  	p0 =	sne.s32 s25, $0x7C0  }
.Ltmp0:
0x5d: {  	_ = 	snop;
	(pc) =	sbr.rel @p0 .LBB2_2-.Ltmp0, $4  }
0x5e: {  	_ = 	snop  }
0x5f: {  	s26 =	sshra.s32 s25, $0x2;
	v2 =	vadd.f32 v1, v0  }
0x60: {  	v0 =	vld [tilespmem:s26+$0x400]  }
0x61: {  	s25 =	sadd.s32 $0x40, s25;
	v1 =	vld [tilespmem:s26+$0x600];
	[tilespmem:s24+$0x800] =	vst v2;
	s24 =	smov.u32 s26  }
0x62: {  	_ =	sdelay $0x3  }
0x63: {  	s23 =	sadd.s32 $0x1, s23;
	v0 =	vadd.f32 v1, v0  }
0x64: {  	p0 =	sne.s32 s23, s14  }
.Ltmp1:
0x65: {  	[tilespmem:s24+$0x800] =	vst v0;
	(pc) =	sbr.rel @p0 .LBB2_1-.Ltmp1, $4  }
0x66: {  	[hbm4b:s13+s3] =	stream.linear.scatter [tilespmem:s1], [sflag:$0x2], $0x200, $0x38;
	[tilespmem:$0xA00] =	vst v63  }
0x67: {  	_ =	swait.ge [sflag:s15], $0x200  }
0x68: {  	[sflag:s15] =	ssyncset.done $0x0  }
0x69: {  	[sflag:s15] =	ssyncadd.s32 $0xFFFFFE00  }
0x6a: {  	_ =	sfence.sel $0x180000  }
0x6b: {  	[bflag:$0x0] =	sbarrier.arrive $0xFFFF  }
0x6c: {  	_ =	strace $0x90000047  }
0x6d: {  	s0 =	stileid.u32;
	[bflag:$0x2] =	sbarrier.arrive $0xFFFF  }
0x6e: {  	p0 =	sne.s32 s0, $0x0;
	s0 =	rddreg [dreg:$0x3]  }
0x6f: {  	s0 =	sadd.s32 @!p0 $0x100000, s0  }
0x70: {  	[sflag:s0] =	ssyncadd.tile.s32 @!p0 $0x1;
	_ =	shalt  }
.Lfunc_end2:
_tile_overlayer_lowered:
.L_overlay_start_2:
0x71: {  	(tag) =	ssettag $0x2  }
0x72: {  	s0 =	rddreg [dreg:$0x0];
	s2 =	stileid.u32  }
0x73: {  	s1 =	rddreg [dreg:$0x1];
	p0 =	sne.s32 s2, $0x0  }
0x74: {  	s3 =	rddreg [dreg:$0x2];
	[bflag:$0x3] =	sbarrier.arrive $0xFFFF;
	s2 =	simm.s32 @!p0 $0x1C02  }
0x75: {  	[timem:s3], [sflag:s2] =	dma.local @!p0 [hbm:s0], s1  }
0x76: {  	s0 =	simm.s32 @!p0 $0x2  }
0x77: {  	_ =	swait.ge @!p0 [sflag:s0], s1  }
0x78: {  	s1 =	ssub.s32 @!p0 $0x0, s1;
	[sflag:s0] =	ssyncset.done @!p0 $0x0  }
0x79: {  	[sflag:s0] =	ssyncadd.s32 @!p0 s1  }
0x7a: {  	[bflag:$0x3] =	sbarrier.arrive $0xFFFF  }
0x7b: {  	_ =	shalt  }

// kernel: kernel.7.cloned.1.call-start
scs
__scs_entry_jumppad:
0x0: {  	(pc) =	sbr.rel $0x88, $3  }
0x1: {  	(tag) =	ssettag $0x0;
	lr =	simm.s32 $0x1  }
0x2: {  	[smem:$0x3F9B] =	sst lr;
	_ =	strace $0xD0000000  }
0x3: {  	_ = 	snop  }
0x4: {  	_ = 	snop  }
0x5: {  	_ = 	snop  }
0x6: {  	_ = 	snop  }
0x7: {  	_ = 	snop  }
__scs_overlays_trampoline_lowered:
0x8: {  	[smem:$0x3FAA] =	sst s0  }
0x9: {  	[smem:$0x3FAB] =	sst s1  }
0xa: {  	[smem:$0x3FAC] =	sst s2  }
0xb: {  	[smem:$0x3FAD] =	sst s3  }
0xc: {  	[smem:$0x3FAE] =	sst s4  }
0xd: {  	[smem:$0x3FAF] =	sst s5  }
0xe: {  	[smem:$0x3FB0] =	sst s6  }
0xf: {  	[smem:$0x3FB1] =	sst s7  }
0x10: {  	[smem:$0x3FB2] =	sst s8  }
0x11: {  	[smem:$0x3FB3] =	sst s9;
	s0 =	simm.s32 @!p0 $0x0  }
0x12: {  	s1 =	sld [smem:$0x3F99];
	s0 =	simm.s32 @p0 $0x1  }
0x13: {  	[smem:$0x3FB4] =	sst s0;
	s0 =	simm.s32 @!p1 $0x0  }
0x14: {  	s2 =	sld [smem:$0x3F98];
	s0 =	simm.s32 @p1 $0x1  }
0x15: {  	[smem:$0x3FB5] =	sst s0;
	s0 =	simm.s32 @!p2 $0x0  }
0x16: {  	s3 =	sld [smem:$0x3FDB];
	s0 =	simm.s32 @p2 $0x1  }
0x17: {  	s4 =	simm.s32 $0x1BF5;
	[smem:$0x3FB7] =	sst s0  }
0x18: {  	s0 =	sld [smem:$0x3F9A];
	_ =	swait.ge [sflag:s4], $0x0  }
0x19: {  	s7 =	sld [smem:$0x3F9B]  }
0x1a: {  	s8 =	sadd.s32 $0xFFFFE003, lr  }
0x1b: {  	s9 =	sadd.s32 $0xFFFFFEF7, lr;
	s5 =	simm.s32 $0xFFFFFFFF;
	p2 =	slt.u32 s8, $0xFFFFF086  }
0x1c: {  	p1 =	slt.u32 s9, $0xF7A;
	s5 =	simm.s32 @!p2 $0x0  }
0x1d: {  	s5 =	simm.s32 @p1 $0x1;
	p0 =	seq.s32 s7, s2  }
0x1e: {  	s7 =	smul.u32 @!p0 $0xF7A, s2;
	p2 =	seq.s32 @!p0 s5, $0x0  }
0x1f: {  	s9 =	smul.u32 $0xF7A, s1;
	s8 =	simm.s32 @!p0 $0x1BF5;
	p2 =	por !p2, p0  }
0x20: {  	[sflag:s8] =	ssyncset.s32 @!p0 $0xFFFFF086;
	s6 =	sadd.s32 @!p0 s3, s7;
	s7 =	simm.s32 @!p0 $0x108  }
0x21: {  	s3 =	sadd.s32 s3, s9;
	s6 =	sadd.s32 @!p0 $0x88, s6;
	s7 =	simm.s32 @p2 $0x1082  }
0x22: {  	[simem:s7], [sflag:s8] =	dma.local @!p0 [hbm:s6], $0xF7A  }
0x23: {  	s9 =	sor.u32 $0xD0000000, s2;
	s6 =	simm.s32 $0x108;
	_ =	swait.ge @!p0 [sflag:s8], $0x0  }
0x24: {  	s3 =	sadd.s32 $0x88, s3;
	s6 =	simm.s32 @!p1 $0x1082;
	[sflag:s4] =	ssyncset.s32 $0xFFFFF086  }
0x25: {  	[simem:s6], [sflag:s4] =	dma.local [hbm:s3], $0xF7A  }
0x26: {  	[smem:$0x3F9B] =	sst s1;
	(tag) =	ssettag s2;
	_ =	strace s9  }
0x27: {  	s1 =	sld [smem:$0x3FAB]  }
0x28: {  	s2 =	sld [smem:$0x3FAC]  }
0x29: {  	s4 =	sld [smem:$0x3FAE]  }
0x2a: {  	p0 =	seq.s32 s5, $0x0;
	s5 =	sld [smem:$0x3FAF]  }
0x2b: {  	s6 =	sld [smem:$0x3FB0]  }
0x2c: {  	s7 =	sld [smem:$0x3FB1]  }
0x2d: {  	s3 =	simm.s32 $0x108;
	s8 =	sld [smem:$0x3FB2]  }
0x2e: {  	s3 =	simm.s32 @!p0 $0x1082;
	s9 =	sld [smem:$0x3FB3]  }
0x2f: {  	lr =	sadd.s32 s0, s3;
	s0 =	sld [smem:$0x3FAA]  }
0x30: {  	s3 =	sld [smem:$0x3FAD]  }
0x31: {  	[smem:$0x3FB6] =	sst s10  }
0x32: {  	s10 =	sld [smem:$0x3FB4];
	_ =	sdelay $0x3  }
0x33: {  	p0 =	seq.s32 s10, $0x1;
	s10 =	sld [smem:$0x3FB6];
	_ =	sdelay $0x3  }
0x34: {  	[smem:$0x3FB6] =	sst s10  }
0x35: {  	s10 =	sld [smem:$0x3FB5];
	_ =	sdelay $0x3  }
0x36: {  	p1 =	seq.s32 s10, $0x1;
	s10 =	sld [smem:$0x3FB6];
	_ =	sdelay $0x3  }
0x37: {  	[smem:$0x3FB6] =	sst s10  }
0x38: {  	s10 =	sld [smem:$0x3FB7]  }
0x39: {  	_ = 	snop;
	(pc) =	sbr.ind lr, $3  }
0x3a: {  	_ = 	snop  }
0x3b: {  	_ = 	snop  }
0x3c: {  	p2 =	seq.s32 s10, $0x1;
	s10 =	sld [smem:$0x3FB6]  }
0x3d: {  	_ =	shalt  }
0x3e: {  	_ =	shalt  }
0x3f: {  	_ =	shalt  }
0x40: {  	_ =	shalt  }
0x41: {  	_ =	shalt  }
0x42: {  	_ =	shalt  }
0x43: {  	_ =	shalt  }
0x44: {  	_ =	shalt  }
0x45: {  	_ =	shalt  }
0x46: {  	_ =	shalt  }
0x47: {  	_ =	shalt  }
0x48: {  	_ =	shalt  }
0x49: {  	_ =	shalt  }
0x4a: {  	_ =	shalt  }
0x4b: {  	_ =	shalt  }
0x4c: {  	_ =	shalt  }
0x4d: {  	_ =	shalt  }
0x4e: {  	_ =	shalt  }
0x4f: {  	_ =	shalt  }
0x50: {  	_ =	shalt  }
0x51: {  	_ =	shalt  }
0x52: {  	_ =	shalt  }
0x53: {  	_ =	shalt  }
0x54: {  	_ =	shalt  }
0x55: {  	_ =	shalt  }
0x56: {  	_ =	shalt  }
0x57: {  	_ =	shalt  }
0x58: {  	_ =	shalt  }
0x59: {  	_ =	shalt  }
0x5a: {  	_ =	shalt  }
0x5b: {  	_ =	shalt  }
0x5c: {  	_ =	shalt  }
0x5d: {  	_ =	shalt  }
0x5e: {  	_ =	shalt  }
0x5f: {  	_ =	shalt  }
0x60: {  	_ =	shalt  }
0x61: {  	_ =	shalt  }
0x62: {  	_ =	shalt  }
0x63: {  	_ =	shalt  }
0x64: {  	_ =	shalt  }
0x65: {  	_ =	shalt  }
0x66: {  	_ =	shalt  }
0x67: {  	_ =	shalt  }
0x68: {  	_ =	shalt  }
0x69: {  	_ =	shalt  }
0x6a: {  	_ =	shalt  }
0x6b: {  	_ =	shalt  }
0x6c: {  	_ =	shalt  }
0x6d: {  	_ =	shalt  }
0x6e: {  	_ =	shalt  }
0x6f: {  	_ =	shalt  }
0x70: {  	_ =	shalt  }
0x71: {  	_ =	shalt  }
0x72: {  	_ =	shalt  }
0x73: {  	_ =	shalt  }
0x74: {  	_ =	shalt  }
0x75: {  	_ =	shalt  }
0x76: {  	_ =	shalt  }
0x77: {  	_ =	shalt  }
0x78: {  	_ =	shalt  }
0x79: {  	_ =	shalt  }
0x7a: {  	_ =	shalt  }
0x7b: {  	_ =	shalt  }
0x7c: {  	_ =	shalt  }
0x7d: {  	_ =	shalt  }
0x7e: {  	_ =	shalt  }
0x7f: {  	_ =	shalt  }
0x80: {  	_ =	shalt  }
0x81: {  	_ =	shalt  }
0x82: {  	_ =	shalt  }
0x83: {  	_ =	shalt  }
0x84: {  	_ =	shalt  }
0x85: {  	_ =	shalt  }
0x86: {  	_ =	shalt  }
0x87: {  	_ =	shalt  }
.Lfunc_end0:
.L_simem_size_0:
called_computation.1_lowered:
.L_overlay_start_0:
0x88: {  	s2 =	sld [smem:$0x3FD9]  }
0x89: {  	s3 =	sld [smem:$0x3FFE];
	_ =	sdelay $0x1  }
0x8a: {  	s1 =	srdreg.scid  }
0x8b: {  	s0 =	sand.u32 $0x1, s1  }
0x8c: {  	s17 =	sshll.u32 s0, $0xA;
	s2 =	sadd.s32 s3, s2  }
0x8d: {  	s2 =	sadd.s32 s2, s17  }
0x8e: {  	[smem:$0x3FC2] =	sst s2  }
0x8f: {  	_ = 	snop  }
0x90: {  	s2 =	sld [smem:$0x3FC9]  }
0x91: {  	s18 =	sld [smem:$0x3FC8]  }
0x92: {  	s4 =	sld [smem:$0x3FD0];
	(tm) =	ssettm $0x1  }
0x93: {  	s5 =	sld [smem:$0x3FFB];
	_ =	sdelay $0x3  }
0x94: {  	_ =	strace s5  }
0x95: {  	s5 =	sld [smem:$0x3FFC];
	_ =	sdelay $0x3  }
0x96: {  	_ =	strace s5  }
0x97: {  	s5 =	sld [smem:$0x3FFD];
	_ =	sdelay $0x3  }
0x98: {  	_ =	strace s5  }
0x99: {  	_ =	strace $0x8FFFFFFF  }
0x9a: {  	s19 =	sld [smem:$0x3FDB];
	_ =	sdelay $0x1  }
0x9b: {  	s6 =	simm.s32 $_scs_section_size  }
0x9c: {  	s7 =	simm.s32 $_size__tile_overlayer_lowered;
	s8 =	simm.s32 $_tile_overlayer_lowered  }
0x9d: {  	s22 =	simm.s32 $0x1BFF;
	s21 =	sshll.u32 s8, $0x1;
	s5 =	sadd.s32 s6, s19  }
0x9e: {  	s9 =	simm.s32 $0x0;
	s20 =	sshll.u32 s7, $0x1;
	s7 =	sadd.s32 s21, s5  }
0x9f: {  	[timem:s9], [sflag:s22] =	dma.local [hbm:s7], s20  }
0xa0: {  	_ =	swait.ge [sflag:s22], s20  }
0xa1: {  	s6 =	ssub.s32 $0x0, s20;
	[sflag:s22] =	ssyncset.done $0x0  }
0xa2: {  	[sflag:s22] =	ssyncadd.s32 s6;
	_ =	sdelay $0x1  }
0xa3: {  	s23 =	simm.s32 $0x1B8B  }
0xa4: {  	_ =	swait.ge [sflag:s23], $0x1  }
0xa5: {  	[sflag:s23] =	ssyncset.done $0x0  }
0xa6: {  	s25 =	simm.s32 $0x1B8E;
	s24 =	sld [smem:$0x3FFE];
	[sflag:s23] =	ssyncadd.s32 $0xFFFFFFFF  }
0xa7: {  	s26 =	simm.s32 $execute0_lowered;
	[smem:$0x3FD2] =	sst s25  }
0xa8: {  	s7 =	sshll.u32 s26, $0x1;
	_ =	strace $0x80000049;
	[dreg:$0x1] =	wrdreg $0xFFFFFFFF  }
0xa9: {  	s28 =	simm.s32 $_size_execute0_lowered;
	s5 =	sadd.s32 s5, s7;
	[dreg:$0x0] =	wrdreg $0x0  }
0xaa: {  	s7 =	sshll.u32 s28, $0x1;
	[dreg:$0x2] =	wrdreg s5  }
0xab: {  	[dreg:$0x3] =	wrdreg s7  }
0xac: {  	[dreg:$0x4] =	wrdreg $0xC0  }
0xad: {  	_ =	task [dreg:s9], $0x5FFFF  }
0xae: {  	[dreg:$0x1] =	wrdreg $0xFFFFFFFF  }
0xaf: {  	[dreg:$0x0] =	wrdreg $0x60  }
0xb0: {  	[dreg:$0x2] =	wrdreg s2  }
0xb1: {  	[dreg:$0x3] =	wrdreg s18  }
0xb2: {  	[dreg:$0x4] =	wrdreg s24  }
0xb3: {  	[dreg:$0x5] =	wrdreg s4  }
0xb4: {  	[dreg:$0x6] =	wrdreg $0x9  }
0xb5: {  	_ =	task.clear_ibuf [dreg:s9], $0x7FFFF;
	_ =	strace $0x90000049  }
0xb6: {  	s29 =	simm.s32 $0x9;
	_ =	strace $0x8000004B  }
0xb7: {  	_ =	swait.ge [sflag:s29], $0x1  }
0xb8: {  	[sflag:s29] =	ssyncadd.s32 $0xFFFFFFFF  }
0xb9: {  	_ =	strace $0x9000004B  }
0xba: {  	_ =	sfence  }
0xbb: {  	s30 =	sld [smem:$0x0];
	_ =	sdelay $0x2  }
0xbc: {  	s31 =	sshll.u32 s1, $0xD;
	s1 =	sshrl.u32 s1, $0x2  }
0xbd: {  	s3 =	sand.u32 $0x4000, s31;
	s1 =	sadd.s32 s1, s30  }
0xbe: {  	s0 =	sor.u32 s3, s0;
	s1 =	sshll.u32 s1, $0x11  }
0xbf: {  	s0 =	sor.u32 s1, s0  }
0xc0: {  	s0 =	sadd.s32 $0x8F2B, s0  }
0xc1: {  	[sflag:s0] =	ssyncadd.remote.s32 $0x1  }
0xc2: {  	_ =	sfence.sel $0xFFFF  }
0xc3: {  	[dreg:$0x0] =	wrdreg $0xFFFFFFFF;
	(pc) =	sbr.abs _section_cstart, $3  }
0xc4: {  	[dreg:$0x1] =	wrdreg $0xFFFFFFFF  }
0xc5: {  	_ =	task.clear_ibuf [dreg:s9], $0x2FFFF;
	_ =	strace $0x9FFFFFFF  }
0xc6: {  	(tm) =	ssettm $0x7FFFFFFF  }
0xc7: {  	_ =	shalt  }
tec
execute0_lowered:
.L_overlay_start_1:
0x0: {  	(tag) =	ssettag $0x1  }
0x1: {  	s0 =	rddreg [dreg:$0x0]  }
0x2: {  	s2 =	rddreg [dreg:$0x1];
	v0 =	vlaneseq.u32  }
0x3: {  	s5 =	rddreg [dreg:$0x2];
	s1 =	simm.s32 $0x0;
	v2 =	vmul.u32 $0x80, v0  }
0x4: {  	[smem:$0x7FF] =	sst s1  }
0x5: {  	s6 =	rddreg [dreg:$0x3];
	_ =	strace $0x8000004A;
	v1 =	vor.u32 $0x6, v2;
	[tilespmem:$0x1FF90] =	vst v2  }
0x6: {  	v0 =	vor.u32 $0x36, v2;
	[tilespmem:$0x1FC20] =	vst v1  }
0x7: {  	v3 =	vor.u32 $0x1, v2;
	[tilespmem:$0x1FF20] =	vst v0  }
0x8: {  	v5 =	vor.u32 $0x2, v2;
	[tilespmem:$0x1FFB0] =	vst v3  }
0x9: {  	v6 =	vor.u32 $0x3, v2;
	[tilespmem:$0x1FFC0] =	vst v5  }
0xa: {  	v7 =	vor.u32 $0x4, v2;
	[tilespmem:$0x1FFD0] =	vst v6  }
0xb: {  	v8 =	vor.u32 $0x5, v2;
	[tilespmem:$0x1FFE0] =	vst v7  }
0xc: {  	v1 =	vor.u32 $0x7, v2;
	[tilespmem:$0x1FFF0] =	vst v8  }
0xd: {  	v0 =	vor.u32 $0x37, v2;
	[tilespmem:$0x1FC30] =	vst v1  }
0xe: {  	v1 =	vor.u32 $0x8, v2;
	[tilespmem:$0x1FF30] =	vst v0  }
0xf: {  	v0 =	vor.u32 $0x38, v2;
	[tilespmem:$0x1FC40] =	vst v1  }
0x10: {  	v1 =	vor.u32 $0x9, v2;
	[tilespmem:$0x1FF40] =	vst v0  }
0x11: {  	v0 =	vor.u32 $0x39, v2;
	[tilespmem:$0x1FC50] =	vst v1  }
0x12: {  	v1 =	vor.u32 $0xA, v2;
	[tilespmem:$0x1FF50] =	vst v0  }
0x13: {  	v0 =	vor.u32 $0x3A, v2;
	[tilespmem:$0x1FC60] =	vst v1  }
0x14: {  	v1 =	vor.u32 $0xB, v2;
	[tilespmem:$0x1FF60] =	vst v0  }
0x15: {  	v0 =	vor.u32 $0x3B, v2;
	[tilespmem:$0x1FC70] =	vst v1  }
0x16: {  	v1 =	vor.u32 $0xC, v2;
	[tilespmem:$0x1FF70] =	vst v0  }
0x17: {  	v0 =	vor.u32 $0x3C, v2;
	[tilespmem:$0x1FC80] =	vst v1  }
0x18: {  	v1 =	vor.u32 $0xD, v2;
	[tilespmem:$0x1FF80] =	vst v0  }
0x19: {  	v0 =	vor.u32 $0x3D, v2;
	[tilespmem:$0x1FC90] =	vst v1  }
0x1a: {  	v1 =	vor.u32 $0xE, v2;
	[tilespmem:$0x1FFA0] =	vst v0  }
0x1b: {  	[tilespmem:$0x1FCA0] =	vst v1;
	v1 =	vor.u32 $0xF, v2  }
0x1c: {  	[tilespmem:$0x1FCB0] =	vst v1;
	v1 =	vor.u32 $0x10, v2  }
0x1d: {  	[tilespmem:$0x1FCC0] =	vst v1;
	v1 =	vor.u32 $0x11, v2  }
0x1e: {  	[tilespmem:$0x1FCD0] =	vst v1;
	v1 =	vor.u32 $0x12, v2  }
0x1f: {  	[tilespmem:$0x1FCE0] =	vst v1;
	v1 =	vor.u32 $0x13, v2  }
0x20: {  	[tilespmem:$0x1FCF0] =	vst v1;
	v1 =	vor.u32 $0x14, v2  }
0x21: {  	[tilespmem:$0x1FD00] =	vst v1;
	v1 =	vor.u32 $0x15, v2  }
0x22: {  	[tilespmem:$0x1FD10] =	vst v1;
	v1 =	vor.u32 $0x16, v2  }
0x23: {  	[tilespmem:$0x1FD20] =	vst v1;
	v1 =	vor.u32 $0x17, v2  }
0x24: {  	[tilespmem:$0x1FD30] =	vst v1;
	v1 =	vor.u32 $0x18, v2  }
0x25: {  	[tilespmem:$0x1FD40] =	vst v1;
	v1 =	vor.u32 $0x19, v2  }
0x26: {  	[tilespmem:$0x1FD50] =	vst v1;
	v1 =	vor.u32 $0x1A, v2  }
0x27: {  	[tilespmem:$0x1FD60] =	vst v1;
	v1 =	vor.u32 $0x1B, v2  }
0x28: {  	[tilespmem:$0x1FD70] =	vst v1;
	v1 =	vor.u32 $0x1C, v2  }
0x29: {  	[tilespmem:$0x1FD80] =	vst v1;
	v1 =	vor.u32 $0x1D, v2  }
0x2a: {  	[tilespmem:$0x1FD90] =	vst v1;
	v1 =	vor.u32 $0x1E, v2  }
0x2b: {  	[tilespmem:$0x1FDA0] =	vst v1;
	v1 =	vor.u32 $0x1F, v2  }
0x2c: {  	[tilespmem:$0x1FDB0] =	vst v1;
	v1 =	vor.u32 $0x20, v2  }
0x2d: {  	[tilespmem:$0x1FDC0] =	vst v1;
	v1 =	vor.u32 $0x21, v2  }
0x2e: {  	[tilespmem:$0x1FDD0] =	vst v1;
	v1 =	vor.u32 $0x22, v2  }
0x2f: {  	[tilespmem:$0x1FDE0] =	vst v1;
	v1 =	vor.u32 $0x23, v2  }
0x30: {  	[tilespmem:$0x1FDF0] =	vst v1;
	v1 =	vor.u32 $0x24, v2  }
0x31: {  	[tilespmem:$0x1FE00] =	vst v1;
	v1 =	vor.u32 $0x25, v2  }
0x32: {  	s4 =	srdreg.scid;
	[tilespmem:$0x1FE10] =	vst v1;
	v1 =	vor.u32 $0x26, v2  }
0x33: {  	s7 =	stileid.u32;
	s30 =	simm.s32 $0x3;
	s13 =	simm.s32 $0x600;
	[tilespmem:$0x1FE20] =	vst v1;
	v1 =	vor.u32 $0x27, v2  }
0x34: {  	s14 =	simm.s32 $0x1600;
	s19 =	simm.s32 $0xE00;
	s20 =	simm.s32 $0x1E00;
	[tilespmem:$0x1FE30] =	vst v1;
	v1 =	vor.u32 $0x28, v2  }
0x35: {  	s12 =	simm.s32 $0x2180;
	s10 =	simm.s32 $0x2300;
	s15 =	simm.s32 $0x1380;
	[tilespmem:$0x1FE40] =	vst v1;
	v1 =	vor.u32 $0x29, v2  }
0x36: {  	s16 =	simm.s32 $0x2380;
	s17 =	simm.s32 $0x1400;
	s18 =	simm.s32 $0x2400;
	[tilespmem:$0x1FE50] =	vst v1;
	v1 =	vor.u32 $0x2A, v2  }
0x37: {  	s21 =	simm.s32 $0x1480;
	s22 =	simm.s32 $0x2480;
	s28 =	simm.s32 $0x1;
	[tilespmem:$0x1FE60] =	vst v1;
	v1 =	vor.u32 $0x2B, v2  }
0x38: {  	s29 =	simm.s32 $0x2;
	s11 =	simm.s32 $0x0;
	s4 =	sand.u32 $0x1, s4;
	[tilespmem:$0x1FE70] =	vst v1;
	v1 =	vor.u32 $0x2C, v2  }
0x39: {  	s7 =	sshll.u32 s7, $0x7;
	s8 =	sshll.u32 s4, $0x6;
	s9 =	ssub.s32 $0x2, s4;
	[tilespmem:$0x1FE80] =	vst v1;
	v1 =	vor.u32 $0x2D, v2  }
0x3a: {  	s3 =	sadd.s32 $0x3DC00, s5;
	s7 =	sor.u32 s8, s7;
	s23 =	sshrl.u32 s9, $0x1;
	[tilespmem:$0x1FE90] =	vst v1;
	v1 =	vor.u32 $0x2E, v2  }
0x3b: {  	s4 =	sadd.s32 $0xF80000, s5;
	s5 =	sadd.s32 s7, s5;
	s8 =	ssub.s32 s9, s23;
	[tilespmem:$0x1FEA0] =	vst v1;
	v1 =	vor.u32 $0x2F, v2  }
0x3c: {  	s0 =	sadd.s32 s0, s7;
	s24 =	sadd.s32 s2, s7;
	s26 =	sadd.s32 s6, s7;
	[tilespmem:$0x1FEB0] =	vst v1;
	v1 =	vor.u32 $0x30, v2  }
0x3d: {  	s2 =	simm.s32 $0xE80;
	s6 =	simm.s32 $0x2200;
	s7 =	simm.s32 $0x1280;
	[tilespmem:$0x1FEC0] =	vst v1;
	v1 =	vor.u32 $0x31, v2  }
.Ltmp0:
0x3e: {  	s9 =	simm.s32 $0x1300;
	[dreg:$0x5] =	wrdreg s0;
	[tilespmem:$0x1FED0] =	vst v1;
	v1 =	vor.u32 $0x32, v2;
	(pc) =	sbr.rel .LBB2_1-.Ltmp0, $4  }
0x3f: {  	s23 =	simm.s32 $0x1500;
	[dreg:$0x6] =	wrdreg s24;
	s25 =	sadd.s32 $0x3D400, s5;
	[tilespmem:$0x1FEE0] =	vst v1;
	v1 =	vor.u32 $0x33, v2  }
0x40: {  	[dreg:$0x8] =	wrdreg s26;
	s31 =	smax.u32 s8, $0x1;
	s5 =	simm.s32 $0x1200;
	[tilespmem:$0x1FEF0] =	vst v1;
	v1 =	vor.u32 $0x34, v2  }
0x41: {  	s8 =	simm.s32 $0x2280;
	s24 =	simm.s32 $0x2500;
	[dreg:$0x7] =	wrdreg s25;
	[tilespmem:$0x1FF00] =	vst v1;
	v1 =	vor.u32 $0x35, v2  }
0x42: {  	s26 =	simm.s32 $0x2580;
	[dreg:$0x9] =	wrdreg s31;
	s25 =	simm.s32 $0x1580;
	[tilespmem:$0x1FF10] =	vst v1  }
.LBB2_5:
0x43: {  	s0 =	rddreg [dreg:$0x8];
	s11 =	simm.s32 $0x2600;
	s30 =	simm.s32 $0x3  }
0x44: {  	[hbm4b:s0+s1] =	stream.linear.scatter [tilespmem:s11], [sflag:$0x3], $0x200, $0x38;
	[tilespmem:$0x2800] =	vst v63  }
0x45: {  	_ =	swait.ge [sflag:s30], $0x200  }
0x46: {  	s0 =	rddreg [dreg:$0xa]  }
0x47: {  	s31 =	rddreg [dreg:$0x9];
	s11 =	sadd.s32 $0x1, s0  }
0x48: {  	p0 =	sne.s32 s11, s31  }
.Ltmp1:
0x49: {  	_ = 	snop;
	(pc) =	sbr.rel @!p0 .LBB2_6-.Ltmp1, $3  }
0x4a: {  	_ =	sdelay $0x1  }
0x4b: {  	[sflag:s30] =	ssyncset.done $0x0  }
0x4c: {  	[sflag:s30] =	ssyncadd.s32 $0xFFFFFE00  }
.LBB2_1:
0x4d: {  	[dreg:$0xa] =	wrdreg s11  }
0x4e: {  	s0 =	rddreg [dreg:$0x5]  }
0x4f: {  	[tilespmem:s1], [sflag:$0x3] =	stream.linear.gather [hbm4b:s0+s1], $0x200, $0x38;
	[tilespmem:$0x2800] =	vst v63  }
0x50: {  	_ =	swait.ge [sflag:s30], $0x200  }
0x51: {  	[sflag:s30] =	ssyncset.done $0x0  }
0x52: {  	s31 =	simm.s32 $0x200;
	s11 =	rddreg [dreg:$0x6];
	[sflag:s30] =	ssyncadd.s32 $0xFFFFFE00  }
0x53: {  	[tilespmem:s31], [sflag:$0x3] =	stream.linear.gather [hbm4b:s11+s1], $0x200, $0x38;
	[tilespmem:$0x2800] =	vst v63  }
0x54: {  	_ =	swait.ge [sflag:s30], $0x200  }
0x55: {  	[sflag:s30] =	ssyncset.done $0x0  }
0x56: {  	s11 =	simm.s32 $0x400;
	s0 =	rddreg [dreg:$0x7];
	[sflag:s30] =	ssyncadd.s32 $0xFFFFFE00  }
0x57: {  	[tilespmem:s11], [sflag:$0x3] =	stream.linear.gather [hbm4b:s0+s1], $0x200, $0x38;
	[tilespmem:$0x2800] =	vst v63  }
0x58: {  	_ =	swait.ge [sflag:s30], $0x200  }
0x59: {  	[sflag:s30] =	ssyncset.done $0x0  }
0x5a: {  	[sflag:s30] =	ssyncadd.s32 $0xFFFFFE00  }
0x5b: {  	v1 =	vld [tilespmem:$0x0];
	_ =	sdelay $0x3  }
0x5c: {  	v2 =	vld [tilespmem:$0x200]  }
0x5d: {  	v1 =	vshll.u32 v1, $0x4  }
0x5e: {  	(v2sf) =	vpush v1, $0x0;
	_ =	sdelay $0x2  }
0x5f: {  	v62 =	vshll.u32 v2, $0x4  }
0x60: {  	(v2sf) =	vpush v62, $0x0;
	_ =	sdelay $0x3  }
0x61: {  	(v2sf) =	vpush v1, $0x1;
	_ =	sdelay $0x3  }
0x62: {  	(v2sf) =	vpush v62, $0x1;
	_ =	sdelay $0x2  }
0x63: {  	s30 =	spop (v2sf)  }
0x64: {  	(v2sf) =	vpush v1, $0x2;
	s30 =	sand.u32 $0x1FFFFFF0, s30  }
0x65: {  	s30 =	sadd.s32 s3, s30  }
0x66: {  	[tilespmem:s13], [sflag:$0x1] =	stream.linear.gather [hbm4b:s30+s1], $0x80, $0x38;
	[tilespmem:$0x2800] =	vst v63  }
0x67: {  	s30 =	spop (v2sf)  }
0x68: {  	(v2sf) =	vpush v62, $0x2;
	s30 =	sand.u32 $0x1FFFFFF0, s30  }
0x69: {  	s30 =	sadd.s32 s4, s30  }
0x6a: {  	[tilespmem:s14], [sflag:$0x2] =	stream.linear.gather [hbm4b:s30+s1], $0x80, $0x38;
	[tilespmem:$0x2800] =	vst v63  }
0x6b: {  	s30 =	spop (v2sf)  }
0x6c: {  	(v2sf) =	vpush v1, $0x3;
	s30 =	sand.u32 $0x1FFFFFF0, s30  }
0x6d: {  	s11 =	simm.s32 $0x680;
	s30 =	sadd.s32 s3, s30  }
0x6e: {  	[tilespmem:s11], [sflag:$0x1] =	stream.linear.gather [hbm4b:s30+s1], $0x80, $0x38;
	[tilespmem:$0x2800] =	vst v63  }
0x6f: {  	s30 =	spop (v2sf)  }
0x70: {  	(v2sf) =	vpush v62, $0x3;
	s30 =	sand.u32 $0x1FFFFFF0, s30  }
0x71: {  	s31 =	simm.s32 $0x1680;
	s30 =	sadd.s32 s4, s30  }
0x72: {  	[tilespmem:s31], [sflag:$0x2] =	stream.linear.gather [hbm4b:s30+s1], $0x80, $0x38;
	[tilespmem:$0x2800] =	vst v63  }
0x73: {  	s30 =	spop (v2sf)  }
0x74: {  	(v2sf) =	vpush v1, $0x4;
	s30 =	sand.u32 $0x1FFFFFF0, s30  }
0x75: {  	s11 =	simm.s32 $0x700;
	s30 =	sadd.s32 s3, s30  }
0x76: {  	[tilespmem:s11], [sflag:$0x1] =	stream.linear.gather [hbm4b:s30+s1], $0x80, $0x38;
	[tilespmem:$0x2800] =	vst v63  }
0x77: {  	s30 =	spop (v2sf)  }
0x78: {  	(v2sf) =	vpush v62, $0x4;
	s30 =	sand.u32 $0x1FFFFFF0, s30  }
0x79: {  	s31 =	simm.s32 $0x1700;
	s30 =	sadd.s32 s4, s30  }
0x7a: {  	[tilespmem:s31], [sflag:$0x2] =	stream.linear.gather [hbm4b:s30+s1], $0x80, $0x38;
	[tilespmem:$0x2800] =	vst v63  }
0x7b: {  	s30 =	spop (v2sf)  }
0x7c: {  	(v2sf) =	vpush v1, $0x5;
	s30 =	sand.u32 $0x1FFFFFF0, s30  }
0x7d: {  	s11 =	simm.s32 $0x780;
	s30 =	sadd.s32 s3, s30  }
0x7e: {  	[tilespmem:s11], [sflag:$0x1] =	stream.linear.gather [hbm4b:s30+s1], $0x80, $0x38;
	[tilespmem:$0x2800] =	vst v63  }
0x7f: {  	s30 =	spop (v2sf)  }
0x80: {  	(v2sf) =	vpush v62, $0x5;
	s30 =	sand.u32 $0x1FFFFFF0, s30  }
0x81: {  	s31 =	simm.s32 $0x1780;
	s30 =	sadd.s32 s4, s30  }
0x82: {  	[tilespmem:s31], [sflag:$0x2] =	stream.linear.gather [hbm4b:s30+s1], $0x80, $0x38;
	[tilespmem:$0x2800] =	vst v63  }
0x83: {  	s30 =	spop (v2sf)  }
0x84: {  	(v2sf) =	vpush v1, $0x6;
	s30 =	sand.u32 $0x1FFFFFF0, s30  }
0x85: {  	s11 =	simm.s32 $0x800;
	s30 =	sadd.s32 s3, s30  }
0x86: {  	[tilespmem:s11], [sflag:$0x1] =	stream.linear.gather [hbm4b:s30+s1], $0x80, $0x38;
	[tilespmem:$0x2800] =	vst v63  }
0x87: {  	s30 =	spop (v2sf)  }
0x88: {  	(v2sf) =	vpush v62, $0x6;
	s30 =	sand.u32 $0x1FFFFFF0, s30  }
0x89: {  	s31 =	simm.s32 $0x1800;
	s30 =	sadd.s32 s4, s30  }
0x8a: {  	[tilespmem:s31], [sflag:$0x2] =	stream.linear.gather [hbm4b:s30+s1], $0x80, $0x38;
	[tilespmem:$0x2800] =	vst v63  }
0x8b: {  	s30 =	spop (v2sf)  }
0x8c: {  	(v2sf) =	vpush v1, $0x7;
	s30 =	sand.u32 $0x1FFFFFF0, s30  }
0x8d: {  	s11 =	simm.s32 $0x880;
	s30 =	sadd.s32 s3, s30  }
0x8e: {  	[tilespmem:s11], [sflag:$0x1] =	stream.linear.gather [hbm4b:s30+s1], $0x80, $0x38;
	[tilespmem:$0x2800] =	vst v63  }
0x8f: {  	s30 =	spop (v2sf)  }
0x90: {  	(v2sf) =	vpush v62, $0x7;
	s30 =	sand.u32 $0x1FFFFFF0, s30  }
0x91: {  	s31 =	simm.s32 $0x1880;
	s30 =	sadd.s32 s4, s30  }
0x92: {  	[tilespmem:s31], [sflag:$0x2] =	stream.linear.gather [hbm4b:s30+s1], $0x80, $0x38;
	[tilespmem:$0x2800] =	vst v63  }
0x93: {  	s30 =	spop (v2sf)  }
0x94: {  	(v2sf) =	vpush v1, $0x8;
	s30 =	sand.u32 $0x1FFFFFF0, s30  }
0x95: {  	s11 =	simm.s32 $0x900;
	s30 =	sadd.s32 s3, s30  }
0x96: {  	[tilespmem:s11], [sflag:$0x1] =	stream.linear.gather [hbm4b:s30+s1], $0x80, $0x38;
	[tilespmem:$0x2800] =	vst v63  }
0x97: {  	s30 =	spop (v2sf)  }
0x98: {  	(v2sf) =	vpush v62, $0x8;
	s30 =	sand.u32 $0x1FFFFFF0, s30  }
0x99: {  	s31 =	simm.s32 $0x1900;
	s30 =	sadd.s32 s4, s30  }
0x9a: {  	[tilespmem:s31], [sflag:$0x2] =	stream.linear.gather [hbm4b:s30+s1], $0x80, $0x38;
	[tilespmem:$0x2800] =	vst v63  }
0x9b: {  	s30 =	spop (v2sf)  }
0x9c: {  	(v2sf) =	vpush v1, $0x9;
	s30 =	sand.u32 $0x1FFFFFF0, s30  }
0x9d: {  	s11 =	simm.s32 $0x980;
	s30 =	sadd.s32 s3, s30  }
0x9e: {  	[tilespmem:s11], [sflag:$0x1] =	stream.linear.gather [hbm4b:s30+s1], $0x80, $0x38;
	[tilespmem:$0x2800] =	vst v63  }
0x9f: {  	s30 =	spop (v2sf)  }
0xa0: {  	(v2sf) =	vpush v62, $0x9;
	s30 =	sand.u32 $0x1FFFFFF0, s30  }
0xa1: {  	s31 =	simm.s32 $0x1980;
	s30 =	sadd.s32 s4, s30  }
0xa2: {  	[tilespmem:s31], [sflag:$0x2] =	stream.linear.gather [hbm4b:s30+s1], $0x80, $0x38;
	[tilespmem:$0x2800] =	vst v63  }
0xa3: {  	s30 =	spop (v2sf)  }
0xa4: {  	(v2sf) =	vpush v1, $0xA;
	s30 =	sand.u32 $0x1FFFFFF0, s30  }
0xa5: {  	s11 =	simm.s32 $0xA00;
	s30 =	sadd.s32 s3, s30  }
0xa6: {  	[tilespmem:s11], [sflag:$0x1] =	stream.linear.gather [hbm4b:s30+s1], $0x80, $0x38;
	[tilespmem:$0x2800] =	vst v63  }
0xa7: {  	s30 =	spop (v2sf)  }
0xa8: {  	(v2sf) =	vpush v62, $0xA;
	s30 =	sand.u32 $0x1FFFFFF0, s30  }
0xa9: {  	s31 =	simm.s32 $0x1A00;
	s30 =	sadd.s32 s4, s30  }
0xaa: {  	[tilespmem:s31], [sflag:$0x2] =	stream.linear.gather [hbm4b:s30+s1], $0x80, $0x38;
	[tilespmem:$0x2800] =	vst v63  }
0xab: {  	s30 =	spop (v2sf)  }
0xac: {  	(v2sf) =	vpush v1, $0xB;
	s30 =	sand.u32 $0x1FFFFFF0, s30  }
0xad: {  	s11 =	simm.s32 $0xA80;
	s30 =	sadd.s32 s3, s30  }
0xae: {  	[tilespmem:s11], [sflag:$0x1] =	stream.linear.gather [hbm4b:s30+s1], $0x80, $0x38;
	[tilespmem:$0x2800] =	vst v63  }
0xaf: {  	v17 =	vld [tilespmem:$0x1FC50];
	s30 =	spop (v2sf)  }
0xb0: {  	v18 =	vld [tilespmem:$0x1FC60];
	(v2sf) =	vpush v62, $0xB;
	s30 =	sand.u32 $0x1FFFFFF0, s30  }
0xb1: {  	v19 =	vld [tilespmem:$0x1FC70];
	s31 =	simm.s32 $0x1A80;
	s30 =	sadd.s32 s4, s30  }
0xb2: {  	v20 =	vld [tilespmem:$0x1FC80];
	[tilespmem:s31], [sflag:$0x2] =	stream.linear.gather [hbm4b:s30+s1], $0x80, $0x38  }
0xb3: {  	v21 =	vld [tilespmem:$0x1FC90];
	s30 =	spop (v2sf)  }
0xb4: {  	v22 =	vld [tilespmem:$0x1FCA0];
	(v2sf) =	vpush v1, $0xC;
	s30 =	sand.u32 $0x1FFFFFF0, s30  }
0xb5: {  	v23 =	vld [tilespmem:$0x1FCB0];
	s11 =	simm.s32 $0xB00;
	s30 =	sadd.s32 s3, s30  }
0xb6: {  	v24 =	vld [tilespmem:$0x1FCC0];
	[tilespmem:s11], [sflag:$0x1] =	stream.linear.gather [hbm4b:s30+s1], $0x80, $0x38  }
0xb7: {  	v25 =	vld [tilespmem:$0x1FCD0];
	s30 =	spop (v2sf)  }
0xb8: {  	v26 =	vld [tilespmem:$0x1FCE0];
	(v2sf) =	vpush v62, $0xC;
	s30 =	sand.u32 $0x1FFFFFF0, s30  }
0xb9: {  	v27 =	vld [tilespmem:$0x1FCF0];
	s31 =	simm.s32 $0x1B00;
	s30 =	sadd.s32 s4, s30  }
0xba: {  	v28 =	vld [tilespmem:$0x1FD00];
	[tilespmem:s31], [sflag:$0x2] =	stream.linear.gather [hbm4b:s30+s1], $0x80, $0x38  }
0xbb: {  	v29 =	vld [tilespmem:$0x1FD10];
	s30 =	spop (v2sf)  }
0xbc: {  	v30 =	vld [tilespmem:$0x1FD20];
	(v2sf) =	vpush v1, $0xD;
	s30 =	sand.u32 $0x1FFFFFF0, s30  }
0xbd: {  	v31 =	vld [tilespmem:$0x1FD30];
	s11 =	simm.s32 $0xB80;
	s30 =	sadd.s32 s3, s30  }
0xbe: {  	v32 =	vld [tilespmem:$0x1FD40];
	[tilespmem:s11], [sflag:$0x1] =	stream.linear.gather [hbm4b:s30+s1], $0x80, $0x38  }
0xbf: {  	v33 =	vld [tilespmem:$0x1FD50];
	s30 =	spop (v2sf)  }
0xc0: {  	v34 =	vld [tilespmem:$0x1FD60];
	(v2sf) =	vpush v62, $0xD;
	s30 =	sand.u32 $0x1FFFFFF0, s30  }
0xc1: {  	v35 =	vld [tilespmem:$0x1FD70];
	s31 =	simm.s32 $0x1B80;
	s30 =	sadd.s32 s4, s30  }
0xc2: {  	v36 =	vld [tilespmem:$0x1FD80];
	[tilespmem:s31], [sflag:$0x2] =	stream.linear.gather [hbm4b:s30+s1], $0x80, $0x38  }
0xc3: {  	v37 =	vld [tilespmem:$0x1FD90];
	s30 =	spop (v2sf)  }
0xc4: {  	v38 =	vld [tilespmem:$0x1FDA0];
	(v2sf) =	vpush v1, $0xE;
	s30 =	sand.u32 $0x1FFFFFF0, s30  }
0xc5: {  	v39 =	vld [tilespmem:$0x1FDB0];
	s11 =	simm.s32 $0xC00;
	s30 =	sadd.s32 s3, s30  }
0xc6: {  	v40 =	vld [tilespmem:$0x1FDC0];
	[tilespmem:s11], [sflag:$0x1] =	stream.linear.gather [hbm4b:s30+s1], $0x80, $0x38  }
0xc7: {  	v41 =	vld [tilespmem:$0x1FDD0];
	s30 =	spop (v2sf)  }
0xc8: {  	v42 =	vld [tilespmem:$0x1FDE0];
	(v2sf) =	vpush v62, $0xE;
	s30 =	sand.u32 $0x1FFFFFF0, s30  }
0xc9: {  	v43 =	vld [tilespmem:$0x1FDF0];
	s31 =	simm.s32 $0x1C00;
	s30 =	sadd.s32 s4, s30  }
0xca: {  	v44 =	vld [tilespmem:$0x1FE00];
	[tilespmem:s31], [sflag:$0x2] =	stream.linear.gather [hbm4b:s30+s1], $0x80, $0x38  }
0xcb: {  	v45 =	vld [tilespmem:$0x1FE10];
	s30 =	spop (v2sf)  }
0xcc: {  	v46 =	vld [tilespmem:$0x1FE20];
	(v2sf) =	vpush v1, $0xF;
	s30 =	sand.u32 $0x1FFFFFF0, s30  }
0xcd: {  	v47 =	vld [tilespmem:$0x1FE30];
	s11 =	simm.s32 $0xC80;
	s30 =	sadd.s32 s3, s30  }
0xce: {  	v48 =	vld [tilespmem:$0x1FE40];
	[tilespmem:s11], [sflag:$0x1] =	stream.linear.gather [hbm4b:s30+s1], $0x80, $0x38  }
0xcf: {  	v49 =	vld [tilespmem:$0x1FE50];
	s30 =	spop (v2sf)  }
0xd0: {  	v50 =	vld [tilespmem:$0x1FE60];
	(v2sf) =	vpush v62, $0xF;
	s30 =	sand.u32 $0x1FFFFFF0, s30  }
0xd1: {  	v51 =	vld [tilespmem:$0x1FE70];
	s31 =	simm.s32 $0x1C80;
	s30 =	sadd.s32 s4, s30  }
0xd2: {  	v52 =	vld [tilespmem:$0x1FE80];
	[tilespmem:s31], [sflag:$0x2] =	stream.linear.gather [hbm4b:s30+s1], $0x80, $0x38  }
0xd3: {  	v53 =	vld [tilespmem:$0x1FE90];
	s30 =	spop (v2sf)  }
0xd4: {  	v54 =	vld [tilespmem:$0x1FEA0];
	s30 =	sand.u32 $0x1FFFFFF0, s30  }
0xd5: {  	v55 =	vld [tilespmem:$0x1FEB0];
	s11 =	simm.s32 $0xD00;
	s30 =	sadd.s32 s3, s30  }
0xd6: {  	v56 =	vld [tilespmem:$0x1FEC0];
	[tilespmem:s11], [sflag:$0x1] =	stream.linear.gather [hbm4b:s30+s1], $0x80, $0x38  }
0xd7: {  	v57 =	vld [tilespmem:$0x1FED0];
	s30 =	spop (v2sf)  }
0xd8: {  	v58 =	vld [tilespmem:$0x1FEE0];
	s30 =	sand.u32 $0x1FFFFFF0, s30  }
0xd9: {  	v59 =	vld [tilespmem:$0x1FEF0];
	s31 =	simm.s32 $0x1D00;
	s30 =	sadd.s32 s4, s30  }
0xda: {  	v60 =	vld [tilespmem:$0x1FF00];
	[tilespmem:s31], [sflag:$0x2] =	stream.linear.gather [hbm4b:s30+s1], $0x80, $0x38  }
0xdb: {  	v61 =	vld [tilespmem:$0x1FF10];
	s30 =	spop (v2sf)  }
0xdc: {  	v16 =	vld [tilespmem:$0x1FF20];
	s30 =	sand.u32 $0x1FFFFFF0, s30  }
0xdd: {  	v14 =	vld [tilespmem:$0x1FF30];
	s11 =	simm.s32 $0xD80;
	s30 =	sadd.s32 s3, s30  }
0xde: {  	v9 =	vld [tilespmem:$0x1FF40];
	[tilespmem:s11], [sflag:$0x1] =	stream.linear.gather [hbm4b:s30+s1], $0x80, $0x38  }
.Ltmp2:
0xdf: {  	v10 =	vld [tilespmem:$0x1FF50];
	s30 =	spop (v2sf);
	(pc) =	sbr.rel .LBB2_2-.Ltmp2, $4  }
0xe0: {  	v11 =	vld [tilespmem:$0x1FF60];
	s30 =	sand.u32 $0x1FFFFFF0, s30  }
0xe1: {  	v12 =	vld [tilespmem:$0x1FF70];
	s31 =	simm.s32 $0x1D80;
	s30 =	sadd.s32 s4, s30  }
0xe2: {  	v13 =	vld [tilespmem:$0x1FF80];
	[tilespmem:s31], [sflag:$0x2] =	stream.linear.gather [hbm4b:s30+s1], $0x80, $0x38  }
0xe3: {  	v15 =	vld [tilespmem:$0x1FFA0];
	s30 =	simm.s32 $0x0  }
.LBB2_4:
0xe4: {  	_ =	swait.ge [sflag:s28], $0x800  }
0xe5: {  	[sflag:s28] =	ssyncset.done $0x0  }
0xe6: {  	[sflag:s28] =	ssyncadd.s32 $0xFFFFF800  }
0xe7: {  	_ =	swait.ge [sflag:s29], $0x800  }
0xe8: {  	v5 =	vld [tilespmem:$0x1FFB0]  }
0xe9: {  	v7 =	vld [tilespmem:$0x1FFC0]  }
0xea: {  	v8 =	vld [tilespmem:$0x1FFD0]  }
0xeb: {  	v63 =	vld [tilespmem:$0x1FFE0]  }
0xec: {  	v62 =	vld [tilespmem:$0x1FFF0]  }
0xed: {  	v17 =	vld [tilespmem:$0x1FC50]  }
0xee: {  	v18 =	vld [tilespmem:$0x1FC60]  }
0xef: {  	v19 =	vld [tilespmem:$0x1FC70]  }
0xf0: {  	v20 =	vld [tilespmem:$0x1FC80]  }
0xf1: {  	v21 =	vld [tilespmem:$0x1FC90]  }
0xf2: {  	v22 =	vld [tilespmem:$0x1FCA0]  }
0xf3: {  	v23 =	vld [tilespmem:$0x1FCB0]  }
0xf4: {  	v24 =	vld [tilespmem:$0x1FCC0]  }
0xf5: {  	v25 =	vld [tilespmem:$0x1FCD0]  }
0xf6: {  	v26 =	vld [tilespmem:$0x1FCE0]  }
0xf7: {  	v27 =	vld [tilespmem:$0x1FCF0]  }
0xf8: {  	v28 =	vld [tilespmem:$0x1FD00]  }
0xf9: {  	v29 =	vld [tilespmem:$0x1FD10]  }
0xfa: {  	v30 =	vld [tilespmem:$0x1FD20]  }
0xfb: {  	v31 =	vld [tilespmem:$0x1FD30]  }
0xfc: {  	v32 =	vld [tilespmem:$0x1FD40]  }
0xfd: {  	v33 =	vld [tilespmem:$0x1FD50]  }
0xfe: {  	v34 =	vld [tilespmem:$0x1FD60]  }
0xff: {  	v35 =	vld [tilespmem:$0x1FD70]  }
0x100: {  	v36 =	vld [tilespmem:$0x1FD80]  }
0x101: {  	v37 =	vld [tilespmem:$0x1FD90]  }
0x102: {  	v38 =	vld [tilespmem:$0x1FDA0]  }
0x103: {  	v39 =	vld [tilespmem:$0x1FDB0]  }
0x104: {  	v40 =	vld [tilespmem:$0x1FDC0]  }
0x105: {  	v41 =	vld [tilespmem:$0x1FDD0]  }
0x106: {  	v42 =	vld [tilespmem:$0x1FDE0]  }
0x107: {  	v43 =	vld [tilespmem:$0x1FDF0]  }
0x108: {  	v44 =	vld [tilespmem:$0x1FE00]  }
0x109: {  	v45 =	vld [tilespmem:$0x1FE10]  }
0x10a: {  	v46 =	vld [tilespmem:$0x1FE20]  }
0x10b: {  	v47 =	vld [tilespmem:$0x1FE30]  }
0x10c: {  	v48 =	vld [tilespmem:$0x1FE40]  }
0x10d: {  	v49 =	vld [tilespmem:$0x1FE50]  }
0x10e: {  	v50 =	vld [tilespmem:$0x1FE60]  }
0x10f: {  	v51 =	vld [tilespmem:$0x1FE70]  }
0x110: {  	v52 =	vld [tilespmem:$0x1FE80]  }
0x111: {  	[sflag:s29] =	ssyncset.done $0x0;
	v53 =	vld [tilespmem:$0x1FE90]  }
0x112: {  	v54 =	vld [tilespmem:$0x1FEA0];
	[sflag:s29] =	ssyncadd.s32 $0xFFFFF800  }
0x113: {  	v1 =	vld [tilespmem:s31+$0x410]  }
0x114: {  	v2 =	vld.idx.msk [tilespmem:v0+s19+$0x0], $0xffff  }
0x115: {  	v3 =	vld.idx.msk [tilespmem:v0+s20+$0x0], $0xffff  }
0x116: {  	v0 =	vld [tilespmem:$0x1FC20]  }
0x117: {  	v4 =	vld.idx.msk [tilespmem:v5+s19+$0x0], $0xffff  }
0x118: {  	v5 =	vld.idx.msk [tilespmem:v5+s20+$0x0], $0xffff  }
0x119: {  	v6 =	vld.idx.msk [tilespmem:v7+s19+$0x0], $0xffff  }
0x11a: {  	v7 =	vld.idx.msk [tilespmem:v7+s20+$0x0], $0xffff  }
0x11b: {  	v2 =	vmul.f32 v3, v2;
	v3 =	vld.idx.msk [tilespmem:v8+s19+$0x0], $0xffff  }
0x11c: {  	v8 =	vld.idx.msk [tilespmem:v8+s20+$0x0], $0xffff  }
0x11d: {  	v55 =	vld [tilespmem:$0x1FEB0];
	v1 =	vadd.f32 v2, v1;
	v2 =	vmul.f32 v5, v4  }
0x11e: {  	v56 =	vld [tilespmem:$0x1FEC0]  }
0x11f: {  	v57 =	vld [tilespmem:$0x1FED0];
	v1 =	vadd.f32 v2, v1;
	v2 =	vmul.f32 v7, v6  }
0x120: {  	v58 =	vld [tilespmem:$0x1FEE0]  }
0x121: {  	v1 =	vadd.f32 v2, v1;
	v2 =	vmul.f32 v8, v3;
	v3 =	vld.idx.msk [tilespmem:v0+s19+$0x0], $0xffff  }
0x122: {  	v8 =	vld.idx.msk [tilespmem:v0+s20+$0x0], $0xffff  }
0x123: {  	v0 =	vld [tilespmem:$0x1FC30]  }
0x124: {  	v59 =	vld [tilespmem:$0x1FEF0]  }
0x125: {  	v4 =	vld.idx.msk [tilespmem:v63+s19+$0x0], $0xffff  }
0x126: {  	v5 =	vld.idx.msk [tilespmem:v63+s20+$0x0], $0xffff  }
0x127: {  	v60 =	vld [tilespmem:$0x1FF00]  }
0x128: {  	v61 =	vld [tilespmem:$0x1FF10]  }
0x129: {  	v6 =	vld.idx.msk [tilespmem:v62+s19+$0x0], $0xffff  }
0x12a: {  	v7 =	vld.idx.msk [tilespmem:v62+s20+$0x0], $0xffff  }
0x12b: {  	v1 =	vadd.f32 v2, v1;
	v2 =	vmul.f32 v5, v4;
	v4 =	vld.idx.msk [tilespmem:v0+s19+$0x0], $0xffff  }
0x12c: {  	v5 =	vld.idx.msk [tilespmem:v0+s20+$0x0], $0xffff  }
0x12d: {  	v0 =	vld [tilespmem:$0x1FC40]  }
0x12e: {  	v16 =	vld [tilespmem:$0x1FF20]  }
0x12f: {  	v14 =	vld [tilespmem:$0x1FF30]  }
0x130: {  	v9 =	vld [tilespmem:$0x1FF40]  }
0x131: {  	v10 =	vld [tilespmem:$0x1FF50]  }
0x132: {  	v11 =	vld [tilespmem:$0x1FF60];
	v1 =	vadd.f32 v2, v1;
	v2 =	vmul.f32 v7, v6  }
0x133: {  	v12 =	vld [tilespmem:$0x1FF70]  }
0x134: {  	v1 =	vadd.f32 v2, v1;
	v2 =	vmul.f32 v8, v3;
	v3 =	vld.idx.msk [tilespmem:v17+s19+$0x0], $0xffff  }
0x135: {  	v6 =	vld.idx.msk [tilespmem:v0+s19+$0x0], $0xffff  }
0x136: {  	v7 =	vld.idx.msk [tilespmem:v0+s20+$0x0], $0xffff  }
0x137: {  	v8 =	vld.idx.msk [tilespmem:v17+s20+$0x0], $0xffff  }
0x138: {  	v1 =	vadd.f32 v2, v1;
	v2 =	vmul.f32 v5, v4;
	v4 =	vld.idx.msk [tilespmem:v18+s19+$0x0], $0xffff  }
0x139: {  	v5 =	vld.idx.msk [tilespmem:v18+s20+$0x0], $0xffff  }
0x13a: {  	v0 =	vld [tilespmem:$0x1FC00]  }
0x13b: {  	v1 =	vadd.f32 v2, v1;
	v2 =	vmul.f32 v7, v6;
	v6 =	vld.idx.msk [tilespmem:v19+s19+$0x0], $0xffff  }
0x13c: {  	v7 =	vld.idx.msk [tilespmem:v19+s20+$0x0], $0xffff  }
0x13d: {  	v1 =	vadd.f32 v2, v1;
	v2 =	vmul.f32 v8, v3;
	v3 =	vld.idx.msk [tilespmem:v20+s19+$0x0], $0xffff  }
0x13e: {  	v8 =	vld.idx.msk [tilespmem:v20+s20+$0x0], $0xffff  }
0x13f: {  	v1 =	vadd.f32 v2, v1;
	v2 =	vmul.f32 v5, v4;
	v4 =	vld.idx.msk [tilespmem:v21+s19+$0x0], $0xffff  }
0x140: {  	v5 =	vld.idx.msk [tilespmem:v21+s20+$0x0], $0xffff  }
0x141: {  	v1 =	vadd.f32 v2, v1;
	v2 =	vmul.f32 v7, v6;
	v6 =	vld.idx.msk [tilespmem:v22+s19+$0x0], $0xffff  }
0x142: {  	v7 =	vld.idx.msk [tilespmem:v22+s20+$0x0], $0xffff  }
0x143: {  	v1 =	vadd.f32 v2, v1;
	v2 =	vmul.f32 v8, v3;
	v3 =	vld.idx.msk [tilespmem:v23+s19+$0x0], $0xffff  }
0x144: {  	v8 =	vld.idx.msk [tilespmem:v23+s20+$0x0], $0xffff  }
0x145: {  	v1 =	vadd.f32 v2, v1;
	v2 =	vmul.f32 v5, v4;
	v4 =	vld.idx.msk [tilespmem:v24+s19+$0x0], $0xffff  }
0x146: {  	v5 =	vld.idx.msk [tilespmem:v24+s20+$0x0], $0xffff  }
0x147: {  	v1 =	vadd.f32 v2, v1;
	v2 =	vmul.f32 v7, v6;
	v6 =	vld.idx.msk [tilespmem:v25+s19+$0x0], $0xffff  }
0x148: {  	v7 =	vld.idx.msk [tilespmem:v25+s20+$0x0], $0xffff  }
0x149: {  	v1 =	vadd.f32 v2, v1;
	v2 =	vmul.f32 v8, v3;
	v3 =	vld.idx.msk [tilespmem:v26+s19+$0x0], $0xffff  }
0x14a: {  	v8 =	vld.idx.msk [tilespmem:v26+s20+$0x0], $0xffff  }
0x14b: {  	v1 =	vadd.f32 v2, v1;
	v2 =	vmul.f32 v5, v4;
	v4 =	vld.idx.msk [tilespmem:v27+s19+$0x0], $0xffff  }
0x14c: {  	v5 =	vld.idx.msk [tilespmem:v27+s20+$0x0], $0xffff  }
0x14d: {  	v1 =	vadd.f32 v2, v1;
	v2 =	vmul.f32 v7, v6;
	v6 =	vld.idx.msk [tilespmem:v28+s19+$0x0], $0xffff  }
0x14e: {  	v7 =	vld.idx.msk [tilespmem:v28+s20+$0x0], $0xffff  }
0x14f: {  	v1 =	vadd.f32 v2, v1;
	v2 =	vmul.f32 v8, v3;
	v3 =	vld.idx.msk [tilespmem:v29+s19+$0x0], $0xffff  }
0x150: {  	v8 =	vld.idx.msk [tilespmem:v29+s20+$0x0], $0xffff  }
0x151: {  	v1 =	vadd.f32 v2, v1;
	v2 =	vmul.f32 v5, v4;
	v4 =	vld.idx.msk [tilespmem:v30+s19+$0x0], $0xffff  }
0x152: {  	v5 =	vld.idx.msk [tilespmem:v30+s20+$0x0], $0xffff  }
0x153: {  	v1 =	vadd.f32 v2, v1;
	v2 =	vmul.f32 v7, v6;
	v6 =	vld.idx.msk [tilespmem:v31+s19+$0x0], $0xffff  }
0x154: {  	v7 =	vld.idx.msk [tilespmem:v31+s20+$0x0], $0xffff  }
0x155: {  	v1 =	vadd.f32 v2, v1;
	v2 =	vmul.f32 v8, v3;
	v3 =	vld.idx.msk [tilespmem:v32+s19+$0x0], $0xffff  }
0x156: {  	v8 =	vld.idx.msk [tilespmem:v32+s20+$0x0], $0xffff  }
0x157: {  	v1 =	vadd.f32 v2, v1;
	v2 =	vmul.f32 v5, v4;
	v4 =	vld.idx.msk [tilespmem:v33+s19+$0x0], $0xffff  }
0x158: {  	v5 =	vld.idx.msk [tilespmem:v33+s20+$0x0], $0xffff  }
0x159: {  	v1 =	vadd.f32 v2, v1;
	v2 =	vmul.f32 v7, v6;
	v6 =	vld.idx.msk [tilespmem:v34+s19+$0x0], $0xffff  }
0x15a: {  	v7 =	vld.idx.msk [tilespmem:v34+s20+$0x0], $0xffff  }
0x15b: {  	v1 =	vadd.f32 v2, v1;
	v2 =	vmul.f32 v8, v3;
	v3 =	vld.idx.msk [tilespmem:v35+s19+$0x0], $0xffff  }
0x15c: {  	v8 =	vld.idx.msk [tilespmem:v35+s20+$0x0], $0xffff  }
0x15d: {  	v1 =	vadd.f32 v2, v1;
	v2 =	vmul.f32 v5, v4;
	v4 =	vld.idx.msk [tilespmem:v36+s19+$0x0], $0xffff  }
0x15e: {  	v5 =	vld.idx.msk [tilespmem:v36+s20+$0x0], $0xffff  }
0x15f: {  	v1 =	vadd.f32 v2, v1;
	v2 =	vmul.f32 v7, v6;
	v6 =	vld.idx.msk [tilespmem:v37+s19+$0x0], $0xffff  }
0x160: {  	v7 =	vld.idx.msk [tilespmem:v37+s20+$0x0], $0xffff  }
0x161: {  	v1 =	vadd.f32 v2, v1;
	v2 =	vmul.f32 v8, v3;
	v3 =	vld.idx.msk [tilespmem:v38+s19+$0x0], $0xffff  }
0x162: {  	v8 =	vld.idx.msk [tilespmem:v38+s20+$0x0], $0xffff  }
0x163: {  	v1 =	vadd.f32 v2, v1;
	v2 =	vmul.f32 v5, v4;
	v4 =	vld.idx.msk [tilespmem:v39+s19+$0x0], $0xffff  }
0x164: {  	v5 =	vld.idx.msk [tilespmem:v39+s20+$0x0], $0xffff  }
0x165: {  	v1 =	vadd.f32 v2, v1;
	v2 =	vmul.f32 v7, v6;
	v6 =	vld.idx.msk [tilespmem:v40+s19+$0x0], $0xffff  }
0x166: {  	v7 =	vld.idx.msk [tilespmem:v40+s20+$0x0], $0xffff  }
0x167: {  	v1 =	vadd.f32 v2, v1;
	v2 =	vmul.f32 v8, v3;
	v3 =	vld.idx.msk [tilespmem:v41+s19+$0x0], $0xffff  }
0x168: {  	v8 =	vld.idx.msk [tilespmem:v41+s20+$0x0], $0xffff  }
0x169: {  	v1 =	vadd.f32 v2, v1;
	v2 =	vmul.f32 v5, v4;
	v4 =	vld.idx.msk [tilespmem:v42+s19+$0x0], $0xffff  }
0x16a: {  	v5 =	vld.idx.msk [tilespmem:v42+s20+$0x0], $0xffff  }
0x16b: {  	v1 =	vadd.f32 v2, v1;
	v2 =	vmul.f32 v7, v6;
	v6 =	vld.idx.msk [tilespmem:v43+s19+$0x0], $0xffff  }
0x16c: {  	v7 =	vld.idx.msk [tilespmem:v43+s20+$0x0], $0xffff  }
0x16d: {  	v1 =	vadd.f32 v2, v1;
	v2 =	vmul.f32 v8, v3;
	v3 =	vld.idx.msk [tilespmem:v44+s19+$0x0], $0xffff  }
0x16e: {  	v8 =	vld.idx.msk [tilespmem:v44+s20+$0x0], $0xffff  }
0x16f: {  	v1 =	vadd.f32 v2, v1;
	v2 =	vmul.f32 v5, v4;
	v4 =	vld.idx.msk [tilespmem:v45+s19+$0x0], $0xffff  }
0x170: {  	v5 =	vld.idx.msk [tilespmem:v45+s20+$0x0], $0xffff  }
0x171: {  	v1 =	vadd.f32 v2, v1;
	v2 =	vmul.f32 v7, v6;
	v6 =	vld.idx.msk [tilespmem:v46+s19+$0x0], $0xffff  }
0x172: {  	v7 =	vld.idx.msk [tilespmem:v46+s20+$0x0], $0xffff  }
0x173: {  	v1 =	vadd.f32 v2, v1;
	v2 =	vmul.f32 v8, v3;
	v3 =	vld.idx.msk [tilespmem:v47+s19+$0x0], $0xffff  }
0x174: {  	v8 =	vld.idx.msk [tilespmem:v47+s20+$0x0], $0xffff  }
0x175: {  	v1 =	vadd.f32 v2, v1;
	v2 =	vmul.f32 v5, v4;
	v4 =	vld.idx.msk [tilespmem:v48+s19+$0x0], $0xffff  }
0x176: {  	v5 =	vld.idx.msk [tilespmem:v48+s20+$0x0], $0xffff  }
0x177: {  	v1 =	vadd.f32 v2, v1;
	v2 =	vmul.f32 v7, v6;
	v6 =	vld.idx.msk [tilespmem:v49+s19+$0x0], $0xffff  }
0x178: {  	v7 =	vld.idx.msk [tilespmem:v49+s20+$0x0], $0xffff  }
0x179: {  	v1 =	vadd.f32 v2, v1;
	v2 =	vmul.f32 v8, v3;
	v3 =	vld.idx.msk [tilespmem:v50+s19+$0x0], $0xffff  }
0x17a: {  	v8 =	vld.idx.msk [tilespmem:v50+s20+$0x0], $0xffff  }
0x17b: {  	v1 =	vadd.f32 v2, v1;
	v2 =	vmul.f32 v5, v4;
	v4 =	vld.idx.msk [tilespmem:v51+s19+$0x0], $0xffff  }
0x17c: {  	v5 =	vld.idx.msk [tilespmem:v51+s20+$0x0], $0xffff  }
0x17d: {  	v1 =	vadd.f32 v2, v1;
	v2 =	vmul.f32 v7, v6;
	v6 =	vld.idx.msk [tilespmem:v52+s19+$0x0], $0xffff  }
0x17e: {  	v7 =	vld.idx.msk [tilespmem:v52+s20+$0x0], $0xffff  }
0x17f: {  	v1 =	vadd.f32 v2, v1;
	v2 =	vmul.f32 v8, v3;
	v3 =	vld.idx.msk [tilespmem:v53+s19+$0x0], $0xffff  }
0x180: {  	v8 =	vld.idx.msk [tilespmem:v53+s20+$0x0], $0xffff  }
0x181: {  	v1 =	vadd.f32 v2, v1;
	v2 =	vmul.f32 v5, v4;
	v4 =	vld.idx.msk [tilespmem:v54+s19+$0x0], $0xffff  }
0x182: {  	v5 =	vld.idx.msk [tilespmem:v54+s20+$0x0], $0xffff  }
0x183: {  	v1 =	vadd.f32 v2, v1;
	v2 =	vmul.f32 v7, v6;
	v6 =	vld.idx.msk [tilespmem:v55+s19+$0x0], $0xffff  }
0x184: {  	v7 =	vld.idx.msk [tilespmem:v55+s20+$0x0], $0xffff  }
0x185: {  	v1 =	vadd.f32 v2, v1;
	v2 =	vmul.f32 v8, v3;
	v3 =	vld.idx.msk [tilespmem:v56+s19+$0x0], $0xffff  }
0x186: {  	v8 =	vld.idx.msk [tilespmem:v56+s20+$0x0], $0xffff  }
0x187: {  	v1 =	vadd.f32 v2, v1;
	v2 =	vmul.f32 v5, v4;
	v4 =	vld.idx.msk [tilespmem:v57+s19+$0x0], $0xffff  }
0x188: {  	v5 =	vld.idx.msk [tilespmem:v57+s20+$0x0], $0xffff  }
0x189: {  	v1 =	vadd.f32 v2, v1;
	v2 =	vmul.f32 v7, v6;
	v6 =	vld.idx.msk [tilespmem:v58+s19+$0x0], $0xffff  }
0x18a: {  	v7 =	vld.idx.msk [tilespmem:v58+s20+$0x0], $0xffff  }
0x18b: {  	v1 =	vadd.f32 v2, v1;
	v2 =	vmul.f32 v8, v3;
	v3 =	vld.idx.msk [tilespmem:v59+s19+$0x0], $0xffff  }
0x18c: {  	v8 =	vld.idx.msk [tilespmem:v59+s20+$0x0], $0xffff  }
0x18d: {  	v1 =	vadd.f32 v2, v1;
	v2 =	vmul.f32 v5, v4;
	v4 =	vld.idx.msk [tilespmem:v60+s19+$0x0], $0xffff  }
0x18e: {  	v5 =	vld.idx.msk [tilespmem:v60+s20+$0x0], $0xffff  }
0x18f: {  	v1 =	vadd.f32 v2, v1;
	v2 =	vmul.f32 v7, v6;
	v6 =	vld.idx.msk [tilespmem:v61+s19+$0x0], $0xffff  }
0x190: {  	v7 =	vld.idx.msk [tilespmem:v61+s20+$0x0], $0xffff  }
0x191: {  	v1 =	vadd.f32 v2, v1;
	v2 =	vmul.f32 v8, v3;
	v3 =	vld.idx.msk [tilespmem:v16+s19+$0x0], $0xffff  }
0x192: {  	v8 =	vld.idx.msk [tilespmem:v16+s20+$0x0], $0xffff  }
0x193: {  	v1 =	vadd.f32 v2, v1;
	v2 =	vmul.f32 v5, v4;
	v4 =	vld.idx.msk [tilespmem:v14+s19+$0x0], $0xffff  }
0x194: {  	v5 =	vld.idx.msk [tilespmem:v14+s20+$0x0], $0xffff  }
0x195: {  	v1 =	vadd.f32 v2, v1;
	v2 =	vmul.f32 v7, v6;
	v6 =	vld.idx.msk [tilespmem:v9+s19+$0x0], $0xffff  }
0x196: {  	v7 =	vld.idx.msk [tilespmem:v9+s20+$0x0], $0xffff  }
0x197: {  	v1 =	vadd.f32 v2, v1;
	v2 =	vmul.f32 v8, v3;
	v3 =	vld.idx.msk [tilespmem:v10+s19+$0x0], $0xffff  }
0x198: {  	v8 =	vld.idx.msk [tilespmem:v10+s20+$0x0], $0xffff  }
0x199: {  	v1 =	vadd.f32 v2, v1;
	v2 =	vmul.f32 v5, v4;
	v4 =	vld.idx.msk [tilespmem:v11+s19+$0x0], $0xffff  }
0x19a: {  	v5 =	vld.idx.msk [tilespmem:v11+s20+$0x0], $0xffff  }
0x19b: {  	v1 =	vadd.f32 v2, v1;
	v2 =	vmul.f32 v7, v6;
	v6 =	vld.idx.msk [tilespmem:v12+s19+$0x0], $0xffff  }
0x19c: {  	v7 =	vld.idx.msk [tilespmem:v12+s20+$0x0], $0xffff  }
0x19d: {  	v13 =	vld [tilespmem:$0x1FF80];
	v1 =	vadd.f32 v2, v1;
	v2 =	vmul.f32 v8, v3;
	_ =	sdelay $0x1  }
0x19e: {  	v15 =	vld [tilespmem:$0x1FFA0];
	v1 =	vadd.f32 v2, v1;
	v2 =	vmul.f32 v5, v4;
	_ =	sdelay $0x1  }
0x19f: {  	v1 =	vadd.f32 v2, v1;
	v2 =	vmul.f32 v7, v6;
	v6 =	vld.idx.msk [tilespmem:v0+s19+$0x0], $0xffff  }
0x1a0: {  	v7 =	vld.idx.msk [tilespmem:v0+s20+$0x0], $0xffff  }
0x1a1: {  	v0 =	vld [tilespmem:$0x1FC10];
	_ =	sdelay $0x1  }
0x1a2: {  	v3 =	vld.idx.msk [tilespmem:v13+s19+$0x0], $0xffff  }
0x1a3: {  	v8 =	vld.idx.msk [tilespmem:v13+s20+$0x0], $0xffff  }
0x1a4: {  	v4 =	vld.idx.msk [tilespmem:v15+s19+$0x0], $0xffff  }
0x1a5: {  	v5 =	vld.idx.msk [tilespmem:v15+s20+$0x0], $0xffff;
	_ =	sdelay $0x2  }
0x1a6: {  	v1 =	vadd.f32 v2, v1;
	v2 =	vmul.f32 v8, v3;
	v3 =	vld.idx.msk [tilespmem:v0+s19+$0x0], $0xffff  }
0x1a7: {  	v8 =	vld.idx.msk [tilespmem:v0+s20+$0x0], $0xffff  }
0x1a8: {  	v1 =	vadd.f32 v2, v1;
	v2 =	vmul.f32 v5, v4;
	_ =	sdelay $0x1  }
0x1a9: {  	s30 =	sadd.s32 $0x80, s30;
	v1 =	vadd.f32 v2, v1;
	v2 =	vmul.f32 v7, v6  }
0x1aa: {  	p0 =	sne.s32 s30, $0x800  }
.Ltmp3:
0x1ab: {  	v1 =	vadd.f32 v2, v1;
	v2 =	vmul.f32 v8, v3;
	(pc) =	sbr.rel @!p0 .LBB2_5-.Ltmp3, $4  }
0x1ac: {  	_ = 	snop  }
0x1ad: {  	v5 =	vld [tilespmem:$0x1FFC0];
	v1 =	vadd.f32 v2, v1  }
0x1ae: {  	v6 =	vld [tilespmem:$0x1FFD0]  }
0x1af: {  	v7 =	vmov v63;
	v8 =	vmov v62;
	v3 =	vld [tilespmem:$0x1FFB0];
	[tilespmem:s31+$0x2610] =	vst v1  }
.LBB2_2:
0x1b0: {  	s31 =	sshra.s32 s30, $0x2  }
0x1b1: {  	v1 =	vld [tilespmem:s31+$0x10];
	_ =	sdelay $0x3  }
0x1b2: {  	v2 =	vld [tilespmem:s31+$0x210]  }
0x1b3: {  	v1 =	vshll.u32 v1, $0x4  }
0x1b4: {  	(v2sf) =	vpush v1, $0x0;
	_ =	sdelay $0x2  }
0x1b5: {  	v62 =	vshll.u32 v2, $0x4  }
0x1b6: {  	(v2sf) =	vpush v62, $0x0;
	_ =	sdelay $0x2  }
0x1b7: {  	(v2sf) =	vpush v1, $0x1;
	_ =	sdelay $0x2  }
0x1b8: {  	(v2sf) =	vpush v62, $0x1;
	_ =	sdelay $0x4  }
0x1b9: {  	s0 =	spop (v2sf);
	(v2sf) =	vpush v1, $0x2;
	_ =	sdelay $0x2  }
0x1ba: {  	s0 =	sand.u32 $0x1FFFFFF0, s0  }
0x1bb: {  	s11 =	spop (v2sf);
	(v2sf) =	vpush v62, $0x2;
	s0 =	sadd.s32 s3, s0  }
0x1bc: {  	[tilespmem:s19], [sflag:$0x1] =	stream.linear.gather [hbm4b:s0+s1], $0x80, $0x38;
	[tilespmem:$0x2800] =	vst v63  }
0x1bd: {  	s0 =	sand.u32 $0x1FFFFFF0, s11  }
0x1be: {  	s11 =	spop (v2sf);
	s0 =	sadd.s32 s4, s0  }
0x1bf: {  	(v2sf) =	vpush v1, $0x3;
	[tilespmem:s20], [sflag:$0x2] =	stream.linear.gather [hbm4b:s0+s1], $0x80, $0x38;
	[tilespmem:$0x2800] =	vst v63  }
0x1c0: {  	s0 =	sand.u32 $0x1FFFFFF0, s11  }
0x1c1: {  	s11 =	spop (v2sf);
	s0 =	sadd.s32 s3, s0  }
0x1c2: {  	[tilespmem:s2], [sflag:$0x1] =	stream.linear.gather [hbm4b:s0+s1], $0x80, $0x38;
	[tilespmem:$0x2800] =	vst v63  }
0x1c3: {  	(v2sf) =	vpush v62, $0x3;
	s0 =	sand.u32 $0x1FFFFFF0, s11  }
0x1c4: {  	s11 =	simm.s32 $0x1E80;
	s0 =	sadd.s32 s4, s0  }
0x1c5: {  	[tilespmem:s11], [sflag:$0x2] =	stream.linear.gather [hbm4b:s0+s1], $0x80, $0x38;
	[tilespmem:$0x2800] =	vst v63  }
0x1c6: {  	s11 =	spop (v2sf)  }
0x1c7: {  	(v2sf) =	vpush v1, $0x4;
	s0 =	sand.u32 $0x1FFFFFF0, s11  }
0x1c8: {  	s11 =	simm.s32 $0xF00;
	s0 =	sadd.s32 s3, s0  }
0x1c9: {  	[tilespmem:s11], [sflag:$0x1] =	stream.linear.gather [hbm4b:s0+s1], $0x80, $0x38;
	[tilespmem:$0x2800] =	vst v63  }
0x1ca: {  	s11 =	spop (v2sf)  }
0x1cb: {  	(v2sf) =	vpush v62, $0x4;
	s0 =	sand.u32 $0x1FFFFFF0, s11  }
0x1cc: {  	s11 =	simm.s32 $0x1F00;
	s0 =	sadd.s32 s4, s0  }
0x1cd: {  	[tilespmem:s11], [sflag:$0x2] =	stream.linear.gather [hbm4b:s0+s1], $0x80, $0x38;
	[tilespmem:$0x2800] =	vst v63  }
0x1ce: {  	s11 =	spop (v2sf)  }
0x1cf: {  	(v2sf) =	vpush v1, $0x5;
	s0 =	sand.u32 $0x1FFFFFF0, s11  }
0x1d0: {  	s11 =	simm.s32 $0xF80;
	s0 =	sadd.s32 s3, s0  }
0x1d1: {  	[tilespmem:s11], [sflag:$0x1] =	stream.linear.gather [hbm4b:s0+s1], $0x80, $0x38;
	[tilespmem:$0x2800] =	vst v63  }
0x1d2: {  	s11 =	spop (v2sf)  }
0x1d3: {  	(v2sf) =	vpush v62, $0x5;
	s0 =	sand.u32 $0x1FFFFFF0, s11  }
0x1d4: {  	s11 =	simm.s32 $0x1F80;
	s0 =	sadd.s32 s4, s0  }
0x1d5: {  	[tilespmem:s11], [sflag:$0x2] =	stream.linear.gather [hbm4b:s0+s1], $0x80, $0x38;
	[tilespmem:$0x2800] =	vst v63  }
0x1d6: {  	s11 =	spop (v2sf)  }
0x1d7: {  	(v2sf) =	vpush v1, $0x6;
	s0 =	sand.u32 $0x1FFFFFF0, s11  }
0x1d8: {  	s11 =	simm.s32 $0x1000;
	s0 =	sadd.s32 s3, s0  }
0x1d9: {  	[tilespmem:s11], [sflag:$0x1] =	stream.linear.gather [hbm4b:s0+s1], $0x80, $0x38;
	[tilespmem:$0x2800] =	vst v63  }
0x1da: {  	s11 =	spop (v2sf)  }
0x1db: {  	(v2sf) =	vpush v62, $0x6;
	s0 =	sand.u32 $0x1FFFFFF0, s11  }
0x1dc: {  	s11 =	simm.s32 $0x2000;
	s0 =	sadd.s32 s4, s0  }
0x1dd: {  	[tilespmem:s11], [sflag:$0x2] =	stream.linear.gather [hbm4b:s0+s1], $0x80, $0x38;
	[tilespmem:$0x2800] =	vst v63  }
0x1de: {  	s11 =	spop (v2sf)  }
0x1df: {  	(v2sf) =	vpush v1, $0x7;
	s0 =	sand.u32 $0x1FFFFFF0, s11  }
0x1e0: {  	s11 =	simm.s32 $0x1080;
	s0 =	sadd.s32 s3, s0  }
0x1e1: {  	[tilespmem:s11], [sflag:$0x1] =	stream.linear.gather [hbm4b:s0+s1], $0x80, $0x38;
	[tilespmem:$0x2800] =	vst v63  }
0x1e2: {  	s11 =	spop (v2sf)  }
0x1e3: {  	(v2sf) =	vpush v62, $0x7;
	s0 =	sand.u32 $0x1FFFFFF0, s11  }
0x1e4: {  	s11 =	simm.s32 $0x2080;
	s0 =	sadd.s32 s4, s0  }
0x1e5: {  	[tilespmem:s11], [sflag:$0x2] =	stream.linear.gather [hbm4b:s0+s1], $0x80, $0x38;
	[tilespmem:$0x2800] =	vst v63  }
0x1e6: {  	s11 =	spop (v2sf)  }
0x1e7: {  	(v2sf) =	vpush v1, $0x8;
	s0 =	sand.u32 $0x1FFFFFF0, s11  }
0x1e8: {  	s11 =	simm.s32 $0x1100;
	s0 =	sadd.s32 s3, s0  }
0x1e9: {  	[tilespmem:s11], [sflag:$0x1] =	stream.linear.gather [hbm4b:s0+s1], $0x80, $0x38;
	[tilespmem:$0x2800] =	vst v63  }
0x1ea: {  	s11 =	spop (v2sf)  }
0x1eb: {  	(v2sf) =	vpush v62, $0x8;
	s0 =	sand.u32 $0x1FFFFFF0, s11  }
0x1ec: {  	s11 =	simm.s32 $0x2100;
	s0 =	sadd.s32 s4, s0  }
0x1ed: {  	[tilespmem:s11], [sflag:$0x2] =	stream.linear.gather [hbm4b:s0+s1], $0x80, $0x38;
	[tilespmem:$0x2800] =	vst v63  }
0x1ee: {  	s11 =	spop (v2sf)  }
0x1ef: {  	(v2sf) =	vpush v1, $0x9;
	s0 =	sand.u32 $0x1FFFFFF0, s11  }
0x1f0: {  	s11 =	simm.s32 $0x1180;
	s0 =	sadd.s32 s3, s0  }
0x1f1: {  	[tilespmem:s11], [sflag:$0x1] =	stream.linear.gather [hbm4b:s0+s1], $0x80, $0x38;
	[tilespmem:$0x2800] =	vst v63  }
0x1f2: {  	s11 =	spop (v2sf)  }
0x1f3: {  	(v2sf) =	vpush v62, $0x9;
	s0 =	sand.u32 $0x1FFFFFF0, s11  }
0x1f4: {  	s0 =	sadd.s32 s4, s0  }
0x1f5: {  	[tilespmem:s12], [sflag:$0x2] =	stream.linear.gather [hbm4b:s0+s1], $0x80, $0x38;
	[tilespmem:$0x2800] =	vst v63  }
0x1f6: {  	s11 =	spop (v2sf)  }
0x1f7: {  	(v2sf) =	vpush v1, $0xA;
	s0 =	sand.u32 $0x1FFFFFF0, s11  }
0x1f8: {  	s0 =	sadd.s32 s3, s0  }
0x1f9: {  	[tilespmem:s5], [sflag:$0x1] =	stream.linear.gather [hbm4b:s0+s1], $0x80, $0x38;
	[tilespmem:$0x2800] =	vst v63  }
0x1fa: {  	s11 =	spop (v2sf)  }
0x1fb: {  	(v2sf) =	vpush v62, $0xA;
	s0 =	sand.u32 $0x1FFFFFF0, s11  }
0x1fc: {  	s0 =	sadd.s32 s4, s0  }
0x1fd: {  	[tilespmem:s6], [sflag:$0x2] =	stream.linear.gather [hbm4b:s0+s1], $0x80, $0x38;
	[tilespmem:$0x2800] =	vst v63  }
0x1fe: {  	s11 =	spop (v2sf)  }
0x1ff: {  	(v2sf) =	vpush v1, $0xB;
	s0 =	sand.u32 $0x1FFFFFF0, s11  }
0x200: {  	s0 =	sadd.s32 s3, s0  }
0x201: {  	[tilespmem:s7], [sflag:$0x1] =	stream.linear.gather [hbm4b:s0+s1], $0x80, $0x38;
	[tilespmem:$0x2800] =	vst v63  }
0x202: {  	s11 =	spop (v2sf)  }
0x203: {  	(v2sf) =	vpush v62, $0xB;
	s0 =	sand.u32 $0x1FFFFFF0, s11  }
0x204: {  	s0 =	sadd.s32 s4, s0  }
0x205: {  	[tilespmem:s8], [sflag:$0x2] =	stream.linear.gather [hbm4b:s0+s1], $0x80, $0x38;
	[tilespmem:$0x2800] =	vst v63  }
0x206: {  	s11 =	spop (v2sf)  }
0x207: {  	(v2sf) =	vpush v1, $0xC;
	s0 =	sand.u32 $0x1FFFFFF0, s11  }
0x208: {  	s0 =	sadd.s32 s3, s0  }
0x209: {  	[tilespmem:s9], [sflag:$0x1] =	stream.linear.gather [hbm4b:s0+s1], $0x80, $0x38;
	[tilespmem:$0x2800] =	vst v63  }
0x20a: {  	s11 =	spop (v2sf)  }
0x20b: {  	(v2sf) =	vpush v62, $0xC;
	s0 =	sand.u32 $0x1FFFFFF0, s11  }
0x20c: {  	s0 =	sadd.s32 s4, s0  }
0x20d: {  	[tilespmem:s10], [sflag:$0x2] =	stream.linear.gather [hbm4b:s0+s1], $0x80, $0x38;
	[tilespmem:$0x2800] =	vst v63  }
0x20e: {  	s11 =	spop (v2sf)  }
0x20f: {  	(v2sf) =	vpush v1, $0xD;
	s0 =	sand.u32 $0x1FFFFFF0, s11  }
0x210: {  	s0 =	sadd.s32 s3, s0  }
0x211: {  	[tilespmem:s15], [sflag:$0x1] =	stream.linear.gather [hbm4b:s0+s1], $0x80, $0x38;
	[tilespmem:$0x2800] =	vst v63  }
0x212: {  	s11 =	spop (v2sf)  }
0x213: {  	(v2sf) =	vpush v62, $0xD;
	s0 =	sand.u32 $0x1FFFFFF0, s11  }
0x214: {  	s0 =	sadd.s32 s4, s0  }
0x215: {  	[tilespmem:s16], [sflag:$0x2] =	stream.linear.gather [hbm4b:s0+s1], $0x80, $0x38;
	[tilespmem:$0x2800] =	vst v63  }
0x216: {  	s11 =	spop (v2sf)  }
0x217: {  	(v2sf) =	vpush v1, $0xE;
	s0 =	sand.u32 $0x1FFFFFF0, s11  }
0x218: {  	s0 =	sadd.s32 s3, s0  }
0x219: {  	[tilespmem:s17], [sflag:$0x1] =	stream.linear.gather [hbm4b:s0+s1], $0x80, $0x38;
	[tilespmem:$0x2800] =	vst v63  }
0x21a: {  	s11 =	spop (v2sf)  }
0x21b: {  	(v2sf) =	vpush v62, $0xE;
	s0 =	sand.u32 $0x1FFFFFF0, s11  }
0x21c: {  	s0 =	sadd.s32 s4, s0  }
0x21d: {  	[tilespmem:s18], [sflag:$0x2] =	stream.linear.gather [hbm4b:s0+s1], $0x80, $0x38;
	[tilespmem:$0x2800] =	vst v63  }
0x21e: {  	s11 =	spop (v2sf)  }
0x21f: {  	(v2sf) =	vpush v1, $0xF;
	s0 =	sand.u32 $0x1FFFFFF0, s11  }
0x220: {  	s0 =	sadd.s32 s3, s0  }
0x221: {  	[tilespmem:s21], [sflag:$0x1] =	stream.linear.gather [hbm4b:s0+s1], $0x80, $0x38;
	[tilespmem:$0x2800] =	vst v63  }
0x222: {  	s11 =	spop (v2sf)  }
0x223: {  	(v2sf) =	vpush v62, $0xF;
	s0 =	sand.u32 $0x1FFFFFF0, s11  }
0x224: {  	s0 =	sadd.s32 s4, s0  }
0x225: {  	[tilespmem:s22], [sflag:$0x2] =	stream.linear.gather [hbm4b:s0+s1], $0x80, $0x38;
	[tilespmem:$0x2800] =	vst v63  }
0x226: {  	s11 =	spop (v2sf)  }
0x227: {  	s0 =	sand.u32 $0x1FFFFFF0, s11  }
0x228: {  	s0 =	sadd.s32 s3, s0  }
0x229: {  	[tilespmem:s23], [sflag:$0x1] =	stream.linear.gather [hbm4b:s0+s1], $0x80, $0x38;
	[tilespmem:$0x2800] =	vst v63  }
0x22a: {  	s11 =	spop (v2sf)  }
0x22b: {  	s0 =	sand.u32 $0x1FFFFFF0, s11  }
0x22c: {  	s0 =	sadd.s32 s4, s0  }
0x22d: {  	[tilespmem:s24], [sflag:$0x2] =	stream.linear.gather [hbm4b:s0+s1], $0x80, $0x38;
	[tilespmem:$0x2800] =	vst v63  }
0x22e: {  	s11 =	spop (v2sf)  }
0x22f: {  	s0 =	sand.u32 $0x1FFFFFF0, s11  }
0x230: {  	s0 =	sadd.s32 s3, s0  }
0x231: {  	[tilespmem:s25], [sflag:$0x1] =	stream.linear.gather [hbm4b:s0+s1], $0x80, $0x38;
	[tilespmem:$0x2800] =	vst v63  }
0x232: {  	s11 =	spop (v2sf)  }
0x233: {  	s0 =	sand.u32 $0x1FFFFFF0, s11  }
0x234: {  	s0 =	sadd.s32 s4, s0  }
0x235: {  	[tilespmem:s26], [sflag:$0x2] =	stream.linear.gather [hbm4b:s0+s1], $0x80, $0x38;
	[tilespmem:$0x2800] =	vst v63  }
0x236: {  	_ =	swait.ge [sflag:s28], $0x800  }
0x237: {  	[sflag:s28] =	ssyncset.done $0x0  }
0x238: {  	[sflag:s28] =	ssyncadd.s32 $0xFFFFF800  }
0x239: {  	_ =	swait.ge [sflag:s29], $0x800  }
0x23a: {  	v0 =	vld [tilespmem:$0x1FF90];
	_ =	sdelay $0x4  }
0x23b: {  	[sflag:s29] =	ssyncset.done $0x0  }
0x23c: {  	[sflag:s29] =	ssyncadd.s32 $0xFFFFF800  }
0x23d: {  	v1 =	vld [tilespmem:s31+$0x400]  }
0x23e: {  	v2 =	vld.idx.msk [tilespmem:v0+s13+$0x0], $0xffff  }
0x23f: {  	v62 =	vld.idx.msk [tilespmem:v0+s14+$0x0], $0xffff  }
0x240: {  	v63 =	vld.idx.msk [tilespmem:v3+s13+$0x0], $0xffff  }
0x241: {  	v3 =	vld.idx.msk [tilespmem:v3+s14+$0x0], $0xffff  }
0x242: {  	v4 =	vld.idx.msk [tilespmem:v5+s13+$0x0], $0xffff  }
0x243: {  	v5 =	vld.idx.msk [tilespmem:v5+s14+$0x0], $0xffff  }
0x244: {  	v2 =	vmul.f32 v62, v2;
	v62 =	vld.idx.msk [tilespmem:v6+s13+$0x0], $0xffff  }
0x245: {  	v6 =	vld.idx.msk [tilespmem:v6+s14+$0x0], $0xffff  }
0x246: {  	v1 =	vadd.f32 v2, v1;
	v2 =	vmul.f32 v3, v63;
	v3 =	vld.idx.msk [tilespmem:v7+s13+$0x0], $0xffff  }
0x247: {  	v63 =	vld.idx.msk [tilespmem:v7+s14+$0x0], $0xffff  }
0x248: {  	v1 =	vadd.f32 v2, v1;
	v2 =	vmul.f32 v5, v4;
	_ =	sdelay $0x1  }
0x249: {  	v1 =	vadd.f32 v2, v1;
	v2 =	vmul.f32 v6, v62;
	v62 =	vld [tilespmem:$0x1FC20]  }
0x24a: {  	v4 =	vld.idx.msk [tilespmem:v8+s13+$0x0], $0xffff  }
0x24b: {  	v1 =	vadd.f32 v2, v1;
	v2 =	vmul.f32 v63, v3;
	v63 =	vld [tilespmem:$0x1FC30]  }
0x24c: {  	v5 =	vld.idx.msk [tilespmem:v8+s14+$0x0], $0xffff  }
0x24d: {  	v8 =	vld [tilespmem:$0x1FC40];
	_ =	sdelay $0x3  }
0x24e: {  	v6 =	vld.idx.msk [tilespmem:v62+s13+$0x0], $0xffff  }
0x24f: {  	v62 =	vld.idx.msk [tilespmem:v62+s14+$0x0], $0xffff  }
0x250: {  	v3 =	vld.idx.msk [tilespmem:v63+s13+$0x0], $0xffff  }
0x251: {  	v63 =	vld.idx.msk [tilespmem:v63+s14+$0x0], $0xffff  }
0x252: {  	v1 =	vadd.f32 v2, v1;
	v2 =	vmul.f32 v5, v4;
	v4 =	vld.idx.msk [tilespmem:v8+s13+$0x0], $0xffff  }
0x253: {  	v5 =	vld.idx.msk [tilespmem:v8+s14+$0x0], $0xffff  }
0x254: {  	v1 =	vadd.f32 v2, v1;
	v8 =	vld.idx.msk [tilespmem:v17+s14+$0x0], $0xffff;
	v2 =	vmul.f32 v62, v6  }
0x255: {  	v6 =	vld.idx.msk [tilespmem:v17+s13+$0x0], $0xffff  }
0x256: {  	v1 =	vadd.f32 v2, v1;
	v2 =	vmul.f32 v63, v3;
	v3 =	vld.idx.msk [tilespmem:v18+s13+$0x0], $0xffff  }
0x257: {  	v63 =	vld.idx.msk [tilespmem:v18+s14+$0x0], $0xffff  }
0x258: {  	v17 =	vld.idx.msk [tilespmem:v19+s13+$0x0], $0xffff;
	v1 =	vadd.f32 v2, v1;
	v2 =	vmul.f32 v5, v4  }
0x259: {  	v18 =	vld.idx.msk [tilespmem:v19+s14+$0x0], $0xffff  }
0x25a: {  	v19 =	vld.idx.msk [tilespmem:v20+s13+$0x0], $0xffff;
	v1 =	vadd.f32 v2, v1;
	v2 =	vmul.f32 v8, v6  }
0x25b: {  	v20 =	vld.idx.msk [tilespmem:v20+s14+$0x0], $0xffff  }
0x25c: {  	v1 =	vadd.f32 v2, v1;
	v2 =	vmul.f32 v63, v3;
	v3 =	vld.idx.msk [tilespmem:v21+s13+$0x0], $0xffff  }
0x25d: {  	v21 =	vld.idx.msk [tilespmem:v21+s14+$0x0], $0xffff  }
0x25e: {  	v1 =	vadd.f32 v2, v1;
	v2 =	vmul.f32 v18, v17;
	v17 =	vld.idx.msk [tilespmem:v22+s13+$0x0], $0xffff  }
0x25f: {  	v18 =	vld.idx.msk [tilespmem:v22+s14+$0x0], $0xffff  }
0x260: {  	v1 =	vadd.f32 v2, v1;
	v2 =	vmul.f32 v20, v19;
	v19 =	vld.idx.msk [tilespmem:v23+s13+$0x0], $0xffff  }
0x261: {  	v20 =	vld.idx.msk [tilespmem:v23+s14+$0x0], $0xffff  }
0x262: {  	v1 =	vadd.f32 v2, v1;
	v2 =	vmul.f32 v21, v3;
	v3 =	vld.idx.msk [tilespmem:v24+s13+$0x0], $0xffff  }
0x263: {  	v21 =	vld.idx.msk [tilespmem:v24+s14+$0x0], $0xffff  }
0x264: {  	v22 =	vld.idx.msk [tilespmem:v25+s13+$0x0], $0xffff;
	v1 =	vadd.f32 v2, v1;
	v2 =	vmul.f32 v18, v17  }
0x265: {  	v23 =	vld.idx.msk [tilespmem:v25+s14+$0x0], $0xffff  }
0x266: {  	v25 =	vld.idx.msk [tilespmem:v26+s14+$0x0], $0xffff;
	v1 =	vadd.f32 v2, v1;
	v2 =	vmul.f32 v20, v19  }
0x267: {  	v24 =	vld.idx.msk [tilespmem:v26+s13+$0x0], $0xffff  }
0x268: {  	v26 =	vld.idx.msk [tilespmem:v27+s14+$0x0], $0xffff;
	v1 =	vadd.f32 v2, v1;
	v2 =	vmul.f32 v21, v3  }
0x269: {  	v3 =	vld.idx.msk [tilespmem:v27+s13+$0x0], $0xffff  }
0x26a: {  	v17 =	vld.idx.msk [tilespmem:v28+s14+$0x0], $0xffff;
	v1 =	vadd.f32 v2, v1;
	v2 =	vmul.f32 v23, v22  }
0x26b: {  	v27 =	vld.idx.msk [tilespmem:v28+s13+$0x0], $0xffff  }
0x26c: {  	v18 =	vld.idx.msk [tilespmem:v29+s13+$0x0], $0xffff;
	v1 =	vadd.f32 v2, v1;
	v2 =	vmul.f32 v25, v24  }
0x26d: {  	v19 =	vld.idx.msk [tilespmem:v29+s14+$0x0], $0xffff  }
0x26e: {  	v20 =	vld.idx.msk [tilespmem:v30+s14+$0x0], $0xffff;
	v1 =	vadd.f32 v2, v1;
	v2 =	vmul.f32 v26, v3  }
0x26f: {  	v3 =	vld.idx.msk [tilespmem:v30+s13+$0x0], $0xffff  }
0x270: {  	v21 =	vld.idx.msk [tilespmem:v31+s13+$0x0], $0xffff;
	v1 =	vadd.f32 v2, v1;
	v2 =	vmul.f32 v17, v27  }
0x271: {  	v22 =	vld.idx.msk [tilespmem:v31+s14+$0x0], $0xffff  }
0x272: {  	v23 =	vld.idx.msk [tilespmem:v32+s13+$0x0], $0xffff;
	v1 =	vadd.f32 v2, v1;
	v2 =	vmul.f32 v19, v18  }
0x273: {  	v24 =	vld.idx.msk [tilespmem:v32+s14+$0x0], $0xffff  }
0x274: {  	v25 =	vld.idx.msk [tilespmem:v33+s14+$0x0], $0xffff;
	v1 =	vadd.f32 v2, v1;
	v2 =	vmul.f32 v20, v3  }
0x275: {  	v3 =	vld.idx.msk [tilespmem:v33+s13+$0x0], $0xffff  }
0x276: {  	v26 =	vld.idx.msk [tilespmem:v34+s13+$0x0], $0xffff;
	v1 =	vadd.f32 v2, v1;
	v2 =	vmul.f32 v22, v21  }
0x277: {  	v27 =	vld.idx.msk [tilespmem:v34+s14+$0x0], $0xffff  }
0x278: {  	v29 =	vld.idx.msk [tilespmem:v35+s14+$0x0], $0xffff;
	v1 =	vadd.f32 v2, v1;
	v2 =	vmul.f32 v24, v23  }
0x279: {  	v28 =	vld.idx.msk [tilespmem:v35+s13+$0x0], $0xffff  }
0x27a: {  	v30 =	vld.idx.msk [tilespmem:v36+s14+$0x0], $0xffff;
	v1 =	vadd.f32 v2, v1;
	v2 =	vmul.f32 v25, v3  }
0x27b: {  	v3 =	vld.idx.msk [tilespmem:v36+s13+$0x0], $0xffff  }
0x27c: {  	v31 =	vld.idx.msk [tilespmem:v37+s13+$0x0], $0xffff;
	v1 =	vadd.f32 v2, v1;
	v2 =	vmul.f32 v27, v26  }
0x27d: {  	v32 =	vld.idx.msk [tilespmem:v37+s14+$0x0], $0xffff  }
0x27e: {  	v34 =	vld.idx.msk [tilespmem:v38+s14+$0x0], $0xffff;
	v1 =	vadd.f32 v2, v1;
	v2 =	vmul.f32 v29, v28  }
0x27f: {  	v33 =	vld.idx.msk [tilespmem:v38+s13+$0x0], $0xffff  }
0x280: {  	v35 =	vld.idx.msk [tilespmem:v39+s14+$0x0], $0xffff;
	v1 =	vadd.f32 v2, v1;
	v2 =	vmul.f32 v30, v3  }
0x281: {  	v3 =	vld.idx.msk [tilespmem:v39+s13+$0x0], $0xffff  }
0x282: {  	v37 =	vld.idx.msk [tilespmem:v40+s14+$0x0], $0xffff;
	v1 =	vadd.f32 v2, v1;
	v2 =	vmul.f32 v32, v31  }
0x283: {  	v36 =	vld.idx.msk [tilespmem:v40+s13+$0x0], $0xffff  }
0x284: {  	v38 =	vld.idx.msk [tilespmem:v41+s13+$0x0], $0xffff;
	v1 =	vadd.f32 v2, v1;
	v2 =	vmul.f32 v34, v33  }
0x285: {  	v39 =	vld.idx.msk [tilespmem:v41+s14+$0x0], $0xffff  }
0x286: {  	v40 =	vld.idx.msk [tilespmem:v42+s14+$0x0], $0xffff;
	v1 =	vadd.f32 v2, v1;
	v2 =	vmul.f32 v35, v3  }
0x287: {  	v3 =	vld.idx.msk [tilespmem:v42+s13+$0x0], $0xffff  }
0x288: {  	v41 =	vld.idx.msk [tilespmem:v43+s13+$0x0], $0xffff;
	v1 =	vadd.f32 v2, v1;
	v2 =	vmul.f32 v37, v36  }
0x289: {  	v42 =	vld.idx.msk [tilespmem:v43+s14+$0x0], $0xffff  }
0x28a: {  	v8 =	vld.idx.msk [tilespmem:v44+s14+$0x0], $0xffff;
	v1 =	vadd.f32 v2, v1;
	v2 =	vmul.f32 v39, v38  }
0x28b: {  	v43 =	vld.idx.msk [tilespmem:v44+s13+$0x0], $0xffff  }
0x28c: {  	v17 =	vld.idx.msk [tilespmem:v45+s14+$0x0], $0xffff;
	v1 =	vadd.f32 v2, v1;
	v2 =	vmul.f32 v40, v3  }
0x28d: {  	v3 =	vld.idx.msk [tilespmem:v45+s13+$0x0], $0xffff  }
0x28e: {  	v18 =	vld.idx.msk [tilespmem:v46+s13+$0x0], $0xffff;
	v1 =	vadd.f32 v2, v1;
	v2 =	vmul.f32 v42, v41  }
0x28f: {  	v19 =	vld.idx.msk [tilespmem:v46+s14+$0x0], $0xffff  }
0x290: {  	v20 =	vld.idx.msk [tilespmem:v47+s13+$0x0], $0xffff;
	v1 =	vadd.f32 v2, v1;
	v2 =	vmul.f32 v8, v43  }
0x291: {  	v21 =	vld.idx.msk [tilespmem:v47+s14+$0x0], $0xffff  }
0x292: {  	v22 =	vld.idx.msk [tilespmem:v48+s14+$0x0], $0xffff;
	v1 =	vadd.f32 v2, v1;
	v2 =	vmul.f32 v17, v3  }
0x293: {  	v3 =	vld.idx.msk [tilespmem:v48+s13+$0x0], $0xffff  }
0x294: {  	v23 =	vld.idx.msk [tilespmem:v49+s13+$0x0], $0xffff;
	v1 =	vadd.f32 v2, v1;
	v2 =	vmul.f32 v19, v18  }
0x295: {  	v24 =	vld.idx.msk [tilespmem:v49+s14+$0x0], $0xffff  }
0x296: {  	v25 =	vld.idx.msk [tilespmem:v50+s13+$0x0], $0xffff;
	v1 =	vadd.f32 v2, v1;
	v2 =	vmul.f32 v21, v20  }
0x297: {  	v26 =	vld.idx.msk [tilespmem:v50+s14+$0x0], $0xffff  }
0x298: {  	v27 =	vld.idx.msk [tilespmem:v51+s14+$0x0], $0xffff;
	v1 =	vadd.f32 v2, v1;
	v2 =	vmul.f32 v22, v3  }
0x299: {  	v3 =	vld.idx.msk [tilespmem:v51+s13+$0x0], $0xffff  }
0x29a: {  	v28 =	vld.idx.msk [tilespmem:v52+s13+$0x0], $0xffff;
	v1 =	vadd.f32 v2, v1;
	v2 =	vmul.f32 v24, v23  }
0x29b: {  	v29 =	vld.idx.msk [tilespmem:v52+s14+$0x0], $0xffff  }
0x29c: {  	v30 =	vld.idx.msk [tilespmem:v53+s13+$0x0], $0xffff;
	v1 =	vadd.f32 v2, v1;
	v2 =	vmul.f32 v26, v25  }
0x29d: {  	v31 =	vld.idx.msk [tilespmem:v53+s14+$0x0], $0xffff  }
0x29e: {  	v32 =	vld.idx.msk [tilespmem:v54+s14+$0x0], $0xffff;
	v1 =	vadd.f32 v2, v1;
	v2 =	vmul.f32 v27, v3  }
0x29f: {  	v3 =	vld.idx.msk [tilespmem:v54+s13+$0x0], $0xffff  }
0x2a0: {  	v33 =	vld.idx.msk [tilespmem:v55+s13+$0x0], $0xffff;
	v1 =	vadd.f32 v2, v1;
	v2 =	vmul.f32 v29, v28  }
0x2a1: {  	v34 =	vld.idx.msk [tilespmem:v55+s14+$0x0], $0xffff  }
0x2a2: {  	v35 =	vld.idx.msk [tilespmem:v56+s13+$0x0], $0xffff;
	v1 =	vadd.f32 v2, v1;
	v2 =	vmul.f32 v31, v30  }
0x2a3: {  	v36 =	vld.idx.msk [tilespmem:v56+s14+$0x0], $0xffff  }
0x2a4: {  	v37 =	vld.idx.msk [tilespmem:v57+s14+$0x0], $0xffff;
	v1 =	vadd.f32 v2, v1;
	v2 =	vmul.f32 v32, v3  }
0x2a5: {  	v3 =	vld.idx.msk [tilespmem:v57+s13+$0x0], $0xffff  }
0x2a6: {  	v38 =	vld.idx.msk [tilespmem:v58+s13+$0x0], $0xffff;
	v1 =	vadd.f32 v2, v1;
	v2 =	vmul.f32 v34, v33  }
0x2a7: {  	v39 =	vld.idx.msk [tilespmem:v58+s14+$0x0], $0xffff  }
0x2a8: {  	v40 =	vld.idx.msk [tilespmem:v59+s13+$0x0], $0xffff;
	v1 =	vadd.f32 v2, v1;
	v2 =	vmul.f32 v36, v35  }
0x2a9: {  	v41 =	vld.idx.msk [tilespmem:v59+s14+$0x0], $0xffff  }
0x2aa: {  	v42 =	vld.idx.msk [tilespmem:v60+s14+$0x0], $0xffff;
	v1 =	vadd.f32 v2, v1;
	v2 =	vmul.f32 v37, v3  }
0x2ab: {  	v3 =	vld.idx.msk [tilespmem:v60+s13+$0x0], $0xffff  }
0x2ac: {  	v44 =	vld.idx.msk [tilespmem:v61+s14+$0x0], $0xffff;
	v1 =	vadd.f32 v2, v1;
	v2 =	vmul.f32 v39, v38  }
0x2ad: {  	v43 =	vld.idx.msk [tilespmem:v61+s13+$0x0], $0xffff  }
0x2ae: {  	v46 =	vld.idx.msk [tilespmem:v16+s14+$0x0], $0xffff;
	v1 =	vadd.f32 v2, v1;
	v2 =	vmul.f32 v41, v40  }
0x2af: {  	v45 =	vld.idx.msk [tilespmem:v16+s13+$0x0], $0xffff  }
0x2b0: {  	v47 =	vld.idx.msk [tilespmem:v14+s14+$0x0], $0xffff;
	v1 =	vadd.f32 v2, v1;
	v2 =	vmul.f32 v42, v3  }
0x2b1: {  	v3 =	vld.idx.msk [tilespmem:v14+s13+$0x0], $0xffff  }
0x2b2: {  	v49 =	vld.idx.msk [tilespmem:v9+s14+$0x0], $0xffff;
	v1 =	vadd.f32 v2, v1;
	v2 =	vmul.f32 v44, v43  }
0x2b3: {  	v48 =	vld.idx.msk [tilespmem:v9+s13+$0x0], $0xffff  }
0x2b4: {  	v50 =	vld.idx.msk [tilespmem:v10+s13+$0x0], $0xffff;
	v1 =	vadd.f32 v2, v1;
	v2 =	vmul.f32 v46, v45  }
0x2b5: {  	v51 =	vld.idx.msk [tilespmem:v10+s14+$0x0], $0xffff  }
0x2b6: {  	v52 =	vld.idx.msk [tilespmem:v11+s14+$0x0], $0xffff;
	v1 =	vadd.f32 v2, v1;
	v2 =	vmul.f32 v47, v3  }
0x2b7: {  	v3 =	vld.idx.msk [tilespmem:v11+s13+$0x0], $0xffff  }
0x2b8: {  	v53 =	vld.idx.msk [tilespmem:v12+s13+$0x0], $0xffff;
	v1 =	vadd.f32 v2, v1;
	v2 =	vmul.f32 v49, v48  }
0x2b9: {  	v55 =	vor.u32 $0x3E, v0;
	v54 =	vld.idx.msk [tilespmem:v12+s14+$0x0], $0xffff  }
0x2ba: {  	v56 =	vld.idx.msk [tilespmem:v13+s13+$0x0], $0xffff;
	v1 =	vadd.f32 v2, v1;
	v2 =	vmul.f32 v51, v50  }
0x2bb: {  	v58 =	vor.u32 $0x3F, v0;
	v57 =	vld.idx.msk [tilespmem:v13+s14+$0x0], $0xffff  }
0x2bc: {  	v59 =	vld.idx.msk [tilespmem:v15+s14+$0x0], $0xffff;
	v1 =	vadd.f32 v2, v1;
	v2 =	vmul.f32 v52, v3  }
0x2bd: {  	v3 =	vld.idx.msk [tilespmem:v15+s13+$0x0], $0xffff  }
0x2be: {  	v61 =	vld.idx.msk [tilespmem:v55+s14+$0x0], $0xffff;
	v1 =	vadd.f32 v2, v1;
	v2 =	vmul.f32 v54, v53  }
0x2bf: {  	v60 =	vld.idx.msk [tilespmem:v55+s13+$0x0], $0xffff  }
0x2c0: {  	v62 =	vld.idx.msk [tilespmem:v58+s13+$0x0], $0xffff;
	v1 =	vadd.f32 v2, v1;
	v2 =	vmul.f32 v57, v56  }
0x2c1: {  	v63 =	vld.idx.msk [tilespmem:v58+s14+$0x0], $0xffff  }
0x2c2: {  	v1 =	vadd.f32 v2, v1;
	v2 =	vmul.f32 v59, v3;
	_ =	sdelay $0x1  }
0x2c3: {  	v1 =	vadd.f32 v2, v1;
	v2 =	vmul.f32 v61, v60  }
0x2c4: {  	p0 =	seq.s32 s30, $0x780  }
.Ltmp4:
0x2c5: {  	v1 =	vadd.f32 v2, v1;
	v2 =	vmul.f32 v63, v62;
	(pc) =	sbr.rel @p0 .LBB2_4-.Ltmp4, $4  }
0x2c6: {  	_ = 	snop  }
0x2c7: {  	[tilespmem:$0x1FC00] =	vst v55;
	v1 =	vadd.f32 v2, v1  }
0x2c8: {  	[tilespmem:$0x1FC10] =	vst v58  }
0x2c9: {  	[tilespmem:s31+$0x2600] =	vst v1  }
0x2ca: {  	v1 =	vld [tilespmem:s31+$0x20];
	_ =	sdelay $0x1  }
0x2cb: {  	v3 =	vld [tilespmem:s31+$0x220];
	_ =	sdelay $0x2  }
0x2cc: {  	v2 =	vshll.u32 v1, $0x4  }
0x2cd: {  	(v2sf) =	vpush v2, $0x0  }
0x2ce: {  	v1 =	vshll.u32 v3, $0x4  }
0x2cf: {  	(v2sf) =	vpush v1, $0x0;
	_ =	sdelay $0x2  }
0x2d0: {  	(v2sf) =	vpush v2, $0x1;
	_ =	sdelay $0x5  }
0x2d1: {  	(v2sf) =	vpush v1, $0x1;
	_ =	sdelay $0x3  }
0x2d2: {  	s0 =	spop (v2sf);
	(v2sf) =	vpush v2, $0x2;
	_ =	sdelay $0x1  }
0x2d3: {  	s0 =	sand.u32 $0x1FFFFFF0, s0;
	s2 =	spop (v2sf);
	(v2sf) =	vpush v1, $0x2  }
0x2d4: {  	s0 =	sadd.s32 s3, s0  }
0x2d5: {  	[tilespmem:s13], [sflag:$0x1] =	stream.linear.gather [hbm4b:s0+s1], $0x80, $0x38;
	[tilespmem:$0x2800] =	vst v63  }
0x2d6: {  	s11 =	spop (v2sf);
	(v2sf) =	vpush v2, $0x3;
	s0 =	sand.u32 $0x1FFFFFF0, s2  }
0x2d7: {  	s0 =	sadd.s32 s4, s0  }
0x2d8: {  	[tilespmem:s14], [sflag:$0x2] =	stream.linear.gather [hbm4b:s0+s1], $0x80, $0x38;
	[tilespmem:$0x2800] =	vst v63  }
0x2d9: {  	s0 =	sand.u32 $0x1FFFFFF0, s11  }
0x2da: {  	s2 =	simm.s32 $0x680;
	s0 =	sadd.s32 s3, s0  }
0x2db: {  	[tilespmem:s2], [sflag:$0x1] =	stream.linear.gather [hbm4b:s0+s1], $0x80, $0x38;
	[tilespmem:$0x2800] =	vst v63  }
0x2dc: {  	s2 =	spop (v2sf);
	(v2sf) =	vpush v1, $0x3;
	_ =	sdelay $0x2  }
0x2dd: {  	s0 =	sand.u32 $0x1FFFFFF0, s2  }
0x2de: {  	s11 =	simm.s32 $0x1680;
	s0 =	sadd.s32 s4, s0;
	s2 =	spop (v2sf);
	(v2sf) =	vpush v2, $0x4  }
0x2df: {  	[tilespmem:s11], [sflag:$0x2] =	stream.linear.gather [hbm4b:s0+s1], $0x80, $0x38;
	[tilespmem:$0x2800] =	vst v63  }
0x2e0: {  	s0 =	sand.u32 $0x1FFFFFF0, s2;
	s2 =	spop (v2sf);
	(v2sf) =	vpush v1, $0x4  }
0x2e1: {  	s11 =	simm.s32 $0x700;
	s0 =	sadd.s32 s3, s0  }
0x2e2: {  	[tilespmem:s11], [sflag:$0x1] =	stream.linear.gather [hbm4b:s0+s1], $0x80, $0x38;
	[tilespmem:$0x2800] =	vst v63  }
0x2e3: {  	s0 =	sand.u32 $0x1FFFFFF0, s2;
	s2 =	spop (v2sf);
	(v2sf) =	vpush v2, $0x5;
	_ =	sdelay $0x3  }
0x2e4: {  	s11 =	simm.s32 $0x1700;
	s0 =	sadd.s32 s4, s0  }
0x2e5: {  	[tilespmem:s11], [sflag:$0x2] =	stream.linear.gather [hbm4b:s0+s1], $0x80, $0x38;
	[tilespmem:$0x2800] =	vst v63  }
0x2e6: {  	s0 =	sand.u32 $0x1FFFFFF0, s2;
	s2 =	spop (v2sf);
	(v2sf) =	vpush v1, $0x5  }
0x2e7: {  	s11 =	simm.s32 $0x780;
	s0 =	sadd.s32 s3, s0  }
0x2e8: {  	[tilespmem:s11], [sflag:$0x1] =	stream.linear.gather [hbm4b:s0+s1], $0x80, $0x38;
	[tilespmem:$0x2800] =	vst v63  }
0x2e9: {  	s0 =	sand.u32 $0x1FFFFFF0, s2  }
0x2ea: {  	s11 =	simm.s32 $0x1780;
	s0 =	sadd.s32 s4, s0;
	s2 =	spop (v2sf);
	(v2sf) =	vpush v2, $0x6  }
0x2eb: {  	[tilespmem:s11], [sflag:$0x2] =	stream.linear.gather [hbm4b:s0+s1], $0x80, $0x38;
	[tilespmem:$0x2800] =	vst v63  }
0x2ec: {  	s0 =	sand.u32 $0x1FFFFFF0, s2;
	s2 =	spop (v2sf);
	(v2sf) =	vpush v1, $0x6  }
0x2ed: {  	s11 =	simm.s32 $0x800;
	s0 =	sadd.s32 s3, s0  }
0x2ee: {  	[tilespmem:s11], [sflag:$0x1] =	stream.linear.gather [hbm4b:s0+s1], $0x80, $0x38;
	[tilespmem:$0x2800] =	vst v63  }
0x2ef: {  	s0 =	sand.u32 $0x1FFFFFF0, s2;
	s2 =	spop (v2sf);
	(v2sf) =	vpush v2, $0x7;
	_ =	sdelay $0x3  }
0x2f0: {  	s11 =	simm.s32 $0x1800;
	s0 =	sadd.s32 s4, s0  }
0x2f1: {  	[tilespmem:s11], [sflag:$0x2] =	stream.linear.gather [hbm4b:s0+s1], $0x80, $0x38;
	[tilespmem:$0x2800] =	vst v63  }
0x2f2: {  	s0 =	sand.u32 $0x1FFFFFF0, s2;
	s2 =	spop (v2sf);
	(v2sf) =	vpush v1, $0x7  }
0x2f3: {  	s11 =	simm.s32 $0x880;
	s0 =	sadd.s32 s3, s0  }
0x2f4: {  	[tilespmem:s11], [sflag:$0x1] =	stream.linear.gather [hbm4b:s0+s1], $0x80, $0x38;
	[tilespmem:$0x2800] =	vst v63  }
0x2f5: {  	s0 =	sand.u32 $0x1FFFFFF0, s2  }
0x2f6: {  	s11 =	simm.s32 $0x1880;
	s0 =	sadd.s32 s4, s0;
	s2 =	spop (v2sf);
	(v2sf) =	vpush v2, $0x8  }
0x2f7: {  	[tilespmem:s11], [sflag:$0x2] =	stream.linear.gather [hbm4b:s0+s1], $0x80, $0x38;
	[tilespmem:$0x2800] =	vst v63  }
0x2f8: {  	s0 =	sand.u32 $0x1FFFFFF0, s2;
	s2 =	spop (v2sf);
	(v2sf) =	vpush v1, $0x8  }
0x2f9: {  	s11 =	simm.s32 $0x900;
	s0 =	sadd.s32 s3, s0  }
0x2fa: {  	[tilespmem:s11], [sflag:$0x1] =	stream.linear.gather [hbm4b:s0+s1], $0x80, $0x38;
	[tilespmem:$0x2800] =	vst v63  }
0x2fb: {  	s0 =	sand.u32 $0x1FFFFFF0, s2;
	s2 =	spop (v2sf);
	(v2sf) =	vpush v2, $0x9;
	_ =	sdelay $0x3  }
0x2fc: {  	s11 =	simm.s32 $0x1900;
	s0 =	sadd.s32 s4, s0  }
0x2fd: {  	[tilespmem:s11], [sflag:$0x2] =	stream.linear.gather [hbm4b:s0+s1], $0x80, $0x38;
	[tilespmem:$0x2800] =	vst v63  }
0x2fe: {  	s0 =	sand.u32 $0x1FFFFFF0, s2;
	s2 =	spop (v2sf);
	(v2sf) =	vpush v1, $0x9  }
0x2ff: {  	s11 =	simm.s32 $0x980;
	s0 =	sadd.s32 s3, s0  }
0x300: {  	[tilespmem:s11], [sflag:$0x1] =	stream.linear.gather [hbm4b:s0+s1], $0x80, $0x38;
	[tilespmem:$0x2800] =	vst v63  }
0x301: {  	s0 =	sand.u32 $0x1FFFFFF0, s2  }
0x302: {  	s11 =	simm.s32 $0x1980;
	s0 =	sadd.s32 s4, s0;
	s2 =	spop (v2sf);
	(v2sf) =	vpush v2, $0xA  }
0x303: {  	[tilespmem:s11], [sflag:$0x2] =	stream.linear.gather [hbm4b:s0+s1], $0x80, $0x38;
	[tilespmem:$0x2800] =	vst v63  }
0x304: {  	s0 =	sand.u32 $0x1FFFFFF0, s2;
	s2 =	spop (v2sf);
	(v2sf) =	vpush v1, $0xA  }
0x305: {  	s11 =	simm.s32 $0xA00;
	s0 =	sadd.s32 s3, s0  }
0x306: {  	[tilespmem:s11], [sflag:$0x1] =	stream.linear.gather [hbm4b:s0+s1], $0x80, $0x38;
	[tilespmem:$0x2800] =	vst v63  }
0x307: {  	s0 =	sand.u32 $0x1FFFFFF0, s2;
	s2 =	spop (v2sf);
	(v2sf) =	vpush v2, $0xB;
	_ =	sdelay $0x3  }
0x308: {  	s11 =	simm.s32 $0x1A00;
	s0 =	sadd.s32 s4, s0  }
0x309: {  	[tilespmem:s11], [sflag:$0x2] =	stream.linear.gather [hbm4b:s0+s1], $0x80, $0x38;
	[tilespmem:$0x2800] =	vst v63  }
0x30a: {  	s0 =	sand.u32 $0x1FFFFFF0, s2;
	s2 =	spop (v2sf);
	(v2sf) =	vpush v1, $0xB  }
0x30b: {  	s11 =	simm.s32 $0xA80;
	s0 =	sadd.s32 s3, s0  }
0x30c: {  	[tilespmem:s11], [sflag:$0x1] =	stream.linear.gather [hbm4b:s0+s1], $0x80, $0x38;
	[tilespmem:$0x2800] =	vst v63  }
0x30d: {  	s0 =	sand.u32 $0x1FFFFFF0, s2  }
0x30e: {  	s11 =	simm.s32 $0x1A80;
	s0 =	sadd.s32 s4, s0;
	s2 =	spop (v2sf);
	(v2sf) =	vpush v2, $0xC  }
0x30f: {  	[tilespmem:s11], [sflag:$0x2] =	stream.linear.gather [hbm4b:s0+s1], $0x80, $0x38;
	[tilespmem:$0x2800] =	vst v63  }
0x310: {  	s0 =	sand.u32 $0x1FFFFFF0, s2;
	s2 =	spop (v2sf);
	(v2sf) =	vpush v1, $0xC  }
0x311: {  	s11 =	simm.s32 $0xB00;
	s0 =	sadd.s32 s3, s0  }
0x312: {  	[tilespmem:s11], [sflag:$0x1] =	stream.linear.gather [hbm4b:s0+s1], $0x80, $0x38;
	[tilespmem:$0x2800] =	vst v63  }
0x313: {  	s0 =	sand.u32 $0x1FFFFFF0, s2;
	s2 =	spop (v2sf);
	(v2sf) =	vpush v2, $0xD;
	_ =	sdelay $0x3  }
0x314: {  	s11 =	simm.s32 $0x1B00;
	s0 =	sadd.s32 s4, s0  }
0x315: {  	[tilespmem:s11], [sflag:$0x2] =	stream.linear.gather [hbm4b:s0+s1], $0x80, $0x38;
	[tilespmem:$0x2800] =	vst v63  }
0x316: {  	s0 =	sand.u32 $0x1FFFFFF0, s2;
	s2 =	spop (v2sf);
	(v2sf) =	vpush v1, $0xD  }
0x317: {  	s11 =	simm.s32 $0xB80;
	s0 =	sadd.s32 s3, s0  }
0x318: {  	[tilespmem:s11], [sflag:$0x1] =	stream.linear.gather [hbm4b:s0+s1], $0x80, $0x38;
	[tilespmem:$0x2800] =	vst v63  }
0x319: {  	s0 =	sand.u32 $0x1FFFFFF0, s2  }
0x31a: {  	s11 =	simm.s32 $0x1B80;
	s0 =	sadd.s32 s4, s0;
	s2 =	spop (v2sf);
	(v2sf) =	vpush v2, $0xE  }
0x31b: {  	[tilespmem:s11], [sflag:$0x2] =	stream.linear.gather [hbm4b:s0+s1], $0x80, $0x38;
	[tilespmem:$0x2800] =	vst v63  }
0x31c: {  	s0 =	sand.u32 $0x1FFFFFF0, s2;
	s2 =	spop (v2sf);
	(v2sf) =	vpush v1, $0xE  }
0x31d: {  	s11 =	simm.s32 $0xC00;
	s0 =	sadd.s32 s3, s0  }
0x31e: {  	[tilespmem:s11], [sflag:$0x1] =	stream.linear.gather [hbm4b:s0+s1], $0x80, $0x38;
	[tilespmem:$0x2800] =	vst v63  }
0x31f: {  	s0 =	sand.u32 $0x1FFFFFF0, s2;
	s2 =	spop (v2sf);
	(v2sf) =	vpush v2, $0xF  }
0x320: {  	s11 =	simm.s32 $0x1C00;
	s0 =	sadd.s32 s4, s0  }
0x321: {  	[tilespmem:s11], [sflag:$0x2] =	stream.linear.gather [hbm4b:s0+s1], $0x80, $0x38;
	[tilespmem:$0x2800] =	vst v63  }
0x322: {  	s0 =	sand.u32 $0x1FFFFFF0, s2  }
0x323: {  	s11 =	simm.s32 $0xC80;
	s0 =	sadd.s32 s3, s0  }
0x324: {  	[tilespmem:s11], [sflag:$0x1] =	stream.linear.gather [hbm4b:s0+s1], $0x80, $0x38;
	[tilespmem:$0x2800] =	vst v63  }
0x325: {  	s2 =	spop (v2sf);
	(v2sf) =	vpush v1, $0xF  }
0x326: {  	s0 =	sand.u32 $0x1FFFFFF0, s2  }
0x327: {  	s11 =	simm.s32 $0x1C80;
	s0 =	sadd.s32 s4, s0  }
0x328: {  	[tilespmem:s11], [sflag:$0x2] =	stream.linear.gather [hbm4b:s0+s1], $0x80, $0x38;
	[tilespmem:$0x2800] =	vst v63  }
0x329: {  	s2 =	spop (v2sf)  }
0x32a: {  	s0 =	sand.u32 $0x1FFFFFF0, s2  }
0x32b: {  	s11 =	simm.s32 $0xD00;
	s2 =	spop (v2sf);
	s0 =	sadd.s32 s3, s0  }
0x32c: {  	[tilespmem:s11], [sflag:$0x1] =	stream.linear.gather [hbm4b:s0+s1], $0x80, $0x38;
	[tilespmem:$0x2800] =	vst v63  }
0x32d: {  	s0 =	sand.u32 $0x1FFFFFF0, s2  }
0x32e: {  	s11 =	simm.s32 $0x1D00;
	s2 =	spop (v2sf);
	s0 =	sadd.s32 s4, s0  }
0x32f: {  	[tilespmem:s11], [sflag:$0x2] =	stream.linear.gather [hbm4b:s0+s1], $0x80, $0x38;
	[tilespmem:$0x2800] =	vst v63  }
0x330: {  	s0 =	sand.u32 $0x1FFFFFF0, s2  }
0x331: {  	s11 =	simm.s32 $0xD80;
	s0 =	sadd.s32 s3, s0  }
0x332: {  	[tilespmem:s11], [sflag:$0x1] =	stream.linear.gather [hbm4b:s0+s1], $0x80, $0x38;
	[tilespmem:$0x2800] =	vst v63  }
.Ltmp5:
0x333: {  	_ = 	snop;
	(pc) =	sbr.rel .LBB2_4-.Ltmp5, $4  }
0x334: {  	s2 =	spop (v2sf)  }
0x335: {  	s0 =	sand.u32 $0x1FFFFFF0, s2  }
0x336: {  	s11 =	simm.s32 $0x1D80;
	s2 =	simm.s32 $0xE80;
	s0 =	sadd.s32 s4, s0  }
0x337: {  	[tilespmem:s11], [sflag:$0x2] =	stream.linear.gather [hbm4b:s0+s1], $0x80, $0x38;
	[tilespmem:$0x2800] =	vst v63  }
.LBB2_6:
0x338: {  	_ =	sfence.sel $0x180000  }
0x339: {  	[bflag:$0x0] =	sbarrier.arrive $0xFFFF  }
0x33a: {  	_ =	strace $0x9000004A  }
0x33b: {  	s0 =	stileid.u32;
	[bflag:$0x2] =	sbarrier.arrive $0xFFFF  }
0x33c: {  	p0 =	sne.s32 s0, $0x0;
	s0 =	rddreg [dreg:$0x4]  }
0x33d: {  	s0 =	sadd.s32 @!p0 $0x100000, s0  }
0x33e: {  	[sflag:s0] =	ssyncadd.tile.s32 @!p0 $0x1;
	_ =	shalt  }
.Lfunc_end2:
_tile_overlayer_lowered:
.L_overlay_start_2:
0x33f: {  	(tag) =	ssettag $0x2  }
0x340: {  	s0 =	rddreg [dreg:$0x0];
	s2 =	stileid.u32  }
0x341: {  	s1 =	rddreg [dreg:$0x1];
	p0 =	sne.s32 s2, $0x0  }
0x342: {  	s3 =	rddreg [dreg:$0x2];
	[bflag:$0x3] =	sbarrier.arrive $0xFFFF;
	s2 =	simm.s32 @!p0 $0x1C03  }
0x343: {  	[timem:s3], [sflag:s2] =	dma.local @!p0 [hbm:s0], s1  }
0x344: {  	s0 =	simm.s32 @!p0 $0x3  }
0x345: {  	_ =	swait.ge @!p0 [sflag:s0], s1  }
0x346: {  	s1 =	ssub.s32 @!p0 $0x0, s1;
	[sflag:s0] =	ssyncset.done @!p0 $0x0  }
0x347: {  	[sflag:s0] =	ssyncadd.s32 @!p0 s1  }
0x348: {  	[bflag:$0x3] =	sbarrier.arrive $0xFFFF  }
0x349: {  	_ =	shalt  }

</sc_bundles>
